<compile_context>
chip_gen: v7x
topology: tpu7x:2x2x1
jax: 0.10.2.dev20260603
libtpu: 0.0.44.dev20260713+nightly
codegen_flags: <defaults>
</compile_context>

<pallas_src>
import functools

import jax
import jax.numpy as jnp
from jax import lax
from jax.experimental import pallas as pl
from jax.experimental.pallas import tpu as pltpu
from jax.experimental.pallas import tpu_sc as plsc



def _pq_body(x_ref, ws_ref, wd_ref, p_ref, q_ref):
    xb = x_ref[...]
    p_ref[...] = jnp.dot(xb, ws_ref[...], preferred_element_type=jnp.float32)
    q_ref[...] = jnp.dot(xb, wd_ref[...], preferred_element_type=jnp.float32)


def _pq(x, ws, wd):
    n, d = x.shape
    de = ws.shape[1]
    bn = 2000
    grid = (n // bn,)
    return pl.pallas_call(
        _pq_body,
        grid=grid,
        in_specs=[
            pl.BlockSpec((bn, d), lambda i: (i, 0)),
            pl.BlockSpec((d, de), lambda i: (0, 0)),
            pl.BlockSpec((d, de), lambda i: (0, 0)),
        ],
        out_specs=[
            pl.BlockSpec((bn, de), lambda i: (i, 0)),
            pl.BlockSpec((bn, de), lambda i: (i, 0)),
        ],
        out_shape=[
            jax.ShapeDtypeStruct((n, de), jnp.float32),
            jax.ShapeDtypeStruct((n, de), jnp.float32),
        ],
    )(x, ws, wd)


def _r_body(e_ref, w_ref, b_ref, r_ref):
    r_ref[...] = (
        jnp.dot(e_ref[...], w_ref[...], preferred_element_type=jnp.float32)
        + b_ref[...]
    )


def _r(e_p, w, b):
    ne8, lanes = e_p.shape
    de = w.shape[0]
    w_bd = jnp.kron(jnp.eye(lanes // de, dtype=jnp.float32), w)
    b_t = jnp.tile(b, lanes // de).reshape(1, lanes)
    be = 2000
    grid = (ne8 // be,)
    return pl.pallas_call(
        _r_body,
        grid=grid,
        in_specs=[
            pl.BlockSpec((be, lanes), lambda i: (i, 0)),
            pl.BlockSpec((lanes, lanes), lambda i: (0, 0)),
            pl.BlockSpec((1, lanes), lambda i: (0, 0)),
        ],
        out_specs=pl.BlockSpec((be, lanes), lambda i: (i, 0)),
        out_shape=jax.ShapeDtypeStruct((ne8, lanes), jnp.float32),
    )(e_p, w_bd, b_t)


def _node_body(residual, x_ref, a0_ref, a1_ref, wx_ref, wa_ref, b_ref,
               ws_ref, wd_ref, x_out, p_out, q_out):
    xb = x_ref[...]
    agg = a0_ref[...] + a1_ref[...]
    h = (
        jnp.dot(xb, wx_ref[...], preferred_element_type=jnp.float32)
        + jnp.dot(agg, wa_ref[...], preferred_element_type=jnp.float32)
        + b_ref[...]
    )
    h = jnp.maximum(h, 0.0)
    if residual:
        h = h + xb
    x_out[...] = h
    p_out[...] = jnp.dot(h, ws_ref[...], preferred_element_type=jnp.float32)
    q_out[...] = jnp.dot(h, wd_ref[...], preferred_element_type=jnp.float32)


def _node(x, a0, a1, wx, wa, b, ws_next, wd_next, residual):
    n, d = x.shape
    de = a0.shape[1]
    bn = 2000
    grid = (n // bn,)
    return pl.pallas_call(
        functools.partial(_node_body, residual),
        grid=grid,
        in_specs=[
            pl.BlockSpec((bn, d), lambda i: (i, 0)),
            pl.BlockSpec((bn, de), lambda i: (i, 0)),
            pl.BlockSpec((bn, de), lambda i: (i, 0)),
            pl.BlockSpec((d, d), lambda i: (0, 0)),
            pl.BlockSpec((de, d), lambda i: (0, 0)),
            pl.BlockSpec((1, d), lambda i: (0, 0)),
            pl.BlockSpec((d, de), lambda i: (0, 0)),
            pl.BlockSpec((d, de), lambda i: (0, 0)),
        ],
        out_specs=[
            pl.BlockSpec((bn, d), lambda i: (i, 0)),
            pl.BlockSpec((bn, de), lambda i: (i, 0)),
            pl.BlockSpec((bn, de), lambda i: (i, 0)),
        ],
        out_shape=[
            jax.ShapeDtypeStruct((n, d), jnp.float32),
            jax.ShapeDtypeStruct((n, de), jnp.float32),
            jax.ShapeDtypeStruct((n, de), jnp.float32),
        ],
    )(x, a0, a1, wx, wa, b.reshape(1, d), ws_next, wd_next)



_CK = 512
_SUB = 128


def _edge_sc_call(src, dst, p, q, r, prev, with_agg, packed_out=True):
    chunks, nsub, sub = src.shape
    e_edges = chunks * nsub * sub
    n, de = p.shape
    pk = _CK // 8
    residual = prev is not None

    try:
        info = plsc.get_sparse_core_info()
        nc, ns = int(info.num_cores), int(info.num_subcores)
    except Exception:
        nc, ns = 2, 16
    nw = nc * ns

    maxj = (chunks + nw - 1) // nw
    rows = ((n + ns - 1) // ns + 7) // 8 * 8
    n_pad = rows * ns

    if packed_out:
        out_type = [jax.ShapeDtypeStruct((e_edges // 8, 8 * de), jnp.float32)]
    else:
        out_type = [jax.ShapeDtypeStruct((e_edges, de), jnp.float32)]
    if with_agg:
        out_type.append(jax.ShapeDtypeStruct((nc * n_pad, de), jnp.float32))

    scratch = [
        pltpu.VMEM((nsub, _SUB), jnp.int32),
        pltpu.VMEM((nsub, _SUB), jnp.int32),
        pltpu.VMEM((_CK, de), jnp.float32),
        pltpu.VMEM((_CK, de), jnp.float32),
        pltpu.VMEM((pk, 8 * de), jnp.float32),
        pltpu.VMEM((pk, 8 * de), jnp.float32) if packed_out
        else pltpu.VMEM((_CK, de), jnp.float32),
        pltpu.VMEM_SHARED((n, de), jnp.float32),
        pltpu.VMEM_SHARED((n, de), jnp.float32),
    ]
    if residual:
        scratch.append(pltpu.VMEM((pk, 8 * de), jnp.float32))
    if with_agg:
        scratch.append(pltpu.VMEM((_CK, de), jnp.float32))
        scratch.append(pltpu.VMEM_SHARED((n_pad, de), jnp.float32))
        scratch.append(pltpu.VMEM((rows, de), jnp.float32))

    mesh = plsc.VectorSubcoreMesh(core_axis_name="c", subcore_axis_name="s")

    def body(*refs):
        idx = 5 + residual
        src_h, dst_h, p_h, q_h, r_h = refs[:5]
        prev_h = refs[5] if residual else None
        e_out = refs[idx]
        agg_out = refs[idx + 1] if with_agg else None
        sidx, didx, p_b, q_b, r_b, o_b, p_s, q_s = refs[
            idx + 1 + with_agg:idx + 9 + with_agg]
        off = idx + 9 + with_agg
        if residual:
            prev_b = refs[off]
            off += 1
        if with_agg:
            e_b, agg_s, z_b = refs[off], refs[off + 1], refs[off + 2]

        c = lax.axis_index("c")
        s = lax.axis_index("s")
        w = s * nc + c

        @pl.when(s == 0)
        def _():
            pltpu.sync_copy(p_h, p_s)

        @pl.when(s == 1)
        def _():
            pltpu.sync_copy(q_h, q_s)

        if with_agg:
            def zrow(i, carry):
                z_b[i] = jnp.zeros((de,), jnp.float32)
                return carry
            lax.fori_loop(0, rows, zrow, 0)
            pltpu.sync_copy(z_b, agg_s.at[pl.ds(s * rows, rows)])
        plsc.subcore_barrier()

        def chunk_body(j, carry):
            chunk = w + j * nw

            @pl.when(chunk < chunks)
            def _():
                base = chunk * pk
                pltpu.sync_copy(src_h.at[chunk], sidx)
                pltpu.sync_copy(dst_h.at[chunk], didx)
                pltpu.sync_copy(r_h.at[pl.ds(base, pk)], r_b)
                if residual:
                    pltpu.sync_copy(prev_h.at[pl.ds(base, pk)], prev_b)
                for k in range(nsub):
                    pltpu.sync_copy(p_s.at[sidx.at[k]],
                                    p_b.at[pl.ds(k * _SUB, _SUB)])
                    pltpu.sync_copy(q_s.at[didx.at[k]],
                                    q_b.at[pl.ds(k * _SUB, _SUB)])

                def row(i, carry):
                    for jj in range(8):
                        lo = pl.ds(jj * de, de)
                        e = jnp.maximum(
                            p_b[8 * i + jj] + q_b[8 * i + jj] + r_b[i, lo],
                            0.0)
                        if with_agg:
                            e_b[8 * i + jj] = e
                        if residual:
                            o_b[i, lo] = prev_b[i, lo] + e
                        elif packed_out:
                            o_b[i, lo] = e
                        else:
                            o_b[8 * i + jj] = e
                    return carry
                lax.fori_loop(0, pk, row, 0)

                if with_agg:
                    for k in range(nsub):
                        pltpu.sync_copy(e_b.at[pl.ds(k * _SUB, _SUB)],
                                        agg_s.at[didx.at[k]], add=True)
                if packed_out:
                    pltpu.sync_copy(o_b, e_out.at[pl.ds(base, pk)])
                else:
                    pltpu.sync_copy(o_b, e_out.at[pl.ds(chunk * _CK, _CK)])
            return carry

        lax.fori_loop(0, maxj, chunk_body, 0)

        if with_agg:
            plsc.subcore_barrier()
            pltpu.sync_copy(agg_s.at[pl.ds(s * rows, rows)],
                            agg_out.at[pl.ds(c * n_pad + s * rows, rows)])

    fn = pl.kernel(
        body,
        out_type=out_type,
        scratch_types=scratch,
        mesh=mesh,
        compiler_params=pltpu.CompilerParams(use_tc_tiling_on_sc=False),
    )
    args = (src, dst, p, q, r) + ((prev,) if residual else ())
    outs = fn(*args)
    if with_agg:
        return outs[0], outs[1]
    return outs[0], None



def kernel(edge_index, x, z, We0, be0, Wn0, bn0, We1, be1, Wn1, bn1,
           We2, be2, Wn2, bn2):
    n, d = x.shape
    de = z.shape[1]
    n_edges = edge_index.shape[1]
    src = edge_index[0].reshape(n_edges // _CK, _CK // _SUB, _SUB)
    dst = edge_index[1].reshape(n_edges // _CK, _CK // _SUB, _SUB)
    x = x.astype(jnp.float32)
    z_p = z.reshape(n_edges // 8, 8 * de)
    n_pad = ((n + 15) // 16 + 7) // 8 * 8 * 16

    p0, q0 = _pq(x, We0[:d], We0[d:2 * d])
    r0 = _r(z_p, We0[2 * d:], be0)
    e0, agg0 = _edge_sc_call(src, dst, p0, q0, r0, prev=None, with_agg=True)
    x1, p1, q1 = _node(x, agg0[:n], agg0[n_pad:n_pad + n], Wn0[:d], Wn0[d:],
                       bn0, We1[:d], We1[d:2 * d], residual=False)

    r1 = _r(e0, We1[2 * d:], be1)
    e1, agg1 = _edge_sc_call(src, dst, p1, q1, r1, prev=e0, with_agg=True)
    x2, p2, q2 = _node(x1, agg1[:n], agg1[n_pad:n_pad + n], Wn1[:d], Wn1[d:],
                       bn1, We2[:d], We2[d:2 * d], residual=True)

    r2 = _r(e1, We2[2 * d:], be2)
    e2, _ = _edge_sc_call(src, dst, p2, q2, r2, prev=None, with_agg=False,
                          packed_out=False)
    return e2

# --- scband reference (transcript-rebuilt; emitter-appended) ---
"""Pipeline reference for scband-gen-edge4-15573551415671 (READ-ONLY COPY).

The authoritative reference and input builder live on the scoring server;
editing this copy changes nothing except your own understanding.
"""

import jax, jax.numpy as jnp
import numpy as np

N = 10000
E = 320000
D = 128
DE = 16
NUM_LAYERS = 3


def setup_inputs(seed: int = 0) -> dict:
    key = jax.random.key(seed)
    ks = jax.random.split(key, 3 + 2 * NUM_LAYERS)
    inp = {}
    inp["edge_index"] = jax.random.randint(ks[0], (2, E), 0, N, dtype=jnp.int32)
    inp["x"] = jax.random.normal(ks[1], (N, D), dtype=jnp.float32)
    inp["z"] = jax.random.normal(ks[2], (E, DE), dtype=jnp.float32)
    for i in range(NUM_LAYERS):
        inp[f"We{i}"] = jax.random.normal(ks[3 + 2 * i], (2 * D + DE, DE), dtype=jnp.float32) * 0.05
        inp[f"be{i}"] = jnp.zeros((DE,), dtype=jnp.float32)
        inp[f"Wn{i}"] = jax.random.normal(ks[4 + 2 * i], (D + DE, D), dtype=jnp.float32) * 0.05
        inp[f"bn{i}"] = jnp.zeros((D,), dtype=jnp.float32)
    return inp


def _gnn2(edge_index, x, edge_attr, We, be, Wn, bn):
    # GNN2(node_in, edge_in, node_out): joint edge+node update.
    src = edge_index[0]
    dst = edge_index[1]
    # edge update: MLP on [x_src, x_dst, edge_attr]
    e_in = jnp.concatenate([jnp.take(x, src, axis=0), jnp.take(x, dst, axis=0), edge_attr], axis=-1)
    new_e = jax.nn.relu(e_in @ We + be)
    # aggregate updated edge messages into destination nodes (scatter-add)
    agg = jax.ops.segment_sum(new_e, dst, num_segments=x.shape[0])
    # node update: MLP on [x, aggregated messages]
    n_in = jnp.concatenate([x, agg], axis=-1)
    new_x = jax.nn.relu(n_in @ Wn + bn)
    return new_x, new_e


def reference(edge_index, x, z, We0, be0, Wn0, bn0, We1, be1, Wn1, bn1, We2, be2, Wn2, bn2):
    edge_attr = z
    x = x.astype(jnp.float32)
    # first layer
    x, edge_attr = _gnn2(edge_index, x, edge_attr, We0, be0, Wn0, bn0)
    # middle layers: residual on both node and edge features
    x_, e_ = _gnn2(edge_index, x, edge_attr, We1, be1, Wn1, bn1)
    x = x + x_
    edge_attr = edge_attr + e_
    # last layer
    x, edge_attr = _gnn2(edge_index, x, edge_attr, We2, be2, Wn2, bn2)
    return edge_attr

if __name__ == "__main__":
    import jax
    _d = setup_inputs()
    print(jax.jit(kernel)(*tuple(_d.values())))

</pallas_src>

<mosaic_0001>
#map = affine_map<(d0, d1) -> (0, 0, 0)>
#map1 = affine_map<(d0, d1) -> (0, 0)>
module attributes {stable_mosaic.version = 14 : i64} {
  func.func @body(%arg0: i32, %arg1: i32, %arg2: memref<625x4x128xi32, #tpu.memory_space<hbm>>, %arg3: memref<625x4x128xi32, #tpu.memory_space<hbm>>, %arg4: memref<10000x16xf32, #tpu.memory_space<hbm>>, %arg5: memref<10000x16xf32, #tpu.memory_space<hbm>>, %arg6: memref<40000x128xf32, #tpu.memory_space<hbm>>, %arg7: memref<40000x128xf32, #tpu.memory_space<hbm>>, %arg8: memref<40000x128xf32, #tpu.memory_space<hbm>>, %arg9: memref<20224x16xf32, #tpu.memory_space<hbm>>, %arg10: memref<4x128xi32, #tpu.memory_space<vmem>>, %arg11: memref<4x128xi32, #tpu.memory_space<vmem>>, %arg12: memref<512x16xf32, #tpu.memory_space<vmem>>, %arg13: memref<512x16xf32, #tpu.memory_space<vmem>>, %arg14: memref<64x128xf32, #tpu.memory_space<vmem>>, %arg15: memref<64x128xf32, #tpu.memory_space<vmem>>, %arg16: memref<10000x16xf32, #tpu.memory_space<vmem_shared>>, %arg17: memref<10000x16xf32, #tpu.memory_space<vmem_shared>>, %arg18: memref<64x128xf32, #tpu.memory_space<vmem>>, %arg19: memref<512x16xf32, #tpu.memory_space<vmem>>, %arg20: memref<10112x16xf32, #tpu.memory_space<vmem_shared>>, %arg21: memref<632x16xf32, #tpu.memory_space<vmem>>) attributes {dimension_semantics = [#tpu.dimension_semantics<core_parallel>, #tpu.dimension_semantics<subcore_parallel>], iteration_bounds = array<i64: 2, 16>, scalar_prefetch = 0 : i64, scratch_operands = 12 : i64, tpu.core_type = #tpu.core_type<sc_vector_subcore>, window_params = [{transform_indices = #map}, {transform_indices = #map}, {transform_indices = #map1}, {transform_indices = #map1}, {transform_indices = #map1}, {transform_indices = #map1}, {transform_indices = #map1}, {transform_indices = #map1}]} {
    %mul3A = arith.constant 2 : i32
    %mul3A_0 = arith.muli %arg1, %mul3A : i32
    %add3A = arith.addi %mul3A_0, %arg0 : i32
    %eq3A = arith.constant 0 : i32
    %eq3A_1 = arith.cmpi eq, %arg1, %eq3A : i32
    %convert_element_type3A = arith.extui %eq3A_1 : i1 to i32
    %cond3A = arith.constant 0 : i32
    %cond3A_2 = arith.cmpi ne, %convert_element_type3A, %cond3A : i32
    scf.if %cond3A_2 {
      "tpu.region"() ({
        %run_scoped3A = tpu.sem_alloc : memref<!tpu.dma_semaphore, #tpu.memory_space<semaphore_mem>>
        tpu.enqueue_dma source(%arg4 : memref<10000x16xf32, #tpu.memory_space<hbm>>) target(%arg16 : memref<10000x16xf32, #tpu.memory_space<vmem_shared>>) target_semaphore(%run_scoped3A : memref<!tpu.dma_semaphore, #tpu.memory_space<semaphore_mem>>)
        tpu.wait_dma2 semaphore(%run_scoped3A : memref<!tpu.dma_semaphore, #tpu.memory_space<semaphore_mem>>) src(%arg4 : memref<10000x16xf32, #tpu.memory_space<hbm>>) dst(%arg16 : memref<10000x16xf32, #tpu.memory_space<vmem_shared>>)
        tpu.yield
      }) : () -> ()
    } else {
    }
    %eq3A_3 = arith.constant 1 : i32
    %eq3A_4 = arith.cmpi eq, %arg1, %eq3A_3 : i32
    %convert_element_type3A_5 = arith.extui %eq3A_4 : i1 to i32
    %cond3A_6 = arith.constant 0 : i32
    %cond3A_7 = arith.cmpi ne, %convert_element_type3A_5, %cond3A_6 : i32
    scf.if %cond3A_7 {
      "tpu.region"() ({
        %run_scoped3A = tpu.sem_alloc : memref<!tpu.dma_semaphore, #tpu.memory_space<semaphore_mem>>
        tpu.enqueue_dma source(%arg5 : memref<10000x16xf32, #tpu.memory_space<hbm>>) target(%arg17 : memref<10000x16xf32, #tpu.memory_space<vmem_shared>>) target_semaphore(%run_scoped3A : memref<!tpu.dma_semaphore, #tpu.memory_space<semaphore_mem>>)
        tpu.wait_dma2 semaphore(%run_scoped3A : memref<!tpu.dma_semaphore, #tpu.memory_space<semaphore_mem>>) src(%arg5 : memref<10000x16xf32, #tpu.memory_space<hbm>>) dst(%arg17 : memref<10000x16xf32, #tpu.memory_space<vmem_shared>>)
        tpu.yield
      }) : () -> ()
    } else {
    }
    %scan3A = arith.constant 0 : i32
    %scan3A_8 = arith.constant 0 : i32
    %scan3A_9 = arith.constant 632 : i32
    %scan3A_10 = arith.addi %scan3A_8, %scan3A_9 : i32
    %scan3A_11 = arith.constant 1 : i32
    scf.for %scan3A_29 = %scan3A_8 to %scan3A_10 step %scan3A_11  : i32 {
      %broadcast_in_dim3A = arith.constant 0.000000e+00 : f32
      %broadcast_in_dim3A_30 = vector.broadcast %broadcast_in_dim3A : f32 to vector<16xf32>
      %swap3A = arith.index_cast %scan3A_29 : i32 to index
      %swap3A_31 = arith.constant 0 : index
      %swap3A_32 = tpu.vector_load %arg21[%swap3A, %swap3A_31] {strides = array<i32>} : memref<632x16xf32, #tpu.memory_space<vmem>>, vector<1x16xf32>,
      %swap3A_33 = vector.shape_cast %swap3A_32 : vector<1x16xf32> to vector<16xf32>
      %swap3A_34 = vector.shape_cast %broadcast_in_dim3A_30 : vector<16xf32> to vector<1x16xf32>
      tpu.vector_store %arg21[%swap3A, %swap3A_31], %swap3A_34 {strides = array<i32>} : memref<632x16xf32, #tpu.memory_space<vmem>>, vector<1x16xf32>,
    }
    %scan3A_12 = arith.constant 632 : i32
    %mul3A_13 = arith.constant 632 : i32
    %mul3A_14 = arith.muli %arg1, %mul3A_13 : i32
    "tpu.region"() ({
      %run_scoped3A = tpu.sem_alloc : memref<!tpu.dma_semaphore, #tpu.memory_space<semaphore_mem>>
      %dma_start3A = arith.constant 0 : i32
      %dma_start3A_29 = tpu.memref_slice %arg20[%mul3A_14, %dma_start3A] : memref<10112x16xf32, #tpu.memory_space<vmem_shared>> -> memref<632x16xf32, #tpu.memory_space<vmem_shared>>
      %dma_start3A_30 = arith.constant 0 : i32
      %dma_start3A_31 = tpu.memref_slice %arg20[%mul3A_14, %dma_start3A_30] : memref<10112x16xf32, #tpu.memory_space<vmem_shared>> -> memref<632x16xf32, #tpu.memory_space<vmem_shared>>
      tpu.enqueue_dma source(%arg21 : memref<632x16xf32, #tpu.memory_space<vmem>>) target(%dma_start3A_31 : memref<632x16xf32, #tpu.memory_space<vmem_shared>>) target_semaphore(%run_scoped3A : memref<!tpu.dma_semaphore, #tpu.memory_space<semaphore_mem>>)
      %dma_wait3A = arith.constant 0 : i32
      %dma_wait3A_32 = tpu.memref_slice %arg20[%mul3A_14, %dma_wait3A] : memref<10112x16xf32, #tpu.memory_space<vmem_shared>> -> memref<632x16xf32, #tpu.memory_space<vmem_shared>>
      %dma_wait3A_33 = arith.constant 0 : i32
      %dma_wait3A_34 = tpu.memref_slice %arg20[%mul3A_14, %dma_wait3A_33] : memref<10112x16xf32, #tpu.memory_space<vmem_shared>> -> memref<632x16xf32, #tpu.memory_space<vmem_shared>>
      tpu.wait_dma2 semaphore(%run_scoped3A : memref<!tpu.dma_semaphore, #tpu.memory_space<semaphore_mem>>) src(%arg21 : memref<632x16xf32, #tpu.memory_space<vmem>>) dst(%dma_wait3A_34 : memref<632x16xf32, #tpu.memory_space<vmem_shared>>)
      tpu.yield
    }) : () -> ()
    %barrier3A = arith.constant 0 : index
    tpu.barrier barrier_id(%barrier3A)
    %scan3A_15 = arith.constant 0 : i32
    %scan3A_16 = arith.constant 0 : i32
    %scan3A_17 = arith.constant 20 : i32
    %scan3A_18 = arith.addi %scan3A_16, %scan3A_17 : i32
    %scan3A_19 = arith.constant 1 : i32
    scf.for %scan3A_29 = %scan3A_16 to %scan3A_18 step %scan3A_19  : i32 {
      %mul3A_30 = arith.constant 32 : i32
      %mul3A_31 = arith.muli %scan3A_29, %mul3A_30 : i32
      %add3A_32 = arith.addi %add3A, %mul3A_31 : i32
      %lt3A = arith.constant 625 : i32
      %lt3A_33 = arith.cmpi slt, %add3A_32, %lt3A : i32
      %convert_element_type3A_34 = arith.extui %lt3A_33 : i1 to i32
      %cond3A_35 = arith.constant 0 : i32
      %cond3A_36 = arith.cmpi ne, %convert_element_type3A_34, %cond3A_35 : i32
      scf.if %cond3A_36 {
        %mul3A_37 = arith.constant 64 : i32
        %mul3A_38 = arith.muli %add3A_32, %mul3A_37 : i32
        "tpu.region"() ({
          %run_scoped3A_56 = tpu.sem_alloc : memref<!tpu.dma_semaphore, #tpu.memory_space<semaphore_mem>>
          %dma_start3A = arith.constant 0 : i32
          %dma_start3A_57 = arith.constant 0 : i32
          %dma_start3A_58 = tpu.memref_slice %arg2[%add3A_32, %dma_start3A, %dma_start3A_57] : memref<625x4x128xi32, #tpu.memory_space<hbm>> -> memref<1x4x128xi32, #tpu.memory_space<hbm>>
          %dma_start3A_59 = tpu.memref_squeeze %dma_start3A_58 : memref<1x4x128xi32, #tpu.memory_space<hbm>> -> memref<4x128xi32, #tpu.memory_space<hbm>>
          %dma_start3A_60 = arith.constant 0 : i32
          %dma_start3A_61 = arith.constant 0 : i32
          %dma_start3A_62 = tpu.memref_slice %arg2[%add3A_32, %dma_start3A_60, %dma_start3A_61] : memref<625x4x128xi32, #tpu.memory_space<hbm>> -> memref<1x4x128xi32, #tpu.memory_space<hbm>>
          %dma_start3A_63 = tpu.memref_squeeze %dma_start3A_62 : memref<1x4x128xi32, #tpu.memory_space<hbm>> -> memref<4x128xi32, #tpu.memory_space<hbm>>
          tpu.enqueue_dma source(%dma_start3A_63 : memref<4x128xi32, #tpu.memory_space<hbm>>) target(%arg10 : memref<4x128xi32, #tpu.memory_space<vmem>>) target_semaphore(%run_scoped3A_56 : memref<!tpu.dma_semaphore, #tpu.memory_space<semaphore_mem>>)
          %dma_wait3A = arith.constant 0 : i32
          %dma_wait3A_64 = arith.constant 0 : i32
          %dma_wait3A_65 = tpu.memref_slice %arg2[%add3A_32, %dma_wait3A, %dma_wait3A_64] : memref<625x4x128xi32, #tpu.memory_space<hbm>> -> memref<1x4x128xi32, #tpu.memory_space<hbm>>
          %dma_wait3A_66 = tpu.memref_squeeze %dma_wait3A_65 : memref<1x4x128xi32, #tpu.memory_space<hbm>> -> memref<4x128xi32, #tpu.memory_space<hbm>>
          %dma_wait3A_67 = arith.constant 0 : i32
          %dma_wait3A_68 = arith.constant 0 : i32
          %dma_wait3A_69 = tpu.memref_slice %arg2[%add3A_32, %dma_wait3A_67, %dma_wait3A_68] : memref<625x4x128xi32, #tpu.memory_space<hbm>> -> memref<1x4x128xi32, #tpu.memory_space<hbm>>
          %dma_wait3A_70 = tpu.memref_squeeze %dma_wait3A_69 : memref<1x4x128xi32, #tpu.memory_space<hbm>> -> memref<4x128xi32, #tpu.memory_space<hbm>>
          tpu.wait_dma2 semaphore(%run_scoped3A_56 : memref<!tpu.dma_semaphore, #tpu.memory_space<semaphore_mem>>) src(%dma_wait3A_70 : memref<4x128xi32, #tpu.memory_space<hbm>>) dst(%arg10 : memref<4x128xi32, #tpu.memory_space<vmem>>)
          tpu.yield
        }) : () -> ()
        "tpu.region"() ({
          %run_scoped3A_56 = tpu.sem_alloc : memref<!tpu.dma_semaphore, #tpu.memory_space<semaphore_mem>>
          %dma_start3A = arith.constant 0 : i32
          %dma_start3A_57 = arith.constant 0 : i32
          %dma_start3A_58 = tpu.memref_slice %arg3[%add3A_32, %dma_start3A, %dma_start3A_57] : memref<625x4x128xi32, #tpu.memory_space<hbm>> -> memref<1x4x128xi32, #tpu.memory_space<hbm>>
          %dma_start3A_59 = tpu.memref_squeeze %dma_start3A_58 : memref<1x4x128xi32, #tpu.memory_space<hbm>> -> memref<4x128xi32, #tpu.memory_space<hbm>>
          %dma_start3A_60 = arith.constant 0 : i32
          %dma_start3A_61 = arith.constant 0 : i32
          %dma_start3A_62 = tpu.memref_slice %arg3[%add3A_32, %dma_start3A_60, %dma_start3A_61] : memref<625x4x128xi32, #tpu.memory_space<hbm>> -> memref<1x4x128xi32, #tpu.memory_space<hbm>>
          %dma_start3A_63 = tpu.memref_squeeze %dma_start3A_62 : memref<1x4x128xi32, #tpu.memory_space<hbm>> -> memref<4x128xi32, #tpu.memory_space<hbm>>
          tpu.enqueue_dma source(%dma_start3A_63 : memref<4x128xi32, #tpu.memory_space<hbm>>) target(%arg11 : memref<4x128xi32, #tpu.memory_space<vmem>>) target_semaphore(%run_scoped3A_56 : memref<!tpu.dma_semaphore, #tpu.memory_space<semaphore_mem>>)
          %dma_wait3A = arith.constant 0 : i32
          %dma_wait3A_64 = arith.constant 0 : i32
          %dma_wait3A_65 = tpu.memref_slice %arg3[%add3A_32, %dma_wait3A, %dma_wait3A_64] : memref<625x4x128xi32, #tpu.memory_space<hbm>> -> memref<1x4x128xi32, #tpu.memory_space<hbm>>
          %dma_wait3A_66 = tpu.memref_squeeze %dma_wait3A_65 : memref<1x4x128xi32, #tpu.memory_space<hbm>> -> memref<4x128xi32, #tpu.memory_space<hbm>>
          %dma_wait3A_67 = arith.constant 0 : i32
          %dma_wait3A_68 = arith.constant 0 : i32
          %dma_wait3A_69 = tpu.memref_slice %arg3[%add3A_32, %dma_wait3A_67, %dma_wait3A_68] : memref<625x4x128xi32, #tpu.memory_space<hbm>> -> memref<1x4x128xi32, #tpu.memory_space<hbm>>
          %dma_wait3A_70 = tpu.memref_squeeze %dma_wait3A_69 : memref<1x4x128xi32, #tpu.memory_space<hbm>> -> memref<4x128xi32, #tpu.memory_space<hbm>>
          tpu.wait_dma2 semaphore(%run_scoped3A_56 : memref<!tpu.dma_semaphore, #tpu.memory_space<semaphore_mem>>) src(%dma_wait3A_70 : memref<4x128xi32, #tpu.memory_space<hbm>>) dst(%arg11 : memref<4x128xi32, #tpu.memory_space<vmem>>)
          tpu.yield
        }) : () -> ()
        "tpu.region"() ({
          %run_scoped3A_56 = tpu.sem_alloc : memref<!tpu.dma_semaphore, #tpu.memory_space<semaphore_mem>>
          %dma_start3A = arith.constant 0 : i32
          %dma_start3A_57 = tpu.memref_slice %arg6[%mul3A_38, %dma_start3A] : memref<40000x128xf32, #tpu.memory_space<hbm>> -> memref<64x128xf32, #tpu.memory_space<hbm>>
          %dma_start3A_58 = arith.constant 0 : i32
          %dma_start3A_59 = tpu.memref_slice %arg6[%mul3A_38, %dma_start3A_58] : memref<40000x128xf32, #tpu.memory_space<hbm>> -> memref<64x128xf32, #tpu.memory_space<hbm>>
          tpu.enqueue_dma source(%dma_start3A_59 : memref<64x128xf32, #tpu.memory_space<hbm>>) target(%arg14 : memref<64x128xf32, #tpu.memory_space<vmem>>) target_semaphore(%run_scoped3A_56 : memref<!tpu.dma_semaphore, #tpu.memory_space<semaphore_mem>>)
          %dma_wait3A = arith.constant 0 : i32
          %dma_wait3A_60 = tpu.memref_slice %arg6[%mul3A_38, %dma_wait3A] : memref<40000x128xf32, #tpu.memory_space<hbm>> -> memref<64x128xf32, #tpu.memory_space<hbm>>
          %dma_wait3A_61 = arith.constant 0 : i32
          %dma_wait3A_62 = tpu.memref_slice %arg6[%mul3A_38, %dma_wait3A_61] : memref<40000x128xf32, #tpu.memory_space<hbm>> -> memref<64x128xf32, #tpu.memory_space<hbm>>
          tpu.wait_dma2 semaphore(%run_scoped3A_56 : memref<!tpu.dma_semaphore, #tpu.memory_space<semaphore_mem>>) src(%dma_wait3A_62 : memref<64x128xf32, #tpu.memory_space<hbm>>) dst(%arg14 : memref<64x128xf32, #tpu.memory_space<vmem>>)
          tpu.yield
        }) : () -> ()
        "tpu.region"() ({
          %run_scoped3A_56 = tpu.sem_alloc : memref<!tpu.dma_semaphore, #tpu.memory_space<semaphore_mem>>
          %dma_start3A = arith.constant 0 : i32
          %dma_start3A_57 = tpu.memref_slice %arg7[%mul3A_38, %dma_start3A] : memref<40000x128xf32, #tpu.memory_space<hbm>> -> memref<64x128xf32, #tpu.memory_space<hbm>>
          %dma_start3A_58 = arith.constant 0 : i32
          %dma_start3A_59 = tpu.memref_slice %arg7[%mul3A_38, %dma_start3A_58] : memref<40000x128xf32, #tpu.memory_space<hbm>> -> memref<64x128xf32, #tpu.memory_space<hbm>>
          tpu.enqueue_dma source(%dma_start3A_59 : memref<64x128xf32, #tpu.memory_space<hbm>>) target(%arg18 : memref<64x128xf32, #tpu.memory_space<vmem>>) target_semaphore(%run_scoped3A_56 : memref<!tpu.dma_semaphore, #tpu.memory_space<semaphore_mem>>)
          %dma_wait3A = arith.constant 0 : i32
          %dma_wait3A_60 = tpu.memref_slice %arg7[%mul3A_38, %dma_wait3A] : memref<40000x128xf32, #tpu.memory_space<hbm>> -> memref<64x128xf32, #tpu.memory_space<hbm>>
          %dma_wait3A_61 = arith.constant 0 : i32
          %dma_wait3A_62 = tpu.memref_slice %arg7[%mul3A_38, %dma_wait3A_61] : memref<40000x128xf32, #tpu.memory_space<hbm>> -> memref<64x128xf32, #tpu.memory_space<hbm>>
          tpu.wait_dma2 semaphore(%run_scoped3A_56 : memref<!tpu.dma_semaphore, #tpu.memory_space<semaphore_mem>>) src(%dma_wait3A_62 : memref<64x128xf32, #tpu.memory_space<hbm>>) dst(%arg18 : memref<64x128xf32, #tpu.memory_space<vmem>>)
          tpu.yield
        }) : () -> ()
        %run_scoped3A = arith.constant 0 : i32
        "tpu.region"() ({
          %run_scoped3A_56 = tpu.sem_alloc : memref<!tpu.dma_semaphore, #tpu.memory_space<semaphore_mem>>
          %dma_start3A = arith.constant 0 : i32
          %dma_start3A_57 = arith.constant 0 : i32
          %dma_start3A_58 = tpu.memref_slice %arg12[%dma_start3A, %dma_start3A_57] : memref<512x16xf32, #tpu.memory_space<vmem>> -> memref<128x16xf32, #tpu.memory_space<vmem>>
          %dma_start3A_59 = arith.constant 0 : i32
          %dma_start3A_60 = tpu.memref_slice %arg10[%run_scoped3A, %dma_start3A_59] : memref<4x128xi32, #tpu.memory_space<vmem>> -> memref<1x128xi32, #tpu.memory_space<vmem>>
          %dma_start3A_61 = tpu.memref_squeeze %dma_start3A_60 : memref<1x128xi32, #tpu.memory_space<vmem>> -> memref<128xi32, #tpu.memory_space<vmem>>
          %dma_start3A_62 = arith.constant 0 : i32
          %dma_start3A_63 = arith.constant 0 : i32
          %dma_start3A_64 = tpu.memref_slice %arg16[%dma_start3A_62, %dma_start3A_63] : memref<10000x16xf32, #tpu.memory_space<vmem_shared>> -> memref<10000x16xf32, #tpu.memory_space<vmem_shared>>
          tpu.enqueue_indirect_dma source(%dma_start3A_64 : memref<10000x16xf32, #tpu.memory_space<vmem_shared>>) target(%dma_start3A_58 : memref<128x16xf32, #tpu.memory_space<vmem>>) offsets(%dma_start3A_61 : memref<128xi32, #tpu.memory_space<vmem>>) semaphore(%run_scoped3A_56 : memref<!tpu.dma_semaphore, #tpu.memory_space<semaphore_mem>>)
          %dma_wait3A = arith.constant 0 : i32
          %dma_wait3A_65 = arith.constant 0 : i32
          %dma_wait3A_66 = tpu.memref_slice %arg12[%dma_wait3A, %dma_wait3A_65] : memref<512x16xf32, #tpu.memory_space<vmem>> -> memref<128x16xf32, #tpu.memory_space<vmem>>
          %dma_wait3A_67 = arith.constant 0 : i32
          %dma_wait3A_68 = tpu.memref_slice %arg10[%run_scoped3A, %dma_wait3A_67] : memref<4x128xi32, #tpu.memory_space<vmem>> -> memref<1x128xi32, #tpu.memory_space<vmem>>
          %dma_wait3A_69 = tpu.memref_squeeze %dma_wait3A_68 : memref<1x128xi32, #tpu.memory_space<vmem>> -> memref<128xi32, #tpu.memory_space<vmem>>
          %dma_wait3A_70 = arith.constant 0 : i32
          %dma_wait3A_71 = arith.constant 0 : i32
          %dma_wait3A_72 = tpu.memref_slice %arg16[%dma_wait3A_70, %dma_wait3A_71] : memref<10000x16xf32, #tpu.memory_space<vmem_shared>> -> memref<10000x16xf32, #tpu.memory_space<vmem_shared>>
          tpu.wait_indirect_dma semaphore(%run_scoped3A_56 : memref<!tpu.dma_semaphore, #tpu.memory_space<semaphore_mem>>) src(%dma_wait3A_72 : memref<10000x16xf32, #tpu.memory_space<vmem_shared>>) dst(%dma_wait3A_66 : memref<128x16xf32, #tpu.memory_space<vmem>>)
          tpu.yield
        }) : () -> ()
        %run_scoped3A_39 = arith.constant 0 : i32
        "tpu.region"() ({
          %run_scoped3A_56 = tpu.sem_alloc : memref<!tpu.dma_semaphore, #tpu.memory_space<semaphore_mem>>
          %dma_start3A = arith.constant 0 : i32
          %dma_start3A_57 = arith.constant 0 : i32
          %dma_start3A_58 = tpu.memref_slice %arg13[%dma_start3A, %dma_start3A_57] : memref<512x16xf32, #tpu.memory_space<vmem>> -> memref<128x16xf32, #tpu.memory_space<vmem>>
          %dma_start3A_59 = arith.constant 0 : i32
          %dma_start3A_60 = tpu.memref_slice %arg11[%run_scoped3A_39, %dma_start3A_59] : memref<4x128xi32, #tpu.memory_space<vmem>> -> memref<1x128xi32, #tpu.memory_space<vmem>>
          %dma_start3A_61 = tpu.memref_squeeze %dma_start3A_60 : memref<1x128xi32, #tpu.memory_space<vmem>> -> memref<128xi32, #tpu.memory_space<vmem>>
          %dma_start3A_62 = arith.constant 0 : i32
          %dma_start3A_63 = arith.constant 0 : i32
          %dma_start3A_64 = tpu.memref_slice %arg17[%dma_start3A_62, %dma_start3A_63] : memref<10000x16xf32, #tpu.memory_space<vmem_shared>> -> memref<10000x16xf32, #tpu.memory_space<vmem_shared>>
          tpu.enqueue_indirect_dma source(%dma_start3A_64 : memref<10000x16xf32, #tpu.memory_space<vmem_shared>>) target(%dma_start3A_58 : memref<128x16xf32, #tpu.memory_space<vmem>>) offsets(%dma_start3A_61 : memref<128xi32, #tpu.memory_space<vmem>>) semaphore(%run_scoped3A_56 : memref<!tpu.dma_semaphore, #tpu.memory_space<semaphore_mem>>)
          %dma_wait3A = arith.constant 0 : i32
          %dma_wait3A_65 = arith.constant 0 : i32
          %dma_wait3A_66 = tpu.memref_slice %arg13[%dma_wait3A, %dma_wait3A_65] : memref<512x16xf32, #tpu.memory_space<vmem>> -> memref<128x16xf32, #tpu.memory_space<vmem>>
          %dma_wait3A_67 = arith.constant 0 : i32
          %dma_wait3A_68 = tpu.memref_slice %arg11[%run_scoped3A_39, %dma_wait3A_67] : memref<4x128xi32, #tpu.memory_space<vmem>> -> memref<1x128xi32, #tpu.memory_space<vmem>>
          %dma_wait3A_69 = tpu.memref_squeeze %dma_wait3A_68 : memref<1x128xi32, #tpu.memory_space<vmem>> -> memref<128xi32, #tpu.memory_space<vmem>>
          %dma_wait3A_70 = arith.constant 0 : i32
          %dma_wait3A_71 = arith.constant 0 : i32
          %dma_wait3A_72 = tpu.memref_slice %arg17[%dma_wait3A_70, %dma_wait3A_71] : memref<10000x16xf32, #tpu.memory_space<vmem_shared>> -> memref<10000x16xf32, #tpu.memory_space<vmem_shared>>
          tpu.wait_indirect_dma semaphore(%run_scoped3A_56 : memref<!tpu.dma_semaphore, #tpu.memory_space<semaphore_mem>>) src(%dma_wait3A_72 : memref<10000x16xf32, #tpu.memory_space<vmem_shared>>) dst(%dma_wait3A_66 : memref<128x16xf32, #tpu.memory_space<vmem>>)
          tpu.yield
        }) : () -> ()
        %run_scoped3A_40 = arith.constant 1 : i32
        "tpu.region"() ({
          %run_scoped3A_56 = tpu.sem_alloc : memref<!tpu.dma_semaphore, #tpu.memory_space<semaphore_mem>>
          %dma_start3A = arith.constant 128 : i32
          %dma_start3A_57 = arith.constant 0 : i32
          %dma_start3A_58 = tpu.memref_slice %arg12[%dma_start3A, %dma_start3A_57] : memref<512x16xf32, #tpu.memory_space<vmem>> -> memref<128x16xf32, #tpu.memory_space<vmem>>
          %dma_start3A_59 = arith.constant 0 : i32
          %dma_start3A_60 = tpu.memref_slice %arg10[%run_scoped3A_40, %dma_start3A_59] : memref<4x128xi32, #tpu.memory_space<vmem>> -> memref<1x128xi32, #tpu.memory_space<vmem>>
          %dma_start3A_61 = tpu.memref_squeeze %dma_start3A_60 : memref<1x128xi32, #tpu.memory_space<vmem>> -> memref<128xi32, #tpu.memory_space<vmem>>
          %dma_start3A_62 = arith.constant 0 : i32
          %dma_start3A_63 = arith.constant 0 : i32
          %dma_start3A_64 = tpu.memref_slice %arg16[%dma_start3A_62, %dma_start3A_63] : memref<10000x16xf32, #tpu.memory_space<vmem_shared>> -> memref<10000x16xf32, #tpu.memory_space<vmem_shared>>
          tpu.enqueue_indirect_dma source(%dma_start3A_64 : memref<10000x16xf32, #tpu.memory_space<vmem_shared>>) target(%dma_start3A_58 : memref<128x16xf32, #tpu.memory_space<vmem>>) offsets(%dma_start3A_61 : memref<128xi32, #tpu.memory_space<vmem>>) semaphore(%run_scoped3A_56 : memref<!tpu.dma_semaphore, #tpu.memory_space<semaphore_mem>>)
          %dma_wait3A = arith.constant 128 : i32
          %dma_wait3A_65 = arith.constant 0 : i32
          %dma_wait3A_66 = tpu.memref_slice %arg12[%dma_wait3A, %dma_wait3A_65] : memref<512x16xf32, #tpu.memory_space<vmem>> -> memref<128x16xf32, #tpu.memory_space<vmem>>
          %dma_wait3A_67 = arith.constant 0 : i32
          %dma_wait3A_68 = tpu.memref_slice %arg10[%run_scoped3A_40, %dma_wait3A_67] : memref<4x128xi32, #tpu.memory_space<vmem>> -> memref<1x128xi32, #tpu.memory_space<vmem>>
          %dma_wait3A_69 = tpu.memref_squeeze %dma_wait3A_68 : memref<1x128xi32, #tpu.memory_space<vmem>> -> memref<128xi32, #tpu.memory_space<vmem>>
          %dma_wait3A_70 = arith.constant 0 : i32
          %dma_wait3A_71 = arith.constant 0 : i32
          %dma_wait3A_72 = tpu.memref_slice %arg16[%dma_wait3A_70, %dma_wait3A_71] : memref<10000x16xf32, #tpu.memory_space<vmem_shared>> -> memref<10000x16xf32, #tpu.memory_space<vmem_shared>>
          tpu.wait_indirect_dma semaphore(%run_scoped3A_56 : memref<!tpu.dma_semaphore, #tpu.memory_space<semaphore_mem>>) src(%dma_wait3A_72 : memref<10000x16xf32, #tpu.memory_space<vmem_shared>>) dst(%dma_wait3A_66 : memref<128x16xf32, #tpu.memory_space<vmem>>)
          tpu.yield
        }) : () -> ()
        %run_scoped3A_41 = arith.constant 1 : i32
        "tpu.region"() ({
          %run_scoped3A_56 = tpu.sem_alloc : memref<!tpu.dma_semaphore, #tpu.memory_space<semaphore_mem>>
          %dma_start3A = arith.constant 128 : i32
          %dma_start3A_57 = arith.constant 0 : i32
          %dma_start3A_58 = tpu.memref_slice %arg13[%dma_start3A, %dma_start3A_57] : memref<512x16xf32, #tpu.memory_space<vmem>> -> memref<128x16xf32, #tpu.memory_space<vmem>>
          %dma_start3A_59 = arith.constant 0 : i32
          %dma_start3A_60 = tpu.memref_slice %arg11[%run_scoped3A_41, %dma_start3A_59] : memref<4x128xi32, #tpu.memory_space<vmem>> -> memref<1x128xi32, #tpu.memory_space<vmem>>
          %dma_start3A_61 = tpu.memref_squeeze %dma_start3A_60 : memref<1x128xi32, #tpu.memory_space<vmem>> -> memref<128xi32, #tpu.memory_space<vmem>>
          %dma_start3A_62 = arith.constant 0 : i32
          %dma_start3A_63 = arith.constant 0 : i32
          %dma_start3A_64 = tpu.memref_slice %arg17[%dma_start3A_62, %dma_start3A_63] : memref<10000x16xf32, #tpu.memory_space<vmem_shared>> -> memref<10000x16xf32, #tpu.memory_space<vmem_shared>>
          tpu.enqueue_indirect_dma source(%dma_start3A_64 : memref<10000x16xf32, #tpu.memory_space<vmem_shared>>) target(%dma_start3A_58 : memref<128x16xf32, #tpu.memory_space<vmem>>) offsets(%dma_start3A_61 : memref<128xi32, #tpu.memory_space<vmem>>) semaphore(%run_scoped3A_56 : memref<!tpu.dma_semaphore, #tpu.memory_space<semaphore_mem>>)
          %dma_wait3A = arith.constant 128 : i32
          %dma_wait3A_65 = arith.constant 0 : i32
          %dma_wait3A_66 = tpu.memref_slice %arg13[%dma_wait3A, %dma_wait3A_65] : memref<512x16xf32, #tpu.memory_space<vmem>> -> memref<128x16xf32, #tpu.memory_space<vmem>>
          %dma_wait3A_67 = arith.constant 0 : i32
          %dma_wait3A_68 = tpu.memref_slice %arg11[%run_scoped3A_41, %dma_wait3A_67] : memref<4x128xi32, #tpu.memory_space<vmem>> -> memref<1x128xi32, #tpu.memory_space<vmem>>
          %dma_wait3A_69 = tpu.memref_squeeze %dma_wait3A_68 : memref<1x128xi32, #tpu.memory_space<vmem>> -> memref<128xi32, #tpu.memory_space<vmem>>
          %dma_wait3A_70 = arith.constant 0 : i32
          %dma_wait3A_71 = arith.constant 0 : i32
          %dma_wait3A_72 = tpu.memref_slice %arg17[%dma_wait3A_70, %dma_wait3A_71] : memref<10000x16xf32, #tpu.memory_space<vmem_shared>> -> memref<10000x16xf32, #tpu.memory_space<vmem_shared>>
          tpu.wait_indirect_dma semaphore(%run_scoped3A_56 : memref<!tpu.dma_semaphore, #tpu.memory_space<semaphore_mem>>) src(%dma_wait3A_72 : memref<10000x16xf32, #tpu.memory_space<vmem_shared>>) dst(%dma_wait3A_66 : memref<128x16xf32, #tpu.memory_space<vmem>>)
          tpu.yield
        }) : () -> ()
        %run_scoped3A_42 = arith.constant 2 : i32
        "tpu.region"() ({
          %run_scoped3A_56 = tpu.sem_alloc : memref<!tpu.dma_semaphore, #tpu.memory_space<semaphore_mem>>
          %dma_start3A = arith.constant 256 : i32
          %dma_start3A_57 = arith.constant 0 : i32
          %dma_start3A_58 = tpu.memref_slice %arg12[%dma_start3A, %dma_start3A_57] : memref<512x16xf32, #tpu.memory_space<vmem>> -> memref<128x16xf32, #tpu.memory_space<vmem>>
          %dma_start3A_59 = arith.constant 0 : i32
          %dma_start3A_60 = tpu.memref_slice %arg10[%run_scoped3A_42, %dma_start3A_59] : memref<4x128xi32, #tpu.memory_space<vmem>> -> memref<1x128xi32, #tpu.memory_space<vmem>>
          %dma_start3A_61 = tpu.memref_squeeze %dma_start3A_60 : memref<1x128xi32, #tpu.memory_space<vmem>> -> memref<128xi32, #tpu.memory_space<vmem>>
          %dma_start3A_62 = arith.constant 0 : i32
          %dma_start3A_63 = arith.constant 0 : i32
          %dma_start3A_64 = tpu.memref_slice %arg16[%dma_start3A_62, %dma_start3A_63] : memref<10000x16xf32, #tpu.memory_space<vmem_shared>> -> memref<10000x16xf32, #tpu.memory_space<vmem_shared>>
          tpu.enqueue_indirect_dma source(%dma_start3A_64 : memref<10000x16xf32, #tpu.memory_space<vmem_shared>>) target(%dma_start3A_58 : memref<128x16xf32, #tpu.memory_space<vmem>>) offsets(%dma_start3A_61 : memref<128xi32, #tpu.memory_space<vmem>>) semaphore(%run_scoped3A_56 : memref<!tpu.dma_semaphore, #tpu.memory_space<semaphore_mem>>)
          %dma_wait3A = arith.constant 256 : i32
          %dma_wait3A_65 = arith.constant 0 : i32
          %dma_wait3A_66 = tpu.memref_slice %arg12[%dma_wait3A, %dma_wait3A_65] : memref<512x16xf32, #tpu.memory_space<vmem>> -> memref<128x16xf32, #tpu.memory_space<vmem>>
          %dma_wait3A_67 = arith.constant 0 : i32
          %dma_wait3A_68 = tpu.memref_slice %arg10[%run_scoped3A_42, %dma_wait3A_67] : memref<4x128xi32, #tpu.memory_space<vmem>> -> memref<1x128xi32, #tpu.memory_space<vmem>>
          %dma_wait3A_69 = tpu.memref_squeeze %dma_wait3A_68 : memref<1x128xi32, #tpu.memory_space<vmem>> -> memref<128xi32, #tpu.memory_space<vmem>>
          %dma_wait3A_70 = arith.constant 0 : i32
          %dma_wait3A_71 = arith.constant 0 : i32
          %dma_wait3A_72 = tpu.memref_slice %arg16[%dma_wait3A_70, %dma_wait3A_71] : memref<10000x16xf32, #tpu.memory_space<vmem_shared>> -> memref<10000x16xf32, #tpu.memory_space<vmem_shared>>
          tpu.wait_indirect_dma semaphore(%run_scoped3A_56 : memref<!tpu.dma_semaphore, #tpu.memory_space<semaphore_mem>>) src(%dma_wait3A_72 : memref<10000x16xf32, #tpu.memory_space<vmem_shared>>) dst(%dma_wait3A_66 : memref<128x16xf32, #tpu.memory_space<vmem>>)
          tpu.yield
        }) : () -> ()
        %run_scoped3A_43 = arith.constant 2 : i32
        "tpu.region"() ({
          %run_scoped3A_56 = tpu.sem_alloc : memref<!tpu.dma_semaphore, #tpu.memory_space<semaphore_mem>>
          %dma_start3A = arith.constant 256 : i32
          %dma_start3A_57 = arith.constant 0 : i32
          %dma_start3A_58 = tpu.memref_slice %arg13[%dma_start3A, %dma_start3A_57] : memref<512x16xf32, #tpu.memory_space<vmem>> -> memref<128x16xf32, #tpu.memory_space<vmem>>
          %dma_start3A_59 = arith.constant 0 : i32
          %dma_start3A_60 = tpu.memref_slice %arg11[%run_scoped3A_43, %dma_start3A_59] : memref<4x128xi32, #tpu.memory_space<vmem>> -> memref<1x128xi32, #tpu.memory_space<vmem>>
          %dma_start3A_61 = tpu.memref_squeeze %dma_start3A_60 : memref<1x128xi32, #tpu.memory_space<vmem>> -> memref<128xi32, #tpu.memory_space<vmem>>
          %dma_start3A_62 = arith.constant 0 : i32
          %dma_start3A_63 = arith.constant 0 : i32
          %dma_start3A_64 = tpu.memref_slice %arg17[%dma_start3A_62, %dma_start3A_63] : memref<10000x16xf32, #tpu.memory_space<vmem_shared>> -> memref<10000x16xf32, #tpu.memory_space<vmem_shared>>
          tpu.enqueue_indirect_dma source(%dma_start3A_64 : memref<10000x16xf32, #tpu.memory_space<vmem_shared>>) target(%dma_start3A_58 : memref<128x16xf32, #tpu.memory_space<vmem>>) offsets(%dma_start3A_61 : memref<128xi32, #tpu.memory_space<vmem>>) semaphore(%run_scoped3A_56 : memref<!tpu.dma_semaphore, #tpu.memory_space<semaphore_mem>>)
          %dma_wait3A = arith.constant 256 : i32
          %dma_wait3A_65 = arith.constant 0 : i32
          %dma_wait3A_66 = tpu.memref_slice %arg13[%dma_wait3A, %dma_wait3A_65] : memref<512x16xf32, #tpu.memory_space<vmem>> -> memref<128x16xf32, #tpu.memory_space<vmem>>
          %dma_wait3A_67 = arith.constant 0 : i32
          %dma_wait3A_68 = tpu.memref_slice %arg11[%run_scoped3A_43, %dma_wait3A_67] : memref<4x128xi32, #tpu.memory_space<vmem>> -> memref<1x128xi32, #tpu.memory_space<vmem>>
          %dma_wait3A_69 = tpu.memref_squeeze %dma_wait3A_68 : memref<1x128xi32, #tpu.memory_space<vmem>> -> memref<128xi32, #tpu.memory_space<vmem>>
          %dma_wait3A_70 = arith.constant 0 : i32
          %dma_wait3A_71 = arith.constant 0 : i32
          %dma_wait3A_72 = tpu.memref_slice %arg17[%dma_wait3A_70, %dma_wait3A_71] : memref<10000x16xf32, #tpu.memory_space<vmem_shared>> -> memref<10000x16xf32, #tpu.memory_space<vmem_shared>>
          tpu.wait_indirect_dma semaphore(%run_scoped3A_56 : memref<!tpu.dma_semaphore, #tpu.memory_space<semaphore_mem>>) src(%dma_wait3A_72 : memref<10000x16xf32, #tpu.memory_space<vmem_shared>>) dst(%dma_wait3A_66 : memref<128x16xf32, #tpu.memory_space<vmem>>)
          tpu.yield
        }) : () -> ()
        %run_scoped3A_44 = arith.constant 3 : i32
        "tpu.region"() ({
          %run_scoped3A_56 = tpu.sem_alloc : memref<!tpu.dma_semaphore, #tpu.memory_space<semaphore_mem>>
          %dma_start3A = arith.constant 384 : i32
          %dma_start3A_57 = arith.constant 0 : i32
          %dma_start3A_58 = tpu.memref_slice %arg12[%dma_start3A, %dma_start3A_57] : memref<512x16xf32, #tpu.memory_space<vmem>> -> memref<128x16xf32, #tpu.memory_space<vmem>>
          %dma_start3A_59 = arith.constant 0 : i32
          %dma_start3A_60 = tpu.memref_slice %arg10[%run_scoped3A_44, %dma_start3A_59] : memref<4x128xi32, #tpu.memory_space<vmem>> -> memref<1x128xi32, #tpu.memory_space<vmem>>
          %dma_start3A_61 = tpu.memref_squeeze %dma_start3A_60 : memref<1x128xi32, #tpu.memory_space<vmem>> -> memref<128xi32, #tpu.memory_space<vmem>>
          %dma_start3A_62 = arith.constant 0 : i32
          %dma_start3A_63 = arith.constant 0 : i32
          %dma_start3A_64 = tpu.memref_slice %arg16[%dma_start3A_62, %dma_start3A_63] : memref<10000x16xf32, #tpu.memory_space<vmem_shared>> -> memref<10000x16xf32, #tpu.memory_space<vmem_shared>>
          tpu.enqueue_indirect_dma source(%dma_start3A_64 : memref<10000x16xf32, #tpu.memory_space<vmem_shared>>) target(%dma_start3A_58 : memref<128x16xf32, #tpu.memory_space<vmem>>) offsets(%dma_start3A_61 : memref<128xi32, #tpu.memory_space<vmem>>) semaphore(%run_scoped3A_56 : memref<!tpu.dma_semaphore, #tpu.memory_space<semaphore_mem>>)
          %dma_wait3A = arith.constant 384 : i32
          %dma_wait3A_65 = arith.constant 0 : i32
          %dma_wait3A_66 = tpu.memref_slice %arg12[%dma_wait3A, %dma_wait3A_65] : memref<512x16xf32, #tpu.memory_space<vmem>> -> memref<128x16xf32, #tpu.memory_space<vmem>>
          %dma_wait3A_67 = arith.constant 0 : i32
          %dma_wait3A_68 = tpu.memref_slice %arg10[%run_scoped3A_44, %dma_wait3A_67] : memref<4x128xi32, #tpu.memory_space<vmem>> -> memref<1x128xi32, #tpu.memory_space<vmem>>
          %dma_wait3A_69 = tpu.memref_squeeze %dma_wait3A_68 : memref<1x128xi32, #tpu.memory_space<vmem>> -> memref<128xi32, #tpu.memory_space<vmem>>
          %dma_wait3A_70 = arith.constant 0 : i32
          %dma_wait3A_71 = arith.constant 0 : i32
          %dma_wait3A_72 = tpu.memref_slice %arg16[%dma_wait3A_70, %dma_wait3A_71] : memref<10000x16xf32, #tpu.memory_space<vmem_shared>> -> memref<10000x16xf32, #tpu.memory_space<vmem_shared>>
          tpu.wait_indirect_dma semaphore(%run_scoped3A_56 : memref<!tpu.dma_semaphore, #tpu.memory_space<semaphore_mem>>) src(%dma_wait3A_72 : memref<10000x16xf32, #tpu.memory_space<vmem_shared>>) dst(%dma_wait3A_66 : memref<128x16xf32, #tpu.memory_space<vmem>>)
          tpu.yield
        }) : () -> ()
        %run_scoped3A_45 = arith.constant 3 : i32
        "tpu.region"() ({
          %run_scoped3A_56 = tpu.sem_alloc : memref<!tpu.dma_semaphore, #tpu.memory_space<semaphore_mem>>
          %dma_start3A = arith.constant 384 : i32
          %dma_start3A_57 = arith.constant 0 : i32
          %dma_start3A_58 = tpu.memref_slice %arg13[%dma_start3A, %dma_start3A_57] : memref<512x16xf32, #tpu.memory_space<vmem>> -> memref<128x16xf32, #tpu.memory_space<vmem>>
          %dma_start3A_59 = arith.constant 0 : i32
          %dma_start3A_60 = tpu.memref_slice %arg11[%run_scoped3A_45, %dma_start3A_59] : memref<4x128xi32, #tpu.memory_space<vmem>> -> memref<1x128xi32, #tpu.memory_space<vmem>>
          %dma_start3A_61 = tpu.memref_squeeze %dma_start3A_60 : memref<1x128xi32, #tpu.memory_space<vmem>> -> memref<128xi32, #tpu.memory_space<vmem>>
          %dma_start3A_62 = arith.constant 0 : i32
          %dma_start3A_63 = arith.constant 0 : i32
          %dma_start3A_64 = tpu.memref_slice %arg17[%dma_start3A_62, %dma_start3A_63] : memref<10000x16xf32, #tpu.memory_space<vmem_shared>> -> memref<10000x16xf32, #tpu.memory_space<vmem_shared>>
          tpu.enqueue_indirect_dma source(%dma_start3A_64 : memref<10000x16xf32, #tpu.memory_space<vmem_shared>>) target(%dma_start3A_58 : memref<128x16xf32, #tpu.memory_space<vmem>>) offsets(%dma_start3A_61 : memref<128xi32, #tpu.memory_space<vmem>>) semaphore(%run_scoped3A_56 : memref<!tpu.dma_semaphore, #tpu.memory_space<semaphore_mem>>)
          %dma_wait3A = arith.constant 384 : i32
          %dma_wait3A_65 = arith.constant 0 : i32
          %dma_wait3A_66 = tpu.memref_slice %arg13[%dma_wait3A, %dma_wait3A_65] : memref<512x16xf32, #tpu.memory_space<vmem>> -> memref<128x16xf32, #tpu.memory_space<vmem>>
          %dma_wait3A_67 = arith.constant 0 : i32
          %dma_wait3A_68 = tpu.memref_slice %arg11[%run_scoped3A_45, %dma_wait3A_67] : memref<4x128xi32, #tpu.memory_space<vmem>> -> memref<1x128xi32, #tpu.memory_space<vmem>>
          %dma_wait3A_69 = tpu.memref_squeeze %dma_wait3A_68 : memref<1x128xi32, #tpu.memory_space<vmem>> -> memref<128xi32, #tpu.memory_space<vmem>>
          %dma_wait3A_70 = arith.constant 0 : i32
          %dma_wait3A_71 = arith.constant 0 : i32
          %dma_wait3A_72 = tpu.memref_slice %arg17[%dma_wait3A_70, %dma_wait3A_71] : memref<10000x16xf32, #tpu.memory_space<vmem_shared>> -> memref<10000x16xf32, #tpu.memory_space<vmem_shared>>
          tpu.wait_indirect_dma semaphore(%run_scoped3A_56 : memref<!tpu.dma_semaphore, #tpu.memory_space<semaphore_mem>>) src(%dma_wait3A_72 : memref<10000x16xf32, #tpu.memory_space<vmem_shared>>) dst(%dma_wait3A_66 : memref<128x16xf32, #tpu.memory_space<vmem>>)
          tpu.yield
        }) : () -> ()
        %scan3A_46 = arith.constant 0 : i32
        %scan3A_47 = arith.constant 0 : i32
        %scan3A_48 = arith.constant 64 : i32
        %scan3A_49 = arith.addi %scan3A_47, %scan3A_48 : i32
        %scan3A_50 = arith.constant 1 : i32
        scf.for %scan3A_56 = %scan3A_47 to %scan3A_49 step %scan3A_50  : i32 {
          %mul3A_57 = arith.constant 8 : i32
          %mul3A_58 = arith.muli %mul3A_57, %scan3A_56 : i32
          %add3A_59 = arith.constant 0 : i32
          %add3A_60 = arith.addi %mul3A_58, %add3A_59 : i32
          %get3A = arith.index_cast %add3A_60 : i32 to index
          %get3A_61 = arith.constant 0 : index
          %get3A_62 = tpu.vector_load %arg12[%get3A, %get3A_61] {strides = array<i32>} : memref<512x16xf32, #tpu.memory_space<vmem>>, vector<1x16xf32>,
          %get3A_63 = vector.shape_cast %get3A_62 : vector<1x16xf32> to vector<16xf32>
          %mul3A_64 = arith.constant 8 : i32
          %mul3A_65 = arith.muli %mul3A_64, %scan3A_56 : i32
          %add3A_66 = arith.constant 0 : i32
          %add3A_67 = arith.addi %mul3A_65, %add3A_66 : i32
          %get3A_68 = arith.index_cast %add3A_67 : i32 to index
          %get3A_69 = arith.constant 0 : index
          %get3A_70 = tpu.vector_load %arg13[%get3A_68, %get3A_69] {strides = array<i32>} : memref<512x16xf32, #tpu.memory_space<vmem>>, vector<1x16xf32>,
          %get3A_71 = vector.shape_cast %get3A_70 : vector<1x16xf32> to vector<16xf32>
          %add3A_72 = arith.addf %get3A_63, %get3A_71 : vector<16xf32>
          %get3A_73 = arith.index_cast %scan3A_56 : i32 to index
          %get3A_74 = arith.constant 0 : index
          %get3A_75 = tpu.vector_load %arg14[%get3A_73, %get3A_74] {strides = array<i32>} : memref<64x128xf32, #tpu.memory_space<vmem>>, vector<1x16xf32>,
          %get3A_76 = vector.shape_cast %get3A_75 : vector<1x16xf32> to vector<16xf32>
          %add3A_77 = arith.addf %add3A_72, %get3A_76 : vector<16xf32>
          %max3A = arith.constant 0.000000e+00 : f32
          %max3A_78 = vector.broadcast %max3A : f32 to vector<16xf32>
          %max3A_79 = arith.maximumf %add3A_77, %max3A_78 : vector<16xf32>
          %mul3A_80 = arith.constant 8 : i32
          %mul3A_81 = arith.muli %mul3A_80, %scan3A_56 : i32
          %add3A_82 = arith.constant 0 : i32
          %add3A_83 = arith.addi %mul3A_81, %add3A_82 : i32
          %swap3A = arith.index_cast %add3A_83 : i32 to index
          %swap3A_84 = arith.constant 0 : index
          %swap3A_85 = tpu.vector_load %arg19[%swap3A, %swap3A_84] {strides = array<i32>} : memref<512x16xf32, #tpu.memory_space<vmem>>, vector<1x16xf32>,
          %swap3A_86 = vector.shape_cast %swap3A_85 : vector<1x16xf32> to vector<16xf32>
          %swap3A_87 = vector.shape_cast %max3A_79 : vector<16xf32> to vector<1x16xf32>
          tpu.vector_store %arg19[%swap3A, %swap3A_84], %swap3A_87 {strides = array<i32>} : memref<512x16xf32, #tpu.memory_space<vmem>>, vector<1x16xf32>,
          %get3A_88 = arith.index_cast %scan3A_56 : i32 to index
          %get3A_89 = arith.constant 0 : index
          %get3A_90 = tpu.vector_load %arg18[%get3A_88, %get3A_89] {strides = array<i32>} : memref<64x128xf32, #tpu.memory_space<vmem>>, vector<1x16xf32>,
          %get3A_91 = vector.shape_cast %get3A_90 : vector<1x16xf32> to vector<16xf32>
          %add3A_92 = arith.addf %get3A_91, %max3A_79 : vector<16xf32>
          %swap3A_93 = arith.index_cast %scan3A_56 : i32 to index
          %swap3A_94 = arith.constant 0 : index
          %swap3A_95 = tpu.vector_load %arg15[%swap3A_93, %swap3A_94] {strides = array<i32>} : memref<64x128xf32, #tpu.memory_space<vmem>>, vector<1x16xf32>,
          %swap3A_96 = vector.shape_cast %swap3A_95 : vector<1x16xf32> to vector<16xf32>
          %swap3A_97 = vector.shape_cast %add3A_92 : vector<16xf32> to vector<1x16xf32>
          tpu.vector_store %arg15[%swap3A_93, %swap3A_94], %swap3A_97 {strides = array<i32>} : memref<64x128xf32, #tpu.memory_space<vmem>>, vector<1x16xf32>,
          %mul3A_98 = arith.constant 8 : i32
          %mul3A_99 = arith.muli %mul3A_98, %scan3A_56 : i32
          %add3A_100 = arith.constant 1 : i32
          %add3A_101 = arith.addi %mul3A_99, %add3A_100 : i32
          %get3A_102 = arith.index_cast %add3A_101 : i32 to index
          %get3A_103 = arith.constant 0 : index
          %get3A_104 = tpu.vector_load %arg12[%get3A_102, %get3A_103] {strides = array<i32>} : memref<512x16xf32, #tpu.memory_space<vmem>>, vector<1x16xf32>,
          %get3A_105 = vector.shape_cast %get3A_104 : vector<1x16xf32> to vector<16xf32>
          %mul3A_106 = arith.constant 8 : i32
          %mul3A_107 = arith.muli %mul3A_106, %scan3A_56 : i32
          %add3A_108 = arith.constant 1 : i32
          %add3A_109 = arith.addi %mul3A_107, %add3A_108 : i32
          %get3A_110 = arith.index_cast %add3A_109 : i32 to index
          %get3A_111 = arith.constant 0 : index
          %get3A_112 = tpu.vector_load %arg13[%get3A_110, %get3A_111] {strides = array<i32>} : memref<512x16xf32, #tpu.memory_space<vmem>>, vector<1x16xf32>,
          %get3A_113 = vector.shape_cast %get3A_112 : vector<1x16xf32> to vector<16xf32>
          %add3A_114 = arith.addf %get3A_105, %get3A_113 : vector<16xf32>
          %get3A_115 = arith.index_cast %scan3A_56 : i32 to index
          %get3A_116 = arith.constant 16 : index
          %get3A_117 = tpu.vector_load %arg14[%get3A_115, %get3A_116] {strides = array<i32>} : memref<64x128xf32, #tpu.memory_space<vmem>>, vector<1x16xf32>,
          %get3A_118 = vector.shape_cast %get3A_117 : vector<1x16xf32> to vector<16xf32>
          %add3A_119 = arith.addf %add3A_114, %get3A_118 : vector<16xf32>
          %max3A_120 = arith.constant 0.000000e+00 : f32
          %max3A_121 = vector.broadcast %max3A_120 : f32 to vector<16xf32>
          %max3A_122 = arith.maximumf %add3A_119, %max3A_121 : vector<16xf32>
          %mul3A_123 = arith.constant 8 : i32
          %mul3A_124 = arith.muli %mul3A_123, %scan3A_56 : i32
          %add3A_125 = arith.constant 1 : i32
          %add3A_126 = arith.addi %mul3A_124, %add3A_125 : i32
          %swap3A_127 = arith.index_cast %add3A_126 : i32 to index
          %swap3A_128 = arith.constant 0 : index
          %swap3A_129 = tpu.vector_load %arg19[%swap3A_127, %swap3A_128] {strides = array<i32>} : memref<512x16xf32, #tpu.memory_space<vmem>>, vector<1x16xf32>,
          %swap3A_130 = vector.shape_cast %swap3A_129 : vector<1x16xf32> to vector<16xf32>
          %swap3A_131 = vector.shape_cast %max3A_122 : vector<16xf32> to vector<1x16xf32>
          tpu.vector_store %arg19[%swap3A_127, %swap3A_128], %swap3A_131 {strides = array<i32>} : memref<512x16xf32, #tpu.memory_space<vmem>>, vector<1x16xf32>,
          %get3A_132 = arith.index_cast %scan3A_56 : i32 to index
          %get3A_133 = arith.constant 16 : index
          %get3A_134 = tpu.vector_load %arg18[%get3A_132, %get3A_133] {strides = array<i32>} : memref<64x128xf32, #tpu.memory_space<vmem>>, vector<1x16xf32>,
          %get3A_135 = vector.shape_cast %get3A_134 : vector<1x16xf32> to vector<16xf32>
          %add3A_136 = arith.addf %get3A_135, %max3A_122 : vector<16xf32>
          %swap3A_137 = arith.index_cast %scan3A_56 : i32 to index
          %swap3A_138 = arith.constant 16 : index
          %swap3A_139 = tpu.vector_load %arg15[%swap3A_137, %swap3A_138] {strides = array<i32>} : memref<64x128xf32, #tpu.memory_space<vmem>>, vector<1x16xf32>,
          %swap3A_140 = vector.shape_cast %swap3A_139 : vector<1x16xf32> to vector<16xf32>
          %swap3A_141 = vector.shape_cast %add3A_136 : vector<16xf32> to vector<1x16xf32>
          tpu.vector_store %arg15[%swap3A_137, %swap3A_138], %swap3A_141 {strides = array<i32>} : memref<64x128xf32, #tpu.memory_space<vmem>>, vector<1x16xf32>,
          %mul3A_142 = arith.constant 8 : i32
          %mul3A_143 = arith.muli %mul3A_142, %scan3A_56 : i32
          %add3A_144 = arith.constant 2 : i32
          %add3A_145 = arith.addi %mul3A_143, %add3A_144 : i32
          %get3A_146 = arith.index_cast %add3A_145 : i32 to index
          %get3A_147 = arith.constant 0 : index
          %get3A_148 = tpu.vector_load %arg12[%get3A_146, %get3A_147] {strides = array<i32>} : memref<512x16xf32, #tpu.memory_space<vmem>>, vector<1x16xf32>,
          %get3A_149 = vector.shape_cast %get3A_148 : vector<1x16xf32> to vector<16xf32>
          %mul3A_150 = arith.constant 8 : i32
          %mul3A_151 = arith.muli %mul3A_150, %scan3A_56 : i32
          %add3A_152 = arith.constant 2 : i32
          %add3A_153 = arith.addi %mul3A_151, %add3A_152 : i32
          %get3A_154 = arith.index_cast %add3A_153 : i32 to index
          %get3A_155 = arith.constant 0 : index
          %get3A_156 = tpu.vector_load %arg13[%get3A_154, %get3A_155] {strides = array<i32>} : memref<512x16xf32, #tpu.memory_space<vmem>>, vector<1x16xf32>,
          %get3A_157 = vector.shape_cast %get3A_156 : vector<1x16xf32> to vector<16xf32>
          %add3A_158 = arith.addf %get3A_149, %get3A_157 : vector<16xf32>
          %get3A_159 = arith.index_cast %scan3A_56 : i32 to index
          %get3A_160 = arith.constant 32 : index
          %get3A_161 = tpu.vector_load %arg14[%get3A_159, %get3A_160] {strides = array<i32>} : memref<64x128xf32, #tpu.memory_space<vmem>>, vector<1x16xf32>,
          %get3A_162 = vector.shape_cast %get3A_161 : vector<1x16xf32> to vector<16xf32>
          %add3A_163 = arith.addf %add3A_158, %get3A_162 : vector<16xf32>
          %max3A_164 = arith.constant 0.000000e+00 : f32
          %max3A_165 = vector.broadcast %max3A_164 : f32 to vector<16xf32>
          %max3A_166 = arith.maximumf %add3A_163, %max3A_165 : vector<16xf32>
          %mul3A_167 = arith.constant 8 : i32
          %mul3A_168 = arith.muli %mul3A_167, %scan3A_56 : i32
          %add3A_169 = arith.constant 2 : i32
          %add3A_170 = arith.addi %mul3A_168, %add3A_169 : i32
          %swap3A_171 = arith.index_cast %add3A_170 : i32 to index
          %swap3A_172 = arith.constant 0 : index
          %swap3A_173 = tpu.vector_load %arg19[%swap3A_171, %swap3A_172] {strides = array<i32>} : memref<512x16xf32, #tpu.memory_space<vmem>>, vector<1x16xf32>,
          %swap3A_174 = vector.shape_cast %swap3A_173 : vector<1x16xf32> to vector<16xf32>
          %swap3A_175 = vector.shape_cast %max3A_166 : vector<16xf32> to vector<1x16xf32>
          tpu.vector_store %arg19[%swap3A_171, %swap3A_172], %swap3A_175 {strides = array<i32>} : memref<512x16xf32, #tpu.memory_space<vmem>>, vector<1x16xf32>,
          %get3A_176 = arith.index_cast %scan3A_56 : i32 to index
          %get3A_177 = arith.constant 32 : index
          %get3A_178 = tpu.vector_load %arg18[%get3A_176, %get3A_177] {strides = array<i32>} : memref<64x128xf32, #tpu.memory_space<vmem>>, vector<1x16xf32>,
          %get3A_179 = vector.shape_cast %get3A_178 : vector<1x16xf32> to vector<16xf32>
          %add3A_180 = arith.addf %get3A_179, %max3A_166 : vector<16xf32>
          %swap3A_181 = arith.index_cast %scan3A_56 : i32 to index
          %swap3A_182 = arith.constant 32 : index
          %swap3A_183 = tpu.vector_load %arg15[%swap3A_181, %swap3A_182] {strides = array<i32>} : memref<64x128xf32, #tpu.memory_space<vmem>>, vector<1x16xf32>,
          %swap3A_184 = vector.shape_cast %swap3A_183 : vector<1x16xf32> to vector<16xf32>
          %swap3A_185 = vector.shape_cast %add3A_180 : vector<16xf32> to vector<1x16xf32>
          tpu.vector_store %arg15[%swap3A_181, %swap3A_182], %swap3A_185 {strides = array<i32>} : memref<64x128xf32, #tpu.memory_space<vmem>>, vector<1x16xf32>,
          %mul3A_186 = arith.constant 8 : i32
          %mul3A_187 = arith.muli %mul3A_186, %scan3A_56 : i32
          %add3A_188 = arith.constant 3 : i32
          %add3A_189 = arith.addi %mul3A_187, %add3A_188 : i32
          %get3A_190 = arith.index_cast %add3A_189 : i32 to index
          %get3A_191 = arith.constant 0 : index
          %get3A_192 = tpu.vector_load %arg12[%get3A_190, %get3A_191] {strides = array<i32>} : memref<512x16xf32, #tpu.memory_space<vmem>>, vector<1x16xf32>,
          %get3A_193 = vector.shape_cast %get3A_192 : vector<1x16xf32> to vector<16xf32>
          %mul3A_194 = arith.constant 8 : i32
          %mul3A_195 = arith.muli %mul3A_194, %scan3A_56 : i32
          %add3A_196 = arith.constant 3 : i32
          %add3A_197 = arith.addi %mul3A_195, %add3A_196 : i32
          %get3A_198 = arith.index_cast %add3A_197 : i32 to index
          %get3A_199 = arith.constant 0 : index
          %get3A_200 = tpu.vector_load %arg13[%get3A_198, %get3A_199] {strides = array<i32>} : memref<512x16xf32, #tpu.memory_space<vmem>>, vector<1x16xf32>,
          %get3A_201 = vector.shape_cast %get3A_200 : vector<1x16xf32> to vector<16xf32>
          %add3A_202 = arith.addf %get3A_193, %get3A_201 : vector<16xf32>
          %get3A_203 = arith.index_cast %scan3A_56 : i32 to index
          %get3A_204 = arith.constant 48 : index
          %get3A_205 = tpu.vector_load %arg14[%get3A_203, %get3A_204] {strides = array<i32>} : memref<64x128xf32, #tpu.memory_space<vmem>>, vector<1x16xf32>,
          %get3A_206 = vector.shape_cast %get3A_205 : vector<1x16xf32> to vector<16xf32>
          %add3A_207 = arith.addf %add3A_202, %get3A_206 : vector<16xf32>
          %max3A_208 = arith.constant 0.000000e+00 : f32
          %max3A_209 = vector.broadcast %max3A_208 : f32 to vector<16xf32>
          %max3A_210 = arith.maximumf %add3A_207, %max3A_209 : vector<16xf32>
          %mul3A_211 = arith.constant 8 : i32
          %mul3A_212 = arith.muli %mul3A_211, %scan3A_56 : i32
          %add3A_213 = arith.constant 3 : i32
          %add3A_214 = arith.addi %mul3A_212, %add3A_213 : i32
          %swap3A_215 = arith.index_cast %add3A_214 : i32 to index
          %swap3A_216 = arith.constant 0 : index
          %swap3A_217 = tpu.vector_load %arg19[%swap3A_215, %swap3A_216] {strides = array<i32>} : memref<512x16xf32, #tpu.memory_space<vmem>>, vector<1x16xf32>,
          %swap3A_218 = vector.shape_cast %swap3A_217 : vector<1x16xf32> to vector<16xf32>
          %swap3A_219 = vector.shape_cast %max3A_210 : vector<16xf32> to vector<1x16xf32>
          tpu.vector_store %arg19[%swap3A_215, %swap3A_216], %swap3A_219 {strides = array<i32>} : memref<512x16xf32, #tpu.memory_space<vmem>>, vector<1x16xf32>,
          %get3A_220 = arith.index_cast %scan3A_56 : i32 to index
          %get3A_221 = arith.constant 48 : index
          %get3A_222 = tpu.vector_load %arg18[%get3A_220, %get3A_221] {strides = array<i32>} : memref<64x128xf32, #tpu.memory_space<vmem>>, vector<1x16xf32>,
          %get3A_223 = vector.shape_cast %get3A_222 : vector<1x16xf32> to vector<16xf32>
          %add3A_224 = arith.addf %get3A_223, %max3A_210 : vector<16xf32>
          %swap3A_225 = arith.index_cast %scan3A_56 : i32 to index
          %swap3A_226 = arith.constant 48 : index
          %swap3A_227 = tpu.vector_load %arg15[%swap3A_225, %swap3A_226] {strides = array<i32>} : memref<64x128xf32, #tpu.memory_space<vmem>>, vector<1x16xf32>,
          %swap3A_228 = vector.shape_cast %swap3A_227 : vector<1x16xf32> to vector<16xf32>
          %swap3A_229 = vector.shape_cast %add3A_224 : vector<16xf32> to vector<1x16xf32>
          tpu.vector_store %arg15[%swap3A_225, %swap3A_226], %swap3A_229 {strides = array<i32>} : memref<64x128xf32, #tpu.memory_space<vmem>>, vector<1x16xf32>,
          %mul3A_230 = arith.constant 8 : i32
          %mul3A_231 = arith.muli %mul3A_230, %scan3A_56 : i32
          %add3A_232 = arith.constant 4 : i32
          %add3A_233 = arith.addi %mul3A_231, %add3A_232 : i32
          %get3A_234 = arith.index_cast %add3A_233 : i32 to index
          %get3A_235 = arith.constant 0 : index
          %get3A_236 = tpu.vector_load %arg12[%get3A_234, %get3A_235] {strides = array<i32>} : memref<512x16xf32, #tpu.memory_space<vmem>>, vector<1x16xf32>,
          %get3A_237 = vector.shape_cast %get3A_236 : vector<1x16xf32> to vector<16xf32>
          %mul3A_238 = arith.constant 8 : i32
          %mul3A_239 = arith.muli %mul3A_238, %scan3A_56 : i32
          %add3A_240 = arith.constant 4 : i32
          %add3A_241 = arith.addi %mul3A_239, %add3A_240 : i32
          %get3A_242 = arith.index_cast %add3A_241 : i32 to index
          %get3A_243 = arith.constant 0 : index
          %get3A_244 = tpu.vector_load %arg13[%get3A_242, %get3A_243] {strides = array<i32>} : memref<512x16xf32, #tpu.memory_space<vmem>>, vector<1x16xf32>,
          %get3A_245 = vector.shape_cast %get3A_244 : vector<1x16xf32> to vector<16xf32>
          %add3A_246 = arith.addf %get3A_237, %get3A_245 : vector<16xf32>
          %get3A_247 = arith.index_cast %scan3A_56 : i32 to index
          %get3A_248 = arith.constant 64 : index
          %get3A_249 = tpu.vector_load %arg14[%get3A_247, %get3A_248] {strides = array<i32>} : memref<64x128xf32, #tpu.memory_space<vmem>>, vector<1x16xf32>,
          %get3A_250 = vector.shape_cast %get3A_249 : vector<1x16xf32> to vector<16xf32>
          %add3A_251 = arith.addf %add3A_246, %get3A_250 : vector<16xf32>
          %max3A_252 = arith.constant 0.000000e+00 : f32
          %max3A_253 = vector.broadcast %max3A_252 : f32 to vector<16xf32>
          %max3A_254 = arith.maximumf %add3A_251, %max3A_253 : vector<16xf32>
          %mul3A_255 = arith.constant 8 : i32
          %mul3A_256 = arith.muli %mul3A_255, %scan3A_56 : i32
          %add3A_257 = arith.constant 4 : i32
          %add3A_258 = arith.addi %mul3A_256, %add3A_257 : i32
          %swap3A_259 = arith.index_cast %add3A_258 : i32 to index
          %swap3A_260 = arith.constant 0 : index
          %swap3A_261 = tpu.vector_load %arg19[%swap3A_259, %swap3A_260] {strides = array<i32>} : memref<512x16xf32, #tpu.memory_space<vmem>>, vector<1x16xf32>,
          %swap3A_262 = vector.shape_cast %swap3A_261 : vector<1x16xf32> to vector<16xf32>
          %swap3A_263 = vector.shape_cast %max3A_254 : vector<16xf32> to vector<1x16xf32>
          tpu.vector_store %arg19[%swap3A_259, %swap3A_260], %swap3A_263 {strides = array<i32>} : memref<512x16xf32, #tpu.memory_space<vmem>>, vector<1x16xf32>,
          %get3A_264 = arith.index_cast %scan3A_56 : i32 to index
          %get3A_265 = arith.constant 64 : index
          %get3A_266 = tpu.vector_load %arg18[%get3A_264, %get3A_265] {strides = array<i32>} : memref<64x128xf32, #tpu.memory_space<vmem>>, vector<1x16xf32>,
          %get3A_267 = vector.shape_cast %get3A_266 : vector<1x16xf32> to vector<16xf32>
          %add3A_268 = arith.addf %get3A_267, %max3A_254 : vector<16xf32>
          %swap3A_269 = arith.index_cast %scan3A_56 : i32 to index
          %swap3A_270 = arith.constant 64 : index
          %swap3A_271 = tpu.vector_load %arg15[%swap3A_269, %swap3A_270] {strides = array<i32>} : memref<64x128xf32, #tpu.memory_space<vmem>>, vector<1x16xf32>,
          %swap3A_272 = vector.shape_cast %swap3A_271 : vector<1x16xf32> to vector<16xf32>
          %swap3A_273 = vector.shape_cast %add3A_268 : vector<16xf32> to vector<1x16xf32>
          tpu.vector_store %arg15[%swap3A_269, %swap3A_270], %swap3A_273 {strides = array<i32>} : memref<64x128xf32, #tpu.memory_space<vmem>>, vector<1x16xf32>,
          %mul3A_274 = arith.constant 8 : i32
          %mul3A_275 = arith.muli %mul3A_274, %scan3A_56 : i32
          %add3A_276 = arith.constant 5 : i32
          %add3A_277 = arith.addi %mul3A_275, %add3A_276 : i32
          %get3A_278 = arith.index_cast %add3A_277 : i32 to index
          %get3A_279 = arith.constant 0 : index
          %get3A_280 = tpu.vector_load %arg12[%get3A_278, %get3A_279] {strides = array<i32>} : memref<512x16xf32, #tpu.memory_space<vmem>>, vector<1x16xf32>,
          %get3A_281 = vector.shape_cast %get3A_280 : vector<1x16xf32> to vector<16xf32>
          %mul3A_282 = arith.constant 8 : i32
          %mul3A_283 = arith.muli %mul3A_282, %scan3A_56 : i32
          %add3A_284 = arith.constant 5 : i32
          %add3A_285 = arith.addi %mul3A_283, %add3A_284 : i32
          %get3A_286 = arith.index_cast %add3A_285 : i32 to index
          %get3A_287 = arith.constant 0 : index
          %get3A_288 = tpu.vector_load %arg13[%get3A_286, %get3A_287] {strides = array<i32>} : memref<512x16xf32, #tpu.memory_space<vmem>>, vector<1x16xf32>,
          %get3A_289 = vector.shape_cast %get3A_288 : vector<1x16xf32> to vector<16xf32>
          %add3A_290 = arith.addf %get3A_281, %get3A_289 : vector<16xf32>
          %get3A_291 = arith.index_cast %scan3A_56 : i32 to index
          %get3A_292 = arith.constant 80 : index
          %get3A_293 = tpu.vector_load %arg14[%get3A_291, %get3A_292] {strides = array<i32>} : memref<64x128xf32, #tpu.memory_space<vmem>>, vector<1x16xf32>,
          %get3A_294 = vector.shape_cast %get3A_293 : vector<1x16xf32> to vector<16xf32>
          %add3A_295 = arith.addf %add3A_290, %get3A_294 : vector<16xf32>
          %max3A_296 = arith.constant 0.000000e+00 : f32
          %max3A_297 = vector.broadcast %max3A_296 : f32 to vector<16xf32>
          %max3A_298 = arith.maximumf %add3A_295, %max3A_297 : vector<16xf32>
          %mul3A_299 = arith.constant 8 : i32
          %mul3A_300 = arith.muli %mul3A_299, %scan3A_56 : i32
          %add3A_301 = arith.constant 5 : i32
          %add3A_302 = arith.addi %mul3A_300, %add3A_301 : i32
          %swap3A_303 = arith.index_cast %add3A_302 : i32 to index
          %swap3A_304 = arith.constant 0 : index
          %swap3A_305 = tpu.vector_load %arg19[%swap3A_303, %swap3A_304] {strides = array<i32>} : memref<512x16xf32, #tpu.memory_space<vmem>>, vector<1x16xf32>,
          %swap3A_306 = vector.shape_cast %swap3A_305 : vector<1x16xf32> to vector<16xf32>
          %swap3A_307 = vector.shape_cast %max3A_298 : vector<16xf32> to vector<1x16xf32>
          tpu.vector_store %arg19[%swap3A_303, %swap3A_304], %swap3A_307 {strides = array<i32>} : memref<512x16xf32, #tpu.memory_space<vmem>>, vector<1x16xf32>,
          %get3A_308 = arith.index_cast %scan3A_56 : i32 to index
          %get3A_309 = arith.constant 80 : index
          %get3A_310 = tpu.vector_load %arg18[%get3A_308, %get3A_309] {strides = array<i32>} : memref<64x128xf32, #tpu.memory_space<vmem>>, vector<1x16xf32>,
          %get3A_311 = vector.shape_cast %get3A_310 : vector<1x16xf32> to vector<16xf32>
          %add3A_312 = arith.addf %get3A_311, %max3A_298 : vector<16xf32>
          %swap3A_313 = arith.index_cast %scan3A_56 : i32 to index
          %swap3A_314 = arith.constant 80 : index
          %swap3A_315 = tpu.vector_load %arg15[%swap3A_313, %swap3A_314] {strides = array<i32>} : memref<64x128xf32, #tpu.memory_space<vmem>>, vector<1x16xf32>,
          %swap3A_316 = vector.shape_cast %swap3A_315 : vector<1x16xf32> to vector<16xf32>
          %swap3A_317 = vector.shape_cast %add3A_312 : vector<16xf32> to vector<1x16xf32>
          tpu.vector_store %arg15[%swap3A_313, %swap3A_314], %swap3A_317 {strides = array<i32>} : memref<64x128xf32, #tpu.memory_space<vmem>>, vector<1x16xf32>,
          %mul3A_318 = arith.constant 8 : i32
          %mul3A_319 = arith.muli %mul3A_318, %scan3A_56 : i32
          %add3A_320 = arith.constant 6 : i32
          %add3A_321 = arith.addi %mul3A_319, %add3A_320 : i32
          %get3A_322 = arith.index_cast %add3A_321 : i32 to index
          %get3A_323 = arith.constant 0 : index
          %get3A_324 = tpu.vector_load %arg12[%get3A_322, %get3A_323] {strides = array<i32>} : memref<512x16xf32, #tpu.memory_space<vmem>>, vector<1x16xf32>,
          %get3A_325 = vector.shape_cast %get3A_324 : vector<1x16xf32> to vector<16xf32>
          %mul3A_326 = arith.constant 8 : i32
          %mul3A_327 = arith.muli %mul3A_326, %scan3A_56 : i32
          %add3A_328 = arith.constant 6 : i32
          %add3A_329 = arith.addi %mul3A_327, %add3A_328 : i32
          %get3A_330 = arith.index_cast %add3A_329 : i32 to index
          %get3A_331 = arith.constant 0 : index
          %get3A_332 = tpu.vector_load %arg13[%get3A_330, %get3A_331] {strides = array<i32>} : memref<512x16xf32, #tpu.memory_space<vmem>>, vector<1x16xf32>,
          %get3A_333 = vector.shape_cast %get3A_332 : vector<1x16xf32> to vector<16xf32>
          %add3A_334 = arith.addf %get3A_325, %get3A_333 : vector<16xf32>
          %get3A_335 = arith.index_cast %scan3A_56 : i32 to index
          %get3A_336 = arith.constant 96 : index
          %get3A_337 = tpu.vector_load %arg14[%get3A_335, %get3A_336] {strides = array<i32>} : memref<64x128xf32, #tpu.memory_space<vmem>>, vector<1x16xf32>,
          %get3A_338 = vector.shape_cast %get3A_337 : vector<1x16xf32> to vector<16xf32>
          %add3A_339 = arith.addf %add3A_334, %get3A_338 : vector<16xf32>
          %max3A_340 = arith.constant 0.000000e+00 : f32
          %max3A_341 = vector.broadcast %max3A_340 : f32 to vector<16xf32>
          %max3A_342 = arith.maximumf %add3A_339, %max3A_341 : vector<16xf32>
          %mul3A_343 = arith.constant 8 : i32
          %mul3A_344 = arith.muli %mul3A_343, %scan3A_56 : i32
          %add3A_345 = arith.constant 6 : i32
          %add3A_346 = arith.addi %mul3A_344, %add3A_345 : i32
          %swap3A_347 = arith.index_cast %add3A_346 : i32 to index
          %swap3A_348 = arith.constant 0 : index
          %swap3A_349 = tpu.vector_load %arg19[%swap3A_347, %swap3A_348] {strides = array<i32>} : memref<512x16xf32, #tpu.memory_space<vmem>>, vector<1x16xf32>,
          %swap3A_350 = vector.shape_cast %swap3A_349 : vector<1x16xf32> to vector<16xf32>
          %swap3A_351 = vector.shape_cast %max3A_342 : vector<16xf32> to vector<1x16xf32>
          tpu.vector_store %arg19[%swap3A_347, %swap3A_348], %swap3A_351 {strides = array<i32>} : memref<512x16xf32, #tpu.memory_space<vmem>>, vector<1x16xf32>,
          %get3A_352 = arith.index_cast %scan3A_56 : i32 to index
          %get3A_353 = arith.constant 96 : index
          %get3A_354 = tpu.vector_load %arg18[%get3A_352, %get3A_353] {strides = array<i32>} : memref<64x128xf32, #tpu.memory_space<vmem>>, vector<1x16xf32>,
          %get3A_355 = vector.shape_cast %get3A_354 : vector<1x16xf32> to vector<16xf32>
          %add3A_356 = arith.addf %get3A_355, %max3A_342 : vector<16xf32>
          %swap3A_357 = arith.index_cast %scan3A_56 : i32 to index
          %swap3A_358 = arith.constant 96 : index
          %swap3A_359 = tpu.vector_load %arg15[%swap3A_357, %swap3A_358] {strides = array<i32>} : memref<64x128xf32, #tpu.memory_space<vmem>>, vector<1x16xf32>,
          %swap3A_360 = vector.shape_cast %swap3A_359 : vector<1x16xf32> to vector<16xf32>
          %swap3A_361 = vector.shape_cast %add3A_356 : vector<16xf32> to vector<1x16xf32>
          tpu.vector_store %arg15[%swap3A_357, %swap3A_358], %swap3A_361 {strides = array<i32>} : memref<64x128xf32, #tpu.memory_space<vmem>>, vector<1x16xf32>,
          %mul3A_362 = arith.constant 8 : i32
          %mul3A_363 = arith.muli %mul3A_362, %scan3A_56 : i32
          %add3A_364 = arith.constant 7 : i32
          %add3A_365 = arith.addi %mul3A_363, %add3A_364 : i32
          %get3A_366 = arith.index_cast %add3A_365 : i32 to index
          %get3A_367 = arith.constant 0 : index
          %get3A_368 = tpu.vector_load %arg12[%get3A_366, %get3A_367] {strides = array<i32>} : memref<512x16xf32, #tpu.memory_space<vmem>>, vector<1x16xf32>,
          %get3A_369 = vector.shape_cast %get3A_368 : vector<1x16xf32> to vector<16xf32>
          %mul3A_370 = arith.constant 8 : i32
          %mul3A_371 = arith.muli %mul3A_370, %scan3A_56 : i32
          %add3A_372 = arith.constant 7 : i32
          %add3A_373 = arith.addi %mul3A_371, %add3A_372 : i32
          %get3A_374 = arith.index_cast %add3A_373 : i32 to index
          %get3A_375 = arith.constant 0 : index
          %get3A_376 = tpu.vector_load %arg13[%get3A_374, %get3A_375] {strides = array<i32>} : memref<512x16xf32, #tpu.memory_space<vmem>>, vector<1x16xf32>,
          %get3A_377 = vector.shape_cast %get3A_376 : vector<1x16xf32> to vector<16xf32>
          %add3A_378 = arith.addf %get3A_369, %get3A_377 : vector<16xf32>
          %get3A_379 = arith.index_cast %scan3A_56 : i32 to index
          %get3A_380 = arith.constant 112 : index
          %get3A_381 = tpu.vector_load %arg14[%get3A_379, %get3A_380] {strides = array<i32>} : memref<64x128xf32, #tpu.memory_space<vmem>>, vector<1x16xf32>,
          %get3A_382 = vector.shape_cast %get3A_381 : vector<1x16xf32> to vector<16xf32>
          %add3A_383 = arith.addf %add3A_378, %get3A_382 : vector<16xf32>
          %max3A_384 = arith.constant 0.000000e+00 : f32
          %max3A_385 = vector.broadcast %max3A_384 : f32 to vector<16xf32>
          %max3A_386 = arith.maximumf %add3A_383, %max3A_385 : vector<16xf32>
          %mul3A_387 = arith.constant 8 : i32
          %mul3A_388 = arith.muli %mul3A_387, %scan3A_56 : i32
          %add3A_389 = arith.constant 7 : i32
          %add3A_390 = arith.addi %mul3A_388, %add3A_389 : i32
          %swap3A_391 = arith.index_cast %add3A_390 : i32 to index
          %swap3A_392 = arith.constant 0 : index
          %swap3A_393 = tpu.vector_load %arg19[%swap3A_391, %swap3A_392] {strides = array<i32>} : memref<512x16xf32, #tpu.memory_space<vmem>>, vector<1x16xf32>,
          %swap3A_394 = vector.shape_cast %swap3A_393 : vector<1x16xf32> to vector<16xf32>
          %swap3A_395 = vector.shape_cast %max3A_386 : vector<16xf32> to vector<1x16xf32>
          tpu.vector_store %arg19[%swap3A_391, %swap3A_392], %swap3A_395 {strides = array<i32>} : memref<512x16xf32, #tpu.memory_space<vmem>>, vector<1x16xf32>,
          %get3A_396 = arith.index_cast %scan3A_56 : i32 to index
          %get3A_397 = arith.constant 112 : index
          %get3A_398 = tpu.vector_load %arg18[%get3A_396, %get3A_397] {strides = array<i32>} : memref<64x128xf32, #tpu.memory_space<vmem>>, vector<1x16xf32>,
          %get3A_399 = vector.shape_cast %get3A_398 : vector<1x16xf32> to vector<16xf32>
          %add3A_400 = arith.addf %get3A_399, %max3A_386 : vector<16xf32>
          %swap3A_401 = arith.index_cast %scan3A_56 : i32 to index
          %swap3A_402 = arith.constant 112 : index
          %swap3A_403 = tpu.vector_load %arg15[%swap3A_401, %swap3A_402] {strides = array<i32>} : memref<64x128xf32, #tpu.memory_space<vmem>>, vector<1x16xf32>,
          %swap3A_404 = vector.shape_cast %swap3A_403 : vector<1x16xf32> to vector<16xf32>
          %swap3A_405 = vector.shape_cast %add3A_400 : vector<16xf32> to vector<1x16xf32>
          tpu.vector_store %arg15[%swap3A_401, %swap3A_402], %swap3A_405 {strides = array<i32>} : memref<64x128xf32, #tpu.memory_space<vmem>>, vector<1x16xf32>,
        }
        %scan3A_51 = arith.constant 64 : i32
        %run_scoped3A_52 = arith.constant 0 : i32
        "tpu.region"() ({
          %run_scoped3A_56 = tpu.sem_alloc : memref<!tpu.dma_semaphore, #tpu.memory_space<semaphore_mem>>
          %dma_start3A = arith.constant 0 : i32
          %dma_start3A_57 = arith.constant 0 : i32
          %dma_start3A_58 = tpu.memref_slice %arg19[%dma_start3A, %dma_start3A_57] : memref<512x16xf32, #tpu.memory_space<vmem>> -> memref<128x16xf32, #tpu.memory_space<vmem>>
          %dma_start3A_59 = arith.constant 0 : i32
          %dma_start3A_60 = tpu.memref_slice %arg11[%run_scoped3A_52, %dma_start3A_59] : memref<4x128xi32, #tpu.memory_space<vmem>> -> memref<1x128xi32, #tpu.memory_space<vmem>>
          %dma_start3A_61 = tpu.memref_squeeze %dma_start3A_60 : memref<1x128xi32, #tpu.memory_space<vmem>> -> memref<128xi32, #tpu.memory_space<vmem>>
          %dma_start3A_62 = arith.constant 0 : i32
          %dma_start3A_63 = arith.constant 0 : i32
          %dma_start3A_64 = tpu.memref_slice %arg20[%dma_start3A_62, %dma_start3A_63] : memref<10112x16xf32, #tpu.memory_space<vmem_shared>> -> memref<10112x16xf32, #tpu.memory_space<vmem_shared>>
          tpu.enqueue_indirect_dma source(%dma_start3A_58 : memref<128x16xf32, #tpu.memory_space<vmem>>) target(%dma_start3A_64 : memref<10112x16xf32, #tpu.memory_space<vmem_shared>>) offsets(%dma_start3A_61 : memref<128xi32, #tpu.memory_space<vmem>>) semaphore(%run_scoped3A_56 : memref<!tpu.dma_semaphore, #tpu.memory_space<semaphore_mem>>) {add = true}
          %dma_wait3A = arith.constant 0 : i32
          %dma_wait3A_65 = arith.constant 0 : i32
          %dma_wait3A_66 = tpu.memref_slice %arg19[%dma_wait3A, %dma_wait3A_65] : memref<512x16xf32, #tpu.memory_space<vmem>> -> memref<128x16xf32, #tpu.memory_space<vmem>>
          %dma_wait3A_67 = arith.constant 0 : i32
          %dma_wait3A_68 = tpu.memref_slice %arg11[%run_scoped3A_52, %dma_wait3A_67] : memref<4x128xi32, #tpu.memory_space<vmem>> -> memref<1x128xi32, #tpu.memory_space<vmem>>
          %dma_wait3A_69 = tpu.memref_squeeze %dma_wait3A_68 : memref<1x128xi32, #tpu.memory_space<vmem>> -> memref<128xi32, #tpu.memory_space<vmem>>
          %dma_wait3A_70 = arith.constant 0 : i32
          %dma_wait3A_71 = arith.constant 0 : i32
          %dma_wait3A_72 = tpu.memref_slice %arg20[%dma_wait3A_70, %dma_wait3A_71] : memref<10112x16xf32, #tpu.memory_space<vmem_shared>> -> memref<10112x16xf32, #tpu.memory_space<vmem_shared>>
          tpu.wait_indirect_dma semaphore(%run_scoped3A_56 : memref<!tpu.dma_semaphore, #tpu.memory_space<semaphore_mem>>) src(%dma_wait3A_66 : memref<128x16xf32, #tpu.memory_space<vmem>>) dst(%dma_wait3A_72 : memref<10112x16xf32, #tpu.memory_space<vmem_shared>>)
          tpu.yield
        }) : () -> ()
        %run_scoped3A_53 = arith.constant 1 : i32
        "tpu.region"() ({
          %run_scoped3A_56 = tpu.sem_alloc : memref<!tpu.dma_semaphore, #tpu.memory_space<semaphore_mem>>
          %dma_start3A = arith.constant 128 : i32
          %dma_start3A_57 = arith.constant 0 : i32
          %dma_start3A_58 = tpu.memref_slice %arg19[%dma_start3A, %dma_start3A_57] : memref<512x16xf32, #tpu.memory_space<vmem>> -> memref<128x16xf32, #tpu.memory_space<vmem>>
          %dma_start3A_59 = arith.constant 0 : i32
          %dma_start3A_60 = tpu.memref_slice %arg11[%run_scoped3A_53, %dma_start3A_59] : memref<4x128xi32, #tpu.memory_space<vmem>> -> memref<1x128xi32, #tpu.memory_space<vmem>>
          %dma_start3A_61 = tpu.memref_squeeze %dma_start3A_60 : memref<1x128xi32, #tpu.memory_space<vmem>> -> memref<128xi32, #tpu.memory_space<vmem>>
          %dma_start3A_62 = arith.constant 0 : i32
          %dma_start3A_63 = arith.constant 0 : i32
          %dma_start3A_64 = tpu.memref_slice %arg20[%dma_start3A_62, %dma_start3A_63] : memref<10112x16xf32, #tpu.memory_space<vmem_shared>> -> memref<10112x16xf32, #tpu.memory_space<vmem_shared>>
          tpu.enqueue_indirect_dma source(%dma_start3A_58 : memref<128x16xf32, #tpu.memory_space<vmem>>) target(%dma_start3A_64 : memref<10112x16xf32, #tpu.memory_space<vmem_shared>>) offsets(%dma_start3A_61 : memref<128xi32, #tpu.memory_space<vmem>>) semaphore(%run_scoped3A_56 : memref<!tpu.dma_semaphore, #tpu.memory_space<semaphore_mem>>) {add = true}
          %dma_wait3A = arith.constant 128 : i32
          %dma_wait3A_65 = arith.constant 0 : i32
          %dma_wait3A_66 = tpu.memref_slice %arg19[%dma_wait3A, %dma_wait3A_65] : memref<512x16xf32, #tpu.memory_space<vmem>> -> memref<128x16xf32, #tpu.memory_space<vmem>>
          %dma_wait3A_67 = arith.constant 0 : i32
          %dma_wait3A_68 = tpu.memref_slice %arg11[%run_scoped3A_53, %dma_wait3A_67] : memref<4x128xi32, #tpu.memory_space<vmem>> -> memref<1x128xi32, #tpu.memory_space<vmem>>
          %dma_wait3A_69 = tpu.memref_squeeze %dma_wait3A_68 : memref<1x128xi32, #tpu.memory_space<vmem>> -> memref<128xi32, #tpu.memory_space<vmem>>
          %dma_wait3A_70 = arith.constant 0 : i32
          %dma_wait3A_71 = arith.constant 0 : i32
          %dma_wait3A_72 = tpu.memref_slice %arg20[%dma_wait3A_70, %dma_wait3A_71] : memref<10112x16xf32, #tpu.memory_space<vmem_shared>> -> memref<10112x16xf32, #tpu.memory_space<vmem_shared>>
          tpu.wait_indirect_dma semaphore(%run_scoped3A_56 : memref<!tpu.dma_semaphore, #tpu.memory_space<semaphore_mem>>) src(%dma_wait3A_66 : memref<128x16xf32, #tpu.memory_space<vmem>>) dst(%dma_wait3A_72 : memref<10112x16xf32, #tpu.memory_space<vmem_shared>>)
          tpu.yield
        }) : () -> ()
        %run_scoped3A_54 = arith.constant 2 : i32
        "tpu.region"() ({
          %run_scoped3A_56 = tpu.sem_alloc : memref<!tpu.dma_semaphore, #tpu.memory_space<semaphore_mem>>
          %dma_start3A = arith.constant 256 : i32
          %dma_start3A_57 = arith.constant 0 : i32
          %dma_start3A_58 = tpu.memref_slice %arg19[%dma_start3A, %dma_start3A_57] : memref<512x16xf32, #tpu.memory_space<vmem>> -> memref<128x16xf32, #tpu.memory_space<vmem>>
          %dma_start3A_59 = arith.constant 0 : i32
          %dma_start3A_60 = tpu.memref_slice %arg11[%run_scoped3A_54, %dma_start3A_59] : memref<4x128xi32, #tpu.memory_space<vmem>> -> memref<1x128xi32, #tpu.memory_space<vmem>>
          %dma_start3A_61 = tpu.memref_squeeze %dma_start3A_60 : memref<1x128xi32, #tpu.memory_space<vmem>> -> memref<128xi32, #tpu.memory_space<vmem>>
          %dma_start3A_62 = arith.constant 0 : i32
          %dma_start3A_63 = arith.constant 0 : i32
          %dma_start3A_64 = tpu.memref_slice %arg20[%dma_start3A_62, %dma_start3A_63] : memref<10112x16xf32, #tpu.memory_space<vmem_shared>> -> memref<10112x16xf32, #tpu.memory_space<vmem_shared>>
          tpu.enqueue_indirect_dma source(%dma_start3A_58 : memref<128x16xf32, #tpu.memory_space<vmem>>) target(%dma_start3A_64 : memref<10112x16xf32, #tpu.memory_space<vmem_shared>>) offsets(%dma_start3A_61 : memref<128xi32, #tpu.memory_space<vmem>>) semaphore(%run_scoped3A_56 : memref<!tpu.dma_semaphore, #tpu.memory_space<semaphore_mem>>) {add = true}
          %dma_wait3A = arith.constant 256 : i32
          %dma_wait3A_65 = arith.constant 0 : i32
          %dma_wait3A_66 = tpu.memref_slice %arg19[%dma_wait3A, %dma_wait3A_65] : memref<512x16xf32, #tpu.memory_space<vmem>> -> memref<128x16xf32, #tpu.memory_space<vmem>>
          %dma_wait3A_67 = arith.constant 0 : i32
          %dma_wait3A_68 = tpu.memref_slice %arg11[%run_scoped3A_54, %dma_wait3A_67] : memref<4x128xi32, #tpu.memory_space<vmem>> -> memref<1x128xi32, #tpu.memory_space<vmem>>
          %dma_wait3A_69 = tpu.memref_squeeze %dma_wait3A_68 : memref<1x128xi32, #tpu.memory_space<vmem>> -> memref<128xi32, #tpu.memory_space<vmem>>
          %dma_wait3A_70 = arith.constant 0 : i32
          %dma_wait3A_71 = arith.constant 0 : i32
          %dma_wait3A_72 = tpu.memref_slice %arg20[%dma_wait3A_70, %dma_wait3A_71] : memref<10112x16xf32, #tpu.memory_space<vmem_shared>> -> memref<10112x16xf32, #tpu.memory_space<vmem_shared>>
          tpu.wait_indirect_dma semaphore(%run_scoped3A_56 : memref<!tpu.dma_semaphore, #tpu.memory_space<semaphore_mem>>) src(%dma_wait3A_66 : memref<128x16xf32, #tpu.memory_space<vmem>>) dst(%dma_wait3A_72 : memref<10112x16xf32, #tpu.memory_space<vmem_shared>>)
          tpu.yield
        }) : () -> ()
        %run_scoped3A_55 = arith.constant 3 : i32
        "tpu.region"() ({
          %run_scoped3A_56 = tpu.sem_alloc : memref<!tpu.dma_semaphore, #tpu.memory_space<semaphore_mem>>
          %dma_start3A = arith.constant 384 : i32
          %dma_start3A_57 = arith.constant 0 : i32
          %dma_start3A_58 = tpu.memref_slice %arg19[%dma_start3A, %dma_start3A_57] : memref<512x16xf32, #tpu.memory_space<vmem>> -> memref<128x16xf32, #tpu.memory_space<vmem>>
          %dma_start3A_59 = arith.constant 0 : i32
          %dma_start3A_60 = tpu.memref_slice %arg11[%run_scoped3A_55, %dma_start3A_59] : memref<4x128xi32, #tpu.memory_space<vmem>> -> memref<1x128xi32, #tpu.memory_space<vmem>>
          %dma_start3A_61 = tpu.memref_squeeze %dma_start3A_60 : memref<1x128xi32, #tpu.memory_space<vmem>> -> memref<128xi32, #tpu.memory_space<vmem>>
          %dma_start3A_62 = arith.constant 0 : i32
          %dma_start3A_63 = arith.constant 0 : i32
          %dma_start3A_64 = tpu.memref_slice %arg20[%dma_start3A_62, %dma_start3A_63] : memref<10112x16xf32, #tpu.memory_space<vmem_shared>> -> memref<10112x16xf32, #tpu.memory_space<vmem_shared>>
          tpu.enqueue_indirect_dma source(%dma_start3A_58 : memref<128x16xf32, #tpu.memory_space<vmem>>) target(%dma_start3A_64 : memref<10112x16xf32, #tpu.memory_space<vmem_shared>>) offsets(%dma_start3A_61 : memref<128xi32, #tpu.memory_space<vmem>>) semaphore(%run_scoped3A_56 : memref<!tpu.dma_semaphore, #tpu.memory_space<semaphore_mem>>) {add = true}
          %dma_wait3A = arith.constant 384 : i32
          %dma_wait3A_65 = arith.constant 0 : i32
          %dma_wait3A_66 = tpu.memref_slice %arg19[%dma_wait3A, %dma_wait3A_65] : memref<512x16xf32, #tpu.memory_space<vmem>> -> memref<128x16xf32, #tpu.memory_space<vmem>>
          %dma_wait3A_67 = arith.constant 0 : i32
          %dma_wait3A_68 = tpu.memref_slice %arg11[%run_scoped3A_55, %dma_wait3A_67] : memref<4x128xi32, #tpu.memory_space<vmem>> -> memref<1x128xi32, #tpu.memory_space<vmem>>
          %dma_wait3A_69 = tpu.memref_squeeze %dma_wait3A_68 : memref<1x128xi32, #tpu.memory_space<vmem>> -> memref<128xi32, #tpu.memory_space<vmem>>
          %dma_wait3A_70 = arith.constant 0 : i32
          %dma_wait3A_71 = arith.constant 0 : i32
          %dma_wait3A_72 = tpu.memref_slice %arg20[%dma_wait3A_70, %dma_wait3A_71] : memref<10112x16xf32, #tpu.memory_space<vmem_shared>> -> memref<10112x16xf32, #tpu.memory_space<vmem_shared>>
          tpu.wait_indirect_dma semaphore(%run_scoped3A_56 : memref<!tpu.dma_semaphore, #tpu.memory_space<semaphore_mem>>) src(%dma_wait3A_66 : memref<128x16xf32, #tpu.memory_space<vmem>>) dst(%dma_wait3A_72 : memref<10112x16xf32, #tpu.memory_space<vmem_shared>>)
          tpu.yield
        }) : () -> ()
        "tpu.region"() ({
          %run_scoped3A_56 = tpu.sem_alloc : memref<!tpu.dma_semaphore, #tpu.memory_space<semaphore_mem>>
          %dma_start3A = arith.constant 0 : i32
          %dma_start3A_57 = tpu.memref_slice %arg8[%mul3A_38, %dma_start3A] : memref<40000x128xf32, #tpu.memory_space<hbm>> -> memref<64x128xf32, #tpu.memory_space<hbm>>
          %dma_start3A_58 = arith.constant 0 : i32
          %dma_start3A_59 = tpu.memref_slice %arg8[%mul3A_38, %dma_start3A_58] : memref<40000x128xf32, #tpu.memory_space<hbm>> -> memref<64x128xf32, #tpu.memory_space<hbm>>
          tpu.enqueue_dma source(%arg15 : memref<64x128xf32, #tpu.memory_space<vmem>>) target(%dma_start3A_59 : memref<64x128xf32, #tpu.memory_space<hbm>>) target_semaphore(%run_scoped3A_56 : memref<!tpu.dma_semaphore, #tpu.memory_space<semaphore_mem>>)
          %dma_wait3A = arith.constant 0 : i32
          %dma_wait3A_60 = tpu.memref_slice %arg8[%mul3A_38, %dma_wait3A] : memref<40000x128xf32, #tpu.memory_space<hbm>> -> memref<64x128xf32, #tpu.memory_space<hbm>>
          %dma_wait3A_61 = arith.constant 0 : i32
          %dma_wait3A_62 = tpu.memref_slice %arg8[%mul3A_38, %dma_wait3A_61] : memref<40000x128xf32, #tpu.memory_space<hbm>> -> memref<64x128xf32, #tpu.memory_space<hbm>>
          tpu.wait_dma2 semaphore(%run_scoped3A_56 : memref<!tpu.dma_semaphore, #tpu.memory_space<semaphore_mem>>) src(%arg15 : memref<64x128xf32, #tpu.memory_space<vmem>>) dst(%dma_wait3A_62 : memref<64x128xf32, #tpu.memory_space<hbm>>)
          tpu.yield
        }) : () -> ()
      } else {
      }
    }
    %scan3A_20 = arith.constant 20 : i32
    %barrier3A_21 = arith.constant 0 : index
    tpu.barrier barrier_id(%barrier3A_21)
    %mul3A_22 = arith.constant 632 : i32
    %mul3A_23 = arith.muli %arg1, %mul3A_22 : i32
    %mul3A_24 = arith.constant 10112 : i32
    %mul3A_25 = arith.muli %arg0, %mul3A_24 : i32
    %mul3A_26 = arith.constant 632 : i32
    %mul3A_27 = arith.muli %arg1, %mul3A_26 : i32
    %add3A_28 = arith.addi %mul3A_25, %mul3A_27 : i32
    "tpu.region"() ({
      %run_scoped3A = tpu.sem_alloc : memref<!tpu.dma_semaphore, #tpu.memory_space<semaphore_mem>>
      %dma_start3A = arith.constant 0 : i32
      %dma_start3A_29 = tpu.memref_slice %arg9[%add3A_28, %dma_start3A] : memref<20224x16xf32, #tpu.memory_space<hbm>> -> memref<632x16xf32, #tpu.memory_space<hbm>>
      %dma_start3A_30 = arith.constant 0 : i32
      %dma_start3A_31 = tpu.memref_slice %arg20[%mul3A_23, %dma_start3A_30] : memref<10112x16xf32, #tpu.memory_space<vmem_shared>> -> memref<632x16xf32, #tpu.memory_space<vmem_shared>>
      tpu.enqueue_dma source(%dma_start3A_31 : memref<632x16xf32, #tpu.memory_space<vmem_shared>>) target(%dma_start3A_29 : memref<632x16xf32, #tpu.memory_space<hbm>>) target_semaphore(%run_scoped3A : memref<!tpu.dma_semaphore, #tpu.memory_space<semaphore_mem>>)
      %dma_wait3A = arith.constant 0 : i32
      %dma_wait3A_32 = tpu.memref_slice %arg9[%add3A_28, %dma_wait3A] : memref<20224x16xf32, #tpu.memory_space<hbm>> -> memref<632x16xf32, #tpu.memory_space<hbm>>
      %dma_wait3A_33 = arith.constant 0 : i32
      %dma_wait3A_34 = tpu.memref_slice %arg20[%mul3A_23, %dma_wait3A_33] : memref<10112x16xf32, #tpu.memory_space<vmem_shared>> -> memref<632x16xf32, #tpu.memory_space<vmem_shared>>
      tpu.wait_dma2 semaphore(%run_scoped3A : memref<!tpu.dma_semaphore, #tpu.memory_space<semaphore_mem>>) src(%dma_wait3A_34 : memref<632x16xf32, #tpu.memory_space<vmem_shared>>) dst(%dma_wait3A_32 : memref<632x16xf32, #tpu.memory_space<hbm>>)
      tpu.yield
    }) : () -> ()
    return
  }
}

#map = affine_map<(d0, d1) -> (0, 0, 0)>
#map1 = affine_map<(d0, d1) -> (0, 0)>
module attributes {stable_mosaic.version = 14 : i64} {
  func.func @body(%arg0: i32, %arg1: i32, %arg2: memref<625x4x128xi32, #tpu.memory_space<hbm>>, %arg3: memref<625x4x128xi32, #tpu.memory_space<hbm>>, %arg4: memref<10000x16xf32, #tpu.memory_space<hbm>>, %arg5: memref<10000x16xf32, #tpu.memory_space<hbm>>, %arg6: memref<40000x128xf32, #tpu.memory_space<hbm>>, %arg7: memref<40000x128xf32, #tpu.memory_space<hbm>>, %arg8: memref<20224x16xf32, #tpu.memory_space<hbm>>, %arg9: memref<4x128xi32, #tpu.memory_space<vmem>>, %arg10: memref<4x128xi32, #tpu.memory_space<vmem>>, %arg11: memref<512x16xf32, #tpu.memory_space<vmem>>, %arg12: memref<512x16xf32, #tpu.memory_space<vmem>>, %arg13: memref<64x128xf32, #tpu.memory_space<vmem>>, %arg14: memref<64x128xf32, #tpu.memory_space<vmem>>, %arg15: memref<10000x16xf32, #tpu.memory_space<vmem_shared>>, %arg16: memref<10000x16xf32, #tpu.memory_space<vmem_shared>>, %arg17: memref<512x16xf32, #tpu.memory_space<vmem>>, %arg18: memref<10112x16xf32, #tpu.memory_space<vmem_shared>>, %arg19: memref<632x16xf32, #tpu.memory_space<vmem>>) attributes {dimension_semantics = [#tpu.dimension_semantics<core_parallel>, #tpu.dimension_semantics<subcore_parallel>], iteration_bounds = array<i64: 2, 16>, scalar_prefetch = 0 : i64, scratch_operands = 11 : i64, tpu.core_type = #tpu.core_type<sc_vector_subcore>, window_params = [{transform_indices = #map}, {transform_indices = #map}, {transform_indices = #map1}, {transform_indices = #map1}, {transform_indices = #map1}, {transform_indices = #map1}, {transform_indices = #map1}]} {
    %mul3A = arith.constant 2 : i32
    %mul3A_0 = arith.muli %arg1, %mul3A : i32
    %add3A = arith.addi %mul3A_0, %arg0 : i32
    %eq3A = arith.constant 0 : i32
    %eq3A_1 = arith.cmpi eq, %arg1, %eq3A : i32
    %convert_element_type3A = arith.extui %eq3A_1 : i1 to i32
    %cond3A = arith.constant 0 : i32
    %cond3A_2 = arith.cmpi ne, %convert_element_type3A, %cond3A : i32
    scf.if %cond3A_2 {
      "tpu.region"() ({
        %run_scoped3A = tpu.sem_alloc : memref<!tpu.dma_semaphore, #tpu.memory_space<semaphore_mem>>
        tpu.enqueue_dma source(%arg4 : memref<10000x16xf32, #tpu.memory_space<hbm>>) target(%arg15 : memref<10000x16xf32, #tpu.memory_space<vmem_shared>>) target_semaphore(%run_scoped3A : memref<!tpu.dma_semaphore, #tpu.memory_space<semaphore_mem>>)
        tpu.wait_dma2 semaphore(%run_scoped3A : memref<!tpu.dma_semaphore, #tpu.memory_space<semaphore_mem>>) src(%arg4 : memref<10000x16xf32, #tpu.memory_space<hbm>>) dst(%arg15 : memref<10000x16xf32, #tpu.memory_space<vmem_shared>>)
        tpu.yield
      }) : () -> ()
    } else {
    }
    %eq3A_3 = arith.constant 1 : i32
    %eq3A_4 = arith.cmpi eq, %arg1, %eq3A_3 : i32
    %convert_element_type3A_5 = arith.extui %eq3A_4 : i1 to i32
    %cond3A_6 = arith.constant 0 : i32
    %cond3A_7 = arith.cmpi ne, %convert_element_type3A_5, %cond3A_6 : i32
    scf.if %cond3A_7 {
      "tpu.region"() ({
        %run_scoped3A = tpu.sem_alloc : memref<!tpu.dma_semaphore, #tpu.memory_space<semaphore_mem>>
        tpu.enqueue_dma source(%arg5 : memref<10000x16xf32, #tpu.memory_space<hbm>>) target(%arg16 : memref<10000x16xf32, #tpu.memory_space<vmem_shared>>) target_semaphore(%run_scoped3A : memref<!tpu.dma_semaphore, #tpu.memory_space<semaphore_mem>>)
        tpu.wait_dma2 semaphore(%run_scoped3A : memref<!tpu.dma_semaphore, #tpu.memory_space<semaphore_mem>>) src(%arg5 : memref<10000x16xf32, #tpu.memory_space<hbm>>) dst(%arg16 : memref<10000x16xf32, #tpu.memory_space<vmem_shared>>)
        tpu.yield
      }) : () -> ()
    } else {
    }
    %scan3A = arith.constant 0 : i32
    %scan3A_8 = arith.constant 0 : i32
    %scan3A_9 = arith.constant 632 : i32
    %scan3A_10 = arith.addi %scan3A_8, %scan3A_9 : i32
    %scan3A_11 = arith.constant 1 : i32
    scf.for %scan3A_29 = %scan3A_8 to %scan3A_10 step %scan3A_11  : i32 {
      %broadcast_in_dim3A = arith.constant 0.000000e+00 : f32
      %broadcast_in_dim3A_30 = vector.broadcast %broadcast_in_dim3A : f32 to vector<16xf32>
      %swap3A = arith.index_cast %scan3A_29 : i32 to index
      %swap3A_31 = arith.constant 0 : index
      %swap3A_32 = tpu.vector_load %arg19[%swap3A, %swap3A_31] {strides = array<i32>} : memref<632x16xf32, #tpu.memory_space<vmem>>, vector<1x16xf32>,
      %swap3A_33 = vector.shape_cast %swap3A_32 : vector<1x16xf32> to vector<16xf32>
      %swap3A_34 = vector.shape_cast %broadcast_in_dim3A_30 : vector<16xf32> to vector<1x16xf32>
      tpu.vector_store %arg19[%swap3A, %swap3A_31], %swap3A_34 {strides = array<i32>} : memref<632x16xf32, #tpu.memory_space<vmem>>, vector<1x16xf32>,
    }
    %scan3A_12 = arith.constant 632 : i32
    %mul3A_13 = arith.constant 632 : i32
    %mul3A_14 = arith.muli %arg1, %mul3A_13 : i32
    "tpu.region"() ({
      %run_scoped3A = tpu.sem_alloc : memref<!tpu.dma_semaphore, #tpu.memory_space<semaphore_mem>>
      %dma_start3A = arith.constant 0 : i32
      %dma_start3A_29 = tpu.memref_slice %arg18[%mul3A_14, %dma_start3A] : memref<10112x16xf32, #tpu.memory_space<vmem_shared>> -> memref<632x16xf32, #tpu.memory_space<vmem_shared>>
      %dma_start3A_30 = arith.constant 0 : i32
      %dma_start3A_31 = tpu.memref_slice %arg18[%mul3A_14, %dma_start3A_30] : memref<10112x16xf32, #tpu.memory_space<vmem_shared>> -> memref<632x16xf32, #tpu.memory_space<vmem_shared>>
      tpu.enqueue_dma source(%arg19 : memref<632x16xf32, #tpu.memory_space<vmem>>) target(%dma_start3A_31 : memref<632x16xf32, #tpu.memory_space<vmem_shared>>) target_semaphore(%run_scoped3A : memref<!tpu.dma_semaphore, #tpu.memory_space<semaphore_mem>>)
      %dma_wait3A = arith.constant 0 : i32
      %dma_wait3A_32 = tpu.memref_slice %arg18[%mul3A_14, %dma_wait3A] : memref<10112x16xf32, #tpu.memory_space<vmem_shared>> -> memref<632x16xf32, #tpu.memory_space<vmem_shared>>
      %dma_wait3A_33 = arith.constant 0 : i32
      %dma_wait3A_34 = tpu.memref_slice %arg18[%mul3A_14, %dma_wait3A_33] : memref<10112x16xf32, #tpu.memory_space<vmem_shared>> -> memref<632x16xf32, #tpu.memory_space<vmem_shared>>
      tpu.wait_dma2 semaphore(%run_scoped3A : memref<!tpu.dma_semaphore, #tpu.memory_space<semaphore_mem>>) src(%arg19 : memref<632x16xf32, #tpu.memory_space<vmem>>) dst(%dma_wait3A_34 : memref<632x16xf32, #tpu.memory_space<vmem_shared>>)
      tpu.yield
    }) : () -> ()
    %barrier3A = arith.constant 0 : index
    tpu.barrier barrier_id(%barrier3A)
    %scan3A_15 = arith.constant 0 : i32
    %scan3A_16 = arith.constant 0 : i32
    %scan3A_17 = arith.constant 20 : i32
    %scan3A_18 = arith.addi %scan3A_16, %scan3A_17 : i32
    %scan3A_19 = arith.constant 1 : i32
    scf.for %scan3A_29 = %scan3A_16 to %scan3A_18 step %scan3A_19  : i32 {
      %mul3A_30 = arith.constant 32 : i32
      %mul3A_31 = arith.muli %scan3A_29, %mul3A_30 : i32
      %add3A_32 = arith.addi %add3A, %mul3A_31 : i32
      %lt3A = arith.constant 625 : i32
      %lt3A_33 = arith.cmpi slt, %add3A_32, %lt3A : i32
      %convert_element_type3A_34 = arith.extui %lt3A_33 : i1 to i32
      %cond3A_35 = arith.constant 0 : i32
      %cond3A_36 = arith.cmpi ne, %convert_element_type3A_34, %cond3A_35 : i32
      scf.if %cond3A_36 {
        %mul3A_37 = arith.constant 64 : i32
        %mul3A_38 = arith.muli %add3A_32, %mul3A_37 : i32
        "tpu.region"() ({
          %run_scoped3A_56 = tpu.sem_alloc : memref<!tpu.dma_semaphore, #tpu.memory_space<semaphore_mem>>
          %dma_start3A = arith.constant 0 : i32
          %dma_start3A_57 = arith.constant 0 : i32
          %dma_start3A_58 = tpu.memref_slice %arg2[%add3A_32, %dma_start3A, %dma_start3A_57] : memref<625x4x128xi32, #tpu.memory_space<hbm>> -> memref<1x4x128xi32, #tpu.memory_space<hbm>>
          %dma_start3A_59 = tpu.memref_squeeze %dma_start3A_58 : memref<1x4x128xi32, #tpu.memory_space<hbm>> -> memref<4x128xi32, #tpu.memory_space<hbm>>
          %dma_start3A_60 = arith.constant 0 : i32
          %dma_start3A_61 = arith.constant 0 : i32
          %dma_start3A_62 = tpu.memref_slice %arg2[%add3A_32, %dma_start3A_60, %dma_start3A_61] : memref<625x4x128xi32, #tpu.memory_space<hbm>> -> memref<1x4x128xi32, #tpu.memory_space<hbm>>
          %dma_start3A_63 = tpu.memref_squeeze %dma_start3A_62 : memref<1x4x128xi32, #tpu.memory_space<hbm>> -> memref<4x128xi32, #tpu.memory_space<hbm>>
          tpu.enqueue_dma source(%dma_start3A_63 : memref<4x128xi32, #tpu.memory_space<hbm>>) target(%arg9 : memref<4x128xi32, #tpu.memory_space<vmem>>) target_semaphore(%run_scoped3A_56 : memref<!tpu.dma_semaphore, #tpu.memory_space<semaphore_mem>>)
          %dma_wait3A = arith.constant 0 : i32
          %dma_wait3A_64 = arith.constant 0 : i32
          %dma_wait3A_65 = tpu.memref_slice %arg2[%add3A_32, %dma_wait3A, %dma_wait3A_64] : memref<625x4x128xi32, #tpu.memory_space<hbm>> -> memref<1x4x128xi32, #tpu.memory_space<hbm>>
          %dma_wait3A_66 = tpu.memref_squeeze %dma_wait3A_65 : memref<1x4x128xi32, #tpu.memory_space<hbm>> -> memref<4x128xi32, #tpu.memory_space<hbm>>
          %dma_wait3A_67 = arith.constant 0 : i32
          %dma_wait3A_68 = arith.constant 0 : i32
          %dma_wait3A_69 = tpu.memref_slice %arg2[%add3A_32, %dma_wait3A_67, %dma_wait3A_68] : memref<625x4x128xi32, #tpu.memory_space<hbm>> -> memref<1x4x128xi32, #tpu.memory_space<hbm>>
          %dma_wait3A_70 = tpu.memref_squeeze %dma_wait3A_69 : memref<1x4x128xi32, #tpu.memory_space<hbm>> -> memref<4x128xi32, #tpu.memory_space<hbm>>
          tpu.wait_dma2 semaphore(%run_scoped3A_56 : memref<!tpu.dma_semaphore, #tpu.memory_space<semaphore_mem>>) src(%dma_wait3A_70 : memref<4x128xi32, #tpu.memory_space<hbm>>) dst(%arg9 : memref<4x128xi32, #tpu.memory_space<vmem>>)
          tpu.yield
        }) : () -> ()
        "tpu.region"() ({
          %run_scoped3A_56 = tpu.sem_alloc : memref<!tpu.dma_semaphore, #tpu.memory_space<semaphore_mem>>
          %dma_start3A = arith.constant 0 : i32
          %dma_start3A_57 = arith.constant 0 : i32
          %dma_start3A_58 = tpu.memref_slice %arg3[%add3A_32, %dma_start3A, %dma_start3A_57] : memref<625x4x128xi32, #tpu.memory_space<hbm>> -> memref<1x4x128xi32, #tpu.memory_space<hbm>>
          %dma_start3A_59 = tpu.memref_squeeze %dma_start3A_58 : memref<1x4x128xi32, #tpu.memory_space<hbm>> -> memref<4x128xi32, #tpu.memory_space<hbm>>
          %dma_start3A_60 = arith.constant 0 : i32
          %dma_start3A_61 = arith.constant 0 : i32
          %dma_start3A_62 = tpu.memref_slice %arg3[%add3A_32, %dma_start3A_60, %dma_start3A_61] : memref<625x4x128xi32, #tpu.memory_space<hbm>> -> memref<1x4x128xi32, #tpu.memory_space<hbm>>
          %dma_start3A_63 = tpu.memref_squeeze %dma_start3A_62 : memref<1x4x128xi32, #tpu.memory_space<hbm>> -> memref<4x128xi32, #tpu.memory_space<hbm>>
          tpu.enqueue_dma source(%dma_start3A_63 : memref<4x128xi32, #tpu.memory_space<hbm>>) target(%arg10 : memref<4x128xi32, #tpu.memory_space<vmem>>) target_semaphore(%run_scoped3A_56 : memref<!tpu.dma_semaphore, #tpu.memory_space<semaphore_mem>>)
          %dma_wait3A = arith.constant 0 : i32
          %dma_wait3A_64 = arith.constant 0 : i32
          %dma_wait3A_65 = tpu.memref_slice %arg3[%add3A_32, %dma_wait3A, %dma_wait3A_64] : memref<625x4x128xi32, #tpu.memory_space<hbm>> -> memref<1x4x128xi32, #tpu.memory_space<hbm>>
          %dma_wait3A_66 = tpu.memref_squeeze %dma_wait3A_65 : memref<1x4x128xi32, #tpu.memory_space<hbm>> -> memref<4x128xi32, #tpu.memory_space<hbm>>
          %dma_wait3A_67 = arith.constant 0 : i32
          %dma_wait3A_68 = arith.constant 0 : i32
          %dma_wait3A_69 = tpu.memref_slice %arg3[%add3A_32, %dma_wait3A_67, %dma_wait3A_68] : memref<625x4x128xi32, #tpu.memory_space<hbm>> -> memref<1x4x128xi32, #tpu.memory_space<hbm>>
          %dma_wait3A_70 = tpu.memref_squeeze %dma_wait3A_69 : memref<1x4x128xi32, #tpu.memory_space<hbm>> -> memref<4x128xi32, #tpu.memory_space<hbm>>
          tpu.wait_dma2 semaphore(%run_scoped3A_56 : memref<!tpu.dma_semaphore, #tpu.memory_space<semaphore_mem>>) src(%dma_wait3A_70 : memref<4x128xi32, #tpu.memory_space<hbm>>) dst(%arg10 : memref<4x128xi32, #tpu.memory_space<vmem>>)
          tpu.yield
        }) : () -> ()
        "tpu.region"() ({
          %run_scoped3A_56 = tpu.sem_alloc : memref<!tpu.dma_semaphore, #tpu.memory_space<semaphore_mem>>
          %dma_start3A = arith.constant 0 : i32
          %dma_start3A_57 = tpu.memref_slice %arg6[%mul3A_38, %dma_start3A] : memref<40000x128xf32, #tpu.memory_space<hbm>> -> memref<64x128xf32, #tpu.memory_space<hbm>>
          %dma_start3A_58 = arith.constant 0 : i32
          %dma_start3A_59 = tpu.memref_slice %arg6[%mul3A_38, %dma_start3A_58] : memref<40000x128xf32, #tpu.memory_space<hbm>> -> memref<64x128xf32, #tpu.memory_space<hbm>>
          tpu.enqueue_dma source(%dma_start3A_59 : memref<64x128xf32, #tpu.memory_space<hbm>>) target(%arg13 : memref<64x128xf32, #tpu.memory_space<vmem>>) target_semaphore(%run_scoped3A_56 : memref<!tpu.dma_semaphore, #tpu.memory_space<semaphore_mem>>)
          %dma_wait3A = arith.constant 0 : i32
          %dma_wait3A_60 = tpu.memref_slice %arg6[%mul3A_38, %dma_wait3A] : memref<40000x128xf32, #tpu.memory_space<hbm>> -> memref<64x128xf32, #tpu.memory_space<hbm>>
          %dma_wait3A_61 = arith.constant 0 : i32
          %dma_wait3A_62 = tpu.memref_slice %arg6[%mul3A_38, %dma_wait3A_61] : memref<40000x128xf32, #tpu.memory_space<hbm>> -> memref<64x128xf32, #tpu.memory_space<hbm>>
          tpu.wait_dma2 semaphore(%run_scoped3A_56 : memref<!tpu.dma_semaphore, #tpu.memory_space<semaphore_mem>>) src(%dma_wait3A_62 : memref<64x128xf32, #tpu.memory_space<hbm>>) dst(%arg13 : memref<64x128xf32, #tpu.memory_space<vmem>>)
          tpu.yield
        }) : () -> ()
        %run_scoped3A = arith.constant 0 : i32
        "tpu.region"() ({
          %run_scoped3A_56 = tpu.sem_alloc : memref<!tpu.dma_semaphore, #tpu.memory_space<semaphore_mem>>
          %dma_start3A = arith.constant 0 : i32
          %dma_start3A_57 = arith.constant 0 : i32
          %dma_start3A_58 = tpu.memref_slice %arg11[%dma_start3A, %dma_start3A_57] : memref<512x16xf32, #tpu.memory_space<vmem>> -> memref<128x16xf32, #tpu.memory_space<vmem>>
          %dma_start3A_59 = arith.constant 0 : i32
          %dma_start3A_60 = tpu.memref_slice %arg9[%run_scoped3A, %dma_start3A_59] : memref<4x128xi32, #tpu.memory_space<vmem>> -> memref<1x128xi32, #tpu.memory_space<vmem>>
          %dma_start3A_61 = tpu.memref_squeeze %dma_start3A_60 : memref<1x128xi32, #tpu.memory_space<vmem>> -> memref<128xi32, #tpu.memory_space<vmem>>
          %dma_start3A_62 = arith.constant 0 : i32
          %dma_start3A_63 = arith.constant 0 : i32
          %dma_start3A_64 = tpu.memref_slice %arg15[%dma_start3A_62, %dma_start3A_63] : memref<10000x16xf32, #tpu.memory_space<vmem_shared>> -> memref<10000x16xf32, #tpu.memory_space<vmem_shared>>
          tpu.enqueue_indirect_dma source(%dma_start3A_64 : memref<10000x16xf32, #tpu.memory_space<vmem_shared>>) target(%dma_start3A_58 : memref<128x16xf32, #tpu.memory_space<vmem>>) offsets(%dma_start3A_61 : memref<128xi32, #tpu.memory_space<vmem>>) semaphore(%run_scoped3A_56 : memref<!tpu.dma_semaphore, #tpu.memory_space<semaphore_mem>>)
          %dma_wait3A = arith.constant 0 : i32
          %dma_wait3A_65 = arith.constant 0 : i32
          %dma_wait3A_66 = tpu.memref_slice %arg11[%dma_wait3A, %dma_wait3A_65] : memref<512x16xf32, #tpu.memory_space<vmem>> -> memref<128x16xf32, #tpu.memory_space<vmem>>
          %dma_wait3A_67 = arith.constant 0 : i32
          %dma_wait3A_68 = tpu.memref_slice %arg9[%run_scoped3A, %dma_wait3A_67] : memref<4x128xi32, #tpu.memory_space<vmem>> -> memref<1x128xi32, #tpu.memory_space<vmem>>
          %dma_wait3A_69 = tpu.memref_squeeze %dma_wait3A_68 : memref<1x128xi32, #tpu.memory_space<vmem>> -> memref<128xi32, #tpu.memory_space<vmem>>
          %dma_wait3A_70 = arith.constant 0 : i32
          %dma_wait3A_71 = arith.constant 0 : i32
          %dma_wait3A_72 = tpu.memref_slice %arg15[%dma_wait3A_70, %dma_wait3A_71] : memref<10000x16xf32, #tpu.memory_space<vmem_shared>> -> memref<10000x16xf32, #tpu.memory_space<vmem_shared>>
          tpu.wait_indirect_dma semaphore(%run_scoped3A_56 : memref<!tpu.dma_semaphore, #tpu.memory_space<semaphore_mem>>) src(%dma_wait3A_72 : memref<10000x16xf32, #tpu.memory_space<vmem_shared>>) dst(%dma_wait3A_66 : memref<128x16xf32, #tpu.memory_space<vmem>>)
          tpu.yield
        }) : () -> ()
        %run_scoped3A_39 = arith.constant 0 : i32
        "tpu.region"() ({
          %run_scoped3A_56 = tpu.sem_alloc : memref<!tpu.dma_semaphore, #tpu.memory_space<semaphore_mem>>
          %dma_start3A = arith.constant 0 : i32
          %dma_start3A_57 = arith.constant 0 : i32
          %dma_start3A_58 = tpu.memref_slice %arg12[%dma_start3A, %dma_start3A_57] : memref<512x16xf32, #tpu.memory_space<vmem>> -> memref<128x16xf32, #tpu.memory_space<vmem>>
          %dma_start3A_59 = arith.constant 0 : i32
          %dma_start3A_60 = tpu.memref_slice %arg10[%run_scoped3A_39, %dma_start3A_59] : memref<4x128xi32, #tpu.memory_space<vmem>> -> memref<1x128xi32, #tpu.memory_space<vmem>>
          %dma_start3A_61 = tpu.memref_squeeze %dma_start3A_60 : memref<1x128xi32, #tpu.memory_space<vmem>> -> memref<128xi32, #tpu.memory_space<vmem>>
          %dma_start3A_62 = arith.constant 0 : i32
          %dma_start3A_63 = arith.constant 0 : i32
          %dma_start3A_64 = tpu.memref_slice %arg16[%dma_start3A_62, %dma_start3A_63] : memref<10000x16xf32, #tpu.memory_space<vmem_shared>> -> memref<10000x16xf32, #tpu.memory_space<vmem_shared>>
          tpu.enqueue_indirect_dma source(%dma_start3A_64 : memref<10000x16xf32, #tpu.memory_space<vmem_shared>>) target(%dma_start3A_58 : memref<128x16xf32, #tpu.memory_space<vmem>>) offsets(%dma_start3A_61 : memref<128xi32, #tpu.memory_space<vmem>>) semaphore(%run_scoped3A_56 : memref<!tpu.dma_semaphore, #tpu.memory_space<semaphore_mem>>)
          %dma_wait3A = arith.constant 0 : i32
          %dma_wait3A_65 = arith.constant 0 : i32
          %dma_wait3A_66 = tpu.memref_slice %arg12[%dma_wait3A, %dma_wait3A_65] : memref<512x16xf32, #tpu.memory_space<vmem>> -> memref<128x16xf32, #tpu.memory_space<vmem>>
          %dma_wait3A_67 = arith.constant 0 : i32
          %dma_wait3A_68 = tpu.memref_slice %arg10[%run_scoped3A_39, %dma_wait3A_67] : memref<4x128xi32, #tpu.memory_space<vmem>> -> memref<1x128xi32, #tpu.memory_space<vmem>>
          %dma_wait3A_69 = tpu.memref_squeeze %dma_wait3A_68 : memref<1x128xi32, #tpu.memory_space<vmem>> -> memref<128xi32, #tpu.memory_space<vmem>>
          %dma_wait3A_70 = arith.constant 0 : i32
          %dma_wait3A_71 = arith.constant 0 : i32
          %dma_wait3A_72 = tpu.memref_slice %arg16[%dma_wait3A_70, %dma_wait3A_71] : memref<10000x16xf32, #tpu.memory_space<vmem_shared>> -> memref<10000x16xf32, #tpu.memory_space<vmem_shared>>
          tpu.wait_indirect_dma semaphore(%run_scoped3A_56 : memref<!tpu.dma_semaphore, #tpu.memory_space<semaphore_mem>>) src(%dma_wait3A_72 : memref<10000x16xf32, #tpu.memory_space<vmem_shared>>) dst(%dma_wait3A_66 : memref<128x16xf32, #tpu.memory_space<vmem>>)
          tpu.yield
        }) : () -> ()
        %run_scoped3A_40 = arith.constant 1 : i32
        "tpu.region"() ({
          %run_scoped3A_56 = tpu.sem_alloc : memref<!tpu.dma_semaphore, #tpu.memory_space<semaphore_mem>>
          %dma_start3A = arith.constant 128 : i32
          %dma_start3A_57 = arith.constant 0 : i32
          %dma_start3A_58 = tpu.memref_slice %arg11[%dma_start3A, %dma_start3A_57] : memref<512x16xf32, #tpu.memory_space<vmem>> -> memref<128x16xf32, #tpu.memory_space<vmem>>
          %dma_start3A_59 = arith.constant 0 : i32
          %dma_start3A_60 = tpu.memref_slice %arg9[%run_scoped3A_40, %dma_start3A_59] : memref<4x128xi32, #tpu.memory_space<vmem>> -> memref<1x128xi32, #tpu.memory_space<vmem>>
          %dma_start3A_61 = tpu.memref_squeeze %dma_start3A_60 : memref<1x128xi32, #tpu.memory_space<vmem>> -> memref<128xi32, #tpu.memory_space<vmem>>
          %dma_start3A_62 = arith.constant 0 : i32
          %dma_start3A_63 = arith.constant 0 : i32
          %dma_start3A_64 = tpu.memref_slice %arg15[%dma_start3A_62, %dma_start3A_63] : memref<10000x16xf32, #tpu.memory_space<vmem_shared>> -> memref<10000x16xf32, #tpu.memory_space<vmem_shared>>
          tpu.enqueue_indirect_dma source(%dma_start3A_64 : memref<10000x16xf32, #tpu.memory_space<vmem_shared>>) target(%dma_start3A_58 : memref<128x16xf32, #tpu.memory_space<vmem>>) offsets(%dma_start3A_61 : memref<128xi32, #tpu.memory_space<vmem>>) semaphore(%run_scoped3A_56 : memref<!tpu.dma_semaphore, #tpu.memory_space<semaphore_mem>>)
          %dma_wait3A = arith.constant 128 : i32
          %dma_wait3A_65 = arith.constant 0 : i32
          %dma_wait3A_66 = tpu.memref_slice %arg11[%dma_wait3A, %dma_wait3A_65] : memref<512x16xf32, #tpu.memory_space<vmem>> -> memref<128x16xf32, #tpu.memory_space<vmem>>
          %dma_wait3A_67 = arith.constant 0 : i32
          %dma_wait3A_68 = tpu.memref_slice %arg9[%run_scoped3A_40, %dma_wait3A_67] : memref<4x128xi32, #tpu.memory_space<vmem>> -> memref<1x128xi32, #tpu.memory_space<vmem>>
          %dma_wait3A_69 = tpu.memref_squeeze %dma_wait3A_68 : memref<1x128xi32, #tpu.memory_space<vmem>> -> memref<128xi32, #tpu.memory_space<vmem>>
          %dma_wait3A_70 = arith.constant 0 : i32
          %dma_wait3A_71 = arith.constant 0 : i32
          %dma_wait3A_72 = tpu.memref_slice %arg15[%dma_wait3A_70, %dma_wait3A_71] : memref<10000x16xf32, #tpu.memory_space<vmem_shared>> -> memref<10000x16xf32, #tpu.memory_space<vmem_shared>>
          tpu.wait_indirect_dma semaphore(%run_scoped3A_56 : memref<!tpu.dma_semaphore, #tpu.memory_space<semaphore_mem>>) src(%dma_wait3A_72 : memref<10000x16xf32, #tpu.memory_space<vmem_shared>>) dst(%dma_wait3A_66 : memref<128x16xf32, #tpu.memory_space<vmem>>)
          tpu.yield
        }) : () -> ()
        %run_scoped3A_41 = arith.constant 1 : i32
        "tpu.region"() ({
          %run_scoped3A_56 = tpu.sem_alloc : memref<!tpu.dma_semaphore, #tpu.memory_space<semaphore_mem>>
          %dma_start3A = arith.constant 128 : i32
          %dma_start3A_57 = arith.constant 0 : i32
          %dma_start3A_58 = tpu.memref_slice %arg12[%dma_start3A, %dma_start3A_57] : memref<512x16xf32, #tpu.memory_space<vmem>> -> memref<128x16xf32, #tpu.memory_space<vmem>>
          %dma_start3A_59 = arith.constant 0 : i32
          %dma_start3A_60 = tpu.memref_slice %arg10[%run_scoped3A_41, %dma_start3A_59] : memref<4x128xi32, #tpu.memory_space<vmem>> -> memref<1x128xi32, #tpu.memory_space<vmem>>
          %dma_start3A_61 = tpu.memref_squeeze %dma_start3A_60 : memref<1x128xi32, #tpu.memory_space<vmem>> -> memref<128xi32, #tpu.memory_space<vmem>>
          %dma_start3A_62 = arith.constant 0 : i32
          %dma_start3A_63 = arith.constant 0 : i32
          %dma_start3A_64 = tpu.memref_slice %arg16[%dma_start3A_62, %dma_start3A_63] : memref<10000x16xf32, #tpu.memory_space<vmem_shared>> -> memref<10000x16xf32, #tpu.memory_space<vmem_shared>>
          tpu.enqueue_indirect_dma source(%dma_start3A_64 : memref<10000x16xf32, #tpu.memory_space<vmem_shared>>) target(%dma_start3A_58 : memref<128x16xf32, #tpu.memory_space<vmem>>) offsets(%dma_start3A_61 : memref<128xi32, #tpu.memory_space<vmem>>) semaphore(%run_scoped3A_56 : memref<!tpu.dma_semaphore, #tpu.memory_space<semaphore_mem>>)
          %dma_wait3A = arith.constant 128 : i32
          %dma_wait3A_65 = arith.constant 0 : i32
          %dma_wait3A_66 = tpu.memref_slice %arg12[%dma_wait3A, %dma_wait3A_65] : memref<512x16xf32, #tpu.memory_space<vmem>> -> memref<128x16xf32, #tpu.memory_space<vmem>>
          %dma_wait3A_67 = arith.constant 0 : i32
          %dma_wait3A_68 = tpu.memref_slice %arg10[%run_scoped3A_41, %dma_wait3A_67] : memref<4x128xi32, #tpu.memory_space<vmem>> -> memref<1x128xi32, #tpu.memory_space<vmem>>
          %dma_wait3A_69 = tpu.memref_squeeze %dma_wait3A_68 : memref<1x128xi32, #tpu.memory_space<vmem>> -> memref<128xi32, #tpu.memory_space<vmem>>
          %dma_wait3A_70 = arith.constant 0 : i32
          %dma_wait3A_71 = arith.constant 0 : i32
          %dma_wait3A_72 = tpu.memref_slice %arg16[%dma_wait3A_70, %dma_wait3A_71] : memref<10000x16xf32, #tpu.memory_space<vmem_shared>> -> memref<10000x16xf32, #tpu.memory_space<vmem_shared>>
          tpu.wait_indirect_dma semaphore(%run_scoped3A_56 : memref<!tpu.dma_semaphore, #tpu.memory_space<semaphore_mem>>) src(%dma_wait3A_72 : memref<10000x16xf32, #tpu.memory_space<vmem_shared>>) dst(%dma_wait3A_66 : memref<128x16xf32, #tpu.memory_space<vmem>>)
          tpu.yield
        }) : () -> ()
        %run_scoped3A_42 = arith.constant 2 : i32
        "tpu.region"() ({
          %run_scoped3A_56 = tpu.sem_alloc : memref<!tpu.dma_semaphore, #tpu.memory_space<semaphore_mem>>
          %dma_start3A = arith.constant 256 : i32
          %dma_start3A_57 = arith.constant 0 : i32
          %dma_start3A_58 = tpu.memref_slice %arg11[%dma_start3A, %dma_start3A_57] : memref<512x16xf32, #tpu.memory_space<vmem>> -> memref<128x16xf32, #tpu.memory_space<vmem>>
          %dma_start3A_59 = arith.constant 0 : i32
          %dma_start3A_60 = tpu.memref_slice %arg9[%run_scoped3A_42, %dma_start3A_59] : memref<4x128xi32, #tpu.memory_space<vmem>> -> memref<1x128xi32, #tpu.memory_space<vmem>>
          %dma_start3A_61 = tpu.memref_squeeze %dma_start3A_60 : memref<1x128xi32, #tpu.memory_space<vmem>> -> memref<128xi32, #tpu.memory_space<vmem>>
          %dma_start3A_62 = arith.constant 0 : i32
          %dma_start3A_63 = arith.constant 0 : i32
          %dma_start3A_64 = tpu.memref_slice %arg15[%dma_start3A_62, %dma_start3A_63] : memref<10000x16xf32, #tpu.memory_space<vmem_shared>> -> memref<10000x16xf32, #tpu.memory_space<vmem_shared>>
          tpu.enqueue_indirect_dma source(%dma_start3A_64 : memref<10000x16xf32, #tpu.memory_space<vmem_shared>>) target(%dma_start3A_58 : memref<128x16xf32, #tpu.memory_space<vmem>>) offsets(%dma_start3A_61 : memref<128xi32, #tpu.memory_space<vmem>>) semaphore(%run_scoped3A_56 : memref<!tpu.dma_semaphore, #tpu.memory_space<semaphore_mem>>)
          %dma_wait3A = arith.constant 256 : i32
          %dma_wait3A_65 = arith.constant 0 : i32
          %dma_wait3A_66 = tpu.memref_slice %arg11[%dma_wait3A, %dma_wait3A_65] : memref<512x16xf32, #tpu.memory_space<vmem>> -> memref<128x16xf32, #tpu.memory_space<vmem>>
          %dma_wait3A_67 = arith.constant 0 : i32
          %dma_wait3A_68 = tpu.memref_slice %arg9[%run_scoped3A_42, %dma_wait3A_67] : memref<4x128xi32, #tpu.memory_space<vmem>> -> memref<1x128xi32, #tpu.memory_space<vmem>>
          %dma_wait3A_69 = tpu.memref_squeeze %dma_wait3A_68 : memref<1x128xi32, #tpu.memory_space<vmem>> -> memref<128xi32, #tpu.memory_space<vmem>>
          %dma_wait3A_70 = arith.constant 0 : i32
          %dma_wait3A_71 = arith.constant 0 : i32
          %dma_wait3A_72 = tpu.memref_slice %arg15[%dma_wait3A_70, %dma_wait3A_71] : memref<10000x16xf32, #tpu.memory_space<vmem_shared>> -> memref<10000x16xf32, #tpu.memory_space<vmem_shared>>
          tpu.wait_indirect_dma semaphore(%run_scoped3A_56 : memref<!tpu.dma_semaphore, #tpu.memory_space<semaphore_mem>>) src(%dma_wait3A_72 : memref<10000x16xf32, #tpu.memory_space<vmem_shared>>) dst(%dma_wait3A_66 : memref<128x16xf32, #tpu.memory_space<vmem>>)
          tpu.yield
        }) : () -> ()
        %run_scoped3A_43 = arith.constant 2 : i32
        "tpu.region"() ({
          %run_scoped3A_56 = tpu.sem_alloc : memref<!tpu.dma_semaphore, #tpu.memory_space<semaphore_mem>>
          %dma_start3A = arith.constant 256 : i32
          %dma_start3A_57 = arith.constant 0 : i32
          %dma_start3A_58 = tpu.memref_slice %arg12[%dma_start3A, %dma_start3A_57] : memref<512x16xf32, #tpu.memory_space<vmem>> -> memref<128x16xf32, #tpu.memory_space<vmem>>
          %dma_start3A_59 = arith.constant 0 : i32
          %dma_start3A_60 = tpu.memref_slice %arg10[%run_scoped3A_43, %dma_start3A_59] : memref<4x128xi32, #tpu.memory_space<vmem>> -> memref<1x128xi32, #tpu.memory_space<vmem>>
          %dma_start3A_61 = tpu.memref_squeeze %dma_start3A_60 : memref<1x128xi32, #tpu.memory_space<vmem>> -> memref<128xi32, #tpu.memory_space<vmem>>
          %dma_start3A_62 = arith.constant 0 : i32
          %dma_start3A_63 = arith.constant 0 : i32
          %dma_start3A_64 = tpu.memref_slice %arg16[%dma_start3A_62, %dma_start3A_63] : memref<10000x16xf32, #tpu.memory_space<vmem_shared>> -> memref<10000x16xf32, #tpu.memory_space<vmem_shared>>
          tpu.enqueue_indirect_dma source(%dma_start3A_64 : memref<10000x16xf32, #tpu.memory_space<vmem_shared>>) target(%dma_start3A_58 : memref<128x16xf32, #tpu.memory_space<vmem>>) offsets(%dma_start3A_61 : memref<128xi32, #tpu.memory_space<vmem>>) semaphore(%run_scoped3A_56 : memref<!tpu.dma_semaphore, #tpu.memory_space<semaphore_mem>>)
          %dma_wait3A = arith.constant 256 : i32
          %dma_wait3A_65 = arith.constant 0 : i32
          %dma_wait3A_66 = tpu.memref_slice %arg12[%dma_wait3A, %dma_wait3A_65] : memref<512x16xf32, #tpu.memory_space<vmem>> -> memref<128x16xf32, #tpu.memory_space<vmem>>
          %dma_wait3A_67 = arith.constant 0 : i32
          %dma_wait3A_68 = tpu.memref_slice %arg10[%run_scoped3A_43, %dma_wait3A_67] : memref<4x128xi32, #tpu.memory_space<vmem>> -> memref<1x128xi32, #tpu.memory_space<vmem>>
          %dma_wait3A_69 = tpu.memref_squeeze %dma_wait3A_68 : memref<1x128xi32, #tpu.memory_space<vmem>> -> memref<128xi32, #tpu.memory_space<vmem>>
          %dma_wait3A_70 = arith.constant 0 : i32
          %dma_wait3A_71 = arith.constant 0 : i32
          %dma_wait3A_72 = tpu.memref_slice %arg16[%dma_wait3A_70, %dma_wait3A_71] : memref<10000x16xf32, #tpu.memory_space<vmem_shared>> -> memref<10000x16xf32, #tpu.memory_space<vmem_shared>>
          tpu.wait_indirect_dma semaphore(%run_scoped3A_56 : memref<!tpu.dma_semaphore, #tpu.memory_space<semaphore_mem>>) src(%dma_wait3A_72 : memref<10000x16xf32, #tpu.memory_space<vmem_shared>>) dst(%dma_wait3A_66 : memref<128x16xf32, #tpu.memory_space<vmem>>)
          tpu.yield
        }) : () -> ()
        %run_scoped3A_44 = arith.constant 3 : i32
        "tpu.region"() ({
          %run_scoped3A_56 = tpu.sem_alloc : memref<!tpu.dma_semaphore, #tpu.memory_space<semaphore_mem>>
          %dma_start3A = arith.constant 384 : i32
          %dma_start3A_57 = arith.constant 0 : i32
          %dma_start3A_58 = tpu.memref_slice %arg11[%dma_start3A, %dma_start3A_57] : memref<512x16xf32, #tpu.memory_space<vmem>> -> memref<128x16xf32, #tpu.memory_space<vmem>>
          %dma_start3A_59 = arith.constant 0 : i32
          %dma_start3A_60 = tpu.memref_slice %arg9[%run_scoped3A_44, %dma_start3A_59] : memref<4x128xi32, #tpu.memory_space<vmem>> -> memref<1x128xi32, #tpu.memory_space<vmem>>
          %dma_start3A_61 = tpu.memref_squeeze %dma_start3A_60 : memref<1x128xi32, #tpu.memory_space<vmem>> -> memref<128xi32, #tpu.memory_space<vmem>>
          %dma_start3A_62 = arith.constant 0 : i32
          %dma_start3A_63 = arith.constant 0 : i32
          %dma_start3A_64 = tpu.memref_slice %arg15[%dma_start3A_62, %dma_start3A_63] : memref<10000x16xf32, #tpu.memory_space<vmem_shared>> -> memref<10000x16xf32, #tpu.memory_space<vmem_shared>>
          tpu.enqueue_indirect_dma source(%dma_start3A_64 : memref<10000x16xf32, #tpu.memory_space<vmem_shared>>) target(%dma_start3A_58 : memref<128x16xf32, #tpu.memory_space<vmem>>) offsets(%dma_start3A_61 : memref<128xi32, #tpu.memory_space<vmem>>) semaphore(%run_scoped3A_56 : memref<!tpu.dma_semaphore, #tpu.memory_space<semaphore_mem>>)
          %dma_wait3A = arith.constant 384 : i32
          %dma_wait3A_65 = arith.constant 0 : i32
          %dma_wait3A_66 = tpu.memref_slice %arg11[%dma_wait3A, %dma_wait3A_65] : memref<512x16xf32, #tpu.memory_space<vmem>> -> memref<128x16xf32, #tpu.memory_space<vmem>>
          %dma_wait3A_67 = arith.constant 0 : i32
          %dma_wait3A_68 = tpu.memref_slice %arg9[%run_scoped3A_44, %dma_wait3A_67] : memref<4x128xi32, #tpu.memory_space<vmem>> -> memref<1x128xi32, #tpu.memory_space<vmem>>
          %dma_wait3A_69 = tpu.memref_squeeze %dma_wait3A_68 : memref<1x128xi32, #tpu.memory_space<vmem>> -> memref<128xi32, #tpu.memory_space<vmem>>
          %dma_wait3A_70 = arith.constant 0 : i32
          %dma_wait3A_71 = arith.constant 0 : i32
          %dma_wait3A_72 = tpu.memref_slice %arg15[%dma_wait3A_70, %dma_wait3A_71] : memref<10000x16xf32, #tpu.memory_space<vmem_shared>> -> memref<10000x16xf32, #tpu.memory_space<vmem_shared>>
          tpu.wait_indirect_dma semaphore(%run_scoped3A_56 : memref<!tpu.dma_semaphore, #tpu.memory_space<semaphore_mem>>) src(%dma_wait3A_72 : memref<10000x16xf32, #tpu.memory_space<vmem_shared>>) dst(%dma_wait3A_66 : memref<128x16xf32, #tpu.memory_space<vmem>>)
          tpu.yield
        }) : () -> ()
        %run_scoped3A_45 = arith.constant 3 : i32
        "tpu.region"() ({
          %run_scoped3A_56 = tpu.sem_alloc : memref<!tpu.dma_semaphore, #tpu.memory_space<semaphore_mem>>
          %dma_start3A = arith.constant 384 : i32
          %dma_start3A_57 = arith.constant 0 : i32
          %dma_start3A_58 = tpu.memref_slice %arg12[%dma_start3A, %dma_start3A_57] : memref<512x16xf32, #tpu.memory_space<vmem>> -> memref<128x16xf32, #tpu.memory_space<vmem>>
          %dma_start3A_59 = arith.constant 0 : i32
          %dma_start3A_60 = tpu.memref_slice %arg10[%run_scoped3A_45, %dma_start3A_59] : memref<4x128xi32, #tpu.memory_space<vmem>> -> memref<1x128xi32, #tpu.memory_space<vmem>>
          %dma_start3A_61 = tpu.memref_squeeze %dma_start3A_60 : memref<1x128xi32, #tpu.memory_space<vmem>> -> memref<128xi32, #tpu.memory_space<vmem>>
          %dma_start3A_62 = arith.constant 0 : i32
          %dma_start3A_63 = arith.constant 0 : i32
          %dma_start3A_64 = tpu.memref_slice %arg16[%dma_start3A_62, %dma_start3A_63] : memref<10000x16xf32, #tpu.memory_space<vmem_shared>> -> memref<10000x16xf32, #tpu.memory_space<vmem_shared>>
          tpu.enqueue_indirect_dma source(%dma_start3A_64 : memref<10000x16xf32, #tpu.memory_space<vmem_shared>>) target(%dma_start3A_58 : memref<128x16xf32, #tpu.memory_space<vmem>>) offsets(%dma_start3A_61 : memref<128xi32, #tpu.memory_space<vmem>>) semaphore(%run_scoped3A_56 : memref<!tpu.dma_semaphore, #tpu.memory_space<semaphore_mem>>)
          %dma_wait3A = arith.constant 384 : i32
          %dma_wait3A_65 = arith.constant 0 : i32
          %dma_wait3A_66 = tpu.memref_slice %arg12[%dma_wait3A, %dma_wait3A_65] : memref<512x16xf32, #tpu.memory_space<vmem>> -> memref<128x16xf32, #tpu.memory_space<vmem>>
          %dma_wait3A_67 = arith.constant 0 : i32
          %dma_wait3A_68 = tpu.memref_slice %arg10[%run_scoped3A_45, %dma_wait3A_67] : memref<4x128xi32, #tpu.memory_space<vmem>> -> memref<1x128xi32, #tpu.memory_space<vmem>>
          %dma_wait3A_69 = tpu.memref_squeeze %dma_wait3A_68 : memref<1x128xi32, #tpu.memory_space<vmem>> -> memref<128xi32, #tpu.memory_space<vmem>>
          %dma_wait3A_70 = arith.constant 0 : i32
          %dma_wait3A_71 = arith.constant 0 : i32
          %dma_wait3A_72 = tpu.memref_slice %arg16[%dma_wait3A_70, %dma_wait3A_71] : memref<10000x16xf32, #tpu.memory_space<vmem_shared>> -> memref<10000x16xf32, #tpu.memory_space<vmem_shared>>
          tpu.wait_indirect_dma semaphore(%run_scoped3A_56 : memref<!tpu.dma_semaphore, #tpu.memory_space<semaphore_mem>>) src(%dma_wait3A_72 : memref<10000x16xf32, #tpu.memory_space<vmem_shared>>) dst(%dma_wait3A_66 : memref<128x16xf32, #tpu.memory_space<vmem>>)
          tpu.yield
        }) : () -> ()
        %scan3A_46 = arith.constant 0 : i32
        %scan3A_47 = arith.constant 0 : i32
        %scan3A_48 = arith.constant 64 : i32
        %scan3A_49 = arith.addi %scan3A_47, %scan3A_48 : i32
        %scan3A_50 = arith.constant 1 : i32
        scf.for %scan3A_56 = %scan3A_47 to %scan3A_49 step %scan3A_50  : i32 {
          %mul3A_57 = arith.constant 8 : i32
          %mul3A_58 = arith.muli %mul3A_57, %scan3A_56 : i32
          %add3A_59 = arith.constant 0 : i32
          %add3A_60 = arith.addi %mul3A_58, %add3A_59 : i32
          %get3A = arith.index_cast %add3A_60 : i32 to index
          %get3A_61 = arith.constant 0 : index
          %get3A_62 = tpu.vector_load %arg11[%get3A, %get3A_61] {strides = array<i32>} : memref<512x16xf32, #tpu.memory_space<vmem>>, vector<1x16xf32>,
          %get3A_63 = vector.shape_cast %get3A_62 : vector<1x16xf32> to vector<16xf32>
          %mul3A_64 = arith.constant 8 : i32
          %mul3A_65 = arith.muli %mul3A_64, %scan3A_56 : i32
          %add3A_66 = arith.constant 0 : i32
          %add3A_67 = arith.addi %mul3A_65, %add3A_66 : i32
          %get3A_68 = arith.index_cast %add3A_67 : i32 to index
          %get3A_69 = arith.constant 0 : index
          %get3A_70 = tpu.vector_load %arg12[%get3A_68, %get3A_69] {strides = array<i32>} : memref<512x16xf32, #tpu.memory_space<vmem>>, vector<1x16xf32>,
          %get3A_71 = vector.shape_cast %get3A_70 : vector<1x16xf32> to vector<16xf32>
          %add3A_72 = arith.addf %get3A_63, %get3A_71 : vector<16xf32>
          %get3A_73 = arith.index_cast %scan3A_56 : i32 to index
          %get3A_74 = arith.constant 0 : index
          %get3A_75 = tpu.vector_load %arg13[%get3A_73, %get3A_74] {strides = array<i32>} : memref<64x128xf32, #tpu.memory_space<vmem>>, vector<1x16xf32>,
          %get3A_76 = vector.shape_cast %get3A_75 : vector<1x16xf32> to vector<16xf32>
          %add3A_77 = arith.addf %add3A_72, %get3A_76 : vector<16xf32>
          %max3A = arith.constant 0.000000e+00 : f32
          %max3A_78 = vector.broadcast %max3A : f32 to vector<16xf32>
          %max3A_79 = arith.maximumf %add3A_77, %max3A_78 : vector<16xf32>
          %mul3A_80 = arith.constant 8 : i32
          %mul3A_81 = arith.muli %mul3A_80, %scan3A_56 : i32
          %add3A_82 = arith.constant 0 : i32
          %add3A_83 = arith.addi %mul3A_81, %add3A_82 : i32
          %swap3A = arith.index_cast %add3A_83 : i32 to index
          %swap3A_84 = arith.constant 0 : index
          %swap3A_85 = tpu.vector_load %arg17[%swap3A, %swap3A_84] {strides = array<i32>} : memref<512x16xf32, #tpu.memory_space<vmem>>, vector<1x16xf32>,
          %swap3A_86 = vector.shape_cast %swap3A_85 : vector<1x16xf32> to vector<16xf32>
          %swap3A_87 = vector.shape_cast %max3A_79 : vector<16xf32> to vector<1x16xf32>
          tpu.vector_store %arg17[%swap3A, %swap3A_84], %swap3A_87 {strides = array<i32>} : memref<512x16xf32, #tpu.memory_space<vmem>>, vector<1x16xf32>,
          %swap3A_88 = arith.index_cast %scan3A_56 : i32 to index
          %swap3A_89 = arith.constant 0 : index
          %swap3A_90 = tpu.vector_load %arg14[%swap3A_88, %swap3A_89] {strides = array<i32>} : memref<64x128xf32, #tpu.memory_space<vmem>>, vector<1x16xf32>,
          %swap3A_91 = vector.shape_cast %swap3A_90 : vector<1x16xf32> to vector<16xf32>
          %swap3A_92 = vector.shape_cast %max3A_79 : vector<16xf32> to vector<1x16xf32>
          tpu.vector_store %arg14[%swap3A_88, %swap3A_89], %swap3A_92 {strides = array<i32>} : memref<64x128xf32, #tpu.memory_space<vmem>>, vector<1x16xf32>,
          %mul3A_93 = arith.constant 8 : i32
          %mul3A_94 = arith.muli %mul3A_93, %scan3A_56 : i32
          %add3A_95 = arith.constant 1 : i32
          %add3A_96 = arith.addi %mul3A_94, %add3A_95 : i32
          %get3A_97 = arith.index_cast %add3A_96 : i32 to index
          %get3A_98 = arith.constant 0 : index
          %get3A_99 = tpu.vector_load %arg11[%get3A_97, %get3A_98] {strides = array<i32>} : memref<512x16xf32, #tpu.memory_space<vmem>>, vector<1x16xf32>,
          %get3A_100 = vector.shape_cast %get3A_99 : vector<1x16xf32> to vector<16xf32>
          %mul3A_101 = arith.constant 8 : i32
          %mul3A_102 = arith.muli %mul3A_101, %scan3A_56 : i32
          %add3A_103 = arith.constant 1 : i32
          %add3A_104 = arith.addi %mul3A_102, %add3A_103 : i32
          %get3A_105 = arith.index_cast %add3A_104 : i32 to index
          %get3A_106 = arith.constant 0 : index
          %get3A_107 = tpu.vector_load %arg12[%get3A_105, %get3A_106] {strides = array<i32>} : memref<512x16xf32, #tpu.memory_space<vmem>>, vector<1x16xf32>,
          %get3A_108 = vector.shape_cast %get3A_107 : vector<1x16xf32> to vector<16xf32>
          %add3A_109 = arith.addf %get3A_100, %get3A_108 : vector<16xf32>
          %get3A_110 = arith.index_cast %scan3A_56 : i32 to index
          %get3A_111 = arith.constant 16 : index
          %get3A_112 = tpu.vector_load %arg13[%get3A_110, %get3A_111] {strides = array<i32>} : memref<64x128xf32, #tpu.memory_space<vmem>>, vector<1x16xf32>,
          %get3A_113 = vector.shape_cast %get3A_112 : vector<1x16xf32> to vector<16xf32>
          %add3A_114 = arith.addf %add3A_109, %get3A_113 : vector<16xf32>
          %max3A_115 = arith.constant 0.000000e+00 : f32
          %max3A_116 = vector.broadcast %max3A_115 : f32 to vector<16xf32>
          %max3A_117 = arith.maximumf %add3A_114, %max3A_116 : vector<16xf32>
          %mul3A_118 = arith.constant 8 : i32
          %mul3A_119 = arith.muli %mul3A_118, %scan3A_56 : i32
          %add3A_120 = arith.constant 1 : i32
          %add3A_121 = arith.addi %mul3A_119, %add3A_120 : i32
          %swap3A_122 = arith.index_cast %add3A_121 : i32 to index
          %swap3A_123 = arith.constant 0 : index
          %swap3A_124 = tpu.vector_load %arg17[%swap3A_122, %swap3A_123] {strides = array<i32>} : memref<512x16xf32, #tpu.memory_space<vmem>>, vector<1x16xf32>,
          %swap3A_125 = vector.shape_cast %swap3A_124 : vector<1x16xf32> to vector<16xf32>
          %swap3A_126 = vector.shape_cast %max3A_117 : vector<16xf32> to vector<1x16xf32>
          tpu.vector_store %arg17[%swap3A_122, %swap3A_123], %swap3A_126 {strides = array<i32>} : memref<512x16xf32, #tpu.memory_space<vmem>>, vector<1x16xf32>,
          %swap3A_127 = arith.index_cast %scan3A_56 : i32 to index
          %swap3A_128 = arith.constant 16 : index
          %swap3A_129 = tpu.vector_load %arg14[%swap3A_127, %swap3A_128] {strides = array<i32>} : memref<64x128xf32, #tpu.memory_space<vmem>>, vector<1x16xf32>,
          %swap3A_130 = vector.shape_cast %swap3A_129 : vector<1x16xf32> to vector<16xf32>
          %swap3A_131 = vector.shape_cast %max3A_117 : vector<16xf32> to vector<1x16xf32>
          tpu.vector_store %arg14[%swap3A_127, %swap3A_128], %swap3A_131 {strides = array<i32>} : memref<64x128xf32, #tpu.memory_space<vmem>>, vector<1x16xf32>,
          %mul3A_132 = arith.constant 8 : i32
          %mul3A_133 = arith.muli %mul3A_132, %scan3A_56 : i32
          %add3A_134 = arith.constant 2 : i32
          %add3A_135 = arith.addi %mul3A_133, %add3A_134 : i32
          %get3A_136 = arith.index_cast %add3A_135 : i32 to index
          %get3A_137 = arith.constant 0 : index
          %get3A_138 = tpu.vector_load %arg11[%get3A_136, %get3A_137] {strides = array<i32>} : memref<512x16xf32, #tpu.memory_space<vmem>>, vector<1x16xf32>,
          %get3A_139 = vector.shape_cast %get3A_138 : vector<1x16xf32> to vector<16xf32>
          %mul3A_140 = arith.constant 8 : i32
          %mul3A_141 = arith.muli %mul3A_140, %scan3A_56 : i32
          %add3A_142 = arith.constant 2 : i32
          %add3A_143 = arith.addi %mul3A_141, %add3A_142 : i32
          %get3A_144 = arith.index_cast %add3A_143 : i32 to index
          %get3A_145 = arith.constant 0 : index
          %get3A_146 = tpu.vector_load %arg12[%get3A_144, %get3A_145] {strides = array<i32>} : memref<512x16xf32, #tpu.memory_space<vmem>>, vector<1x16xf32>,
          %get3A_147 = vector.shape_cast %get3A_146 : vector<1x16xf32> to vector<16xf32>
          %add3A_148 = arith.addf %get3A_139, %get3A_147 : vector<16xf32>
          %get3A_149 = arith.index_cast %scan3A_56 : i32 to index
          %get3A_150 = arith.constant 32 : index
          %get3A_151 = tpu.vector_load %arg13[%get3A_149, %get3A_150] {strides = array<i32>} : memref<64x128xf32, #tpu.memory_space<vmem>>, vector<1x16xf32>,
          %get3A_152 = vector.shape_cast %get3A_151 : vector<1x16xf32> to vector<16xf32>
          %add3A_153 = arith.addf %add3A_148, %get3A_152 : vector<16xf32>
          %max3A_154 = arith.constant 0.000000e+00 : f32
          %max3A_155 = vector.broadcast %max3A_154 : f32 to vector<16xf32>
          %max3A_156 = arith.maximumf %add3A_153, %max3A_155 : vector<16xf32>
          %mul3A_157 = arith.constant 8 : i32
          %mul3A_158 = arith.muli %mul3A_157, %scan3A_56 : i32
          %add3A_159 = arith.constant 2 : i32
          %add3A_160 = arith.addi %mul3A_158, %add3A_159 : i32
          %swap3A_161 = arith.index_cast %add3A_160 : i32 to index
          %swap3A_162 = arith.constant 0 : index
          %swap3A_163 = tpu.vector_load %arg17[%swap3A_161, %swap3A_162] {strides = array<i32>} : memref<512x16xf32, #tpu.memory_space<vmem>>, vector<1x16xf32>,
          %swap3A_164 = vector.shape_cast %swap3A_163 : vector<1x16xf32> to vector<16xf32>
          %swap3A_165 = vector.shape_cast %max3A_156 : vector<16xf32> to vector<1x16xf32>
          tpu.vector_store %arg17[%swap3A_161, %swap3A_162], %swap3A_165 {strides = array<i32>} : memref<512x16xf32, #tpu.memory_space<vmem>>, vector<1x16xf32>,
          %swap3A_166 = arith.index_cast %scan3A_56 : i32 to index
          %swap3A_167 = arith.constant 32 : index
          %swap3A_168 = tpu.vector_load %arg14[%swap3A_166, %swap3A_167] {strides = array<i32>} : memref<64x128xf32, #tpu.memory_space<vmem>>, vector<1x16xf32>,
          %swap3A_169 = vector.shape_cast %swap3A_168 : vector<1x16xf32> to vector<16xf32>
          %swap3A_170 = vector.shape_cast %max3A_156 : vector<16xf32> to vector<1x16xf32>
          tpu.vector_store %arg14[%swap3A_166, %swap3A_167], %swap3A_170 {strides = array<i32>} : memref<64x128xf32, #tpu.memory_space<vmem>>, vector<1x16xf32>,
          %mul3A_171 = arith.constant 8 : i32
          %mul3A_172 = arith.muli %mul3A_171, %scan3A_56 : i32
          %add3A_173 = arith.constant 3 : i32
          %add3A_174 = arith.addi %mul3A_172, %add3A_173 : i32
          %get3A_175 = arith.index_cast %add3A_174 : i32 to index
          %get3A_176 = arith.constant 0 : index
          %get3A_177 = tpu.vector_load %arg11[%get3A_175, %get3A_176] {strides = array<i32>} : memref<512x16xf32, #tpu.memory_space<vmem>>, vector<1x16xf32>,
          %get3A_178 = vector.shape_cast %get3A_177 : vector<1x16xf32> to vector<16xf32>
          %mul3A_179 = arith.constant 8 : i32
          %mul3A_180 = arith.muli %mul3A_179, %scan3A_56 : i32
          %add3A_181 = arith.constant 3 : i32
          %add3A_182 = arith.addi %mul3A_180, %add3A_181 : i32
          %get3A_183 = arith.index_cast %add3A_182 : i32 to index
          %get3A_184 = arith.constant 0 : index
          %get3A_185 = tpu.vector_load %arg12[%get3A_183, %get3A_184] {strides = array<i32>} : memref<512x16xf32, #tpu.memory_space<vmem>>, vector<1x16xf32>,
          %get3A_186 = vector.shape_cast %get3A_185 : vector<1x16xf32> to vector<16xf32>
          %add3A_187 = arith.addf %get3A_178, %get3A_186 : vector<16xf32>
          %get3A_188 = arith.index_cast %scan3A_56 : i32 to index
          %get3A_189 = arith.constant 48 : index
          %get3A_190 = tpu.vector_load %arg13[%get3A_188, %get3A_189] {strides = array<i32>} : memref<64x128xf32, #tpu.memory_space<vmem>>, vector<1x16xf32>,
          %get3A_191 = vector.shape_cast %get3A_190 : vector<1x16xf32> to vector<16xf32>
          %add3A_192 = arith.addf %add3A_187, %get3A_191 : vector<16xf32>
          %max3A_193 = arith.constant 0.000000e+00 : f32
          %max3A_194 = vector.broadcast %max3A_193 : f32 to vector<16xf32>
          %max3A_195 = arith.maximumf %add3A_192, %max3A_194 : vector<16xf32>
          %mul3A_196 = arith.constant 8 : i32
          %mul3A_197 = arith.muli %mul3A_196, %scan3A_56 : i32
          %add3A_198 = arith.constant 3 : i32
          %add3A_199 = arith.addi %mul3A_197, %add3A_198 : i32
          %swap3A_200 = arith.index_cast %add3A_199 : i32 to index
          %swap3A_201 = arith.constant 0 : index
          %swap3A_202 = tpu.vector_load %arg17[%swap3A_200, %swap3A_201] {strides = array<i32>} : memref<512x16xf32, #tpu.memory_space<vmem>>, vector<1x16xf32>,
          %swap3A_203 = vector.shape_cast %swap3A_202 : vector<1x16xf32> to vector<16xf32>
          %swap3A_204 = vector.shape_cast %max3A_195 : vector<16xf32> to vector<1x16xf32>
          tpu.vector_store %arg17[%swap3A_200, %swap3A_201], %swap3A_204 {strides = array<i32>} : memref<512x16xf32, #tpu.memory_space<vmem>>, vector<1x16xf32>,
          %swap3A_205 = arith.index_cast %scan3A_56 : i32 to index
          %swap3A_206 = arith.constant 48 : index
          %swap3A_207 = tpu.vector_load %arg14[%swap3A_205, %swap3A_206] {strides = array<i32>} : memref<64x128xf32, #tpu.memory_space<vmem>>, vector<1x16xf32>,
          %swap3A_208 = vector.shape_cast %swap3A_207 : vector<1x16xf32> to vector<16xf32>
          %swap3A_209 = vector.shape_cast %max3A_195 : vector<16xf32> to vector<1x16xf32>
          tpu.vector_store %arg14[%swap3A_205, %swap3A_206], %swap3A_209 {strides = array<i32>} : memref<64x128xf32, #tpu.memory_space<vmem>>, vector<1x16xf32>,
          %mul3A_210 = arith.constant 8 : i32
          %mul3A_211 = arith.muli %mul3A_210, %scan3A_56 : i32
          %add3A_212 = arith.constant 4 : i32
          %add3A_213 = arith.addi %mul3A_211, %add3A_212 : i32
          %get3A_214 = arith.index_cast %add3A_213 : i32 to index
          %get3A_215 = arith.constant 0 : index
          %get3A_216 = tpu.vector_load %arg11[%get3A_214, %get3A_215] {strides = array<i32>} : memref<512x16xf32, #tpu.memory_space<vmem>>, vector<1x16xf32>,
          %get3A_217 = vector.shape_cast %get3A_216 : vector<1x16xf32> to vector<16xf32>
          %mul3A_218 = arith.constant 8 : i32
          %mul3A_219 = arith.muli %mul3A_218, %scan3A_56 : i32
          %add3A_220 = arith.constant 4 : i32
          %add3A_221 = arith.addi %mul3A_219, %add3A_220 : i32
          %get3A_222 = arith.index_cast %add3A_221 : i32 to index
          %get3A_223 = arith.constant 0 : index
          %get3A_224 = tpu.vector_load %arg12[%get3A_222, %get3A_223] {strides = array<i32>} : memref<512x16xf32, #tpu.memory_space<vmem>>, vector<1x16xf32>,
          %get3A_225 = vector.shape_cast %get3A_224 : vector<1x16xf32> to vector<16xf32>
          %add3A_226 = arith.addf %get3A_217, %get3A_225 : vector<16xf32>
          %get3A_227 = arith.index_cast %scan3A_56 : i32 to index
          %get3A_228 = arith.constant 64 : index
          %get3A_229 = tpu.vector_load %arg13[%get3A_227, %get3A_228] {strides = array<i32>} : memref<64x128xf32, #tpu.memory_space<vmem>>, vector<1x16xf32>,
          %get3A_230 = vector.shape_cast %get3A_229 : vector<1x16xf32> to vector<16xf32>
          %add3A_231 = arith.addf %add3A_226, %get3A_230 : vector<16xf32>
          %max3A_232 = arith.constant 0.000000e+00 : f32
          %max3A_233 = vector.broadcast %max3A_232 : f32 to vector<16xf32>
          %max3A_234 = arith.maximumf %add3A_231, %max3A_233 : vector<16xf32>
          %mul3A_235 = arith.constant 8 : i32
          %mul3A_236 = arith.muli %mul3A_235, %scan3A_56 : i32
          %add3A_237 = arith.constant 4 : i32
          %add3A_238 = arith.addi %mul3A_236, %add3A_237 : i32
          %swap3A_239 = arith.index_cast %add3A_238 : i32 to index
          %swap3A_240 = arith.constant 0 : index
          %swap3A_241 = tpu.vector_load %arg17[%swap3A_239, %swap3A_240] {strides = array<i32>} : memref<512x16xf32, #tpu.memory_space<vmem>>, vector<1x16xf32>,
          %swap3A_242 = vector.shape_cast %swap3A_241 : vector<1x16xf32> to vector<16xf32>
          %swap3A_243 = vector.shape_cast %max3A_234 : vector<16xf32> to vector<1x16xf32>
          tpu.vector_store %arg17[%swap3A_239, %swap3A_240], %swap3A_243 {strides = array<i32>} : memref<512x16xf32, #tpu.memory_space<vmem>>, vector<1x16xf32>,
          %swap3A_244 = arith.index_cast %scan3A_56 : i32 to index
          %swap3A_245 = arith.constant 64 : index
          %swap3A_246 = tpu.vector_load %arg14[%swap3A_244, %swap3A_245] {strides = array<i32>} : memref<64x128xf32, #tpu.memory_space<vmem>>, vector<1x16xf32>,
          %swap3A_247 = vector.shape_cast %swap3A_246 : vector<1x16xf32> to vector<16xf32>
          %swap3A_248 = vector.shape_cast %max3A_234 : vector<16xf32> to vector<1x16xf32>
          tpu.vector_store %arg14[%swap3A_244, %swap3A_245], %swap3A_248 {strides = array<i32>} : memref<64x128xf32, #tpu.memory_space<vmem>>, vector<1x16xf32>,
          %mul3A_249 = arith.constant 8 : i32
          %mul3A_250 = arith.muli %mul3A_249, %scan3A_56 : i32
          %add3A_251 = arith.constant 5 : i32
          %add3A_252 = arith.addi %mul3A_250, %add3A_251 : i32
          %get3A_253 = arith.index_cast %add3A_252 : i32 to index
          %get3A_254 = arith.constant 0 : index
          %get3A_255 = tpu.vector_load %arg11[%get3A_253, %get3A_254] {strides = array<i32>} : memref<512x16xf32, #tpu.memory_space<vmem>>, vector<1x16xf32>,
          %get3A_256 = vector.shape_cast %get3A_255 : vector<1x16xf32> to vector<16xf32>
          %mul3A_257 = arith.constant 8 : i32
          %mul3A_258 = arith.muli %mul3A_257, %scan3A_56 : i32
          %add3A_259 = arith.constant 5 : i32
          %add3A_260 = arith.addi %mul3A_258, %add3A_259 : i32
          %get3A_261 = arith.index_cast %add3A_260 : i32 to index
          %get3A_262 = arith.constant 0 : index
          %get3A_263 = tpu.vector_load %arg12[%get3A_261, %get3A_262] {strides = array<i32>} : memref<512x16xf32, #tpu.memory_space<vmem>>, vector<1x16xf32>,
          %get3A_264 = vector.shape_cast %get3A_263 : vector<1x16xf32> to vector<16xf32>
          %add3A_265 = arith.addf %get3A_256, %get3A_264 : vector<16xf32>
          %get3A_266 = arith.index_cast %scan3A_56 : i32 to index
          %get3A_267 = arith.constant 80 : index
          %get3A_268 = tpu.vector_load %arg13[%get3A_266, %get3A_267] {strides = array<i32>} : memref<64x128xf32, #tpu.memory_space<vmem>>, vector<1x16xf32>,
          %get3A_269 = vector.shape_cast %get3A_268 : vector<1x16xf32> to vector<16xf32>
          %add3A_270 = arith.addf %add3A_265, %get3A_269 : vector<16xf32>
          %max3A_271 = arith.constant 0.000000e+00 : f32
          %max3A_272 = vector.broadcast %max3A_271 : f32 to vector<16xf32>
          %max3A_273 = arith.maximumf %add3A_270, %max3A_272 : vector<16xf32>
          %mul3A_274 = arith.constant 8 : i32
          %mul3A_275 = arith.muli %mul3A_274, %scan3A_56 : i32
          %add3A_276 = arith.constant 5 : i32
          %add3A_277 = arith.addi %mul3A_275, %add3A_276 : i32
          %swap3A_278 = arith.index_cast %add3A_277 : i32 to index
          %swap3A_279 = arith.constant 0 : index
          %swap3A_280 = tpu.vector_load %arg17[%swap3A_278, %swap3A_279] {strides = array<i32>} : memref<512x16xf32, #tpu.memory_space<vmem>>, vector<1x16xf32>,
          %swap3A_281 = vector.shape_cast %swap3A_280 : vector<1x16xf32> to vector<16xf32>
          %swap3A_282 = vector.shape_cast %max3A_273 : vector<16xf32> to vector<1x16xf32>
          tpu.vector_store %arg17[%swap3A_278, %swap3A_279], %swap3A_282 {strides = array<i32>} : memref<512x16xf32, #tpu.memory_space<vmem>>, vector<1x16xf32>,
          %swap3A_283 = arith.index_cast %scan3A_56 : i32 to index
          %swap3A_284 = arith.constant 80 : index
          %swap3A_285 = tpu.vector_load %arg14[%swap3A_283, %swap3A_284] {strides = array<i32>} : memref<64x128xf32, #tpu.memory_space<vmem>>, vector<1x16xf32>,
          %swap3A_286 = vector.shape_cast %swap3A_285 : vector<1x16xf32> to vector<16xf32>
          %swap3A_287 = vector.shape_cast %max3A_273 : vector<16xf32> to vector<1x16xf32>
          tpu.vector_store %arg14[%swap3A_283, %swap3A_284], %swap3A_287 {strides = array<i32>} : memref<64x128xf32, #tpu.memory_space<vmem>>, vector<1x16xf32>,
          %mul3A_288 = arith.constant 8 : i32
          %mul3A_289 = arith.muli %mul3A_288, %scan3A_56 : i32
          %add3A_290 = arith.constant 6 : i32
          %add3A_291 = arith.addi %mul3A_289, %add3A_290 : i32
          %get3A_292 = arith.index_cast %add3A_291 : i32 to index
          %get3A_293 = arith.constant 0 : index
          %get3A_294 = tpu.vector_load %arg11[%get3A_292, %get3A_293] {strides = array<i32>} : memref<512x16xf32, #tpu.memory_space<vmem>>, vector<1x16xf32>,
          %get3A_295 = vector.shape_cast %get3A_294 : vector<1x16xf32> to vector<16xf32>
          %mul3A_296 = arith.constant 8 : i32
          %mul3A_297 = arith.muli %mul3A_296, %scan3A_56 : i32
          %add3A_298 = arith.constant 6 : i32
          %add3A_299 = arith.addi %mul3A_297, %add3A_298 : i32
          %get3A_300 = arith.index_cast %add3A_299 : i32 to index
          %get3A_301 = arith.constant 0 : index
          %get3A_302 = tpu.vector_load %arg12[%get3A_300, %get3A_301] {strides = array<i32>} : memref<512x16xf32, #tpu.memory_space<vmem>>, vector<1x16xf32>,
          %get3A_303 = vector.shape_cast %get3A_302 : vector<1x16xf32> to vector<16xf32>
          %add3A_304 = arith.addf %get3A_295, %get3A_303 : vector<16xf32>
          %get3A_305 = arith.index_cast %scan3A_56 : i32 to index
          %get3A_306 = arith.constant 96 : index
          %get3A_307 = tpu.vector_load %arg13[%get3A_305, %get3A_306] {strides = array<i32>} : memref<64x128xf32, #tpu.memory_space<vmem>>, vector<1x16xf32>,
          %get3A_308 = vector.shape_cast %get3A_307 : vector<1x16xf32> to vector<16xf32>
          %add3A_309 = arith.addf %add3A_304, %get3A_308 : vector<16xf32>
          %max3A_310 = arith.constant 0.000000e+00 : f32
          %max3A_311 = vector.broadcast %max3A_310 : f32 to vector<16xf32>
          %max3A_312 = arith.maximumf %add3A_309, %max3A_311 : vector<16xf32>
          %mul3A_313 = arith.constant 8 : i32
          %mul3A_314 = arith.muli %mul3A_313, %scan3A_56 : i32
          %add3A_315 = arith.constant 6 : i32
          %add3A_316 = arith.addi %mul3A_314, %add3A_315 : i32
          %swap3A_317 = arith.index_cast %add3A_316 : i32 to index
          %swap3A_318 = arith.constant 0 : index
          %swap3A_319 = tpu.vector_load %arg17[%swap3A_317, %swap3A_318] {strides = array<i32>} : memref<512x16xf32, #tpu.memory_space<vmem>>, vector<1x16xf32>,
          %swap3A_320 = vector.shape_cast %swap3A_319 : vector<1x16xf32> to vector<16xf32>
          %swap3A_321 = vector.shape_cast %max3A_312 : vector<16xf32> to vector<1x16xf32>
          tpu.vector_store %arg17[%swap3A_317, %swap3A_318], %swap3A_321 {strides = array<i32>} : memref<512x16xf32, #tpu.memory_space<vmem>>, vector<1x16xf32>,
          %swap3A_322 = arith.index_cast %scan3A_56 : i32 to index
          %swap3A_323 = arith.constant 96 : index
          %swap3A_324 = tpu.vector_load %arg14[%swap3A_322, %swap3A_323] {strides = array<i32>} : memref<64x128xf32, #tpu.memory_space<vmem>>, vector<1x16xf32>,
          %swap3A_325 = vector.shape_cast %swap3A_324 : vector<1x16xf32> to vector<16xf32>
          %swap3A_326 = vector.shape_cast %max3A_312 : vector<16xf32> to vector<1x16xf32>
          tpu.vector_store %arg14[%swap3A_322, %swap3A_323], %swap3A_326 {strides = array<i32>} : memref<64x128xf32, #tpu.memory_space<vmem>>, vector<1x16xf32>,
          %mul3A_327 = arith.constant 8 : i32
          %mul3A_328 = arith.muli %mul3A_327, %scan3A_56 : i32
          %add3A_329 = arith.constant 7 : i32
          %add3A_330 = arith.addi %mul3A_328, %add3A_329 : i32
          %get3A_331 = arith.index_cast %add3A_330 : i32 to index
          %get3A_332 = arith.constant 0 : index
          %get3A_333 = tpu.vector_load %arg11[%get3A_331, %get3A_332] {strides = array<i32>} : memref<512x16xf32, #tpu.memory_space<vmem>>, vector<1x16xf32>,
          %get3A_334 = vector.shape_cast %get3A_333 : vector<1x16xf32> to vector<16xf32>
          %mul3A_335 = arith.constant 8 : i32
          %mul3A_336 = arith.muli %mul3A_335, %scan3A_56 : i32
          %add3A_337 = arith.constant 7 : i32
          %add3A_338 = arith.addi %mul3A_336, %add3A_337 : i32
          %get3A_339 = arith.index_cast %add3A_338 : i32 to index
          %get3A_340 = arith.constant 0 : index
          %get3A_341 = tpu.vector_load %arg12[%get3A_339, %get3A_340] {strides = array<i32>} : memref<512x16xf32, #tpu.memory_space<vmem>>, vector<1x16xf32>,
          %get3A_342 = vector.shape_cast %get3A_341 : vector<1x16xf32> to vector<16xf32>
          %add3A_343 = arith.addf %get3A_334, %get3A_342 : vector<16xf32>
          %get3A_344 = arith.index_cast %scan3A_56 : i32 to index
          %get3A_345 = arith.constant 112 : index
          %get3A_346 = tpu.vector_load %arg13[%get3A_344, %get3A_345] {strides = array<i32>} : memref<64x128xf32, #tpu.memory_space<vmem>>, vector<1x16xf32>,
          %get3A_347 = vector.shape_cast %get3A_346 : vector<1x16xf32> to vector<16xf32>
          %add3A_348 = arith.addf %add3A_343, %get3A_347 : vector<16xf32>
          %max3A_349 = arith.constant 0.000000e+00 : f32
          %max3A_350 = vector.broadcast %max3A_349 : f32 to vector<16xf32>
          %max3A_351 = arith.maximumf %add3A_348, %max3A_350 : vector<16xf32>
          %mul3A_352 = arith.constant 8 : i32
          %mul3A_353 = arith.muli %mul3A_352, %scan3A_56 : i32
          %add3A_354 = arith.constant 7 : i32
          %add3A_355 = arith.addi %mul3A_353, %add3A_354 : i32
          %swap3A_356 = arith.index_cast %add3A_355 : i32 to index
          %swap3A_357 = arith.constant 0 : index
          %swap3A_358 = tpu.vector_load %arg17[%swap3A_356, %swap3A_357] {strides = array<i32>} : memref<512x16xf32, #tpu.memory_space<vmem>>, vector<1x16xf32>,
          %swap3A_359 = vector.shape_cast %swap3A_358 : vector<1x16xf32> to vector<16xf32>
          %swap3A_360 = vector.shape_cast %max3A_351 : vector<16xf32> to vector<1x16xf32>
          tpu.vector_store %arg17[%swap3A_356, %swap3A_357], %swap3A_360 {strides = array<i32>} : memref<512x16xf32, #tpu.memory_space<vmem>>, vector<1x16xf32>,
          %swap3A_361 = arith.index_cast %scan3A_56 : i32 to index
          %swap3A_362 = arith.constant 112 : index
          %swap3A_363 = tpu.vector_load %arg14[%swap3A_361, %swap3A_362] {strides = array<i32>} : memref<64x128xf32, #tpu.memory_space<vmem>>, vector<1x16xf32>,
          %swap3A_364 = vector.shape_cast %swap3A_363 : vector<1x16xf32> to vector<16xf32>
          %swap3A_365 = vector.shape_cast %max3A_351 : vector<16xf32> to vector<1x16xf32>
          tpu.vector_store %arg14[%swap3A_361, %swap3A_362], %swap3A_365 {strides = array<i32>} : memref<64x128xf32, #tpu.memory_space<vmem>>, vector<1x16xf32>,
        }
        %scan3A_51 = arith.constant 64 : i32
        %run_scoped3A_52 = arith.constant 0 : i32
        "tpu.region"() ({
          %run_scoped3A_56 = tpu.sem_alloc : memref<!tpu.dma_semaphore, #tpu.memory_space<semaphore_mem>>
          %dma_start3A = arith.constant 0 : i32
          %dma_start3A_57 = arith.constant 0 : i32
          %dma_start3A_58 = tpu.memref_slice %arg17[%dma_start3A, %dma_start3A_57] : memref<512x16xf32, #tpu.memory_space<vmem>> -> memref<128x16xf32, #tpu.memory_space<vmem>>
          %dma_start3A_59 = arith.constant 0 : i32
          %dma_start3A_60 = tpu.memref_slice %arg10[%run_scoped3A_52, %dma_start3A_59] : memref<4x128xi32, #tpu.memory_space<vmem>> -> memref<1x128xi32, #tpu.memory_space<vmem>>
          %dma_start3A_61 = tpu.memref_squeeze %dma_start3A_60 : memref<1x128xi32, #tpu.memory_space<vmem>> -> memref<128xi32, #tpu.memory_space<vmem>>
          %dma_start3A_62 = arith.constant 0 : i32
          %dma_start3A_63 = arith.constant 0 : i32
          %dma_start3A_64 = tpu.memref_slice %arg18[%dma_start3A_62, %dma_start3A_63] : memref<10112x16xf32, #tpu.memory_space<vmem_shared>> -> memref<10112x16xf32, #tpu.memory_space<vmem_shared>>
          tpu.enqueue_indirect_dma source(%dma_start3A_58 : memref<128x16xf32, #tpu.memory_space<vmem>>) target(%dma_start3A_64 : memref<10112x16xf32, #tpu.memory_space<vmem_shared>>) offsets(%dma_start3A_61 : memref<128xi32, #tpu.memory_space<vmem>>) semaphore(%run_scoped3A_56 : memref<!tpu.dma_semaphore, #tpu.memory_space<semaphore_mem>>) {add = true}
          %dma_wait3A = arith.constant 0 : i32
          %dma_wait3A_65 = arith.constant 0 : i32
          %dma_wait3A_66 = tpu.memref_slice %arg17[%dma_wait3A, %dma_wait3A_65] : memref<512x16xf32, #tpu.memory_space<vmem>> -> memref<128x16xf32, #tpu.memory_space<vmem>>
          %dma_wait3A_67 = arith.constant 0 : i32
          %dma_wait3A_68 = tpu.memref_slice %arg10[%run_scoped3A_52, %dma_wait3A_67] : memref<4x128xi32, #tpu.memory_space<vmem>> -> memref<1x128xi32, #tpu.memory_space<vmem>>
          %dma_wait3A_69 = tpu.memref_squeeze %dma_wait3A_68 : memref<1x128xi32, #tpu.memory_space<vmem>> -> memref<128xi32, #tpu.memory_space<vmem>>
          %dma_wait3A_70 = arith.constant 0 : i32
          %dma_wait3A_71 = arith.constant 0 : i32
          %dma_wait3A_72 = tpu.memref_slice %arg18[%dma_wait3A_70, %dma_wait3A_71] : memref<10112x16xf32, #tpu.memory_space<vmem_shared>> -> memref<10112x16xf32, #tpu.memory_space<vmem_shared>>
          tpu.wait_indirect_dma semaphore(%run_scoped3A_56 : memref<!tpu.dma_semaphore, #tpu.memory_space<semaphore_mem>>) src(%dma_wait3A_66 : memref<128x16xf32, #tpu.memory_space<vmem>>) dst(%dma_wait3A_72 : memref<10112x16xf32, #tpu.memory_space<vmem_shared>>)
          tpu.yield
        }) : () -> ()
        %run_scoped3A_53 = arith.constant 1 : i32
        "tpu.region"() ({
          %run_scoped3A_56 = tpu.sem_alloc : memref<!tpu.dma_semaphore, #tpu.memory_space<semaphore_mem>>
          %dma_start3A = arith.constant 128 : i32
          %dma_start3A_57 = arith.constant 0 : i32
          %dma_start3A_58 = tpu.memref_slice %arg17[%dma_start3A, %dma_start3A_57] : memref<512x16xf32, #tpu.memory_space<vmem>> -> memref<128x16xf32, #tpu.memory_space<vmem>>
          %dma_start3A_59 = arith.constant 0 : i32
          %dma_start3A_60 = tpu.memref_slice %arg10[%run_scoped3A_53, %dma_start3A_59] : memref<4x128xi32, #tpu.memory_space<vmem>> -> memref<1x128xi32, #tpu.memory_space<vmem>>
          %dma_start3A_61 = tpu.memref_squeeze %dma_start3A_60 : memref<1x128xi32, #tpu.memory_space<vmem>> -> memref<128xi32, #tpu.memory_space<vmem>>
          %dma_start3A_62 = arith.constant 0 : i32
          %dma_start3A_63 = arith.constant 0 : i32
          %dma_start3A_64 = tpu.memref_slice %arg18[%dma_start3A_62, %dma_start3A_63] : memref<10112x16xf32, #tpu.memory_space<vmem_shared>> -> memref<10112x16xf32, #tpu.memory_space<vmem_shared>>
          tpu.enqueue_indirect_dma source(%dma_start3A_58 : memref<128x16xf32, #tpu.memory_space<vmem>>) target(%dma_start3A_64 : memref<10112x16xf32, #tpu.memory_space<vmem_shared>>) offsets(%dma_start3A_61 : memref<128xi32, #tpu.memory_space<vmem>>) semaphore(%run_scoped3A_56 : memref<!tpu.dma_semaphore, #tpu.memory_space<semaphore_mem>>) {add = true}
          %dma_wait3A = arith.constant 128 : i32
          %dma_wait3A_65 = arith.constant 0 : i32
          %dma_wait3A_66 = tpu.memref_slice %arg17[%dma_wait3A, %dma_wait3A_65] : memref<512x16xf32, #tpu.memory_space<vmem>> -> memref<128x16xf32, #tpu.memory_space<vmem>>
          %dma_wait3A_67 = arith.constant 0 : i32
          %dma_wait3A_68 = tpu.memref_slice %arg10[%run_scoped3A_53, %dma_wait3A_67] : memref<4x128xi32, #tpu.memory_space<vmem>> -> memref<1x128xi32, #tpu.memory_space<vmem>>
          %dma_wait3A_69 = tpu.memref_squeeze %dma_wait3A_68 : memref<1x128xi32, #tpu.memory_space<vmem>> -> memref<128xi32, #tpu.memory_space<vmem>>
          %dma_wait3A_70 = arith.constant 0 : i32
          %dma_wait3A_71 = arith.constant 0 : i32
          %dma_wait3A_72 = tpu.memref_slice %arg18[%dma_wait3A_70, %dma_wait3A_71] : memref<10112x16xf32, #tpu.memory_space<vmem_shared>> -> memref<10112x16xf32, #tpu.memory_space<vmem_shared>>
          tpu.wait_indirect_dma semaphore(%run_scoped3A_56 : memref<!tpu.dma_semaphore, #tpu.memory_space<semaphore_mem>>) src(%dma_wait3A_66 : memref<128x16xf32, #tpu.memory_space<vmem>>) dst(%dma_wait3A_72 : memref<10112x16xf32, #tpu.memory_space<vmem_shared>>)
          tpu.yield
        }) : () -> ()
        %run_scoped3A_54 = arith.constant 2 : i32
        "tpu.region"() ({
          %run_scoped3A_56 = tpu.sem_alloc : memref<!tpu.dma_semaphore, #tpu.memory_space<semaphore_mem>>
          %dma_start3A = arith.constant 256 : i32
          %dma_start3A_57 = arith.constant 0 : i32
          %dma_start3A_58 = tpu.memref_slice %arg17[%dma_start3A, %dma_start3A_57] : memref<512x16xf32, #tpu.memory_space<vmem>> -> memref<128x16xf32, #tpu.memory_space<vmem>>
          %dma_start3A_59 = arith.constant 0 : i32
          %dma_start3A_60 = tpu.memref_slice %arg10[%run_scoped3A_54, %dma_start3A_59] : memref<4x128xi32, #tpu.memory_space<vmem>> -> memref<1x128xi32, #tpu.memory_space<vmem>>
          %dma_start3A_61 = tpu.memref_squeeze %dma_start3A_60 : memref<1x128xi32, #tpu.memory_space<vmem>> -> memref<128xi32, #tpu.memory_space<vmem>>
          %dma_start3A_62 = arith.constant 0 : i32
          %dma_start3A_63 = arith.constant 0 : i32
          %dma_start3A_64 = tpu.memref_slice %arg18[%dma_start3A_62, %dma_start3A_63] : memref<10112x16xf32, #tpu.memory_space<vmem_shared>> -> memref<10112x16xf32, #tpu.memory_space<vmem_shared>>
          tpu.enqueue_indirect_dma source(%dma_start3A_58 : memref<128x16xf32, #tpu.memory_space<vmem>>) target(%dma_start3A_64 : memref<10112x16xf32, #tpu.memory_space<vmem_shared>>) offsets(%dma_start3A_61 : memref<128xi32, #tpu.memory_space<vmem>>) semaphore(%run_scoped3A_56 : memref<!tpu.dma_semaphore, #tpu.memory_space<semaphore_mem>>) {add = true}
          %dma_wait3A = arith.constant 256 : i32
          %dma_wait3A_65 = arith.constant 0 : i32
          %dma_wait3A_66 = tpu.memref_slice %arg17[%dma_wait3A, %dma_wait3A_65] : memref<512x16xf32, #tpu.memory_space<vmem>> -> memref<128x16xf32, #tpu.memory_space<vmem>>
          %dma_wait3A_67 = arith.constant 0 : i32
          %dma_wait3A_68 = tpu.memref_slice %arg10[%run_scoped3A_54, %dma_wait3A_67] : memref<4x128xi32, #tpu.memory_space<vmem>> -> memref<1x128xi32, #tpu.memory_space<vmem>>
          %dma_wait3A_69 = tpu.memref_squeeze %dma_wait3A_68 : memref<1x128xi32, #tpu.memory_space<vmem>> -> memref<128xi32, #tpu.memory_space<vmem>>
          %dma_wait3A_70 = arith.constant 0 : i32
          %dma_wait3A_71 = arith.constant 0 : i32
          %dma_wait3A_72 = tpu.memref_slice %arg18[%dma_wait3A_70, %dma_wait3A_71] : memref<10112x16xf32, #tpu.memory_space<vmem_shared>> -> memref<10112x16xf32, #tpu.memory_space<vmem_shared>>
          tpu.wait_indirect_dma semaphore(%run_scoped3A_56 : memref<!tpu.dma_semaphore, #tpu.memory_space<semaphore_mem>>) src(%dma_wait3A_66 : memref<128x16xf32, #tpu.memory_space<vmem>>) dst(%dma_wait3A_72 : memref<10112x16xf32, #tpu.memory_space<vmem_shared>>)
          tpu.yield
        }) : () -> ()
        %run_scoped3A_55 = arith.constant 3 : i32
        "tpu.region"() ({
          %run_scoped3A_56 = tpu.sem_alloc : memref<!tpu.dma_semaphore, #tpu.memory_space<semaphore_mem>>
          %dma_start3A = arith.constant 384 : i32
          %dma_start3A_57 = arith.constant 0 : i32
          %dma_start3A_58 = tpu.memref_slice %arg17[%dma_start3A, %dma_start3A_57] : memref<512x16xf32, #tpu.memory_space<vmem>> -> memref<128x16xf32, #tpu.memory_space<vmem>>
          %dma_start3A_59 = arith.constant 0 : i32
          %dma_start3A_60 = tpu.memref_slice %arg10[%run_scoped3A_55, %dma_start3A_59] : memref<4x128xi32, #tpu.memory_space<vmem>> -> memref<1x128xi32, #tpu.memory_space<vmem>>
          %dma_start3A_61 = tpu.memref_squeeze %dma_start3A_60 : memref<1x128xi32, #tpu.memory_space<vmem>> -> memref<128xi32, #tpu.memory_space<vmem>>
          %dma_start3A_62 = arith.constant 0 : i32
          %dma_start3A_63 = arith.constant 0 : i32
          %dma_start3A_64 = tpu.memref_slice %arg18[%dma_start3A_62, %dma_start3A_63] : memref<10112x16xf32, #tpu.memory_space<vmem_shared>> -> memref<10112x16xf32, #tpu.memory_space<vmem_shared>>
          tpu.enqueue_indirect_dma source(%dma_start3A_58 : memref<128x16xf32, #tpu.memory_space<vmem>>) target(%dma_start3A_64 : memref<10112x16xf32, #tpu.memory_space<vmem_shared>>) offsets(%dma_start3A_61 : memref<128xi32, #tpu.memory_space<vmem>>) semaphore(%run_scoped3A_56 : memref<!tpu.dma_semaphore, #tpu.memory_space<semaphore_mem>>) {add = true}
          %dma_wait3A = arith.constant 384 : i32
          %dma_wait3A_65 = arith.constant 0 : i32
          %dma_wait3A_66 = tpu.memref_slice %arg17[%dma_wait3A, %dma_wait3A_65] : memref<512x16xf32, #tpu.memory_space<vmem>> -> memref<128x16xf32, #tpu.memory_space<vmem>>
          %dma_wait3A_67 = arith.constant 0 : i32
          %dma_wait3A_68 = tpu.memref_slice %arg10[%run_scoped3A_55, %dma_wait3A_67] : memref<4x128xi32, #tpu.memory_space<vmem>> -> memref<1x128xi32, #tpu.memory_space<vmem>>
          %dma_wait3A_69 = tpu.memref_squeeze %dma_wait3A_68 : memref<1x128xi32, #tpu.memory_space<vmem>> -> memref<128xi32, #tpu.memory_space<vmem>>
          %dma_wait3A_70 = arith.constant 0 : i32
          %dma_wait3A_71 = arith.constant 0 : i32
          %dma_wait3A_72 = tpu.memref_slice %arg18[%dma_wait3A_70, %dma_wait3A_71] : memref<10112x16xf32, #tpu.memory_space<vmem_shared>> -> memref<10112x16xf32, #tpu.memory_space<vmem_shared>>
          tpu.wait_indirect_dma semaphore(%run_scoped3A_56 : memref<!tpu.dma_semaphore, #tpu.memory_space<semaphore_mem>>) src(%dma_wait3A_66 : memref<128x16xf32, #tpu.memory_space<vmem>>) dst(%dma_wait3A_72 : memref<10112x16xf32, #tpu.memory_space<vmem_shared>>)
          tpu.yield
        }) : () -> ()
        "tpu.region"() ({
          %run_scoped3A_56 = tpu.sem_alloc : memref<!tpu.dma_semaphore, #tpu.memory_space<semaphore_mem>>
          %dma_start3A = arith.constant 0 : i32
          %dma_start3A_57 = tpu.memref_slice %arg7[%mul3A_38, %dma_start3A] : memref<40000x128xf32, #tpu.memory_space<hbm>> -> memref<64x128xf32, #tpu.memory_space<hbm>>
          %dma_start3A_58 = arith.constant 0 : i32
          %dma_start3A_59 = tpu.memref_slice %arg7[%mul3A_38, %dma_start3A_58] : memref<40000x128xf32, #tpu.memory_space<hbm>> -> memref<64x128xf32, #tpu.memory_space<hbm>>
          tpu.enqueue_dma source(%arg14 : memref<64x128xf32, #tpu.memory_space<vmem>>) target(%dma_start3A_59 : memref<64x128xf32, #tpu.memory_space<hbm>>) target_semaphore(%run_scoped3A_56 : memref<!tpu.dma_semaphore, #tpu.memory_space<semaphore_mem>>)
          %dma_wait3A = arith.constant 0 : i32
          %dma_wait3A_60 = tpu.memref_slice %arg7[%mul3A_38, %dma_wait3A] : memref<40000x128xf32, #tpu.memory_space<hbm>> -> memref<64x128xf32, #tpu.memory_space<hbm>>
          %dma_wait3A_61 = arith.constant 0 : i32
          %dma_wait3A_62 = tpu.memref_slice %arg7[%mul3A_38, %dma_wait3A_61] : memref<40000x128xf32, #tpu.memory_space<hbm>> -> memref<64x128xf32, #tpu.memory_space<hbm>>
          tpu.wait_dma2 semaphore(%run_scoped3A_56 : memref<!tpu.dma_semaphore, #tpu.memory_space<semaphore_mem>>) src(%arg14 : memref<64x128xf32, #tpu.memory_space<vmem>>) dst(%dma_wait3A_62 : memref<64x128xf32, #tpu.memory_space<hbm>>)
          tpu.yield
        }) : () -> ()
      } else {
      }
    }
    %scan3A_20 = arith.constant 20 : i32
    %barrier3A_21 = arith.constant 0 : index
    tpu.barrier barrier_id(%barrier3A_21)
    %mul3A_22 = arith.constant 632 : i32
    %mul3A_23 = arith.muli %arg1, %mul3A_22 : i32
    %mul3A_24 = arith.constant 10112 : i32
    %mul3A_25 = arith.muli %arg0, %mul3A_24 : i32
    %mul3A_26 = arith.constant 632 : i32
    %mul3A_27 = arith.muli %arg1, %mul3A_26 : i32
    %add3A_28 = arith.addi %mul3A_25, %mul3A_27 : i32
    "tpu.region"() ({
      %run_scoped3A = tpu.sem_alloc : memref<!tpu.dma_semaphore, #tpu.memory_space<semaphore_mem>>
      %dma_start3A = arith.constant 0 : i32
      %dma_start3A_29 = tpu.memref_slice %arg8[%add3A_28, %dma_start3A] : memref<20224x16xf32, #tpu.memory_space<hbm>> -> memref<632x16xf32, #tpu.memory_space<hbm>>
      %dma_start3A_30 = arith.constant 0 : i32
      %dma_start3A_31 = tpu.memref_slice %arg18[%mul3A_23, %dma_start3A_30] : memref<10112x16xf32, #tpu.memory_space<vmem_shared>> -> memref<632x16xf32, #tpu.memory_space<vmem_shared>>
      tpu.enqueue_dma source(%dma_start3A_31 : memref<632x16xf32, #tpu.memory_space<vmem_shared>>) target(%dma_start3A_29 : memref<632x16xf32, #tpu.memory_space<hbm>>) target_semaphore(%run_scoped3A : memref<!tpu.dma_semaphore, #tpu.memory_space<semaphore_mem>>)
      %dma_wait3A = arith.constant 0 : i32
      %dma_wait3A_32 = tpu.memref_slice %arg8[%add3A_28, %dma_wait3A] : memref<20224x16xf32, #tpu.memory_space<hbm>> -> memref<632x16xf32, #tpu.memory_space<hbm>>
      %dma_wait3A_33 = arith.constant 0 : i32
      %dma_wait3A_34 = tpu.memref_slice %arg18[%mul3A_23, %dma_wait3A_33] : memref<10112x16xf32, #tpu.memory_space<vmem_shared>> -> memref<632x16xf32, #tpu.memory_space<vmem_shared>>
      tpu.wait_dma2 semaphore(%run_scoped3A : memref<!tpu.dma_semaphore, #tpu.memory_space<semaphore_mem>>) src(%dma_wait3A_34 : memref<632x16xf32, #tpu.memory_space<vmem_shared>>) dst(%dma_wait3A_32 : memref<632x16xf32, #tpu.memory_space<hbm>>)
      tpu.yield
    }) : () -> ()
    return
  }
}

#map = affine_map<(d0, d1) -> (0, 0, 0)>
#map1 = affine_map<(d0, d1) -> (0, 0)>
module attributes {stable_mosaic.version = 14 : i64} {
  func.func @body(%arg0: i32, %arg1: i32, %arg2: memref<625x4x128xi32, #tpu.memory_space<hbm>>, %arg3: memref<625x4x128xi32, #tpu.memory_space<hbm>>, %arg4: memref<10000x16xf32, #tpu.memory_space<hbm>>, %arg5: memref<10000x16xf32, #tpu.memory_space<hbm>>, %arg6: memref<40000x128xf32, #tpu.memory_space<hbm>>, %arg7: memref<320000x16xf32, #tpu.memory_space<hbm>>, %arg8: memref<4x128xi32, #tpu.memory_space<vmem>>, %arg9: memref<4x128xi32, #tpu.memory_space<vmem>>, %arg10: memref<512x16xf32, #tpu.memory_space<vmem>>, %arg11: memref<512x16xf32, #tpu.memory_space<vmem>>, %arg12: memref<64x128xf32, #tpu.memory_space<vmem>>, %arg13: memref<512x16xf32, #tpu.memory_space<vmem>>, %arg14: memref<10000x16xf32, #tpu.memory_space<vmem_shared>>, %arg15: memref<10000x16xf32, #tpu.memory_space<vmem_shared>>) attributes {dimension_semantics = [#tpu.dimension_semantics<core_parallel>, #tpu.dimension_semantics<subcore_parallel>], iteration_bounds = array<i64: 2, 16>, scalar_prefetch = 0 : i64, scratch_operands = 8 : i64, tpu.core_type = #tpu.core_type<sc_vector_subcore>, window_params = [{transform_indices = #map}, {transform_indices = #map}, {transform_indices = #map1}, {transform_indices = #map1}, {transform_indices = #map1}, {transform_indices = #map1}]} {
    %mul3A = arith.constant 2 : i32
    %mul3A_0 = arith.muli %arg1, %mul3A : i32
    %add3A = arith.addi %mul3A_0, %arg0 : i32
    %eq3A = arith.constant 0 : i32
    %eq3A_1 = arith.cmpi eq, %arg1, %eq3A : i32
    %convert_element_type3A = arith.extui %eq3A_1 : i1 to i32
    %cond3A = arith.constant 0 : i32
    %cond3A_2 = arith.cmpi ne, %convert_element_type3A, %cond3A : i32
    scf.if %cond3A_2 {
      "tpu.region"() ({
        %run_scoped3A = tpu.sem_alloc : memref<!tpu.dma_semaphore, #tpu.memory_space<semaphore_mem>>
        tpu.enqueue_dma source(%arg4 : memref<10000x16xf32, #tpu.memory_space<hbm>>) target(%arg14 : memref<10000x16xf32, #tpu.memory_space<vmem_shared>>) target_semaphore(%run_scoped3A : memref<!tpu.dma_semaphore, #tpu.memory_space<semaphore_mem>>)
        tpu.wait_dma2 semaphore(%run_scoped3A : memref<!tpu.dma_semaphore, #tpu.memory_space<semaphore_mem>>) src(%arg4 : memref<10000x16xf32, #tpu.memory_space<hbm>>) dst(%arg14 : memref<10000x16xf32, #tpu.memory_space<vmem_shared>>)
        tpu.yield
      }) : () -> ()
    } else {
    }
    %eq3A_3 = arith.constant 1 : i32
    %eq3A_4 = arith.cmpi eq, %arg1, %eq3A_3 : i32
    %convert_element_type3A_5 = arith.extui %eq3A_4 : i1 to i32
    %cond3A_6 = arith.constant 0 : i32
    %cond3A_7 = arith.cmpi ne, %convert_element_type3A_5, %cond3A_6 : i32
    scf.if %cond3A_7 {
      "tpu.region"() ({
        %run_scoped3A = tpu.sem_alloc : memref<!tpu.dma_semaphore, #tpu.memory_space<semaphore_mem>>
        tpu.enqueue_dma source(%arg5 : memref<10000x16xf32, #tpu.memory_space<hbm>>) target(%arg15 : memref<10000x16xf32, #tpu.memory_space<vmem_shared>>) target_semaphore(%run_scoped3A : memref<!tpu.dma_semaphore, #tpu.memory_space<semaphore_mem>>)
        tpu.wait_dma2 semaphore(%run_scoped3A : memref<!tpu.dma_semaphore, #tpu.memory_space<semaphore_mem>>) src(%arg5 : memref<10000x16xf32, #tpu.memory_space<hbm>>) dst(%arg15 : memref<10000x16xf32, #tpu.memory_space<vmem_shared>>)
        tpu.yield
      }) : () -> ()
    } else {
    }
    %barrier3A = arith.constant 0 : index
    tpu.barrier barrier_id(%barrier3A)
    %scan3A = arith.constant 0 : i32
    %scan3A_8 = arith.constant 0 : i32
    %scan3A_9 = arith.constant 20 : i32
    %scan3A_10 = arith.addi %scan3A_8, %scan3A_9 : i32
    %scan3A_11 = arith.constant 1 : i32
    scf.for %scan3A_13 = %scan3A_8 to %scan3A_10 step %scan3A_11  : i32 {
      %mul3A_14 = arith.constant 32 : i32
      %mul3A_15 = arith.muli %scan3A_13, %mul3A_14 : i32
      %add3A_16 = arith.addi %add3A, %mul3A_15 : i32
      %lt3A = arith.constant 625 : i32
      %lt3A_17 = arith.cmpi slt, %add3A_16, %lt3A : i32
      %convert_element_type3A_18 = arith.extui %lt3A_17 : i1 to i32
      %cond3A_19 = arith.constant 0 : i32
      %cond3A_20 = arith.cmpi ne, %convert_element_type3A_18, %cond3A_19 : i32
      scf.if %cond3A_20 {
        %mul3A_21 = arith.constant 64 : i32
        %mul3A_22 = arith.muli %add3A_16, %mul3A_21 : i32
        "tpu.region"() ({
          %run_scoped3A_38 = tpu.sem_alloc : memref<!tpu.dma_semaphore, #tpu.memory_space<semaphore_mem>>
          %dma_start3A = arith.constant 0 : i32
          %dma_start3A_39 = arith.constant 0 : i32
          %dma_start3A_40 = tpu.memref_slice %arg2[%add3A_16, %dma_start3A, %dma_start3A_39] : memref<625x4x128xi32, #tpu.memory_space<hbm>> -> memref<1x4x128xi32, #tpu.memory_space<hbm>>
          %dma_start3A_41 = tpu.memref_squeeze %dma_start3A_40 : memref<1x4x128xi32, #tpu.memory_space<hbm>> -> memref<4x128xi32, #tpu.memory_space<hbm>>
          %dma_start3A_42 = arith.constant 0 : i32
          %dma_start3A_43 = arith.constant 0 : i32
          %dma_start3A_44 = tpu.memref_slice %arg2[%add3A_16, %dma_start3A_42, %dma_start3A_43] : memref<625x4x128xi32, #tpu.memory_space<hbm>> -> memref<1x4x128xi32, #tpu.memory_space<hbm>>
          %dma_start3A_45 = tpu.memref_squeeze %dma_start3A_44 : memref<1x4x128xi32, #tpu.memory_space<hbm>> -> memref<4x128xi32, #tpu.memory_space<hbm>>
          tpu.enqueue_dma source(%dma_start3A_45 : memref<4x128xi32, #tpu.memory_space<hbm>>) target(%arg8 : memref<4x128xi32, #tpu.memory_space<vmem>>) target_semaphore(%run_scoped3A_38 : memref<!tpu.dma_semaphore, #tpu.memory_space<semaphore_mem>>)
          %dma_wait3A = arith.constant 0 : i32
          %dma_wait3A_46 = arith.constant 0 : i32
          %dma_wait3A_47 = tpu.memref_slice %arg2[%add3A_16, %dma_wait3A, %dma_wait3A_46] : memref<625x4x128xi32, #tpu.memory_space<hbm>> -> memref<1x4x128xi32, #tpu.memory_space<hbm>>
          %dma_wait3A_48 = tpu.memref_squeeze %dma_wait3A_47 : memref<1x4x128xi32, #tpu.memory_space<hbm>> -> memref<4x128xi32, #tpu.memory_space<hbm>>
          %dma_wait3A_49 = arith.constant 0 : i32
          %dma_wait3A_50 = arith.constant 0 : i32
          %dma_wait3A_51 = tpu.memref_slice %arg2[%add3A_16, %dma_wait3A_49, %dma_wait3A_50] : memref<625x4x128xi32, #tpu.memory_space<hbm>> -> memref<1x4x128xi32, #tpu.memory_space<hbm>>
          %dma_wait3A_52 = tpu.memref_squeeze %dma_wait3A_51 : memref<1x4x128xi32, #tpu.memory_space<hbm>> -> memref<4x128xi32, #tpu.memory_space<hbm>>
          tpu.wait_dma2 semaphore(%run_scoped3A_38 : memref<!tpu.dma_semaphore, #tpu.memory_space<semaphore_mem>>) src(%dma_wait3A_52 : memref<4x128xi32, #tpu.memory_space<hbm>>) dst(%arg8 : memref<4x128xi32, #tpu.memory_space<vmem>>)
          tpu.yield
        }) : () -> ()
        "tpu.region"() ({
          %run_scoped3A_38 = tpu.sem_alloc : memref<!tpu.dma_semaphore, #tpu.memory_space<semaphore_mem>>
          %dma_start3A = arith.constant 0 : i32
          %dma_start3A_39 = arith.constant 0 : i32
          %dma_start3A_40 = tpu.memref_slice %arg3[%add3A_16, %dma_start3A, %dma_start3A_39] : memref<625x4x128xi32, #tpu.memory_space<hbm>> -> memref<1x4x128xi32, #tpu.memory_space<hbm>>
          %dma_start3A_41 = tpu.memref_squeeze %dma_start3A_40 : memref<1x4x128xi32, #tpu.memory_space<hbm>> -> memref<4x128xi32, #tpu.memory_space<hbm>>
          %dma_start3A_42 = arith.constant 0 : i32
          %dma_start3A_43 = arith.constant 0 : i32
          %dma_start3A_44 = tpu.memref_slice %arg3[%add3A_16, %dma_start3A_42, %dma_start3A_43] : memref<625x4x128xi32, #tpu.memory_space<hbm>> -> memref<1x4x128xi32, #tpu.memory_space<hbm>>
          %dma_start3A_45 = tpu.memref_squeeze %dma_start3A_44 : memref<1x4x128xi32, #tpu.memory_space<hbm>> -> memref<4x128xi32, #tpu.memory_space<hbm>>
          tpu.enqueue_dma source(%dma_start3A_45 : memref<4x128xi32, #tpu.memory_space<hbm>>) target(%arg9 : memref<4x128xi32, #tpu.memory_space<vmem>>) target_semaphore(%run_scoped3A_38 : memref<!tpu.dma_semaphore, #tpu.memory_space<semaphore_mem>>)
          %dma_wait3A = arith.constant 0 : i32
          %dma_wait3A_46 = arith.constant 0 : i32
          %dma_wait3A_47 = tpu.memref_slice %arg3[%add3A_16, %dma_wait3A, %dma_wait3A_46] : memref<625x4x128xi32, #tpu.memory_space<hbm>> -> memref<1x4x128xi32, #tpu.memory_space<hbm>>
          %dma_wait3A_48 = tpu.memref_squeeze %dma_wait3A_47 : memref<1x4x128xi32, #tpu.memory_space<hbm>> -> memref<4x128xi32, #tpu.memory_space<hbm>>
          %dma_wait3A_49 = arith.constant 0 : i32
          %dma_wait3A_50 = arith.constant 0 : i32
          %dma_wait3A_51 = tpu.memref_slice %arg3[%add3A_16, %dma_wait3A_49, %dma_wait3A_50] : memref<625x4x128xi32, #tpu.memory_space<hbm>> -> memref<1x4x128xi32, #tpu.memory_space<hbm>>
          %dma_wait3A_52 = tpu.memref_squeeze %dma_wait3A_51 : memref<1x4x128xi32, #tpu.memory_space<hbm>> -> memref<4x128xi32, #tpu.memory_space<hbm>>
          tpu.wait_dma2 semaphore(%run_scoped3A_38 : memref<!tpu.dma_semaphore, #tpu.memory_space<semaphore_mem>>) src(%dma_wait3A_52 : memref<4x128xi32, #tpu.memory_space<hbm>>) dst(%arg9 : memref<4x128xi32, #tpu.memory_space<vmem>>)
          tpu.yield
        }) : () -> ()
        "tpu.region"() ({
          %run_scoped3A_38 = tpu.sem_alloc : memref<!tpu.dma_semaphore, #tpu.memory_space<semaphore_mem>>
          %dma_start3A = arith.constant 0 : i32
          %dma_start3A_39 = tpu.memref_slice %arg6[%mul3A_22, %dma_start3A] : memref<40000x128xf32, #tpu.memory_space<hbm>> -> memref<64x128xf32, #tpu.memory_space<hbm>>
          %dma_start3A_40 = arith.constant 0 : i32
          %dma_start3A_41 = tpu.memref_slice %arg6[%mul3A_22, %dma_start3A_40] : memref<40000x128xf32, #tpu.memory_space<hbm>> -> memref<64x128xf32, #tpu.memory_space<hbm>>
          tpu.enqueue_dma source(%dma_start3A_41 : memref<64x128xf32, #tpu.memory_space<hbm>>) target(%arg12 : memref<64x128xf32, #tpu.memory_space<vmem>>) target_semaphore(%run_scoped3A_38 : memref<!tpu.dma_semaphore, #tpu.memory_space<semaphore_mem>>)
          %dma_wait3A = arith.constant 0 : i32
          %dma_wait3A_42 = tpu.memref_slice %arg6[%mul3A_22, %dma_wait3A] : memref<40000x128xf32, #tpu.memory_space<hbm>> -> memref<64x128xf32, #tpu.memory_space<hbm>>
          %dma_wait3A_43 = arith.constant 0 : i32
          %dma_wait3A_44 = tpu.memref_slice %arg6[%mul3A_22, %dma_wait3A_43] : memref<40000x128xf32, #tpu.memory_space<hbm>> -> memref<64x128xf32, #tpu.memory_space<hbm>>
          tpu.wait_dma2 semaphore(%run_scoped3A_38 : memref<!tpu.dma_semaphore, #tpu.memory_space<semaphore_mem>>) src(%dma_wait3A_44 : memref<64x128xf32, #tpu.memory_space<hbm>>) dst(%arg12 : memref<64x128xf32, #tpu.memory_space<vmem>>)
          tpu.yield
        }) : () -> ()
        %run_scoped3A = arith.constant 0 : i32
        "tpu.region"() ({
          %run_scoped3A_38 = tpu.sem_alloc : memref<!tpu.dma_semaphore, #tpu.memory_space<semaphore_mem>>
          %dma_start3A = arith.constant 0 : i32
          %dma_start3A_39 = arith.constant 0 : i32
          %dma_start3A_40 = tpu.memref_slice %arg10[%dma_start3A, %dma_start3A_39] : memref<512x16xf32, #tpu.memory_space<vmem>> -> memref<128x16xf32, #tpu.memory_space<vmem>>
          %dma_start3A_41 = arith.constant 0 : i32
          %dma_start3A_42 = tpu.memref_slice %arg8[%run_scoped3A, %dma_start3A_41] : memref<4x128xi32, #tpu.memory_space<vmem>> -> memref<1x128xi32, #tpu.memory_space<vmem>>
          %dma_start3A_43 = tpu.memref_squeeze %dma_start3A_42 : memref<1x128xi32, #tpu.memory_space<vmem>> -> memref<128xi32, #tpu.memory_space<vmem>>
          %dma_start3A_44 = arith.constant 0 : i32
          %dma_start3A_45 = arith.constant 0 : i32
          %dma_start3A_46 = tpu.memref_slice %arg14[%dma_start3A_44, %dma_start3A_45] : memref<10000x16xf32, #tpu.memory_space<vmem_shared>> -> memref<10000x16xf32, #tpu.memory_space<vmem_shared>>
          tpu.enqueue_indirect_dma source(%dma_start3A_46 : memref<10000x16xf32, #tpu.memory_space<vmem_shared>>) target(%dma_start3A_40 : memref<128x16xf32, #tpu.memory_space<vmem>>) offsets(%dma_start3A_43 : memref<128xi32, #tpu.memory_space<vmem>>) semaphore(%run_scoped3A_38 : memref<!tpu.dma_semaphore, #tpu.memory_space<semaphore_mem>>)
          %dma_wait3A = arith.constant 0 : i32
          %dma_wait3A_47 = arith.constant 0 : i32
          %dma_wait3A_48 = tpu.memref_slice %arg10[%dma_wait3A, %dma_wait3A_47] : memref<512x16xf32, #tpu.memory_space<vmem>> -> memref<128x16xf32, #tpu.memory_space<vmem>>
          %dma_wait3A_49 = arith.constant 0 : i32
          %dma_wait3A_50 = tpu.memref_slice %arg8[%run_scoped3A, %dma_wait3A_49] : memref<4x128xi32, #tpu.memory_space<vmem>> -> memref<1x128xi32, #tpu.memory_space<vmem>>
          %dma_wait3A_51 = tpu.memref_squeeze %dma_wait3A_50 : memref<1x128xi32, #tpu.memory_space<vmem>> -> memref<128xi32, #tpu.memory_space<vmem>>
          %dma_wait3A_52 = arith.constant 0 : i32
          %dma_wait3A_53 = arith.constant 0 : i32
          %dma_wait3A_54 = tpu.memref_slice %arg14[%dma_wait3A_52, %dma_wait3A_53] : memref<10000x16xf32, #tpu.memory_space<vmem_shared>> -> memref<10000x16xf32, #tpu.memory_space<vmem_shared>>
          tpu.wait_indirect_dma semaphore(%run_scoped3A_38 : memref<!tpu.dma_semaphore, #tpu.memory_space<semaphore_mem>>) src(%dma_wait3A_54 : memref<10000x16xf32, #tpu.memory_space<vmem_shared>>) dst(%dma_wait3A_48 : memref<128x16xf32, #tpu.memory_space<vmem>>)
          tpu.yield
        }) : () -> ()
        %run_scoped3A_23 = arith.constant 0 : i32
        "tpu.region"() ({
          %run_scoped3A_38 = tpu.sem_alloc : memref<!tpu.dma_semaphore, #tpu.memory_space<semaphore_mem>>
          %dma_start3A = arith.constant 0 : i32
          %dma_start3A_39 = arith.constant 0 : i32
          %dma_start3A_40 = tpu.memref_slice %arg11[%dma_start3A, %dma_start3A_39] : memref<512x16xf32, #tpu.memory_space<vmem>> -> memref<128x16xf32, #tpu.memory_space<vmem>>
          %dma_start3A_41 = arith.constant 0 : i32
          %dma_start3A_42 = tpu.memref_slice %arg9[%run_scoped3A_23, %dma_start3A_41] : memref<4x128xi32, #tpu.memory_space<vmem>> -> memref<1x128xi32, #tpu.memory_space<vmem>>
          %dma_start3A_43 = tpu.memref_squeeze %dma_start3A_42 : memref<1x128xi32, #tpu.memory_space<vmem>> -> memref<128xi32, #tpu.memory_space<vmem>>
          %dma_start3A_44 = arith.constant 0 : i32
          %dma_start3A_45 = arith.constant 0 : i32
          %dma_start3A_46 = tpu.memref_slice %arg15[%dma_start3A_44, %dma_start3A_45] : memref<10000x16xf32, #tpu.memory_space<vmem_shared>> -> memref<10000x16xf32, #tpu.memory_space<vmem_shared>>
          tpu.enqueue_indirect_dma source(%dma_start3A_46 : memref<10000x16xf32, #tpu.memory_space<vmem_shared>>) target(%dma_start3A_40 : memref<128x16xf32, #tpu.memory_space<vmem>>) offsets(%dma_start3A_43 : memref<128xi32, #tpu.memory_space<vmem>>) semaphore(%run_scoped3A_38 : memref<!tpu.dma_semaphore, #tpu.memory_space<semaphore_mem>>)
          %dma_wait3A = arith.constant 0 : i32
          %dma_wait3A_47 = arith.constant 0 : i32
          %dma_wait3A_48 = tpu.memref_slice %arg11[%dma_wait3A, %dma_wait3A_47] : memref<512x16xf32, #tpu.memory_space<vmem>> -> memref<128x16xf32, #tpu.memory_space<vmem>>
          %dma_wait3A_49 = arith.constant 0 : i32
          %dma_wait3A_50 = tpu.memref_slice %arg9[%run_scoped3A_23, %dma_wait3A_49] : memref<4x128xi32, #tpu.memory_space<vmem>> -> memref<1x128xi32, #tpu.memory_space<vmem>>
          %dma_wait3A_51 = tpu.memref_squeeze %dma_wait3A_50 : memref<1x128xi32, #tpu.memory_space<vmem>> -> memref<128xi32, #tpu.memory_space<vmem>>
          %dma_wait3A_52 = arith.constant 0 : i32
          %dma_wait3A_53 = arith.constant 0 : i32
          %dma_wait3A_54 = tpu.memref_slice %arg15[%dma_wait3A_52, %dma_wait3A_53] : memref<10000x16xf32, #tpu.memory_space<vmem_shared>> -> memref<10000x16xf32, #tpu.memory_space<vmem_shared>>
          tpu.wait_indirect_dma semaphore(%run_scoped3A_38 : memref<!tpu.dma_semaphore, #tpu.memory_space<semaphore_mem>>) src(%dma_wait3A_54 : memref<10000x16xf32, #tpu.memory_space<vmem_shared>>) dst(%dma_wait3A_48 : memref<128x16xf32, #tpu.memory_space<vmem>>)
          tpu.yield
        }) : () -> ()
        %run_scoped3A_24 = arith.constant 1 : i32
        "tpu.region"() ({
          %run_scoped3A_38 = tpu.sem_alloc : memref<!tpu.dma_semaphore, #tpu.memory_space<semaphore_mem>>
          %dma_start3A = arith.constant 128 : i32
          %dma_start3A_39 = arith.constant 0 : i32
          %dma_start3A_40 = tpu.memref_slice %arg10[%dma_start3A, %dma_start3A_39] : memref<512x16xf32, #tpu.memory_space<vmem>> -> memref<128x16xf32, #tpu.memory_space<vmem>>
          %dma_start3A_41 = arith.constant 0 : i32
          %dma_start3A_42 = tpu.memref_slice %arg8[%run_scoped3A_24, %dma_start3A_41] : memref<4x128xi32, #tpu.memory_space<vmem>> -> memref<1x128xi32, #tpu.memory_space<vmem>>
          %dma_start3A_43 = tpu.memref_squeeze %dma_start3A_42 : memref<1x128xi32, #tpu.memory_space<vmem>> -> memref<128xi32, #tpu.memory_space<vmem>>
          %dma_start3A_44 = arith.constant 0 : i32
          %dma_start3A_45 = arith.constant 0 : i32
          %dma_start3A_46 = tpu.memref_slice %arg14[%dma_start3A_44, %dma_start3A_45] : memref<10000x16xf32, #tpu.memory_space<vmem_shared>> -> memref<10000x16xf32, #tpu.memory_space<vmem_shared>>
          tpu.enqueue_indirect_dma source(%dma_start3A_46 : memref<10000x16xf32, #tpu.memory_space<vmem_shared>>) target(%dma_start3A_40 : memref<128x16xf32, #tpu.memory_space<vmem>>) offsets(%dma_start3A_43 : memref<128xi32, #tpu.memory_space<vmem>>) semaphore(%run_scoped3A_38 : memref<!tpu.dma_semaphore, #tpu.memory_space<semaphore_mem>>)
          %dma_wait3A = arith.constant 128 : i32
          %dma_wait3A_47 = arith.constant 0 : i32
          %dma_wait3A_48 = tpu.memref_slice %arg10[%dma_wait3A, %dma_wait3A_47] : memref<512x16xf32, #tpu.memory_space<vmem>> -> memref<128x16xf32, #tpu.memory_space<vmem>>
          %dma_wait3A_49 = arith.constant 0 : i32
          %dma_wait3A_50 = tpu.memref_slice %arg8[%run_scoped3A_24, %dma_wait3A_49] : memref<4x128xi32, #tpu.memory_space<vmem>> -> memref<1x128xi32, #tpu.memory_space<vmem>>
          %dma_wait3A_51 = tpu.memref_squeeze %dma_wait3A_50 : memref<1x128xi32, #tpu.memory_space<vmem>> -> memref<128xi32, #tpu.memory_space<vmem>>
          %dma_wait3A_52 = arith.constant 0 : i32
          %dma_wait3A_53 = arith.constant 0 : i32
          %dma_wait3A_54 = tpu.memref_slice %arg14[%dma_wait3A_52, %dma_wait3A_53] : memref<10000x16xf32, #tpu.memory_space<vmem_shared>> -> memref<10000x16xf32, #tpu.memory_space<vmem_shared>>
          tpu.wait_indirect_dma semaphore(%run_scoped3A_38 : memref<!tpu.dma_semaphore, #tpu.memory_space<semaphore_mem>>) src(%dma_wait3A_54 : memref<10000x16xf32, #tpu.memory_space<vmem_shared>>) dst(%dma_wait3A_48 : memref<128x16xf32, #tpu.memory_space<vmem>>)
          tpu.yield
        }) : () -> ()
        %run_scoped3A_25 = arith.constant 1 : i32
        "tpu.region"() ({
          %run_scoped3A_38 = tpu.sem_alloc : memref<!tpu.dma_semaphore, #tpu.memory_space<semaphore_mem>>
          %dma_start3A = arith.constant 128 : i32
          %dma_start3A_39 = arith.constant 0 : i32
          %dma_start3A_40 = tpu.memref_slice %arg11[%dma_start3A, %dma_start3A_39] : memref<512x16xf32, #tpu.memory_space<vmem>> -> memref<128x16xf32, #tpu.memory_space<vmem>>
          %dma_start3A_41 = arith.constant 0 : i32
          %dma_start3A_42 = tpu.memref_slice %arg9[%run_scoped3A_25, %dma_start3A_41] : memref<4x128xi32, #tpu.memory_space<vmem>> -> memref<1x128xi32, #tpu.memory_space<vmem>>
          %dma_start3A_43 = tpu.memref_squeeze %dma_start3A_42 : memref<1x128xi32, #tpu.memory_space<vmem>> -> memref<128xi32, #tpu.memory_space<vmem>>
          %dma_start3A_44 = arith.constant 0 : i32
          %dma_start3A_45 = arith.constant 0 : i32
          %dma_start3A_46 = tpu.memref_slice %arg15[%dma_start3A_44, %dma_start3A_45] : memref<10000x16xf32, #tpu.memory_space<vmem_shared>> -> memref<10000x16xf32, #tpu.memory_space<vmem_shared>>
          tpu.enqueue_indirect_dma source(%dma_start3A_46 : memref<10000x16xf32, #tpu.memory_space<vmem_shared>>) target(%dma_start3A_40 : memref<128x16xf32, #tpu.memory_space<vmem>>) offsets(%dma_start3A_43 : memref<128xi32, #tpu.memory_space<vmem>>) semaphore(%run_scoped3A_38 : memref<!tpu.dma_semaphore, #tpu.memory_space<semaphore_mem>>)
          %dma_wait3A = arith.constant 128 : i32
          %dma_wait3A_47 = arith.constant 0 : i32
          %dma_wait3A_48 = tpu.memref_slice %arg11[%dma_wait3A, %dma_wait3A_47] : memref<512x16xf32, #tpu.memory_space<vmem>> -> memref<128x16xf32, #tpu.memory_space<vmem>>
          %dma_wait3A_49 = arith.constant 0 : i32
          %dma_wait3A_50 = tpu.memref_slice %arg9[%run_scoped3A_25, %dma_wait3A_49] : memref<4x128xi32, #tpu.memory_space<vmem>> -> memref<1x128xi32, #tpu.memory_space<vmem>>
          %dma_wait3A_51 = tpu.memref_squeeze %dma_wait3A_50 : memref<1x128xi32, #tpu.memory_space<vmem>> -> memref<128xi32, #tpu.memory_space<vmem>>
          %dma_wait3A_52 = arith.constant 0 : i32
          %dma_wait3A_53 = arith.constant 0 : i32
          %dma_wait3A_54 = tpu.memref_slice %arg15[%dma_wait3A_52, %dma_wait3A_53] : memref<10000x16xf32, #tpu.memory_space<vmem_shared>> -> memref<10000x16xf32, #tpu.memory_space<vmem_shared>>
          tpu.wait_indirect_dma semaphore(%run_scoped3A_38 : memref<!tpu.dma_semaphore, #tpu.memory_space<semaphore_mem>>) src(%dma_wait3A_54 : memref<10000x16xf32, #tpu.memory_space<vmem_shared>>) dst(%dma_wait3A_48 : memref<128x16xf32, #tpu.memory_space<vmem>>)
          tpu.yield
        }) : () -> ()
        %run_scoped3A_26 = arith.constant 2 : i32
        "tpu.region"() ({
          %run_scoped3A_38 = tpu.sem_alloc : memref<!tpu.dma_semaphore, #tpu.memory_space<semaphore_mem>>
          %dma_start3A = arith.constant 256 : i32
          %dma_start3A_39 = arith.constant 0 : i32
          %dma_start3A_40 = tpu.memref_slice %arg10[%dma_start3A, %dma_start3A_39] : memref<512x16xf32, #tpu.memory_space<vmem>> -> memref<128x16xf32, #tpu.memory_space<vmem>>
          %dma_start3A_41 = arith.constant 0 : i32
          %dma_start3A_42 = tpu.memref_slice %arg8[%run_scoped3A_26, %dma_start3A_41] : memref<4x128xi32, #tpu.memory_space<vmem>> -> memref<1x128xi32, #tpu.memory_space<vmem>>
          %dma_start3A_43 = tpu.memref_squeeze %dma_start3A_42 : memref<1x128xi32, #tpu.memory_space<vmem>> -> memref<128xi32, #tpu.memory_space<vmem>>
          %dma_start3A_44 = arith.constant 0 : i32
          %dma_start3A_45 = arith.constant 0 : i32
          %dma_start3A_46 = tpu.memref_slice %arg14[%dma_start3A_44, %dma_start3A_45] : memref<10000x16xf32, #tpu.memory_space<vmem_shared>> -> memref<10000x16xf32, #tpu.memory_space<vmem_shared>>
          tpu.enqueue_indirect_dma source(%dma_start3A_46 : memref<10000x16xf32, #tpu.memory_space<vmem_shared>>) target(%dma_start3A_40 : memref<128x16xf32, #tpu.memory_space<vmem>>) offsets(%dma_start3A_43 : memref<128xi32, #tpu.memory_space<vmem>>) semaphore(%run_scoped3A_38 : memref<!tpu.dma_semaphore, #tpu.memory_space<semaphore_mem>>)
          %dma_wait3A = arith.constant 256 : i32
          %dma_wait3A_47 = arith.constant 0 : i32
          %dma_wait3A_48 = tpu.memref_slice %arg10[%dma_wait3A, %dma_wait3A_47] : memref<512x16xf32, #tpu.memory_space<vmem>> -> memref<128x16xf32, #tpu.memory_space<vmem>>
          %dma_wait3A_49 = arith.constant 0 : i32
          %dma_wait3A_50 = tpu.memref_slice %arg8[%run_scoped3A_26, %dma_wait3A_49] : memref<4x128xi32, #tpu.memory_space<vmem>> -> memref<1x128xi32, #tpu.memory_space<vmem>>
          %dma_wait3A_51 = tpu.memref_squeeze %dma_wait3A_50 : memref<1x128xi32, #tpu.memory_space<vmem>> -> memref<128xi32, #tpu.memory_space<vmem>>
          %dma_wait3A_52 = arith.constant 0 : i32
          %dma_wait3A_53 = arith.constant 0 : i32
          %dma_wait3A_54 = tpu.memref_slice %arg14[%dma_wait3A_52, %dma_wait3A_53] : memref<10000x16xf32, #tpu.memory_space<vmem_shared>> -> memref<10000x16xf32, #tpu.memory_space<vmem_shared>>
          tpu.wait_indirect_dma semaphore(%run_scoped3A_38 : memref<!tpu.dma_semaphore, #tpu.memory_space<semaphore_mem>>) src(%dma_wait3A_54 : memref<10000x16xf32, #tpu.memory_space<vmem_shared>>) dst(%dma_wait3A_48 : memref<128x16xf32, #tpu.memory_space<vmem>>)
          tpu.yield
        }) : () -> ()
        %run_scoped3A_27 = arith.constant 2 : i32
        "tpu.region"() ({
          %run_scoped3A_38 = tpu.sem_alloc : memref<!tpu.dma_semaphore, #tpu.memory_space<semaphore_mem>>
          %dma_start3A = arith.constant 256 : i32
          %dma_start3A_39 = arith.constant 0 : i32
          %dma_start3A_40 = tpu.memref_slice %arg11[%dma_start3A, %dma_start3A_39] : memref<512x16xf32, #tpu.memory_space<vmem>> -> memref<128x16xf32, #tpu.memory_space<vmem>>
          %dma_start3A_41 = arith.constant 0 : i32
          %dma_start3A_42 = tpu.memref_slice %arg9[%run_scoped3A_27, %dma_start3A_41] : memref<4x128xi32, #tpu.memory_space<vmem>> -> memref<1x128xi32, #tpu.memory_space<vmem>>
          %dma_start3A_43 = tpu.memref_squeeze %dma_start3A_42 : memref<1x128xi32, #tpu.memory_space<vmem>> -> memref<128xi32, #tpu.memory_space<vmem>>
          %dma_start3A_44 = arith.constant 0 : i32
          %dma_start3A_45 = arith.constant 0 : i32
          %dma_start3A_46 = tpu.memref_slice %arg15[%dma_start3A_44, %dma_start3A_45] : memref<10000x16xf32, #tpu.memory_space<vmem_shared>> -> memref<10000x16xf32, #tpu.memory_space<vmem_shared>>
          tpu.enqueue_indirect_dma source(%dma_start3A_46 : memref<10000x16xf32, #tpu.memory_space<vmem_shared>>) target(%dma_start3A_40 : memref<128x16xf32, #tpu.memory_space<vmem>>) offsets(%dma_start3A_43 : memref<128xi32, #tpu.memory_space<vmem>>) semaphore(%run_scoped3A_38 : memref<!tpu.dma_semaphore, #tpu.memory_space<semaphore_mem>>)
          %dma_wait3A = arith.constant 256 : i32
          %dma_wait3A_47 = arith.constant 0 : i32
          %dma_wait3A_48 = tpu.memref_slice %arg11[%dma_wait3A, %dma_wait3A_47] : memref<512x16xf32, #tpu.memory_space<vmem>> -> memref<128x16xf32, #tpu.memory_space<vmem>>
          %dma_wait3A_49 = arith.constant 0 : i32
          %dma_wait3A_50 = tpu.memref_slice %arg9[%run_scoped3A_27, %dma_wait3A_49] : memref<4x128xi32, #tpu.memory_space<vmem>> -> memref<1x128xi32, #tpu.memory_space<vmem>>
          %dma_wait3A_51 = tpu.memref_squeeze %dma_wait3A_50 : memref<1x128xi32, #tpu.memory_space<vmem>> -> memref<128xi32, #tpu.memory_space<vmem>>
          %dma_wait3A_52 = arith.constant 0 : i32
          %dma_wait3A_53 = arith.constant 0 : i32
          %dma_wait3A_54 = tpu.memref_slice %arg15[%dma_wait3A_52, %dma_wait3A_53] : memref<10000x16xf32, #tpu.memory_space<vmem_shared>> -> memref<10000x16xf32, #tpu.memory_space<vmem_shared>>
          tpu.wait_indirect_dma semaphore(%run_scoped3A_38 : memref<!tpu.dma_semaphore, #tpu.memory_space<semaphore_mem>>) src(%dma_wait3A_54 : memref<10000x16xf32, #tpu.memory_space<vmem_shared>>) dst(%dma_wait3A_48 : memref<128x16xf32, #tpu.memory_space<vmem>>)
          tpu.yield
        }) : () -> ()
        %run_scoped3A_28 = arith.constant 3 : i32
        "tpu.region"() ({
          %run_scoped3A_38 = tpu.sem_alloc : memref<!tpu.dma_semaphore, #tpu.memory_space<semaphore_mem>>
          %dma_start3A = arith.constant 384 : i32
          %dma_start3A_39 = arith.constant 0 : i32
          %dma_start3A_40 = tpu.memref_slice %arg10[%dma_start3A, %dma_start3A_39] : memref<512x16xf32, #tpu.memory_space<vmem>> -> memref<128x16xf32, #tpu.memory_space<vmem>>
          %dma_start3A_41 = arith.constant 0 : i32
          %dma_start3A_42 = tpu.memref_slice %arg8[%run_scoped3A_28, %dma_start3A_41] : memref<4x128xi32, #tpu.memory_space<vmem>> -> memref<1x128xi32, #tpu.memory_space<vmem>>
          %dma_start3A_43 = tpu.memref_squeeze %dma_start3A_42 : memref<1x128xi32, #tpu.memory_space<vmem>> -> memref<128xi32, #tpu.memory_space<vmem>>
          %dma_start3A_44 = arith.constant 0 : i32
          %dma_start3A_45 = arith.constant 0 : i32
          %dma_start3A_46 = tpu.memref_slice %arg14[%dma_start3A_44, %dma_start3A_45] : memref<10000x16xf32, #tpu.memory_space<vmem_shared>> -> memref<10000x16xf32, #tpu.memory_space<vmem_shared>>
          tpu.enqueue_indirect_dma source(%dma_start3A_46 : memref<10000x16xf32, #tpu.memory_space<vmem_shared>>) target(%dma_start3A_40 : memref<128x16xf32, #tpu.memory_space<vmem>>) offsets(%dma_start3A_43 : memref<128xi32, #tpu.memory_space<vmem>>) semaphore(%run_scoped3A_38 : memref<!tpu.dma_semaphore, #tpu.memory_space<semaphore_mem>>)
          %dma_wait3A = arith.constant 384 : i32
          %dma_wait3A_47 = arith.constant 0 : i32
          %dma_wait3A_48 = tpu.memref_slice %arg10[%dma_wait3A, %dma_wait3A_47] : memref<512x16xf32, #tpu.memory_space<vmem>> -> memref<128x16xf32, #tpu.memory_space<vmem>>
          %dma_wait3A_49 = arith.constant 0 : i32
          %dma_wait3A_50 = tpu.memref_slice %arg8[%run_scoped3A_28, %dma_wait3A_49] : memref<4x128xi32, #tpu.memory_space<vmem>> -> memref<1x128xi32, #tpu.memory_space<vmem>>
          %dma_wait3A_51 = tpu.memref_squeeze %dma_wait3A_50 : memref<1x128xi32, #tpu.memory_space<vmem>> -> memref<128xi32, #tpu.memory_space<vmem>>
          %dma_wait3A_52 = arith.constant 0 : i32
          %dma_wait3A_53 = arith.constant 0 : i32
          %dma_wait3A_54 = tpu.memref_slice %arg14[%dma_wait3A_52, %dma_wait3A_53] : memref<10000x16xf32, #tpu.memory_space<vmem_shared>> -> memref<10000x16xf32, #tpu.memory_space<vmem_shared>>
          tpu.wait_indirect_dma semaphore(%run_scoped3A_38 : memref<!tpu.dma_semaphore, #tpu.memory_space<semaphore_mem>>) src(%dma_wait3A_54 : memref<10000x16xf32, #tpu.memory_space<vmem_shared>>) dst(%dma_wait3A_48 : memref<128x16xf32, #tpu.memory_space<vmem>>)
          tpu.yield
        }) : () -> ()
        %run_scoped3A_29 = arith.constant 3 : i32
        "tpu.region"() ({
          %run_scoped3A_38 = tpu.sem_alloc : memref<!tpu.dma_semaphore, #tpu.memory_space<semaphore_mem>>
          %dma_start3A = arith.constant 384 : i32
          %dma_start3A_39 = arith.constant 0 : i32
          %dma_start3A_40 = tpu.memref_slice %arg11[%dma_start3A, %dma_start3A_39] : memref<512x16xf32, #tpu.memory_space<vmem>> -> memref<128x16xf32, #tpu.memory_space<vmem>>
          %dma_start3A_41 = arith.constant 0 : i32
          %dma_start3A_42 = tpu.memref_slice %arg9[%run_scoped3A_29, %dma_start3A_41] : memref<4x128xi32, #tpu.memory_space<vmem>> -> memref<1x128xi32, #tpu.memory_space<vmem>>
          %dma_start3A_43 = tpu.memref_squeeze %dma_start3A_42 : memref<1x128xi32, #tpu.memory_space<vmem>> -> memref<128xi32, #tpu.memory_space<vmem>>
          %dma_start3A_44 = arith.constant 0 : i32
          %dma_start3A_45 = arith.constant 0 : i32
          %dma_start3A_46 = tpu.memref_slice %arg15[%dma_start3A_44, %dma_start3A_45] : memref<10000x16xf32, #tpu.memory_space<vmem_shared>> -> memref<10000x16xf32, #tpu.memory_space<vmem_shared>>
          tpu.enqueue_indirect_dma source(%dma_start3A_46 : memref<10000x16xf32, #tpu.memory_space<vmem_shared>>) target(%dma_start3A_40 : memref<128x16xf32, #tpu.memory_space<vmem>>) offsets(%dma_start3A_43 : memref<128xi32, #tpu.memory_space<vmem>>) semaphore(%run_scoped3A_38 : memref<!tpu.dma_semaphore, #tpu.memory_space<semaphore_mem>>)
          %dma_wait3A = arith.constant 384 : i32
          %dma_wait3A_47 = arith.constant 0 : i32
          %dma_wait3A_48 = tpu.memref_slice %arg11[%dma_wait3A, %dma_wait3A_47] : memref<512x16xf32, #tpu.memory_space<vmem>> -> memref<128x16xf32, #tpu.memory_space<vmem>>
          %dma_wait3A_49 = arith.constant 0 : i32
          %dma_wait3A_50 = tpu.memref_slice %arg9[%run_scoped3A_29, %dma_wait3A_49] : memref<4x128xi32, #tpu.memory_space<vmem>> -> memref<1x128xi32, #tpu.memory_space<vmem>>
          %dma_wait3A_51 = tpu.memref_squeeze %dma_wait3A_50 : memref<1x128xi32, #tpu.memory_space<vmem>> -> memref<128xi32, #tpu.memory_space<vmem>>
          %dma_wait3A_52 = arith.constant 0 : i32
          %dma_wait3A_53 = arith.constant 0 : i32
          %dma_wait3A_54 = tpu.memref_slice %arg15[%dma_wait3A_52, %dma_wait3A_53] : memref<10000x16xf32, #tpu.memory_space<vmem_shared>> -> memref<10000x16xf32, #tpu.memory_space<vmem_shared>>
          tpu.wait_indirect_dma semaphore(%run_scoped3A_38 : memref<!tpu.dma_semaphore, #tpu.memory_space<semaphore_mem>>) src(%dma_wait3A_54 : memref<10000x16xf32, #tpu.memory_space<vmem_shared>>) dst(%dma_wait3A_48 : memref<128x16xf32, #tpu.memory_space<vmem>>)
          tpu.yield
        }) : () -> ()
        %scan3A_30 = arith.constant 0 : i32
        %scan3A_31 = arith.constant 0 : i32
        %scan3A_32 = arith.constant 64 : i32
        %scan3A_33 = arith.addi %scan3A_31, %scan3A_32 : i32
        %scan3A_34 = arith.constant 1 : i32
        scf.for %scan3A_38 = %scan3A_31 to %scan3A_33 step %scan3A_34  : i32 {
          %mul3A_39 = arith.constant 8 : i32
          %mul3A_40 = arith.muli %mul3A_39, %scan3A_38 : i32
          %add3A_41 = arith.constant 0 : i32
          %add3A_42 = arith.addi %mul3A_40, %add3A_41 : i32
          %get3A = arith.index_cast %add3A_42 : i32 to index
          %get3A_43 = arith.constant 0 : index
          %get3A_44 = tpu.vector_load %arg10[%get3A, %get3A_43] {strides = array<i32>} : memref<512x16xf32, #tpu.memory_space<vmem>>, vector<1x16xf32>,
          %get3A_45 = vector.shape_cast %get3A_44 : vector<1x16xf32> to vector<16xf32>
          %mul3A_46 = arith.constant 8 : i32
          %mul3A_47 = arith.muli %mul3A_46, %scan3A_38 : i32
          %add3A_48 = arith.constant 0 : i32
          %add3A_49 = arith.addi %mul3A_47, %add3A_48 : i32
          %get3A_50 = arith.index_cast %add3A_49 : i32 to index
          %get3A_51 = arith.constant 0 : index
          %get3A_52 = tpu.vector_load %arg11[%get3A_50, %get3A_51] {strides = array<i32>} : memref<512x16xf32, #tpu.memory_space<vmem>>, vector<1x16xf32>,
          %get3A_53 = vector.shape_cast %get3A_52 : vector<1x16xf32> to vector<16xf32>
          %add3A_54 = arith.addf %get3A_45, %get3A_53 : vector<16xf32>
          %get3A_55 = arith.index_cast %scan3A_38 : i32 to index
          %get3A_56 = arith.constant 0 : index
          %get3A_57 = tpu.vector_load %arg12[%get3A_55, %get3A_56] {strides = array<i32>} : memref<64x128xf32, #tpu.memory_space<vmem>>, vector<1x16xf32>,
          %get3A_58 = vector.shape_cast %get3A_57 : vector<1x16xf32> to vector<16xf32>
          %add3A_59 = arith.addf %add3A_54, %get3A_58 : vector<16xf32>
          %max3A = arith.constant 0.000000e+00 : f32
          %max3A_60 = vector.broadcast %max3A : f32 to vector<16xf32>
          %max3A_61 = arith.maximumf %add3A_59, %max3A_60 : vector<16xf32>
          %mul3A_62 = arith.constant 8 : i32
          %mul3A_63 = arith.muli %mul3A_62, %scan3A_38 : i32
          %add3A_64 = arith.constant 0 : i32
          %add3A_65 = arith.addi %mul3A_63, %add3A_64 : i32
          %swap3A = arith.index_cast %add3A_65 : i32 to index
          %swap3A_66 = arith.constant 0 : index
          %swap3A_67 = tpu.vector_load %arg13[%swap3A, %swap3A_66] {strides = array<i32>} : memref<512x16xf32, #tpu.memory_space<vmem>>, vector<1x16xf32>,
          %swap3A_68 = vector.shape_cast %swap3A_67 : vector<1x16xf32> to vector<16xf32>
          %swap3A_69 = vector.shape_cast %max3A_61 : vector<16xf32> to vector<1x16xf32>
          tpu.vector_store %arg13[%swap3A, %swap3A_66], %swap3A_69 {strides = array<i32>} : memref<512x16xf32, #tpu.memory_space<vmem>>, vector<1x16xf32>,
          %mul3A_70 = arith.constant 8 : i32
          %mul3A_71 = arith.muli %mul3A_70, %scan3A_38 : i32
          %add3A_72 = arith.constant 1 : i32
          %add3A_73 = arith.addi %mul3A_71, %add3A_72 : i32
          %get3A_74 = arith.index_cast %add3A_73 : i32 to index
          %get3A_75 = arith.constant 0 : index
          %get3A_76 = tpu.vector_load %arg10[%get3A_74, %get3A_75] {strides = array<i32>} : memref<512x16xf32, #tpu.memory_space<vmem>>, vector<1x16xf32>,
          %get3A_77 = vector.shape_cast %get3A_76 : vector<1x16xf32> to vector<16xf32>
          %mul3A_78 = arith.constant 8 : i32
          %mul3A_79 = arith.muli %mul3A_78, %scan3A_38 : i32
          %add3A_80 = arith.constant 1 : i32
          %add3A_81 = arith.addi %mul3A_79, %add3A_80 : i32
          %get3A_82 = arith.index_cast %add3A_81 : i32 to index
          %get3A_83 = arith.constant 0 : index
          %get3A_84 = tpu.vector_load %arg11[%get3A_82, %get3A_83] {strides = array<i32>} : memref<512x16xf32, #tpu.memory_space<vmem>>, vector<1x16xf32>,
          %get3A_85 = vector.shape_cast %get3A_84 : vector<1x16xf32> to vector<16xf32>
          %add3A_86 = arith.addf %get3A_77, %get3A_85 : vector<16xf32>
          %get3A_87 = arith.index_cast %scan3A_38 : i32 to index
          %get3A_88 = arith.constant 16 : index
          %get3A_89 = tpu.vector_load %arg12[%get3A_87, %get3A_88] {strides = array<i32>} : memref<64x128xf32, #tpu.memory_space<vmem>>, vector<1x16xf32>,
          %get3A_90 = vector.shape_cast %get3A_89 : vector<1x16xf32> to vector<16xf32>
          %add3A_91 = arith.addf %add3A_86, %get3A_90 : vector<16xf32>
          %max3A_92 = arith.constant 0.000000e+00 : f32
          %max3A_93 = vector.broadcast %max3A_92 : f32 to vector<16xf32>
          %max3A_94 = arith.maximumf %add3A_91, %max3A_93 : vector<16xf32>
          %mul3A_95 = arith.constant 8 : i32
          %mul3A_96 = arith.muli %mul3A_95, %scan3A_38 : i32
          %add3A_97 = arith.constant 1 : i32
          %add3A_98 = arith.addi %mul3A_96, %add3A_97 : i32
          %swap3A_99 = arith.index_cast %add3A_98 : i32 to index
          %swap3A_100 = arith.constant 0 : index
          %swap3A_101 = tpu.vector_load %arg13[%swap3A_99, %swap3A_100] {strides = array<i32>} : memref<512x16xf32, #tpu.memory_space<vmem>>, vector<1x16xf32>,
          %swap3A_102 = vector.shape_cast %swap3A_101 : vector<1x16xf32> to vector<16xf32>
          %swap3A_103 = vector.shape_cast %max3A_94 : vector<16xf32> to vector<1x16xf32>
          tpu.vector_store %arg13[%swap3A_99, %swap3A_100], %swap3A_103 {strides = array<i32>} : memref<512x16xf32, #tpu.memory_space<vmem>>, vector<1x16xf32>,
          %mul3A_104 = arith.constant 8 : i32
          %mul3A_105 = arith.muli %mul3A_104, %scan3A_38 : i32
          %add3A_106 = arith.constant 2 : i32
          %add3A_107 = arith.addi %mul3A_105, %add3A_106 : i32
          %get3A_108 = arith.index_cast %add3A_107 : i32 to index
          %get3A_109 = arith.constant 0 : index
          %get3A_110 = tpu.vector_load %arg10[%get3A_108, %get3A_109] {strides = array<i32>} : memref<512x16xf32, #tpu.memory_space<vmem>>, vector<1x16xf32>,
          %get3A_111 = vector.shape_cast %get3A_110 : vector<1x16xf32> to vector<16xf32>
          %mul3A_112 = arith.constant 8 : i32
          %mul3A_113 = arith.muli %mul3A_112, %scan3A_38 : i32
          %add3A_114 = arith.constant 2 : i32
          %add3A_115 = arith.addi %mul3A_113, %add3A_114 : i32
          %get3A_116 = arith.index_cast %add3A_115 : i32 to index
          %get3A_117 = arith.constant 0 : index
          %get3A_118 = tpu.vector_load %arg11[%get3A_116, %get3A_117] {strides = array<i32>} : memref<512x16xf32, #tpu.memory_space<vmem>>, vector<1x16xf32>,
          %get3A_119 = vector.shape_cast %get3A_118 : vector<1x16xf32> to vector<16xf32>
          %add3A_120 = arith.addf %get3A_111, %get3A_119 : vector<16xf32>
          %get3A_121 = arith.index_cast %scan3A_38 : i32 to index
          %get3A_122 = arith.constant 32 : index
          %get3A_123 = tpu.vector_load %arg12[%get3A_121, %get3A_122] {strides = array<i32>} : memref<64x128xf32, #tpu.memory_space<vmem>>, vector<1x16xf32>,
          %get3A_124 = vector.shape_cast %get3A_123 : vector<1x16xf32> to vector<16xf32>
          %add3A_125 = arith.addf %add3A_120, %get3A_124 : vector<16xf32>
          %max3A_126 = arith.constant 0.000000e+00 : f32
          %max3A_127 = vector.broadcast %max3A_126 : f32 to vector<16xf32>
          %max3A_128 = arith.maximumf %add3A_125, %max3A_127 : vector<16xf32>
          %mul3A_129 = arith.constant 8 : i32
          %mul3A_130 = arith.muli %mul3A_129, %scan3A_38 : i32
          %add3A_131 = arith.constant 2 : i32
          %add3A_132 = arith.addi %mul3A_130, %add3A_131 : i32
          %swap3A_133 = arith.index_cast %add3A_132 : i32 to index
          %swap3A_134 = arith.constant 0 : index
          %swap3A_135 = tpu.vector_load %arg13[%swap3A_133, %swap3A_134] {strides = array<i32>} : memref<512x16xf32, #tpu.memory_space<vmem>>, vector<1x16xf32>,
          %swap3A_136 = vector.shape_cast %swap3A_135 : vector<1x16xf32> to vector<16xf32>
          %swap3A_137 = vector.shape_cast %max3A_128 : vector<16xf32> to vector<1x16xf32>
          tpu.vector_store %arg13[%swap3A_133, %swap3A_134], %swap3A_137 {strides = array<i32>} : memref<512x16xf32, #tpu.memory_space<vmem>>, vector<1x16xf32>,
          %mul3A_138 = arith.constant 8 : i32
          %mul3A_139 = arith.muli %mul3A_138, %scan3A_38 : i32
          %add3A_140 = arith.constant 3 : i32
          %add3A_141 = arith.addi %mul3A_139, %add3A_140 : i32
          %get3A_142 = arith.index_cast %add3A_141 : i32 to index
          %get3A_143 = arith.constant 0 : index
          %get3A_144 = tpu.vector_load %arg10[%get3A_142, %get3A_143] {strides = array<i32>} : memref<512x16xf32, #tpu.memory_space<vmem>>, vector<1x16xf32>,
          %get3A_145 = vector.shape_cast %get3A_144 : vector<1x16xf32> to vector<16xf32>
          %mul3A_146 = arith.constant 8 : i32
          %mul3A_147 = arith.muli %mul3A_146, %scan3A_38 : i32
          %add3A_148 = arith.constant 3 : i32
          %add3A_149 = arith.addi %mul3A_147, %add3A_148 : i32
          %get3A_150 = arith.index_cast %add3A_149 : i32 to index
          %get3A_151 = arith.constant 0 : index
          %get3A_152 = tpu.vector_load %arg11[%get3A_150, %get3A_151] {strides = array<i32>} : memref<512x16xf32, #tpu.memory_space<vmem>>, vector<1x16xf32>,
          %get3A_153 = vector.shape_cast %get3A_152 : vector<1x16xf32> to vector<16xf32>
          %add3A_154 = arith.addf %get3A_145, %get3A_153 : vector<16xf32>
          %get3A_155 = arith.index_cast %scan3A_38 : i32 to index
          %get3A_156 = arith.constant 48 : index
          %get3A_157 = tpu.vector_load %arg12[%get3A_155, %get3A_156] {strides = array<i32>} : memref<64x128xf32, #tpu.memory_space<vmem>>, vector<1x16xf32>,
          %get3A_158 = vector.shape_cast %get3A_157 : vector<1x16xf32> to vector<16xf32>
          %add3A_159 = arith.addf %add3A_154, %get3A_158 : vector<16xf32>
          %max3A_160 = arith.constant 0.000000e+00 : f32
          %max3A_161 = vector.broadcast %max3A_160 : f32 to vector<16xf32>
          %max3A_162 = arith.maximumf %add3A_159, %max3A_161 : vector<16xf32>
          %mul3A_163 = arith.constant 8 : i32
          %mul3A_164 = arith.muli %mul3A_163, %scan3A_38 : i32
          %add3A_165 = arith.constant 3 : i32
          %add3A_166 = arith.addi %mul3A_164, %add3A_165 : i32
          %swap3A_167 = arith.index_cast %add3A_166 : i32 to index
          %swap3A_168 = arith.constant 0 : index
          %swap3A_169 = tpu.vector_load %arg13[%swap3A_167, %swap3A_168] {strides = array<i32>} : memref<512x16xf32, #tpu.memory_space<vmem>>, vector<1x16xf32>,
          %swap3A_170 = vector.shape_cast %swap3A_169 : vector<1x16xf32> to vector<16xf32>
          %swap3A_171 = vector.shape_cast %max3A_162 : vector<16xf32> to vector<1x16xf32>
          tpu.vector_store %arg13[%swap3A_167, %swap3A_168], %swap3A_171 {strides = array<i32>} : memref<512x16xf32, #tpu.memory_space<vmem>>, vector<1x16xf32>,
          %mul3A_172 = arith.constant 8 : i32
          %mul3A_173 = arith.muli %mul3A_172, %scan3A_38 : i32
          %add3A_174 = arith.constant 4 : i32
          %add3A_175 = arith.addi %mul3A_173, %add3A_174 : i32
          %get3A_176 = arith.index_cast %add3A_175 : i32 to index
          %get3A_177 = arith.constant 0 : index
          %get3A_178 = tpu.vector_load %arg10[%get3A_176, %get3A_177] {strides = array<i32>} : memref<512x16xf32, #tpu.memory_space<vmem>>, vector<1x16xf32>,
          %get3A_179 = vector.shape_cast %get3A_178 : vector<1x16xf32> to vector<16xf32>
          %mul3A_180 = arith.constant 8 : i32
          %mul3A_181 = arith.muli %mul3A_180, %scan3A_38 : i32
          %add3A_182 = arith.constant 4 : i32
          %add3A_183 = arith.addi %mul3A_181, %add3A_182 : i32
          %get3A_184 = arith.index_cast %add3A_183 : i32 to index
          %get3A_185 = arith.constant 0 : index
          %get3A_186 = tpu.vector_load %arg11[%get3A_184, %get3A_185] {strides = array<i32>} : memref<512x16xf32, #tpu.memory_space<vmem>>, vector<1x16xf32>,
          %get3A_187 = vector.shape_cast %get3A_186 : vector<1x16xf32> to vector<16xf32>
          %add3A_188 = arith.addf %get3A_179, %get3A_187 : vector<16xf32>
          %get3A_189 = arith.index_cast %scan3A_38 : i32 to index
          %get3A_190 = arith.constant 64 : index
          %get3A_191 = tpu.vector_load %arg12[%get3A_189, %get3A_190] {strides = array<i32>} : memref<64x128xf32, #tpu.memory_space<vmem>>, vector<1x16xf32>,
          %get3A_192 = vector.shape_cast %get3A_191 : vector<1x16xf32> to vector<16xf32>
          %add3A_193 = arith.addf %add3A_188, %get3A_192 : vector<16xf32>
          %max3A_194 = arith.constant 0.000000e+00 : f32
          %max3A_195 = vector.broadcast %max3A_194 : f32 to vector<16xf32>
          %max3A_196 = arith.maximumf %add3A_193, %max3A_195 : vector<16xf32>
          %mul3A_197 = arith.constant 8 : i32
          %mul3A_198 = arith.muli %mul3A_197, %scan3A_38 : i32
          %add3A_199 = arith.constant 4 : i32
          %add3A_200 = arith.addi %mul3A_198, %add3A_199 : i32
          %swap3A_201 = arith.index_cast %add3A_200 : i32 to index
          %swap3A_202 = arith.constant 0 : index
          %swap3A_203 = tpu.vector_load %arg13[%swap3A_201, %swap3A_202] {strides = array<i32>} : memref<512x16xf32, #tpu.memory_space<vmem>>, vector<1x16xf32>,
          %swap3A_204 = vector.shape_cast %swap3A_203 : vector<1x16xf32> to vector<16xf32>
          %swap3A_205 = vector.shape_cast %max3A_196 : vector<16xf32> to vector<1x16xf32>
          tpu.vector_store %arg13[%swap3A_201, %swap3A_202], %swap3A_205 {strides = array<i32>} : memref<512x16xf32, #tpu.memory_space<vmem>>, vector<1x16xf32>,
          %mul3A_206 = arith.constant 8 : i32
          %mul3A_207 = arith.muli %mul3A_206, %scan3A_38 : i32
          %add3A_208 = arith.constant 5 : i32
          %add3A_209 = arith.addi %mul3A_207, %add3A_208 : i32
          %get3A_210 = arith.index_cast %add3A_209 : i32 to index
          %get3A_211 = arith.constant 0 : index
          %get3A_212 = tpu.vector_load %arg10[%get3A_210, %get3A_211] {strides = array<i32>} : memref<512x16xf32, #tpu.memory_space<vmem>>, vector<1x16xf32>,
          %get3A_213 = vector.shape_cast %get3A_212 : vector<1x16xf32> to vector<16xf32>
          %mul3A_214 = arith.constant 8 : i32
          %mul3A_215 = arith.muli %mul3A_214, %scan3A_38 : i32
          %add3A_216 = arith.constant 5 : i32
          %add3A_217 = arith.addi %mul3A_215, %add3A_216 : i32
          %get3A_218 = arith.index_cast %add3A_217 : i32 to index
          %get3A_219 = arith.constant 0 : index
          %get3A_220 = tpu.vector_load %arg11[%get3A_218, %get3A_219] {strides = array<i32>} : memref<512x16xf32, #tpu.memory_space<vmem>>, vector<1x16xf32>,
          %get3A_221 = vector.shape_cast %get3A_220 : vector<1x16xf32> to vector<16xf32>
          %add3A_222 = arith.addf %get3A_213, %get3A_221 : vector<16xf32>
          %get3A_223 = arith.index_cast %scan3A_38 : i32 to index
          %get3A_224 = arith.constant 80 : index
          %get3A_225 = tpu.vector_load %arg12[%get3A_223, %get3A_224] {strides = array<i32>} : memref<64x128xf32, #tpu.memory_space<vmem>>, vector<1x16xf32>,
          %get3A_226 = vector.shape_cast %get3A_225 : vector<1x16xf32> to vector<16xf32>
          %add3A_227 = arith.addf %add3A_222, %get3A_226 : vector<16xf32>
          %max3A_228 = arith.constant 0.000000e+00 : f32
          %max3A_229 = vector.broadcast %max3A_228 : f32 to vector<16xf32>
          %max3A_230 = arith.maximumf %add3A_227, %max3A_229 : vector<16xf32>
          %mul3A_231 = arith.constant 8 : i32
          %mul3A_232 = arith.muli %mul3A_231, %scan3A_38 : i32
          %add3A_233 = arith.constant 5 : i32
          %add3A_234 = arith.addi %mul3A_232, %add3A_233 : i32
          %swap3A_235 = arith.index_cast %add3A_234 : i32 to index
          %swap3A_236 = arith.constant 0 : index
          %swap3A_237 = tpu.vector_load %arg13[%swap3A_235, %swap3A_236] {strides = array<i32>} : memref<512x16xf32, #tpu.memory_space<vmem>>, vector<1x16xf32>,
          %swap3A_238 = vector.shape_cast %swap3A_237 : vector<1x16xf32> to vector<16xf32>
          %swap3A_239 = vector.shape_cast %max3A_230 : vector<16xf32> to vector<1x16xf32>
          tpu.vector_store %arg13[%swap3A_235, %swap3A_236], %swap3A_239 {strides = array<i32>} : memref<512x16xf32, #tpu.memory_space<vmem>>, vector<1x16xf32>,
          %mul3A_240 = arith.constant 8 : i32
          %mul3A_241 = arith.muli %mul3A_240, %scan3A_38 : i32
          %add3A_242 = arith.constant 6 : i32
          %add3A_243 = arith.addi %mul3A_241, %add3A_242 : i32
          %get3A_244 = arith.index_cast %add3A_243 : i32 to index
          %get3A_245 = arith.constant 0 : index
          %get3A_246 = tpu.vector_load %arg10[%get3A_244, %get3A_245] {strides = array<i32>} : memref<512x16xf32, #tpu.memory_space<vmem>>, vector<1x16xf32>,
          %get3A_247 = vector.shape_cast %get3A_246 : vector<1x16xf32> to vector<16xf32>
          %mul3A_248 = arith.constant 8 : i32
          %mul3A_249 = arith.muli %mul3A_248, %scan3A_38 : i32
          %add3A_250 = arith.constant 6 : i32
          %add3A_251 = arith.addi %mul3A_249, %add3A_250 : i32
          %get3A_252 = arith.index_cast %add3A_251 : i32 to index
          %get3A_253 = arith.constant 0 : index
          %get3A_254 = tpu.vector_load %arg11[%get3A_252, %get3A_253] {strides = array<i32>} : memref<512x16xf32, #tpu.memory_space<vmem>>, vector<1x16xf32>,
          %get3A_255 = vector.shape_cast %get3A_254 : vector<1x16xf32> to vector<16xf32>
          %add3A_256 = arith.addf %get3A_247, %get3A_255 : vector<16xf32>
          %get3A_257 = arith.index_cast %scan3A_38 : i32 to index
          %get3A_258 = arith.constant 96 : index
          %get3A_259 = tpu.vector_load %arg12[%get3A_257, %get3A_258] {strides = array<i32>} : memref<64x128xf32, #tpu.memory_space<vmem>>, vector<1x16xf32>,
          %get3A_260 = vector.shape_cast %get3A_259 : vector<1x16xf32> to vector<16xf32>
          %add3A_261 = arith.addf %add3A_256, %get3A_260 : vector<16xf32>
          %max3A_262 = arith.constant 0.000000e+00 : f32
          %max3A_263 = vector.broadcast %max3A_262 : f32 to vector<16xf32>
          %max3A_264 = arith.maximumf %add3A_261, %max3A_263 : vector<16xf32>
          %mul3A_265 = arith.constant 8 : i32
          %mul3A_266 = arith.muli %mul3A_265, %scan3A_38 : i32
          %add3A_267 = arith.constant 6 : i32
          %add3A_268 = arith.addi %mul3A_266, %add3A_267 : i32
          %swap3A_269 = arith.index_cast %add3A_268 : i32 to index
          %swap3A_270 = arith.constant 0 : index
          %swap3A_271 = tpu.vector_load %arg13[%swap3A_269, %swap3A_270] {strides = array<i32>} : memref<512x16xf32, #tpu.memory_space<vmem>>, vector<1x16xf32>,
          %swap3A_272 = vector.shape_cast %swap3A_271 : vector<1x16xf32> to vector<16xf32>
          %swap3A_273 = vector.shape_cast %max3A_264 : vector<16xf32> to vector<1x16xf32>
          tpu.vector_store %arg13[%swap3A_269, %swap3A_270], %swap3A_273 {strides = array<i32>} : memref<512x16xf32, #tpu.memory_space<vmem>>, vector<1x16xf32>,
          %mul3A_274 = arith.constant 8 : i32
          %mul3A_275 = arith.muli %mul3A_274, %scan3A_38 : i32
          %add3A_276 = arith.constant 7 : i32
          %add3A_277 = arith.addi %mul3A_275, %add3A_276 : i32
          %get3A_278 = arith.index_cast %add3A_277 : i32 to index
          %get3A_279 = arith.constant 0 : index
          %get3A_280 = tpu.vector_load %arg10[%get3A_278, %get3A_279] {strides = array<i32>} : memref<512x16xf32, #tpu.memory_space<vmem>>, vector<1x16xf32>,
          %get3A_281 = vector.shape_cast %get3A_280 : vector<1x16xf32> to vector<16xf32>
          %mul3A_282 = arith.constant 8 : i32
          %mul3A_283 = arith.muli %mul3A_282, %scan3A_38 : i32
          %add3A_284 = arith.constant 7 : i32
          %add3A_285 = arith.addi %mul3A_283, %add3A_284 : i32
          %get3A_286 = arith.index_cast %add3A_285 : i32 to index
          %get3A_287 = arith.constant 0 : index
          %get3A_288 = tpu.vector_load %arg11[%get3A_286, %get3A_287] {strides = array<i32>} : memref<512x16xf32, #tpu.memory_space<vmem>>, vector<1x16xf32>,
          %get3A_289 = vector.shape_cast %get3A_288 : vector<1x16xf32> to vector<16xf32>
          %add3A_290 = arith.addf %get3A_281, %get3A_289 : vector<16xf32>
          %get3A_291 = arith.index_cast %scan3A_38 : i32 to index
          %get3A_292 = arith.constant 112 : index
          %get3A_293 = tpu.vector_load %arg12[%get3A_291, %get3A_292] {strides = array<i32>} : memref<64x128xf32, #tpu.memory_space<vmem>>, vector<1x16xf32>,
          %get3A_294 = vector.shape_cast %get3A_293 : vector<1x16xf32> to vector<16xf32>
          %add3A_295 = arith.addf %add3A_290, %get3A_294 : vector<16xf32>
          %max3A_296 = arith.constant 0.000000e+00 : f32
          %max3A_297 = vector.broadcast %max3A_296 : f32 to vector<16xf32>
          %max3A_298 = arith.maximumf %add3A_295, %max3A_297 : vector<16xf32>
          %mul3A_299 = arith.constant 8 : i32
          %mul3A_300 = arith.muli %mul3A_299, %scan3A_38 : i32
          %add3A_301 = arith.constant 7 : i32
          %add3A_302 = arith.addi %mul3A_300, %add3A_301 : i32
          %swap3A_303 = arith.index_cast %add3A_302 : i32 to index
          %swap3A_304 = arith.constant 0 : index
          %swap3A_305 = tpu.vector_load %arg13[%swap3A_303, %swap3A_304] {strides = array<i32>} : memref<512x16xf32, #tpu.memory_space<vmem>>, vector<1x16xf32>,
          %swap3A_306 = vector.shape_cast %swap3A_305 : vector<1x16xf32> to vector<16xf32>
          %swap3A_307 = vector.shape_cast %max3A_298 : vector<16xf32> to vector<1x16xf32>
          tpu.vector_store %arg13[%swap3A_303, %swap3A_304], %swap3A_307 {strides = array<i32>} : memref<512x16xf32, #tpu.memory_space<vmem>>, vector<1x16xf32>,
        }
        %scan3A_35 = arith.constant 64 : i32
        %mul3A_36 = arith.constant 512 : i32
        %mul3A_37 = arith.muli %add3A_16, %mul3A_36 : i32
        "tpu.region"() ({
          %run_scoped3A_38 = tpu.sem_alloc : memref<!tpu.dma_semaphore, #tpu.memory_space<semaphore_mem>>
          %dma_start3A = arith.constant 0 : i32
          %dma_start3A_39 = tpu.memref_slice %arg7[%mul3A_37, %dma_start3A] : memref<320000x16xf32, #tpu.memory_space<hbm>> -> memref<512x16xf32, #tpu.memory_space<hbm>>
          %dma_start3A_40 = arith.constant 0 : i32
          %dma_start3A_41 = tpu.memref_slice %arg7[%mul3A_37, %dma_start3A_40] : memref<320000x16xf32, #tpu.memory_space<hbm>> -> memref<512x16xf32, #tpu.memory_space<hbm>>
          tpu.enqueue_dma source(%arg13 : memref<512x16xf32, #tpu.memory_space<vmem>>) target(%dma_start3A_41 : memref<512x16xf32, #tpu.memory_space<hbm>>) target_semaphore(%run_scoped3A_38 : memref<!tpu.dma_semaphore, #tpu.memory_space<semaphore_mem>>)
          %dma_wait3A = arith.constant 0 : i32
          %dma_wait3A_42 = tpu.memref_slice %arg7[%mul3A_37, %dma_wait3A] : memref<320000x16xf32, #tpu.memory_space<hbm>> -> memref<512x16xf32, #tpu.memory_space<hbm>>
          %dma_wait3A_43 = arith.constant 0 : i32
          %dma_wait3A_44 = tpu.memref_slice %arg7[%mul3A_37, %dma_wait3A_43] : memref<320000x16xf32, #tpu.memory_space<hbm>> -> memref<512x16xf32, #tpu.memory_space<hbm>>
          tpu.wait_dma2 semaphore(%run_scoped3A_38 : memref<!tpu.dma_semaphore, #tpu.memory_space<semaphore_mem>>) src(%arg13 : memref<512x16xf32, #tpu.memory_space<vmem>>) dst(%dma_wait3A_44 : memref<512x16xf32, #tpu.memory_space<hbm>>)
          tpu.yield
        }) : () -> ()
      } else {
      }
    }
    %scan3A_12 = arith.constant 20 : i32
    return
  }
}

module attributes {stable_mosaic.version = 14 : i64} {
  func.func @_pq_body(%arg0: i32, %arg1: memref<2000x128xf32, #tpu.memory_space<vmem>>, %arg2: memref<128x16xf32, #tpu.memory_space<vmem>>, %arg3: memref<128x16xf32, #tpu.memory_space<vmem>>, %arg4: memref<2000x16xf32, #tpu.memory_space<vmem>>, %arg5: memref<2000x16xf32, #tpu.memory_space<vmem>>) attributes {dimension_semantics = [#tpu.dimension_semantics<arbitrary>], iteration_bounds = array<i64: 5>, scalar_prefetch = 0 : i64, scratch_operands = 0 : i64, tpu.core_type = #tpu.core_type<tc>, window_params = [{transform_indices = @transform_0, window_bounds = array<i64: 2000, 128>}, {pipeline_mode = #tpu.pipeline_mode<synchronous>, transform_indices = @transform_1, window_bounds = array<i64: 128, 16>}, {pipeline_mode = #tpu.pipeline_mode<synchronous>, transform_indices = @transform_2, window_bounds = array<i64: 128, 16>}, {transform_indices = @transform_3, window_bounds = array<i64: 2000, 16>}, {transform_indices = @transform_4, window_bounds = array<i64: 2000, 16>}]} {
    %get3A = arith.constant 0 : index
    %get3A_0 = arith.constant 0 : index
    %get3A_1 = vector.load %arg1[%get3A, %get3A_0] : memref<2000x128xf32, #tpu.memory_space<vmem>>, vector<2000x128xf32>
    %get3A_2 = arith.constant 0 : index
    %get3A_3 = arith.constant 0 : index
    %get3A_4 = vector.load %arg2[%get3A_2, %get3A_3] : memref<128x16xf32, #tpu.memory_space<vmem>>, vector<128x16xf32>
    %dot_general3A = arith.constant dense<0.000000e+00> : vector<2000x16xf32>
    %dot_general3A_5 = tpu.matmul %get3A_1, %get3A_4, %dot_general3A {dimension_numbers = #tpu.dot_dimension_numbers<[1], [0], [0], [1], [0, 0, 1, 1], [], []>, transpose_lhs_hint = false} : vector<2000x128xf32>, vector<128x16xf32>, vector<2000x16xf32> -> vector<2000x16xf32>
    %swap3A = arith.constant 0 : index
    %swap3A_6 = arith.constant 0 : index
    %swap3A_7 = vector.load %arg4[%swap3A, %swap3A_6] : memref<2000x16xf32, #tpu.memory_space<vmem>>, vector<2000x16xf32>
    tpu.vector_store %arg4[%swap3A, %swap3A_6], %dot_general3A_5 {strides = array<i32>} : memref<2000x16xf32, #tpu.memory_space<vmem>>, vector<2000x16xf32>,
    %get3A_8 = arith.constant 0 : index
    %get3A_9 = arith.constant 0 : index
    %get3A_10 = vector.load %arg3[%get3A_8, %get3A_9] : memref<128x16xf32, #tpu.memory_space<vmem>>, vector<128x16xf32>
    %dot_general3A_11 = arith.constant dense<0.000000e+00> : vector<2000x16xf32>
    %dot_general3A_12 = tpu.matmul %get3A_1, %get3A_10, %dot_general3A_11 {dimension_numbers = #tpu.dot_dimension_numbers<[1], [0], [0], [1], [0, 0, 1, 1], [], []>, transpose_lhs_hint = false} : vector<2000x128xf32>, vector<128x16xf32>, vector<2000x16xf32> -> vector<2000x16xf32>
    %swap3A_13 = arith.constant 0 : index
    %swap3A_14 = arith.constant 0 : index
    %swap3A_15 = vector.load %arg5[%swap3A_13, %swap3A_14] : memref<2000x16xf32, #tpu.memory_space<vmem>>, vector<2000x16xf32>
    tpu.vector_store %arg5[%swap3A_13, %swap3A_14], %dot_general3A_12 {strides = array<i32>} : memref<2000x16xf32, #tpu.memory_space<vmem>>, vector<2000x16xf32>,
    return
  }
  func.func @transform_0(%arg0: i32) -> (i32, i32) {
    %c0_i32 = arith.constant 0 : i32
    %c0_i32_0 = arith.constant 0 : i32
    return %arg0, %c0_i32 : i32, i32
  }
  func.func @transform_1(%arg0: i32) -> (i32, i32) {
    %c0_i32 = arith.constant 0 : i32
    %c0_i32_0 = arith.constant 0 : i32
    %c0_i32_1 = arith.constant 0 : i32
    return %c0_i32, %c0_i32_0 : i32, i32
  }
  func.func @transform_2(%arg0: i32) -> (i32, i32) {
    %c0_i32 = arith.constant 0 : i32
    %c0_i32_0 = arith.constant 0 : i32
    %c0_i32_1 = arith.constant 0 : i32
    return %c0_i32, %c0_i32_0 : i32, i32
  }
  func.func @transform_3(%arg0: i32) -> (i32, i32) {
    %c0_i32 = arith.constant 0 : i32
    %c0_i32_0 = arith.constant 0 : i32
    return %arg0, %c0_i32 : i32, i32
  }
  func.func @transform_4(%arg0: i32) -> (i32, i32) {
    %c0_i32 = arith.constant 0 : i32
    %c0_i32_0 = arith.constant 0 : i32
    return %arg0, %c0_i32 : i32, i32
  }
}

module attributes {stable_mosaic.version = 14 : i64} {
  func.func @_r_body(%arg0: i32, %arg1: memref<2000x128xf32, #tpu.memory_space<vmem>>, %arg2: memref<128x128xf32, #tpu.memory_space<vmem>>, %arg3: memref<1x128xf32, #tpu.memory_space<vmem>>, %arg4: memref<2000x128xf32, #tpu.memory_space<vmem>>) attributes {dimension_semantics = [#tpu.dimension_semantics<arbitrary>], iteration_bounds = array<i64: 20>, scalar_prefetch = 0 : i64, scratch_operands = 0 : i64, tpu.core_type = #tpu.core_type<tc>, window_params = [{transform_indices = @transform_0, window_bounds = array<i64: 2000, 128>}, {pipeline_mode = #tpu.pipeline_mode<synchronous>, transform_indices = @transform_1, window_bounds = array<i64: 128, 128>}, {pipeline_mode = #tpu.pipeline_mode<synchronous>, transform_indices = @transform_2, window_bounds = array<i64: 1, 128>}, {transform_indices = @transform_3, window_bounds = array<i64: 2000, 128>}]} {
    %get3A = arith.constant 0 : index
    %get3A_0 = arith.constant 0 : index
    %get3A_1 = vector.load %arg1[%get3A, %get3A_0] : memref<2000x128xf32, #tpu.memory_space<vmem>>, vector<2000x128xf32>
    %get3A_2 = arith.constant 0 : index
    %get3A_3 = arith.constant 0 : index
    %get3A_4 = vector.load %arg2[%get3A_2, %get3A_3] : memref<128x128xf32, #tpu.memory_space<vmem>>, vector<128x128xf32>
    %dot_general3A = arith.constant dense<0.000000e+00> : vector<2000x128xf32>
    %dot_general3A_5 = tpu.matmul %get3A_1, %get3A_4, %dot_general3A {dimension_numbers = #tpu.dot_dimension_numbers<[1], [0], [0], [1], [0, 0, 1, 1], [], []>, transpose_lhs_hint = false} : vector<2000x128xf32>, vector<128x128xf32>, vector<2000x128xf32> -> vector<2000x128xf32>
    %get3A_6 = arith.constant 0 : index
    %get3A_7 = arith.constant 0 : index
    %get3A_8 = vector.load %arg3[%get3A_6, %get3A_7] : memref<1x128xf32, #tpu.memory_space<vmem>>, vector<1x128xf32>
    %add3A = vector.broadcast %get3A_8 : vector<1x128xf32> to vector<2000x128xf32>
    %add3A_9 = arith.addf %dot_general3A_5, %add3A : vector<2000x128xf32>
    %swap3A = arith.constant 0 : index
    %swap3A_10 = arith.constant 0 : index
    %swap3A_11 = vector.load %arg4[%swap3A, %swap3A_10] : memref<2000x128xf32, #tpu.memory_space<vmem>>, vector<2000x128xf32>
    tpu.vector_store %arg4[%swap3A, %swap3A_10], %add3A_9 {strides = array<i32>} : memref<2000x128xf32, #tpu.memory_space<vmem>>, vector<2000x128xf32>,
    return
  }
  func.func @transform_0(%arg0: i32) -> (i32, i32) {
    %c0_i32 = arith.constant 0 : i32
    %c0_i32_0 = arith.constant 0 : i32
    return %arg0, %c0_i32 : i32, i32
  }
  func.func @transform_1(%arg0: i32) -> (i32, i32) {
    %c0_i32 = arith.constant 0 : i32
    %c0_i32_0 = arith.constant 0 : i32
    %c0_i32_1 = arith.constant 0 : i32
    return %c0_i32, %c0_i32_0 : i32, i32
  }
  func.func @transform_2(%arg0: i32) -> (i32, i32) {
    %c0_i32 = arith.constant 0 : i32
    %c0_i32_0 = arith.constant 0 : i32
    %c0_i32_1 = arith.constant 0 : i32
    return %c0_i32, %c0_i32_0 : i32, i32
  }
  func.func @transform_3(%arg0: i32) -> (i32, i32) {
    %c0_i32 = arith.constant 0 : i32
    %c0_i32_0 = arith.constant 0 : i32
    return %arg0, %c0_i32 : i32, i32
  }
}

module attributes {stable_mosaic.version = 14 : i64} {
  func.func @_node_body(%arg0: i32, %arg1: memref<2000x128xf32, #tpu.memory_space<vmem>>, %arg2: memref<2000x16xf32, #tpu.memory_space<vmem>>, %arg3: memref<2000x16xf32, #tpu.memory_space<vmem>>, %arg4: memref<128x128xf32, #tpu.memory_space<vmem>>, %arg5: memref<16x128xf32, #tpu.memory_space<vmem>>, %arg6: memref<1x128xf32, #tpu.memory_space<vmem>>, %arg7: memref<128x16xf32, #tpu.memory_space<vmem>>, %arg8: memref<128x16xf32, #tpu.memory_space<vmem>>, %arg9: memref<2000x128xf32, #tpu.memory_space<vmem>>, %arg10: memref<2000x16xf32, #tpu.memory_space<vmem>>, %arg11: memref<2000x16xf32, #tpu.memory_space<vmem>>) attributes {dimension_semantics = [#tpu.dimension_semantics<arbitrary>], iteration_bounds = array<i64: 5>, scalar_prefetch = 0 : i64, scratch_operands = 0 : i64, tpu.core_type = #tpu.core_type<tc>, window_params = [{transform_indices = @transform_0, window_bounds = array<i64: 2000, 128>}, {transform_indices = @transform_1, window_bounds = array<i64: 2000, 16>}, {transform_indices = @transform_2, window_bounds = array<i64: 2000, 16>}, {pipeline_mode = #tpu.pipeline_mode<synchronous>, transform_indices = @transform_3, window_bounds = array<i64: 128, 128>}, {pipeline_mode = #tpu.pipeline_mode<synchronous>, transform_indices = @transform_4, window_bounds = array<i64: 16, 128>}, {pipeline_mode = #tpu.pipeline_mode<synchronous>, transform_indices = @transform_5, window_bounds = array<i64: 1, 128>}, {pipeline_mode = #tpu.pipeline_mode<synchronous>, transform_indices = @transform_6, window_bounds = array<i64: 128, 16>}, {pipeline_mode = #tpu.pipeline_mode<synchronous>, transform_indices = @transform_7, window_bounds = array<i64: 128, 16>}, {transform_indices = @transform_8, window_bounds = array<i64: 2000, 128>}, {transform_indices = @transform_9, window_bounds = array<i64: 2000, 16>}, {transform_indices = @transform_10, window_bounds = array<i64: 2000, 16>}]} {
    %get3A = arith.constant 0 : index
    %get3A_0 = arith.constant 0 : index
    %get3A_1 = vector.load %arg1[%get3A, %get3A_0] : memref<2000x128xf32, #tpu.memory_space<vmem>>, vector<2000x128xf32>
    %get3A_2 = arith.constant 0 : index
    %get3A_3 = arith.constant 0 : index
    %get3A_4 = vector.load %arg2[%get3A_2, %get3A_3] : memref<2000x16xf32, #tpu.memory_space<vmem>>, vector<2000x16xf32>
    %get3A_5 = arith.constant 0 : index
    %get3A_6 = arith.constant 0 : index
    %get3A_7 = vector.load %arg3[%get3A_5, %get3A_6] : memref<2000x16xf32, #tpu.memory_space<vmem>>, vector<2000x16xf32>
    %add3A = arith.addf %get3A_4, %get3A_7 : vector<2000x16xf32>
    %get3A_8 = arith.constant 0 : index
    %get3A_9 = arith.constant 0 : index
    %get3A_10 = vector.load %arg4[%get3A_8, %get3A_9] : memref<128x128xf32, #tpu.memory_space<vmem>>, vector<128x128xf32>
    %dot_general3A = arith.constant dense<0.000000e+00> : vector<2000x128xf32>
    %dot_general3A_11 = tpu.matmul %get3A_1, %get3A_10, %dot_general3A {dimension_numbers = #tpu.dot_dimension_numbers<[1], [0], [0], [1], [0, 0, 1, 1], [], []>, transpose_lhs_hint = false} : vector<2000x128xf32>, vector<128x128xf32>, vector<2000x128xf32> -> vector<2000x128xf32>
    %get3A_12 = arith.constant 0 : index
    %get3A_13 = arith.constant 0 : index
    %get3A_14 = vector.load %arg5[%get3A_12, %get3A_13] : memref<16x128xf32, #tpu.memory_space<vmem>>, vector<16x128xf32>
    %dot_general3A_15 = arith.constant dense<0.000000e+00> : vector<2000x128xf32>
    %dot_general3A_16 = tpu.matmul %add3A, %get3A_14, %dot_general3A_15 {dimension_numbers = #tpu.dot_dimension_numbers<[1], [0], [0], [1], [0, 0, 1, 1], [], []>, transpose_lhs_hint = false} : vector<2000x16xf32>, vector<16x128xf32>, vector<2000x128xf32> -> vector<2000x128xf32>
    %add3A_17 = arith.addf %dot_general3A_11, %dot_general3A_16 : vector<2000x128xf32>
    %get3A_18 = arith.constant 0 : index
    %get3A_19 = arith.constant 0 : index
    %get3A_20 = vector.load %arg6[%get3A_18, %get3A_19] : memref<1x128xf32, #tpu.memory_space<vmem>>, vector<1x128xf32>
    %add3A_21 = vector.broadcast %get3A_20 : vector<1x128xf32> to vector<2000x128xf32>
    %add3A_22 = arith.addf %add3A_17, %add3A_21 : vector<2000x128xf32>
    %max3A = arith.constant 0.000000e+00 : f32
    %max3A_23 = vector.broadcast %max3A : f32 to vector<2000x128xf32>
    %max3A_24 = arith.maximumf %add3A_22, %max3A_23 : vector<2000x128xf32>
    %swap3A = arith.constant 0 : index
    %swap3A_25 = arith.constant 0 : index
    %swap3A_26 = vector.load %arg9[%swap3A, %swap3A_25] : memref<2000x128xf32, #tpu.memory_space<vmem>>, vector<2000x128xf32>
    tpu.vector_store %arg9[%swap3A, %swap3A_25], %max3A_24 {strides = array<i32>} : memref<2000x128xf32, #tpu.memory_space<vmem>>, vector<2000x128xf32>,
    %get3A_27 = arith.constant 0 : index
    %get3A_28 = arith.constant 0 : index
    %get3A_29 = vector.load %arg7[%get3A_27, %get3A_28] : memref<128x16xf32, #tpu.memory_space<vmem>>, vector<128x16xf32>
    %dot_general3A_30 = arith.constant dense<0.000000e+00> : vector<2000x16xf32>
    %dot_general3A_31 = tpu.matmul %max3A_24, %get3A_29, %dot_general3A_30 {dimension_numbers = #tpu.dot_dimension_numbers<[1], [0], [0], [1], [0, 0, 1, 1], [], []>, transpose_lhs_hint = false} : vector<2000x128xf32>, vector<128x16xf32>, vector<2000x16xf32> -> vector<2000x16xf32>
    %swap3A_32 = arith.constant 0 : index
    %swap3A_33 = arith.constant 0 : index
    %swap3A_34 = vector.load %arg10[%swap3A_32, %swap3A_33] : memref<2000x16xf32, #tpu.memory_space<vmem>>, vector<2000x16xf32>
    tpu.vector_store %arg10[%swap3A_32, %swap3A_33], %dot_general3A_31 {strides = array<i32>} : memref<2000x16xf32, #tpu.memory_space<vmem>>, vector<2000x16xf32>,
    %get3A_35 = arith.constant 0 : index
    %get3A_36 = arith.constant 0 : index
    %get3A_37 = vector.load %arg8[%get3A_35, %get3A_36] : memref<128x16xf32, #tpu.memory_space<vmem>>, vector<128x16xf32>
    %dot_general3A_38 = arith.constant dense<0.000000e+00> : vector<2000x16xf32>
    %dot_general3A_39 = tpu.matmul %max3A_24, %get3A_37, %dot_general3A_38 {dimension_numbers = #tpu.dot_dimension_numbers<[1], [0], [0], [1], [0, 0, 1, 1], [], []>, transpose_lhs_hint = false} : vector<2000x128xf32>, vector<128x16xf32>, vector<2000x16xf32> -> vector<2000x16xf32>
    %swap3A_40 = arith.constant 0 : index
    %swap3A_41 = arith.constant 0 : index
    %swap3A_42 = vector.load %arg11[%swap3A_40, %swap3A_41] : memref<2000x16xf32, #tpu.memory_space<vmem>>, vector<2000x16xf32>
    tpu.vector_store %arg11[%swap3A_40, %swap3A_41], %dot_general3A_39 {strides = array<i32>} : memref<2000x16xf32, #tpu.memory_space<vmem>>, vector<2000x16xf32>,
    return
  }
  func.func @transform_0(%arg0: i32) -> (i32, i32) {
    %c0_i32 = arith.constant 0 : i32
    %c0_i32_0 = arith.constant 0 : i32
    return %arg0, %c0_i32 : i32, i32
  }
  func.func @transform_1(%arg0: i32) -> (i32, i32) {
    %c0_i32 = arith.constant 0 : i32
    %c0_i32_0 = arith.constant 0 : i32
    return %arg0, %c0_i32 : i32, i32
  }
  func.func @transform_2(%arg0: i32) -> (i32, i32) {
    %c0_i32 = arith.constant 0 : i32
    %c0_i32_0 = arith.constant 0 : i32
    return %arg0, %c0_i32 : i32, i32
  }
  func.func @transform_3(%arg0: i32) -> (i32, i32) {
    %c0_i32 = arith.constant 0 : i32
    %c0_i32_0 = arith.constant 0 : i32
    %c0_i32_1 = arith.constant 0 : i32
    return %c0_i32, %c0_i32_0 : i32, i32
  }
  func.func @transform_4(%arg0: i32) -> (i32, i32) {
    %c0_i32 = arith.constant 0 : i32
    %c0_i32_0 = arith.constant 0 : i32
    %c0_i32_1 = arith.constant 0 : i32
    return %c0_i32, %c0_i32_0 : i32, i32
  }
  func.func @transform_5(%arg0: i32) -> (i32, i32) {
    %c0_i32 = arith.constant 0 : i32
    %c0_i32_0 = arith.constant 0 : i32
    %c0_i32_1 = arith.constant 0 : i32
    return %c0_i32, %c0_i32_0 : i32, i32
  }
  func.func @transform_6(%arg0: i32) -> (i32, i32) {
    %c0_i32 = arith.constant 0 : i32
    %c0_i32_0 = arith.constant 0 : i32
    %c0_i32_1 = arith.constant 0 : i32
    return %c0_i32, %c0_i32_0 : i32, i32
  }
  func.func @transform_7(%arg0: i32) -> (i32, i32) {
    %c0_i32 = arith.constant 0 : i32
    %c0_i32_0 = arith.constant 0 : i32
    %c0_i32_1 = arith.constant 0 : i32
    return %c0_i32, %c0_i32_0 : i32, i32
  }
  func.func @transform_8(%arg0: i32) -> (i32, i32) {
    %c0_i32 = arith.constant 0 : i32
    %c0_i32_0 = arith.constant 0 : i32
    return %arg0, %c0_i32 : i32, i32
  }
  func.func @transform_9(%arg0: i32) -> (i32, i32) {
    %c0_i32 = arith.constant 0 : i32
    %c0_i32_0 = arith.constant 0 : i32
    return %arg0, %c0_i32 : i32, i32
  }
  func.func @transform_10(%arg0: i32) -> (i32, i32) {
    %c0_i32 = arith.constant 0 : i32
    %c0_i32_0 = arith.constant 0 : i32
    return %arg0, %c0_i32 : i32, i32
  }
}

module attributes {stable_mosaic.version = 14 : i64} {
  func.func @_node_body(%arg0: i32, %arg1: memref<2000x128xf32, #tpu.memory_space<vmem>>, %arg2: memref<2000x16xf32, #tpu.memory_space<vmem>>, %arg3: memref<2000x16xf32, #tpu.memory_space<vmem>>, %arg4: memref<128x128xf32, #tpu.memory_space<vmem>>, %arg5: memref<16x128xf32, #tpu.memory_space<vmem>>, %arg6: memref<1x128xf32, #tpu.memory_space<vmem>>, %arg7: memref<128x16xf32, #tpu.memory_space<vmem>>, %arg8: memref<128x16xf32, #tpu.memory_space<vmem>>, %arg9: memref<2000x128xf32, #tpu.memory_space<vmem>>, %arg10: memref<2000x16xf32, #tpu.memory_space<vmem>>, %arg11: memref<2000x16xf32, #tpu.memory_space<vmem>>) attributes {dimension_semantics = [#tpu.dimension_semantics<arbitrary>], iteration_bounds = array<i64: 5>, scalar_prefetch = 0 : i64, scratch_operands = 0 : i64, tpu.core_type = #tpu.core_type<tc>, window_params = [{transform_indices = @transform_0, window_bounds = array<i64: 2000, 128>}, {transform_indices = @transform_1, window_bounds = array<i64: 2000, 16>}, {transform_indices = @transform_2, window_bounds = array<i64: 2000, 16>}, {pipeline_mode = #tpu.pipeline_mode<synchronous>, transform_indices = @transform_3, window_bounds = array<i64: 128, 128>}, {pipeline_mode = #tpu.pipeline_mode<synchronous>, transform_indices = @transform_4, window_bounds = array<i64: 16, 128>}, {pipeline_mode = #tpu.pipeline_mode<synchronous>, transform_indices = @transform_5, window_bounds = array<i64: 1, 128>}, {pipeline_mode = #tpu.pipeline_mode<synchronous>, transform_indices = @transform_6, window_bounds = array<i64: 128, 16>}, {pipeline_mode = #tpu.pipeline_mode<synchronous>, transform_indices = @transform_7, window_bounds = array<i64: 128, 16>}, {transform_indices = @transform_8, window_bounds = array<i64: 2000, 128>}, {transform_indices = @transform_9, window_bounds = array<i64: 2000, 16>}, {transform_indices = @transform_10, window_bounds = array<i64: 2000, 16>}]} {
    %get3A = arith.constant 0 : index
    %get3A_0 = arith.constant 0 : index
    %get3A_1 = vector.load %arg1[%get3A, %get3A_0] : memref<2000x128xf32, #tpu.memory_space<vmem>>, vector<2000x128xf32>
    %get3A_2 = arith.constant 0 : index
    %get3A_3 = arith.constant 0 : index
    %get3A_4 = vector.load %arg2[%get3A_2, %get3A_3] : memref<2000x16xf32, #tpu.memory_space<vmem>>, vector<2000x16xf32>
    %get3A_5 = arith.constant 0 : index
    %get3A_6 = arith.constant 0 : index
    %get3A_7 = vector.load %arg3[%get3A_5, %get3A_6] : memref<2000x16xf32, #tpu.memory_space<vmem>>, vector<2000x16xf32>
    %add3A = arith.addf %get3A_4, %get3A_7 : vector<2000x16xf32>
    %get3A_8 = arith.constant 0 : index
    %get3A_9 = arith.constant 0 : index
    %get3A_10 = vector.load %arg4[%get3A_8, %get3A_9] : memref<128x128xf32, #tpu.memory_space<vmem>>, vector<128x128xf32>
    %dot_general3A = arith.constant dense<0.000000e+00> : vector<2000x128xf32>
    %dot_general3A_11 = tpu.matmul %get3A_1, %get3A_10, %dot_general3A {dimension_numbers = #tpu.dot_dimension_numbers<[1], [0], [0], [1], [0, 0, 1, 1], [], []>, transpose_lhs_hint = false} : vector<2000x128xf32>, vector<128x128xf32>, vector<2000x128xf32> -> vector<2000x128xf32>
    %get3A_12 = arith.constant 0 : index
    %get3A_13 = arith.constant 0 : index
    %get3A_14 = vector.load %arg5[%get3A_12, %get3A_13] : memref<16x128xf32, #tpu.memory_space<vmem>>, vector<16x128xf32>
    %dot_general3A_15 = arith.constant dense<0.000000e+00> : vector<2000x128xf32>
    %dot_general3A_16 = tpu.matmul %add3A, %get3A_14, %dot_general3A_15 {dimension_numbers = #tpu.dot_dimension_numbers<[1], [0], [0], [1], [0, 0, 1, 1], [], []>, transpose_lhs_hint = false} : vector<2000x16xf32>, vector<16x128xf32>, vector<2000x128xf32> -> vector<2000x128xf32>
    %add3A_17 = arith.addf %dot_general3A_11, %dot_general3A_16 : vector<2000x128xf32>
    %get3A_18 = arith.constant 0 : index
    %get3A_19 = arith.constant 0 : index
    %get3A_20 = vector.load %arg6[%get3A_18, %get3A_19] : memref<1x128xf32, #tpu.memory_space<vmem>>, vector<1x128xf32>
    %add3A_21 = vector.broadcast %get3A_20 : vector<1x128xf32> to vector<2000x128xf32>
    %add3A_22 = arith.addf %add3A_17, %add3A_21 : vector<2000x128xf32>
    %max3A = arith.constant 0.000000e+00 : f32
    %max3A_23 = vector.broadcast %max3A : f32 to vector<2000x128xf32>
    %max3A_24 = arith.maximumf %add3A_22, %max3A_23 : vector<2000x128xf32>
    %add3A_25 = arith.addf %max3A_24, %get3A_1 : vector<2000x128xf32>
    %swap3A = arith.constant 0 : index
    %swap3A_26 = arith.constant 0 : index
    %swap3A_27 = vector.load %arg9[%swap3A, %swap3A_26] : memref<2000x128xf32, #tpu.memory_space<vmem>>, vector<2000x128xf32>
    tpu.vector_store %arg9[%swap3A, %swap3A_26], %add3A_25 {strides = array<i32>} : memref<2000x128xf32, #tpu.memory_space<vmem>>, vector<2000x128xf32>,
    %get3A_28 = arith.constant 0 : index
    %get3A_29 = arith.constant 0 : index
    %get3A_30 = vector.load %arg7[%get3A_28, %get3A_29] : memref<128x16xf32, #tpu.memory_space<vmem>>, vector<128x16xf32>
    %dot_general3A_31 = arith.constant dense<0.000000e+00> : vector<2000x16xf32>
    %dot_general3A_32 = tpu.matmul %add3A_25, %get3A_30, %dot_general3A_31 {dimension_numbers = #tpu.dot_dimension_numbers<[1], [0], [0], [1], [0, 0, 1, 1], [], []>, transpose_lhs_hint = false} : vector<2000x128xf32>, vector<128x16xf32>, vector<2000x16xf32> -> vector<2000x16xf32>
    %swap3A_33 = arith.constant 0 : index
    %swap3A_34 = arith.constant 0 : index
    %swap3A_35 = vector.load %arg10[%swap3A_33, %swap3A_34] : memref<2000x16xf32, #tpu.memory_space<vmem>>, vector<2000x16xf32>
    tpu.vector_store %arg10[%swap3A_33, %swap3A_34], %dot_general3A_32 {strides = array<i32>} : memref<2000x16xf32, #tpu.memory_space<vmem>>, vector<2000x16xf32>,
    %get3A_36 = arith.constant 0 : index
    %get3A_37 = arith.constant 0 : index
    %get3A_38 = vector.load %arg8[%get3A_36, %get3A_37] : memref<128x16xf32, #tpu.memory_space<vmem>>, vector<128x16xf32>
    %dot_general3A_39 = arith.constant dense<0.000000e+00> : vector<2000x16xf32>
    %dot_general3A_40 = tpu.matmul %add3A_25, %get3A_38, %dot_general3A_39 {dimension_numbers = #tpu.dot_dimension_numbers<[1], [0], [0], [1], [0, 0, 1, 1], [], []>, transpose_lhs_hint = false} : vector<2000x128xf32>, vector<128x16xf32>, vector<2000x16xf32> -> vector<2000x16xf32>
    %swap3A_41 = arith.constant 0 : index
    %swap3A_42 = arith.constant 0 : index
    %swap3A_43 = vector.load %arg11[%swap3A_41, %swap3A_42] : memref<2000x16xf32, #tpu.memory_space<vmem>>, vector<2000x16xf32>
    tpu.vector_store %arg11[%swap3A_41, %swap3A_42], %dot_general3A_40 {strides = array<i32>} : memref<2000x16xf32, #tpu.memory_space<vmem>>, vector<2000x16xf32>,
    return
  }
  func.func @transform_0(%arg0: i32) -> (i32, i32) {
    %c0_i32 = arith.constant 0 : i32
    %c0_i32_0 = arith.constant 0 : i32
    return %arg0, %c0_i32 : i32, i32
  }
  func.func @transform_1(%arg0: i32) -> (i32, i32) {
    %c0_i32 = arith.constant 0 : i32
    %c0_i32_0 = arith.constant 0 : i32
    return %arg0, %c0_i32 : i32, i32
  }
  func.func @transform_2(%arg0: i32) -> (i32, i32) {
    %c0_i32 = arith.constant 0 : i32
    %c0_i32_0 = arith.constant 0 : i32
    return %arg0, %c0_i32 : i32, i32
  }
  func.func @transform_3(%arg0: i32) -> (i32, i32) {
    %c0_i32 = arith.constant 0 : i32
    %c0_i32_0 = arith.constant 0 : i32
    %c0_i32_1 = arith.constant 0 : i32
    return %c0_i32, %c0_i32_0 : i32, i32
  }
  func.func @transform_4(%arg0: i32) -> (i32, i32) {
    %c0_i32 = arith.constant 0 : i32
    %c0_i32_0 = arith.constant 0 : i32
    %c0_i32_1 = arith.constant 0 : i32
    return %c0_i32, %c0_i32_0 : i32, i32
  }
  func.func @transform_5(%arg0: i32) -> (i32, i32) {
    %c0_i32 = arith.constant 0 : i32
    %c0_i32_0 = arith.constant 0 : i32
    %c0_i32_1 = arith.constant 0 : i32
    return %c0_i32, %c0_i32_0 : i32, i32
  }
  func.func @transform_6(%arg0: i32) -> (i32, i32) {
    %c0_i32 = arith.constant 0 : i32
    %c0_i32_0 = arith.constant 0 : i32
    %c0_i32_1 = arith.constant 0 : i32
    return %c0_i32, %c0_i32_0 : i32, i32
  }
  func.func @transform_7(%arg0: i32) -> (i32, i32) {
    %c0_i32 = arith.constant 0 : i32
    %c0_i32_0 = arith.constant 0 : i32
    %c0_i32_1 = arith.constant 0 : i32
    return %c0_i32, %c0_i32_0 : i32, i32
  }
  func.func @transform_8(%arg0: i32) -> (i32, i32) {
    %c0_i32 = arith.constant 0 : i32
    %c0_i32_0 = arith.constant 0 : i32
    return %arg0, %c0_i32 : i32, i32
  }
  func.func @transform_9(%arg0: i32) -> (i32, i32) {
    %c0_i32 = arith.constant 0 : i32
    %c0_i32_0 = arith.constant 0 : i32
    return %arg0, %c0_i32 : i32, i32
  }
  func.func @transform_10(%arg0: i32) -> (i32, i32) {
    %c0_i32 = arith.constant 0 : i32
    %c0_i32_0 = arith.constant 0 : i32
    return %arg0, %c0_i32 : i32, i32
  }
}

</mosaic_0001>

<sc_bundles>
// kernel: kernel.11.cloned.1.call-start
scs
__scs_entry_jumppad:
0x0: {  	(pc) =	sbr.rel $0x88, $3  }
0x1: {  	(tag) =	ssettag $0x0;
	lr =	simm.s32 $0x1  }
0x2: {  	[smem:$0x3F94] =	sst lr;
	_ =	strace $0xD0000000  }
0x3: {  	_ = 	snop  }
0x4: {  	_ = 	snop  }
0x5: {  	_ = 	snop  }
0x6: {  	_ = 	snop  }
0x7: {  	_ = 	snop  }
__scs_overlays_trampoline_lowered:
0x8: {  	[smem:$0x3FA3] =	sst s0  }
0x9: {  	[smem:$0x3FA4] =	sst s1  }
0xa: {  	[smem:$0x3FA5] =	sst s2  }
0xb: {  	[smem:$0x3FA6] =	sst s3  }
0xc: {  	[smem:$0x3FA7] =	sst s4  }
0xd: {  	[smem:$0x3FA8] =	sst s5  }
0xe: {  	[smem:$0x3FA9] =	sst s6  }
0xf: {  	[smem:$0x3FAA] =	sst s7  }
0x10: {  	[smem:$0x3FAB] =	sst s8  }
0x11: {  	[smem:$0x3FAC] =	sst s9;
	s0 =	simm.s32 @!p0 $0x0  }
0x12: {  	s1 =	sld [smem:$0x3F92];
	s0 =	simm.s32 @p0 $0x1  }
0x13: {  	[smem:$0x3FAD] =	sst s0;
	s0 =	simm.s32 @!p1 $0x0  }
0x14: {  	s2 =	sld [smem:$0x3F91];
	s0 =	simm.s32 @p1 $0x1  }
0x15: {  	[smem:$0x3FAE] =	sst s0;
	s0 =	simm.s32 @!p2 $0x0  }
0x16: {  	s3 =	sld [smem:$0x3FDB];
	s0 =	simm.s32 @p2 $0x1  }
0x17: {  	s4 =	simm.s32 $0x1BF5;
	[smem:$0x3FB0] =	sst s0  }
0x18: {  	s0 =	sld [smem:$0x3F93];
	_ =	swait.ge [sflag:s4], $0x0  }
0x19: {  	s7 =	sld [smem:$0x3F94]  }
0x1a: {  	s8 =	sadd.s32 $0xFFFFE003, lr  }
0x1b: {  	s9 =	sadd.s32 $0xFFFFFEF7, lr;
	s5 =	simm.s32 $0xFFFFFFFF;
	p2 =	slt.u32 s8, $0xFFFFF086  }
0x1c: {  	p1 =	slt.u32 s9, $0xF7A;
	s5 =	simm.s32 @!p2 $0x0  }
0x1d: {  	s5 =	simm.s32 @p1 $0x1;
	p0 =	seq.s32 s7, s2  }
0x1e: {  	s7 =	smul.u32 @!p0 $0xF7A, s2;
	p2 =	seq.s32 @!p0 s5, $0x0  }
0x1f: {  	s9 =	smul.u32 $0xF7A, s1;
	s8 =	simm.s32 @!p0 $0x1BF5;
	p2 =	por !p2, p0  }
0x20: {  	[sflag:s8] =	ssyncset.s32 @!p0 $0xFFFFF086;
	s6 =	sadd.s32 @!p0 s3, s7;
	s7 =	simm.s32 @!p0 $0x108  }
0x21: {  	s3 =	sadd.s32 s3, s9;
	s6 =	sadd.s32 @!p0 $0x88, s6;
	s7 =	simm.s32 @p2 $0x1082  }
0x22: {  	[simem:s7], [sflag:s8] =	dma.local @!p0 [hbm:s6], $0xF7A  }
0x23: {  	s9 =	sor.u32 $0xD0000000, s2;
	s6 =	simm.s32 $0x108;
	_ =	swait.ge @!p0 [sflag:s8], $0x0  }
0x24: {  	s3 =	sadd.s32 $0x88, s3;
	s6 =	simm.s32 @!p1 $0x1082;
	[sflag:s4] =	ssyncset.s32 $0xFFFFF086  }
0x25: {  	[simem:s6], [sflag:s4] =	dma.local [hbm:s3], $0xF7A  }
0x26: {  	[smem:$0x3F94] =	sst s1;
	(tag) =	ssettag s2;
	_ =	strace s9  }
0x27: {  	s1 =	sld [smem:$0x3FA4]  }
0x28: {  	s2 =	sld [smem:$0x3FA5]  }
0x29: {  	s4 =	sld [smem:$0x3FA7]  }
0x2a: {  	p0 =	seq.s32 s5, $0x0;
	s5 =	sld [smem:$0x3FA8]  }
0x2b: {  	s6 =	sld [smem:$0x3FA9]  }
0x2c: {  	s7 =	sld [smem:$0x3FAA]  }
0x2d: {  	s3 =	simm.s32 $0x108;
	s8 =	sld [smem:$0x3FAB]  }
0x2e: {  	s3 =	simm.s32 @!p0 $0x1082;
	s9 =	sld [smem:$0x3FAC]  }
0x2f: {  	lr =	sadd.s32 s0, s3;
	s0 =	sld [smem:$0x3FA3]  }
0x30: {  	s3 =	sld [smem:$0x3FA6]  }
0x31: {  	[smem:$0x3FAF] =	sst s10  }
0x32: {  	s10 =	sld [smem:$0x3FAD];
	_ =	sdelay $0x3  }
0x33: {  	p0 =	seq.s32 s10, $0x1;
	s10 =	sld [smem:$0x3FAF];
	_ =	sdelay $0x3  }
0x34: {  	[smem:$0x3FAF] =	sst s10  }
0x35: {  	s10 =	sld [smem:$0x3FAE];
	_ =	sdelay $0x3  }
0x36: {  	p1 =	seq.s32 s10, $0x1;
	s10 =	sld [smem:$0x3FAF];
	_ =	sdelay $0x3  }
0x37: {  	[smem:$0x3FAF] =	sst s10  }
0x38: {  	s10 =	sld [smem:$0x3FB0]  }
0x39: {  	_ = 	snop;
	(pc) =	sbr.ind lr, $3  }
0x3a: {  	_ = 	snop  }
0x3b: {  	_ = 	snop  }
0x3c: {  	p2 =	seq.s32 s10, $0x1;
	s10 =	sld [smem:$0x3FAF]  }
0x3d: {  	_ =	shalt  }
0x3e: {  	_ =	shalt  }
0x3f: {  	_ =	shalt  }
0x40: {  	_ =	shalt  }
0x41: {  	_ =	shalt  }
0x42: {  	_ =	shalt  }
0x43: {  	_ =	shalt  }
0x44: {  	_ =	shalt  }
0x45: {  	_ =	shalt  }
0x46: {  	_ =	shalt  }
0x47: {  	_ =	shalt  }
0x48: {  	_ =	shalt  }
0x49: {  	_ =	shalt  }
0x4a: {  	_ =	shalt  }
0x4b: {  	_ =	shalt  }
0x4c: {  	_ =	shalt  }
0x4d: {  	_ =	shalt  }
0x4e: {  	_ =	shalt  }
0x4f: {  	_ =	shalt  }
0x50: {  	_ =	shalt  }
0x51: {  	_ =	shalt  }
0x52: {  	_ =	shalt  }
0x53: {  	_ =	shalt  }
0x54: {  	_ =	shalt  }
0x55: {  	_ =	shalt  }
0x56: {  	_ =	shalt  }
0x57: {  	_ =	shalt  }
0x58: {  	_ =	shalt  }
0x59: {  	_ =	shalt  }
0x5a: {  	_ =	shalt  }
0x5b: {  	_ =	shalt  }
0x5c: {  	_ =	shalt  }
0x5d: {  	_ =	shalt  }
0x5e: {  	_ =	shalt  }
0x5f: {  	_ =	shalt  }
0x60: {  	_ =	shalt  }
0x61: {  	_ =	shalt  }
0x62: {  	_ =	shalt  }
0x63: {  	_ =	shalt  }
0x64: {  	_ =	shalt  }
0x65: {  	_ =	shalt  }
0x66: {  	_ =	shalt  }
0x67: {  	_ =	shalt  }
0x68: {  	_ =	shalt  }
0x69: {  	_ =	shalt  }
0x6a: {  	_ =	shalt  }
0x6b: {  	_ =	shalt  }
0x6c: {  	_ =	shalt  }
0x6d: {  	_ =	shalt  }
0x6e: {  	_ =	shalt  }
0x6f: {  	_ =	shalt  }
0x70: {  	_ =	shalt  }
0x71: {  	_ =	shalt  }
0x72: {  	_ =	shalt  }
0x73: {  	_ =	shalt  }
0x74: {  	_ =	shalt  }
0x75: {  	_ =	shalt  }
0x76: {  	_ =	shalt  }
0x77: {  	_ =	shalt  }
0x78: {  	_ =	shalt  }
0x79: {  	_ =	shalt  }
0x7a: {  	_ =	shalt  }
0x7b: {  	_ =	shalt  }
0x7c: {  	_ =	shalt  }
0x7d: {  	_ =	shalt  }
0x7e: {  	_ =	shalt  }
0x7f: {  	_ =	shalt  }
0x80: {  	_ =	shalt  }
0x81: {  	_ =	shalt  }
0x82: {  	_ =	shalt  }
0x83: {  	_ =	shalt  }
0x84: {  	_ =	shalt  }
0x85: {  	_ =	shalt  }
0x86: {  	_ =	shalt  }
0x87: {  	_ =	shalt  }
.Lfunc_end0:
.L_simem_size_0:
called_computation_lowered:
.L_overlay_start_0:
0x88: {  	s2 =	sld [smem:$0x3FD9]  }
0x89: {  	s3 =	sld [smem:$0x3FFE];
	_ =	sdelay $0x1  }
0x8a: {  	s1 =	srdreg.scid  }
0x8b: {  	s0 =	sand.u32 $0x1, s1  }
0x8c: {  	s17 =	sshll.u32 s0, $0xA;
	s2 =	sadd.s32 s3, s2  }
0x8d: {  	s2 =	sadd.s32 s2, s17  }
0x8e: {  	[smem:$0x3FBB] =	sst s2  }
0x8f: {  	_ = 	snop  }
0x90: {  	s2 =	sld [smem:$0x3FD0];
	(tm) =	ssettm $0x1  }
0x91: {  	s18 =	sld [smem:$0x3FFB];
	_ =	sdelay $0x3  }
0x92: {  	_ =	strace s18  }
0x93: {  	s3 =	sld [smem:$0x3FFC];
	_ =	sdelay $0x3  }
0x94: {  	_ =	strace s3  }
0x95: {  	s3 =	sld [smem:$0x3FFD];
	_ =	sdelay $0x3  }
0x96: {  	_ =	strace s3  }
0x97: {  	_ =	strace $0x8FFFFFFF  }
0x98: {  	s19 =	sld [smem:$0x3FDB];
	_ =	sdelay $0x1  }
0x99: {  	s4 =	simm.s32 $_scs_section_size  }
0x9a: {  	s5 =	simm.s32 $_size__tile_overlayer_lowered;
	s6 =	simm.s32 $_tile_overlayer_lowered  }
0x9b: {  	s22 =	simm.s32 $0x1BFF;
	s21 =	sshll.u32 s6, $0x1;
	s3 =	sadd.s32 s4, s19  }
0x9c: {  	s7 =	simm.s32 $0x0;
	s20 =	sshll.u32 s5, $0x1;
	s5 =	sadd.s32 s21, s3  }
0x9d: {  	[timem:s7], [sflag:s22] =	dma.local [hbm:s5], s20  }
0x9e: {  	_ =	swait.ge [sflag:s22], s20  }
0x9f: {  	s4 =	ssub.s32 $0x0, s20;
	[sflag:s22] =	ssyncset.done $0x0  }
0xa0: {  	[sflag:s22] =	ssyncadd.s32 s4;
	_ =	sdelay $0x1  }
0xa1: {  	s23 =	simm.s32 $0x1B8B  }
0xa2: {  	_ =	swait.ge [sflag:s23], $0x1  }
0xa3: {  	[sflag:s23] =	ssyncset.done $0x0  }
0xa4: {  	s25 =	simm.s32 $0x1B8E;
	s24 =	sld [smem:$0x3FFE];
	[sflag:s23] =	ssyncadd.s32 $0xFFFFFFFF  }
0xa5: {  	s26 =	simm.s32 $execute0_lowered;
	[smem:$0x3FD2] =	sst s25  }
0xa6: {  	s5 =	sshll.u32 s26, $0x1;
	_ =	strace $0x80000046;
	[dreg:$0x1] =	wrdreg $0xFFFFFFFF  }
0xa7: {  	s28 =	simm.s32 $_size_execute0_lowered;
	s3 =	sadd.s32 s3, s5;
	[dreg:$0x0] =	wrdreg $0x0  }
0xa8: {  	s5 =	sshll.u32 s28, $0x1;
	[dreg:$0x2] =	wrdreg s3  }
0xa9: {  	[dreg:$0x3] =	wrdreg s5  }
0xaa: {  	[dreg:$0x4] =	wrdreg $0xC0  }
0xab: {  	_ =	task [dreg:s7], $0x5FFFF  }
0xac: {  	[dreg:$0x1] =	wrdreg $0xFFFFFFFF  }
0xad: {  	[dreg:$0x0] =	wrdreg $0x60  }
0xae: {  	[dreg:$0x2] =	wrdreg s24  }
0xaf: {  	[dreg:$0x3] =	wrdreg s2  }
0xb0: {  	[dreg:$0x4] =	wrdreg $0x84000  }
0xb1: {  	[dreg:$0x5] =	wrdreg $0xAB100  }
0xb2: {  	[dreg:$0x6] =	wrdreg $0xF2200  }
0xb3: {  	[dreg:$0x7] =	wrdreg $0x9  }
0xb4: {  	_ =	task.clear_ibuf [dreg:s7], $0x8FFFF;
	_ =	strace $0x90000046  }
0xb5: {  	s29 =	simm.s32 $0x9;
	_ =	strace $0x80000048  }
0xb6: {  	_ =	swait.ge [sflag:s29], $0x1  }
0xb7: {  	[sflag:s29] =	ssyncadd.s32 $0xFFFFFFFF  }
0xb8: {  	_ =	strace $0x90000048  }
0xb9: {  	_ =	sfence  }
0xba: {  	s30 =	sld [smem:$0x0];
	_ =	sdelay $0x2  }
0xbb: {  	s31 =	sshll.u32 s1, $0xD;
	s1 =	sshrl.u32 s1, $0x2  }
0xbc: {  	s3 =	sand.u32 $0x4000, s31;
	s1 =	sadd.s32 s1, s30  }
0xbd: {  	s0 =	sor.u32 s3, s0;
	s1 =	sshll.u32 s1, $0x11  }
0xbe: {  	s0 =	sor.u32 s1, s0  }
0xbf: {  	s0 =	sadd.s32 $0x8F2B, s0  }
0xc0: {  	[sflag:s0] =	ssyncadd.remote.s32 $0x1  }
0xc1: {  	_ =	sfence.sel $0xFFFF  }
0xc2: {  	[dreg:$0x0] =	wrdreg $0xFFFFFFFF;
	(pc) =	sbr.abs _section_cstart, $3  }
0xc3: {  	[dreg:$0x1] =	wrdreg $0xFFFFFFFF  }
0xc4: {  	_ =	task.clear_ibuf [dreg:s7], $0x2FFFF;
	_ =	strace $0x9FFFFFFF  }
0xc5: {  	(tm) =	ssettm $0x7FFFFFFF  }
tec
execute0_lowered:
.L_overlay_start_1:
0x0: {  	(tag) =	ssettag $0x1  }
0x1: {  	s0 =	rddreg [dreg:$0x0]  }
0x2: {  	s2 =	rddreg [dreg:$0x2]  }
0x3: {  	s3 =	rddreg [dreg:$0x3]  }
0x4: {  	s4 =	rddreg [dreg:$0x4];
	s5 =	simm.s32 $0x0;
	s1 =	srdreg.scid  }
0x5: {  	s10 =	stileid.u32;
	s19 =	simm.s32 $0x1;
	s29 =	simm.s32 $0x280  }
0x6: {  	s31 =	simm.s32 $0x100;
	s18 =	simm.s32 $0x300;
	s11 =	simm.s32 $0x180  }
0x7: {  	s17 =	simm.s32 $0x1C00;
	s15 =	simm.s32 $0xD220;
	s16 =	simm.s32 $0xDA20  }
0x8: {  	s14 =	simm.s32 $0xE220;
	[smem:$0x7FF] =	sst s5;
	s7 =	sand.u32 $0x1, s1  }
0x9: {  	s20 =	smul.u32 $0x4F0, s10;
	s8 =	sadd.s32 $0x4E00, s0;
	s9 =	sadd.s32 $0xEC00, s0  }
0xa: {  	s6 =	sadd.s32 $0x18A00, s0;
	s22 =	sadd.s32 $0x1DA00, s0;
	s24 =	smul.u32 $0x9E00, s10  }
0xb: {  	s12 =	sadd.s32 $0x2C800, s0;
	s13 =	sshll.u32 s10, $0x1;
	p0 =	seq.s32 s10, $0x1  }
0xc: {  	s30 =	sshrl.u32 s3, $0x3;
	_ =	strace $0x80000047;
	[dreg:$0x6] =	wrdreg s6  }
0xd: {  	p1 =	sne.s32 s10, $0x0;
	s10 =	simm.s32 $0x3400;
	[dreg:$0x7] =	wrdreg s22  }
0xe: {  	s21 =	smul.u32 $0x4F00, s7;
	s23 =	ssub.s32 $0x2, s7;
	[dreg:$0xb] =	wrdreg s30  }
0xf: {  	s22 =	simm.s32 $0x200;
	s6 =	simm.s32 $0x3C00;
	s25 =	sshrl.u32 s23, $0x1  }
0x10: {  	s26 =	sshrl.u32 s24, $0x2;
	s24 =	simm.s32 $0x80;
	s1 =	sadd.s32 s20, s21  }
.Ltmp0:
0x11: {  	s5 =	sadd.s32 s26, s4;
	s21 =	simm.s32 $0x2;
	(pc) =	sbr.rel .LBB2_1-.Ltmp0, $4  }
0x12: {  	s20 =	simm.s32 $0x380;
	s0 =	sadd.s32 s1, s0;
	s1 =	ssub.s32 s23, s25  }
0x13: {  	[dreg:$0x8] =	wrdreg s5;
	s5 =	simm.s32 $0x6400;
	s0 =	sadd.s32 $0x22A00, s0  }
0x14: {  	s25 =	simm.s32 $0x0;
	s28 =	smax.u32 s1, $0x1;
	[dreg:$0x9] =	wrdreg s0  }
0x15: {  	v0 =	vimm.f32 $0.0e+00;
	s1 =	simm.s32 $0xEA20;
	[dreg:$0xa] =	wrdreg s28;
	s0 =	simm.s32 $0x1400  }
.LBB2_14:
0x16: {  	s23 =	stileid.u32;
	[bflag:$0x0] =	sbarrier.arrive $0xFFFF  }
0x17: {  	s23 =	sshll.u32 s23, $0x6;
	s25 =	rddreg [dreg:$0x8]  }
0x18: {  	s26 =	rddreg [dreg:$0x9];
	s23 =	sor.u32 $0x1C01, s23;
	s25 =	sshrl.u32 s25, $0x3  }
0x19: {  	[hbm:s26], [sflag:s23] =	dma.local [spmem:s25], $0x4F0  }
0x1a: {  	_ =	swait.ge [sflag:s19], $0x4F0  }
0x1b: {  	s28 =	rddreg [dreg:$0xc]  }
0x1c: {  	s30 =	rddreg [dreg:$0xa];
	s25 =	sadd.s32 $0x1, s28  }
0x1d: {  	p2 =	sne.s32 s25, s30  }
.Ltmp1:
0x1e: {  	_ = 	snop;
	(pc) =	sbr.rel @!p2 .LBB2_15-.Ltmp1, $3  }
0x1f: {  	_ =	sdelay $0x1  }
0x20: {  	[sflag:s19] =	ssyncset.done $0x0  }
0x21: {  	[sflag:s19] =	ssyncadd.s32 $0xFFFFFB10  }
.LBB2_1:
.Ltmp2:
0x22: {  	(pc) =	sbr.rel @p0 .LBB2_4-.Ltmp2, $2  }
0x23: {  	_ =	sdelay $0x2  }
0x24: {  	[dreg:$0xc] =	wrdreg s25  }
.Ltmp3:
0x25: {  	(pc) =	sbr.rel @p1 .LBB2_6-.Ltmp3, $1  }
0x26: {  	_ =	sdelay $0x3  }
.Ltmp4:
0x27: {  	(pc) =	sbr.rel .LBB2_5-.Ltmp4, $3  }
0x28: {  	_ =	sdelay $0x1  }
0x29: {  	s23 =	sshrl.u32 s2, $0x3;
	s25 =	rddreg [dreg:$0x6];
	s26 =	simm.s32 $0x1C01  }
0x2a: {  	[spmem:s23], [sflag:s26] =	dma.local [hbm:s25], $0x4E20  }
.LBB2_4:
0x2b: {  	s23 =	rddreg [dreg:$0x7]  }
0x2c: {  	s25 =	rddreg [dreg:$0xb];
	s26 =	simm.s32 $0x1C41  }
0x2d: {  	[spmem:s25], [sflag:s26] =	dma.local [hbm:s23], $0x4E20  }
.LBB2_5:
0x2e: {  	_ =	swait.ge [sflag:s19], $0x4E20  }
0x2f: {  	[sflag:s19] =	ssyncset.done $0x0  }
0x30: {  	[sflag:s19] =	ssyncadd.s32 $0xFFFFB1E0  }
.LBB2_6:
0x31: {  	s23 =	simm.s32 $0x40;
	s25 =	simm.s32 $0x0  }
.LBB2_7:
0x32: {  	p2 =	sne.s32 s23, $0x9DC0;
	[tilespmem:s25+$0x119A0] =	vst v0;
	s25 =	smov.u32 s23;
	s23 =	sadd.s32 $0x40, s23  }
.Ltmp5:
0x33: {  	(pc) =	sbr.rel @p2 .LBB2_7-.Ltmp5, $2  }
0x34: {  	_ =	sdelay $0x2  }
0x35: {  	s25 =	sshra.s32 s25, $0x2  }
0x36: {  	[tilespmem:s25+$0x119A0] =	vst v0;
	s23 =	rddreg [dreg:$0x8];
	s30 =	simm.s32 $0x119A0  }
0x37: {  	[spmem:s23] =	stream.linear.scatter [tilespmem:s30], [sflag:$0x1], $0x2780, $0x38;
	[tilespmem:$0x14120] =	vst v63  }
.Ltmp6:
0x38: {  	_ =	swait.ge [sflag:s19], $0x2780;
	(pc) =	sbr.rel .LBB2_9-.Ltmp6, $4  }
0x39: {  	[sflag:s19] =	ssyncset.done $0x0  }
0x3a: {  	[sflag:s19] =	ssyncadd.s32 $0xFFFFD880  }
0x3b: {  	[bflag:$0x0] =	sbarrier.arrive $0xFFFF  }
0x3c: {  	s23 =	simm.s32 $0x0  }
.LBB2_13:
0x3d: {  	s23 =	sadd.s32 $0x1, s23  }
0x3e: {  	p2 =	sne.s32 s23, $0x14  }
.Ltmp7:
0x3f: {  	_ = 	snop;
	(pc) =	sbr.rel @!p2 .LBB2_14-.Ltmp7, $1  }
0x40: {  	_ =	sdelay $0x3  }
.LBB2_9:
0x41: {  	s25 =	sshll.u32 s23, $0x5  }
0x42: {  	s25 =	sor.u32 s25, s13  }
0x43: {  	s25 =	sor.u32 s7, s25  }
0x44: {  	p2 =	sgt.u32 s25, $0x270  }
.Ltmp8:
0x45: {  	_ = 	snop;
	(pc) =	sbr.rel @p2 .LBB2_13-.Ltmp8, $1  }
0x46: {  	_ =	sdelay $0x3  }
0x47: {  	s26 =	sshll.u32 s25, $0x6  }
0x48: {  	s30 =	simm.s32 $0x0;
	s28 =	sadd.s32 s8, s26  }
0x49: {  	[tilespmem:s30], [sflag:$0x2] =	stream.linear.gather [hbm4b:s28+s30], $0x200, $0x38;
	[tilespmem:$0x14120] =	vst v63  }
0x4a: {  	_ =	swait.ge [sflag:s21], $0x200  }
0x4b: {  	[sflag:s21] =	ssyncset.done $0x0  }
0x4c: {  	s26 =	sadd.s32 s9, s26;
	[sflag:s21] =	ssyncadd.s32 $0xFFFFFE00  }
0x4d: {  	[tilespmem:s22], [sflag:$0x2] =	stream.linear.gather [hbm4b:s26+s30], $0x200, $0x38;
	[tilespmem:$0x14120] =	vst v63  }
0x4e: {  	_ =	swait.ge [sflag:s21], $0x200  }
0x4f: {  	[sflag:s21] =	ssyncset.done $0x0  }
0x50: {  	[sflag:s21] =	ssyncadd.s32 $0xFFFFFE00  }
0x51: {  	s25 =	sshll.u32 s25, $0xA;
	s26 =	rddreg [dreg:$0x1]  }
0x52: {  	s28 =	simm.s32 $0x4400;
	s26 =	sadd.s32 s26, s25  }
0x53: {  	[tilespmem:s28], [sflag:$0x2] =	stream.linear.gather [hbm4b:s26+s30], $0x2000, $0x38;
	[tilespmem:$0x14120] =	vst v63  }
0x54: {  	_ =	swait.ge [sflag:s21], $0x2000  }
0x55: {  	[sflag:s21] =	ssyncset.done $0x0  }
0x56: {  	s26 =	simm.s32 $0x400;
	[sflag:s21] =	ssyncadd.s32 $0xFFFFE000  }
0x57: {  	[tilespmem:s26], [sflag:$0x2] =	stream.indirect.gather [spmem:s2], $0x10, s30, s24, $0xb8;
	[tilespmem:$0x14120] =	vst v63  }
0x58: {  	_ =	swait.ge [sflag:s21], $0x800  }
0x59: {  	[sflag:s21] =	ssyncset.done $0x0  }
0x5a: {  	s26 =	simm.s32 $0x2400;
	[sflag:s21] =	ssyncadd.s32 $0xFFFFF800  }
0x5b: {  	[tilespmem:s26], [sflag:$0x2] =	stream.indirect.gather [spmem:s3], $0x10, s22, s24, $0xb8;
	[tilespmem:$0x14120] =	vst v63  }
0x5c: {  	_ =	swait.ge [sflag:s21], $0x800  }
0x5d: {  	[sflag:s21] =	ssyncset.done $0x0  }
0x5e: {  	s26 =	simm.s32 $0xC00;
	[sflag:s21] =	ssyncadd.s32 $0xFFFFF800  }
0x5f: {  	[tilespmem:s26], [sflag:$0x2] =	stream.indirect.gather [spmem:s2], $0x10, s24, s24, $0xb8;
	[tilespmem:$0x14120] =	vst v63  }
0x60: {  	_ =	swait.ge [sflag:s21], $0x800  }
0x61: {  	[sflag:s21] =	ssyncset.done $0x0  }
0x62: {  	s26 =	simm.s32 $0x2C00;
	[sflag:s21] =	ssyncadd.s32 $0xFFFFF800  }
0x63: {  	[tilespmem:s26], [sflag:$0x2] =	stream.indirect.gather [spmem:s3], $0x10, s29, s24, $0xb8;
	[tilespmem:$0x14120] =	vst v63  }
0x64: {  	_ =	swait.ge [sflag:s21], $0x800  }
0x65: {  	[sflag:s21] =	ssyncset.done $0x0  }
0x66: {  	[sflag:s21] =	ssyncadd.s32 $0xFFFFF800  }
0x67: {  	[tilespmem:s0], [sflag:$0x2] =	stream.indirect.gather [spmem:s2], $0x10, s31, s24, $0xb8;
	[tilespmem:$0x14120] =	vst v63  }
0x68: {  	_ =	swait.ge [sflag:s21], $0x800  }
0x69: {  	[sflag:s21] =	ssyncset.done $0x0  }
0x6a: {  	[sflag:s21] =	ssyncadd.s32 $0xFFFFF800  }
0x6b: {  	[tilespmem:s10], [sflag:$0x2] =	stream.indirect.gather [spmem:s3], $0x10, s18, s24, $0xb8;
	[tilespmem:$0x14120] =	vst v63  }
0x6c: {  	_ =	swait.ge [sflag:s21], $0x800  }
0x6d: {  	[sflag:s21] =	ssyncset.done $0x0  }
0x6e: {  	[sflag:s21] =	ssyncadd.s32 $0xFFFFF800  }
0x6f: {  	[tilespmem:s17], [sflag:$0x2] =	stream.indirect.gather [spmem:s2], $0x10, s11, s24, $0xb8;
	[tilespmem:$0x14120] =	vst v63  }
0x70: {  	_ =	swait.ge [sflag:s21], $0x800  }
0x71: {  	[sflag:s21] =	ssyncset.done $0x0  }
0x72: {  	[sflag:s21] =	ssyncadd.s32 $0xFFFFF800  }
0x73: {  	[tilespmem:s6], [sflag:$0x2] =	stream.indirect.gather [spmem:s3], $0x10, s20, s24, $0xb8;
	[tilespmem:$0x14120] =	vst v63  }
0x74: {  	_ =	swait.ge [sflag:s21], $0x800  }
0x75: {  	[sflag:s21] =	ssyncset.done $0x0  }
0x76: {  	s26 =	simm.s32 $0x0;
	[sflag:s21] =	ssyncadd.s32 $0xFFFFF800  }
0x77: {  	v1 =	vld [tilespmem:s26+$0x470]  }
0x78: {  	v2 =	vld [tilespmem:s26+$0x2470]  }
0x79: {  	v3 =	vld [tilespmem:s26+$0x400]  }
0x7a: {  	v4 =	vld [tilespmem:s26+$0x4470]  }
0x7b: {  	v5 =	vld [tilespmem:s26+$0x2400]  }
0x7c: {  	v6 =	vld [tilespmem:s26+$0x410]  }
0x7d: {  	v7 =	vld [tilespmem:s26+$0x2410]  }
0x7e: {  	v8 =	vld [tilespmem:s26+$0x2420]  }
0x7f: {  	v10 =	vld [tilespmem:s26+$0x2430]  }
0x80: {  	v11 =	vld [tilespmem:s26+$0x440]  }
0x81: {  	v12 =	vld [tilespmem:s26+$0x2440]  }
0x82: {  	v13 =	vld [tilespmem:s26+$0x450];
	v1 =	vadd.f32 v2, v1  }
0x83: {  	v14 =	vld [tilespmem:s26+$0x2450]  }
0x84: {  	v15 =	vld [tilespmem:s26+$0x460];
	v1 =	vadd.f32 v4, v1  }
0x85: {  	v16 =	vld [tilespmem:s26+$0x2460]  }
0x86: {  	v17 =	vld [tilespmem:s26+$0x4410];
	v1 =	vmax.f32 v1, $0.0e+00  }
0x87: {  	v2 =	vld [tilespmem:s26+$0x420];
	[tilespmem:s26+$0x6470] =	vst v1  }
0x88: {  	[tilespmem:s26+$0xD290] =	vst v1;
	v1 =	vld [tilespmem:s26+$0x4400]  }
0x89: {  	v4 =	vld [tilespmem:s26+$0x430]  }
0x8a: {  	v18 =	vld [tilespmem:s26+$0x4420]  }
0x8b: {  	v9 =	vld [tilespmem:s26+$0x4430];
	v3 =	vadd.f32 v5, v3;
	v7 =	vadd.f32 v7, v6  }
0x8c: {  	v5 =	vadd.f32 v12, v11;
	v19 =	vadd.f32 v8, v2;
	v8 =	vld [tilespmem:s26+$0x4440]  }
0x8d: {  	v6 =	vld [tilespmem:s26+$0x4450];
	v2 =	vadd.f32 v14, v13;
	v11 =	vadd.f32 v1, v3  }
0x8e: {  	s28 =	simm.s32 $0x80;
	v4 =	vadd.f32 v10, v4;
	v10 =	vadd.f32 v17, v7;
	v3 =	vld [tilespmem:s26+$0x4460]  }
0x8f: {  	s30 =	simm.s32 $0x400;
	v7 =	vld [tilespmem:s28+$0x470];
	v1 =	vadd.f32 v16, v15;
	v12 =	vmax.f32 v11, $0.0e+00;
	v11 =	vadd.f32 v18, v19  }
.LBB2_11:
0x90: {  	p2 =	sne.s32 s30, $0x7E00;
	v13 =	vld [tilespmem:s28+$0x2470];
	[tilespmem:s26+$0xD220] =	vst v12;
	v10 =	vmax.f32 v10, $0.0e+00;
	v4 =	vadd.f32 v9, v4  }
0x91: {  	v9 =	vld [tilespmem:s28+$0x400];
	[tilespmem:s26+$0x6400] =	vst v12;
	v11 =	vmax.f32 v11, $0.0e+00;
	v5 =	vadd.f32 v8, v5  }
0x92: {  	v8 =	vld [tilespmem:s28+$0x4470];
	[tilespmem:s26+$0xD230] =	vst v10;
	v4 =	vmax.f32 v4, $0.0e+00;
	v2 =	vadd.f32 v6, v2  }
0x93: {  	v6 =	vld [tilespmem:s28+$0x2400];
	[tilespmem:s26+$0x6410] =	vst v10;
	v5 =	vmax.f32 v5, $0.0e+00;
	v1 =	vadd.f32 v3, v1  }
0x94: {  	v3 =	vld [tilespmem:s28+$0x410];
	[tilespmem:s26+$0xD240] =	vst v11;
	v2 =	vmax.f32 v2, $0.0e+00  }
0x95: {  	v10 =	vld [tilespmem:s28+$0x2410];
	v7 =	vadd.f32 v13, v7;
	[tilespmem:s26+$0x6420] =	vst v11;
	v1 =	vmax.f32 v1, $0.0e+00  }
0x96: {  	v11 =	vld [tilespmem:s28+$0x420];
	[tilespmem:s26+$0xD250] =	vst v4  }
0x97: {  	v12 =	vld [tilespmem:s28+$0x2420];
	v7 =	vadd.f32 v8, v7;
	[tilespmem:s26+$0x6430] =	vst v4  }
0x98: {  	v6 =	vadd.f32 v6, v9;
	v4 =	vld [tilespmem:s28+$0x430];
	[tilespmem:s26+$0xD260] =	vst v5  }
0x99: {  	v8 =	vld [tilespmem:s28+$0x2430];
	v7 =	vmax.f32 v7, $0.0e+00;
	[tilespmem:s26+$0x6440] =	vst v5  }
0x9a: {  	v3 =	vadd.f32 v10, v3;
	v5 =	vld [tilespmem:s28+$0x440];
	[tilespmem:s28+$0x6470] =	vst v7  }
0x9b: {  	v9 =	vld [tilespmem:s28+$0x2440];
	[tilespmem:s26+$0xD270] =	vst v2  }
0x9c: {  	v11 =	vadd.f32 v12, v11;
	v10 =	vld [tilespmem:s28+$0x450];
	[tilespmem:s26+$0x6450] =	vst v2  }
0x9d: {  	v2 =	vld [tilespmem:s28+$0x2450];
	[tilespmem:s26+$0xD280] =	vst v1  }
0x9e: {  	v4 =	vadd.f32 v8, v4;
	v12 =	vld [tilespmem:s28+$0x460];
	[tilespmem:s26+$0x6460] =	vst v1;
	s26 =	smov.u32 s28  }
0x9f: {  	v1 =	vld [tilespmem:s26+$0x2460];
	[tilespmem:s26+$0xD290] =	vst v7  }
0xa0: {  	v7 =	vld [tilespmem:s26+$0x4400];
	v5 =	vadd.f32 v9, v5  }
0xa1: {  	v13 =	vld [tilespmem:s26+$0x4410]  }
0xa2: {  	v14 =	vld [tilespmem:s26+$0x4420];
	v2 =	vadd.f32 v2, v10  }
.Ltmp9:
0xa3: {  	v9 =	vld [tilespmem:s26+$0x4430];
	(pc) =	sbr.rel @p2 .LBB2_11-.Ltmp9, $4  }
0xa4: {  	v8 =	vld [tilespmem:s26+$0x4440];
	v1 =	vadd.f32 v1, v12  }
0xa5: {  	v12 =	vadd.f32 v7, v6;
	v6 =	vld [tilespmem:s26+$0x4450]  }
0xa6: {  	s28 =	sshra.s32 s30, $0x2;
	v10 =	vadd.f32 v13, v3;
	v3 =	vld [tilespmem:s26+$0x4460]  }
0xa7: {  	s30 =	sadd.s32 $0x200, s30;
	v7 =	vld [tilespmem:s28+$0x470];
	v12 =	vmax.f32 v12, $0.0e+00;
	v11 =	vadd.f32 v14, v11  }
0xa8: {  	v13 =	vld [tilespmem:s28+$0x2470];
	[tilespmem:s26+$0xD220] =	vst v12  }
0xa9: {  	v10 =	vmax.f32 v10, $0.0e+00;
	v14 =	vld [tilespmem:s28+$0x400];
	[tilespmem:s26+$0x6400] =	vst v12  }
0xaa: {  	v12 =	vld [tilespmem:s28+$0x4470];
	[tilespmem:s26+$0xD230] =	vst v10  }
0xab: {  	v4 =	vadd.f32 v9, v4;
	v43 =	vmax.f32 v11, $0.0e+00;
	v15 =	vld [tilespmem:s28+$0x2400];
	[tilespmem:s26+$0x6410] =	vst v10  }
0xac: {  	v44 =	vld [tilespmem:s28+$0x410];
	[tilespmem:s26+$0xD240] =	vst v43  }
0xad: {  	v5 =	vadd.f32 v8, v5;
	v4 =	vmax.f32 v4, $0.0e+00;
	v45 =	vld [tilespmem:s28+$0x2410];
	[tilespmem:s26+$0x6420] =	vst v43;
	v48 =	vadd.f32 v13, v7  }
0xae: {  	v10 =	vld [tilespmem:s28+$0x420];
	[tilespmem:s26+$0xD250] =	vst v4  }
0xaf: {  	v47 =	vmax.f32 v5, $0.0e+00;
	v46 =	vld [tilespmem:s28+$0x2420];
	[tilespmem:s26+$0x6430] =	vst v4;
	v5 =	vadd.f32 v12, v48  }
0xb0: {  	v2 =	vadd.f32 v6, v2;
	v49 =	vld [tilespmem:s28+$0x430];
	[tilespmem:s26+$0xD260] =	vst v47  }
0xb1: {  	v50 =	vld [tilespmem:s28+$0x2430];
	[tilespmem:s26+$0x6440] =	vst v47;
	v51 =	vmax.f32 v5, $0.0e+00  }
0xb2: {  	v1 =	vadd.f32 v3, v1;
	v2 =	vmax.f32 v2, $0.0e+00;
	v52 =	vld [tilespmem:s28+$0x440];
	[tilespmem:s28+$0x6470] =	vst v51  }
0xb3: {  	v53 =	vld [tilespmem:s28+$0x2440];
	[tilespmem:s26+$0xD270] =	vst v2  }
0xb4: {  	v1 =	vmax.f32 v1, $0.0e+00;
	v3 =	vld [tilespmem:s28+$0x450];
	[tilespmem:s26+$0x6450] =	vst v2  }
0xb5: {  	v2 =	vld [tilespmem:s28+$0x2450];
	[tilespmem:s26+$0xD280] =	vst v1  }
0xb6: {  	v54 =	vld [tilespmem:s28+$0x460];
	[tilespmem:s26+$0x6460] =	vst v1  }
0xb7: {  	v55 =	vld [tilespmem:s28+$0x4400];
	_ =	sdelay $0x1  }
0xb8: {  	v16 =	vld [tilespmem:s28+$0x4410]  }
0xb9: {  	v14 =	vadd.f32 v15, v14  }
0xba: {  	v56 =	vld [tilespmem:s28+$0x4420]  }
0xbb: {  	v9 =	vadd.f32 v45, v44;
	v4 =	vadd.f32 v55, v14  }
0xbc: {  	v17 =	vld [tilespmem:s28+$0x4430]  }
0xbd: {  	v8 =	vadd.f32 v46, v10;
	[tilespmem:s28+$0xD290] =	vst v51;
	v9 =	vadd.f32 v16, v9;
	v4 =	vmax.f32 v4, $0.0e+00  }
0xbe: {  	v57 =	vld [tilespmem:s28+$0x4440];
	[tilespmem:s28+$0xD220] =	vst v4  }
0xbf: {  	v7 =	vadd.f32 v50, v49;
	v1 =	vld [tilespmem:s28+$0x2460];
	v8 =	vadd.f32 v56, v8;
	v60 =	vmax.f32 v9, $0.0e+00;
	[tilespmem:s28+$0x6400] =	vst v4  }
0xc0: {  	v58 =	vld [tilespmem:s28+$0x4450];
	[tilespmem:s28+$0xD230] =	vst v60  }
0xc1: {  	v5 =	vadd.f32 v53, v52;
	v61 =	vadd.f32 v17, v7;
	v62 =	vmax.f32 v8, $0.0e+00;
	[tilespmem:s28+$0x6410] =	vst v60  }
0xc2: {  	v59 =	vld [tilespmem:s28+$0x4460];
	[tilespmem:s28+$0xD240] =	vst v62  }
0xc3: {  	v2 =	vadd.f32 v2, v3;
	v3 =	vadd.f32 v57, v5;
	v63 =	vmax.f32 v61, $0.0e+00;
	[tilespmem:s28+$0x6420] =	vst v62  }
0xc4: {  	[tilespmem:s28+$0xD250] =	vst v63  }
0xc5: {  	v1 =	vadd.f32 v1, v54;
	v2 =	vadd.f32 v58, v2;
	v3 =	vmax.f32 v3, $0.0e+00;
	[tilespmem:s28+$0x6430] =	vst v63  }
0xc6: {  	[tilespmem:s28+$0xD260] =	vst v3  }
0xc7: {  	v1 =	vadd.f32 v59, v1;
	v2 =	vmax.f32 v2, $0.0e+00;
	[tilespmem:s28+$0x6440] =	vst v3  }
0xc8: {  	[tilespmem:s28+$0xD270] =	vst v2  }
0xc9: {  	[tilespmem:s28+$0x6450] =	vst v2;
	v1 =	vmax.f32 v1, $0.0e+00  }
0xca: {  	[tilespmem:s28+$0xD280] =	vst v1  }
0xcb: {  	[tilespmem:s28+$0x6460] =	vst v1  }
0xcc: {  	[spmem:s4] =	stream.indirect.scatter.add.f32 [tilespmem:s15], [sflag:$0x2], $0x10, s22, s24, $0xb8;
	[tilespmem:$0x14120] =	vst v63  }
0xcd: {  	_ =	swait.ge [sflag:s21], $0x800  }
0xce: {  	[sflag:s21] =	ssyncset.done $0x0  }
0xcf: {  	[sflag:s21] =	ssyncadd.s32 $0xFFFFF800  }
0xd0: {  	[spmem:s4] =	stream.indirect.scatter.add.f32 [tilespmem:s16], [sflag:$0x2], $0x10, s29, s24, $0xb8;
	[tilespmem:$0x14120] =	vst v63  }
0xd1: {  	_ =	swait.ge [sflag:s21], $0x800  }
0xd2: {  	[sflag:s21] =	ssyncset.done $0x0  }
0xd3: {  	[sflag:s21] =	ssyncadd.s32 $0xFFFFF800  }
0xd4: {  	[spmem:s4] =	stream.indirect.scatter.add.f32 [tilespmem:s14], [sflag:$0x2], $0x10, s18, s24, $0xb8;
	[tilespmem:$0x14120] =	vst v63  }
0xd5: {  	_ =	swait.ge [sflag:s21], $0x800  }
0xd6: {  	[sflag:s21] =	ssyncset.done $0x0  }
0xd7: {  	[sflag:s21] =	ssyncadd.s32 $0xFFFFF800  }
0xd8: {  	[spmem:s4] =	stream.indirect.scatter.add.f32 [tilespmem:s1], [sflag:$0x2], $0x10, s20, s24, $0xb8;
	[tilespmem:$0x14120] =	vst v63  }
0xd9: {  	_ =	swait.ge [sflag:s21], $0x800  }
0xda: {  	s25 =	sadd.s32 s12, s25;
	[sflag:s21] =	ssyncset.done $0x0  }
.Ltmp10:
0xdb: {  	s30 =	simm.s32 $0x0;
	[sflag:s21] =	ssyncadd.s32 $0xFFFFF800;
	(pc) =	sbr.rel .LBB2_13-.Ltmp10, $4  }
0xdc: {  	[hbm4b:s25+s30] =	stream.linear.scatter [tilespmem:s5], [sflag:$0x1], $0x2000, $0x38;
	[tilespmem:$0x14120] =	vst v63  }
0xdd: {  	_ =	swait.ge [sflag:s19], $0x2000  }
0xde: {  	[sflag:s19] =	ssyncset.done $0x0  }
0xdf: {  	[sflag:s19] =	ssyncadd.s32 $0xFFFFE000  }
.LBB2_15:
0xe0: {  	_ =	sfence.sel $0x180000  }
0xe1: {  	[bflag:$0x0] =	sbarrier.arrive $0xFFFF  }
0xe2: {  	_ =	strace $0x90000047  }
0xe3: {  	[bflag:$0x2] =	sbarrier.arrive $0xFFFF  }
0xe4: {  	s0 =	rddreg [dreg:$0x5]  }
0xe5: {  	s0 =	sadd.s32 @!p1 $0x100000, s0  }
0xe6: {  	[sflag:s0] =	ssyncadd.tile.s32 @!p1 $0x1;
	_ =	shalt  }
.Lfunc_end2:
_tile_overlayer_lowered:
.L_overlay_start_2:
0xe7: {  	(tag) =	ssettag $0x2  }
0xe8: {  	s0 =	rddreg [dreg:$0x0];
	s2 =	stileid.u32  }
0xe9: {  	s1 =	rddreg [dreg:$0x1];
	p0 =	sne.s32 s2, $0x0  }
0xea: {  	s3 =	rddreg [dreg:$0x2];
	[bflag:$0x3] =	sbarrier.arrive $0xFFFF;
	s2 =	simm.s32 @!p0 $0x1C01  }
0xeb: {  	[timem:s3], [sflag:s2] =	dma.local @!p0 [hbm:s0], s1  }
0xec: {  	s0 =	simm.s32 @!p0 $0x1  }
0xed: {  	_ =	swait.ge @!p0 [sflag:s0], s1  }
0xee: {  	s1 =	ssub.s32 @!p0 $0x0, s1;
	[sflag:s0] =	ssyncset.done @!p0 $0x0  }
0xef: {  	[sflag:s0] =	ssyncadd.s32 @!p0 s1  }
0xf0: {  	[bflag:$0x3] =	sbarrier.arrive $0xFFFF  }
0xf1: {  	_ =	shalt  }

// kernel: kernel.14.cloned.1.call-start
scs
__scs_entry_jumppad:
0x0: {  	(pc) =	sbr.rel $0x88, $3  }
0x1: {  	(tag) =	ssettag $0x0;
	lr =	simm.s32 $0x1  }
0x2: {  	[smem:$0x3F94] =	sst lr;
	_ =	strace $0xD0000000  }
0x3: {  	_ = 	snop  }
0x4: {  	_ = 	snop  }
0x5: {  	_ = 	snop  }
0x6: {  	_ = 	snop  }
0x7: {  	_ = 	snop  }
__scs_overlays_trampoline_lowered:
0x8: {  	[smem:$0x3FA3] =	sst s0  }
0x9: {  	[smem:$0x3FA4] =	sst s1  }
0xa: {  	[smem:$0x3FA5] =	sst s2  }
0xb: {  	[smem:$0x3FA6] =	sst s3  }
0xc: {  	[smem:$0x3FA7] =	sst s4  }
0xd: {  	[smem:$0x3FA8] =	sst s5  }
0xe: {  	[smem:$0x3FA9] =	sst s6  }
0xf: {  	[smem:$0x3FAA] =	sst s7  }
0x10: {  	[smem:$0x3FAB] =	sst s8  }
0x11: {  	[smem:$0x3FAC] =	sst s9;
	s0 =	simm.s32 @!p0 $0x0  }
0x12: {  	s1 =	sld [smem:$0x3F92];
	s0 =	simm.s32 @p0 $0x1  }
0x13: {  	[smem:$0x3FAD] =	sst s0;
	s0 =	simm.s32 @!p1 $0x0  }
0x14: {  	s2 =	sld [smem:$0x3F91];
	s0 =	simm.s32 @p1 $0x1  }
0x15: {  	[smem:$0x3FAE] =	sst s0;
	s0 =	simm.s32 @!p2 $0x0  }
0x16: {  	s3 =	sld [smem:$0x3FDB];
	s0 =	simm.s32 @p2 $0x1  }
0x17: {  	s4 =	simm.s32 $0x1BF5;
	[smem:$0x3FB0] =	sst s0  }
0x18: {  	s0 =	sld [smem:$0x3F93];
	_ =	swait.ge [sflag:s4], $0x0  }
0x19: {  	s7 =	sld [smem:$0x3F94]  }
0x1a: {  	s8 =	sadd.s32 $0xFFFFE003, lr  }
0x1b: {  	s9 =	sadd.s32 $0xFFFFFEF7, lr;
	s5 =	simm.s32 $0xFFFFFFFF;
	p2 =	slt.u32 s8, $0xFFFFF086  }
0x1c: {  	p1 =	slt.u32 s9, $0xF7A;
	s5 =	simm.s32 @!p2 $0x0  }
0x1d: {  	s5 =	simm.s32 @p1 $0x1;
	p0 =	seq.s32 s7, s2  }
0x1e: {  	s7 =	smul.u32 @!p0 $0xF7A, s2;
	p2 =	seq.s32 @!p0 s5, $0x0  }
0x1f: {  	s9 =	smul.u32 $0xF7A, s1;
	s8 =	simm.s32 @!p0 $0x1BF5;
	p2 =	por !p2, p0  }
0x20: {  	[sflag:s8] =	ssyncset.s32 @!p0 $0xFFFFF086;
	s6 =	sadd.s32 @!p0 s3, s7;
	s7 =	simm.s32 @!p0 $0x108  }
0x21: {  	s3 =	sadd.s32 s3, s9;
	s6 =	sadd.s32 @!p0 $0x88, s6;
	s7 =	simm.s32 @p2 $0x1082  }
0x22: {  	[simem:s7], [sflag:s8] =	dma.local @!p0 [hbm:s6], $0xF7A  }
0x23: {  	s9 =	sor.u32 $0xD0000000, s2;
	s6 =	simm.s32 $0x108;
	_ =	swait.ge @!p0 [sflag:s8], $0x0  }
0x24: {  	s3 =	sadd.s32 $0x88, s3;
	s6 =	simm.s32 @!p1 $0x1082;
	[sflag:s4] =	ssyncset.s32 $0xFFFFF086  }
0x25: {  	[simem:s6], [sflag:s4] =	dma.local [hbm:s3], $0xF7A  }
0x26: {  	[smem:$0x3F94] =	sst s1;
	(tag) =	ssettag s2;
	_ =	strace s9  }
0x27: {  	s1 =	sld [smem:$0x3FA4]  }
0x28: {  	s2 =	sld [smem:$0x3FA5]  }
0x29: {  	s4 =	sld [smem:$0x3FA7]  }
0x2a: {  	p0 =	seq.s32 s5, $0x0;
	s5 =	sld [smem:$0x3FA8]  }
0x2b: {  	s6 =	sld [smem:$0x3FA9]  }
0x2c: {  	s7 =	sld [smem:$0x3FAA]  }
0x2d: {  	s3 =	simm.s32 $0x108;
	s8 =	sld [smem:$0x3FAB]  }
0x2e: {  	s3 =	simm.s32 @!p0 $0x1082;
	s9 =	sld [smem:$0x3FAC]  }
0x2f: {  	lr =	sadd.s32 s0, s3;
	s0 =	sld [smem:$0x3FA3]  }
0x30: {  	s3 =	sld [smem:$0x3FA6]  }
0x31: {  	[smem:$0x3FAF] =	sst s10  }
0x32: {  	s10 =	sld [smem:$0x3FAD];
	_ =	sdelay $0x3  }
0x33: {  	p0 =	seq.s32 s10, $0x1;
	s10 =	sld [smem:$0x3FAF];
	_ =	sdelay $0x3  }
0x34: {  	[smem:$0x3FAF] =	sst s10  }
0x35: {  	s10 =	sld [smem:$0x3FAE];
	_ =	sdelay $0x3  }
0x36: {  	p1 =	seq.s32 s10, $0x1;
	s10 =	sld [smem:$0x3FAF];
	_ =	sdelay $0x3  }
0x37: {  	[smem:$0x3FAF] =	sst s10  }
0x38: {  	s10 =	sld [smem:$0x3FB0]  }
0x39: {  	_ = 	snop;
	(pc) =	sbr.ind lr, $3  }
0x3a: {  	_ = 	snop  }
0x3b: {  	_ = 	snop  }
0x3c: {  	p2 =	seq.s32 s10, $0x1;
	s10 =	sld [smem:$0x3FAF]  }
0x3d: {  	_ =	shalt  }
0x3e: {  	_ =	shalt  }
0x3f: {  	_ =	shalt  }
0x40: {  	_ =	shalt  }
0x41: {  	_ =	shalt  }
0x42: {  	_ =	shalt  }
0x43: {  	_ =	shalt  }
0x44: {  	_ =	shalt  }
0x45: {  	_ =	shalt  }
0x46: {  	_ =	shalt  }
0x47: {  	_ =	shalt  }
0x48: {  	_ =	shalt  }
0x49: {  	_ =	shalt  }
0x4a: {  	_ =	shalt  }
0x4b: {  	_ =	shalt  }
0x4c: {  	_ =	shalt  }
0x4d: {  	_ =	shalt  }
0x4e: {  	_ =	shalt  }
0x4f: {  	_ =	shalt  }
0x50: {  	_ =	shalt  }
0x51: {  	_ =	shalt  }
0x52: {  	_ =	shalt  }
0x53: {  	_ =	shalt  }
0x54: {  	_ =	shalt  }
0x55: {  	_ =	shalt  }
0x56: {  	_ =	shalt  }
0x57: {  	_ =	shalt  }
0x58: {  	_ =	shalt  }
0x59: {  	_ =	shalt  }
0x5a: {  	_ =	shalt  }
0x5b: {  	_ =	shalt  }
0x5c: {  	_ =	shalt  }
0x5d: {  	_ =	shalt  }
0x5e: {  	_ =	shalt  }
0x5f: {  	_ =	shalt  }
0x60: {  	_ =	shalt  }
0x61: {  	_ =	shalt  }
0x62: {  	_ =	shalt  }
0x63: {  	_ =	shalt  }
0x64: {  	_ =	shalt  }
0x65: {  	_ =	shalt  }
0x66: {  	_ =	shalt  }
0x67: {  	_ =	shalt  }
0x68: {  	_ =	shalt  }
0x69: {  	_ =	shalt  }
0x6a: {  	_ =	shalt  }
0x6b: {  	_ =	shalt  }
0x6c: {  	_ =	shalt  }
0x6d: {  	_ =	shalt  }
0x6e: {  	_ =	shalt  }
0x6f: {  	_ =	shalt  }
0x70: {  	_ =	shalt  }
0x71: {  	_ =	shalt  }
0x72: {  	_ =	shalt  }
0x73: {  	_ =	shalt  }
0x74: {  	_ =	shalt  }
0x75: {  	_ =	shalt  }
0x76: {  	_ =	shalt  }
0x77: {  	_ =	shalt  }
0x78: {  	_ =	shalt  }
0x79: {  	_ =	shalt  }
0x7a: {  	_ =	shalt  }
0x7b: {  	_ =	shalt  }
0x7c: {  	_ =	shalt  }
0x7d: {  	_ =	shalt  }
0x7e: {  	_ =	shalt  }
0x7f: {  	_ =	shalt  }
0x80: {  	_ =	shalt  }
0x81: {  	_ =	shalt  }
0x82: {  	_ =	shalt  }
0x83: {  	_ =	shalt  }
0x84: {  	_ =	shalt  }
0x85: {  	_ =	shalt  }
0x86: {  	_ =	shalt  }
0x87: {  	_ =	shalt  }
.Lfunc_end0:
.L_simem_size_0:
called_computation.1_lowered:
.L_overlay_start_0:
0x88: {  	s2 =	sld [smem:$0x3FD9]  }
0x89: {  	s3 =	sld [smem:$0x3FFE];
	_ =	sdelay $0x1  }
0x8a: {  	s1 =	srdreg.scid  }
0x8b: {  	s0 =	sand.u32 $0x1, s1  }
0x8c: {  	s17 =	sshll.u32 s0, $0xA;
	s2 =	sadd.s32 s3, s2  }
0x8d: {  	s2 =	sadd.s32 s2, s17  }
0x8e: {  	[smem:$0x3FBB] =	sst s2  }
0x8f: {  	_ = 	snop  }
0x90: {  	s2 =	sld [smem:$0x3FD0];
	(tm) =	ssettm $0x1  }
0x91: {  	s18 =	sld [smem:$0x3FFB];
	_ =	sdelay $0x3  }
0x92: {  	_ =	strace s18  }
0x93: {  	s3 =	sld [smem:$0x3FFC];
	_ =	sdelay $0x3  }
0x94: {  	_ =	strace s3  }
0x95: {  	s3 =	sld [smem:$0x3FFD];
	_ =	sdelay $0x3  }
0x96: {  	_ =	strace s3  }
0x97: {  	_ =	strace $0x8FFFFFFF  }
0x98: {  	s19 =	sld [smem:$0x3FDB];
	_ =	sdelay $0x1  }
0x99: {  	s4 =	simm.s32 $_scs_section_size  }
0x9a: {  	s5 =	simm.s32 $_size__tile_overlayer_lowered;
	s6 =	simm.s32 $_tile_overlayer_lowered  }
0x9b: {  	s22 =	simm.s32 $0x1BFF;
	s21 =	sshll.u32 s6, $0x1;
	s3 =	sadd.s32 s4, s19  }
0x9c: {  	s7 =	simm.s32 $0x0;
	s20 =	sshll.u32 s5, $0x1;
	s5 =	sadd.s32 s21, s3  }
0x9d: {  	[timem:s7], [sflag:s22] =	dma.local [hbm:s5], s20  }
0x9e: {  	_ =	swait.ge [sflag:s22], s20  }
0x9f: {  	s4 =	ssub.s32 $0x0, s20;
	[sflag:s22] =	ssyncset.done $0x0  }
0xa0: {  	[sflag:s22] =	ssyncadd.s32 s4;
	_ =	sdelay $0x1  }
0xa1: {  	s23 =	simm.s32 $0x1B8B  }
0xa2: {  	_ =	swait.ge [sflag:s23], $0x1  }
0xa3: {  	[sflag:s23] =	ssyncset.done $0x0  }
0xa4: {  	s25 =	simm.s32 $0x1B8E;
	s24 =	sld [smem:$0x3FFE];
	[sflag:s23] =	ssyncadd.s32 $0xFFFFFFFF  }
0xa5: {  	s26 =	simm.s32 $execute0_lowered;
	[smem:$0x3FD2] =	sst s25  }
0xa6: {  	s5 =	sshll.u32 s26, $0x1;
	_ =	strace $0x80000049;
	[dreg:$0x1] =	wrdreg $0xFFFFFFFF  }
0xa7: {  	s28 =	simm.s32 $_size_execute0_lowered;
	s3 =	sadd.s32 s3, s5;
	[dreg:$0x0] =	wrdreg $0x0  }
0xa8: {  	s5 =	sshll.u32 s28, $0x1;
	[dreg:$0x2] =	wrdreg s3  }
0xa9: {  	[dreg:$0x3] =	wrdreg s5  }
0xaa: {  	[dreg:$0x4] =	wrdreg $0xC0  }
0xab: {  	_ =	task [dreg:s7], $0x5FFFF  }
0xac: {  	[dreg:$0x1] =	wrdreg $0xFFFFFFFF  }
0xad: {  	[dreg:$0x0] =	wrdreg $0x60  }
0xae: {  	[dreg:$0x2] =	wrdreg s24  }
0xaf: {  	[dreg:$0x3] =	wrdreg s2  }
0xb0: {  	[dreg:$0x4] =	wrdreg $0x84000  }
0xb1: {  	[dreg:$0x5] =	wrdreg $0xAB100  }
0xb2: {  	[dreg:$0x6] =	wrdreg $0x112200  }
0xb3: {  	[dreg:$0x7] =	wrdreg $0x9  }
0xb4: {  	_ =	task.clear_ibuf [dreg:s7], $0x8FFFF;
	_ =	strace $0x90000049  }
0xb5: {  	s29 =	simm.s32 $0x9;
	_ =	strace $0x8000004B  }
0xb6: {  	_ =	swait.ge [sflag:s29], $0x1  }
0xb7: {  	[sflag:s29] =	ssyncadd.s32 $0xFFFFFFFF  }
0xb8: {  	_ =	strace $0x9000004B  }
0xb9: {  	_ =	sfence  }
0xba: {  	s30 =	sld [smem:$0x0];
	_ =	sdelay $0x2  }
0xbb: {  	s31 =	sshll.u32 s1, $0xD;
	s1 =	sshrl.u32 s1, $0x2  }
0xbc: {  	s3 =	sand.u32 $0x4000, s31;
	s1 =	sadd.s32 s1, s30  }
0xbd: {  	s0 =	sor.u32 s3, s0;
	s1 =	sshll.u32 s1, $0x11  }
0xbe: {  	s0 =	sor.u32 s1, s0  }
0xbf: {  	s0 =	sadd.s32 $0x8F2B, s0  }
0xc0: {  	[sflag:s0] =	ssyncadd.remote.s32 $0x1  }
0xc1: {  	_ =	sfence.sel $0xFFFF  }
0xc2: {  	[dreg:$0x0] =	wrdreg $0xFFFFFFFF;
	(pc) =	sbr.abs _section_cstart, $3  }
0xc3: {  	[dreg:$0x1] =	wrdreg $0xFFFFFFFF  }
0xc4: {  	_ =	task.clear_ibuf [dreg:s7], $0x2FFFF;
	_ =	strace $0x9FFFFFFF  }
0xc5: {  	(tm) =	ssettm $0x7FFFFFFF  }
tec
execute0_lowered:
.L_overlay_start_1:
0x0: {  	(tag) =	ssettag $0x1  }
0x1: {  	s0 =	rddreg [dreg:$0x0]  }
0x2: {  	s2 =	rddreg [dreg:$0x2]  }
0x3: {  	s3 =	rddreg [dreg:$0x3]  }
0x4: {  	s4 =	rddreg [dreg:$0x4];
	s1 =	simm.s32 $0x0;
	s21 =	srdreg.scid  }
0x5: {  	s10 =	stileid.u32;
	s20 =	simm.s32 $0x1;
	s31 =	simm.s32 $0x280  }
0x6: {  	s11 =	simm.s32 $0x300;
	s18 =	simm.s32 $0x3400;
	s16 =	simm.s32 $0x380  }
0x7: {  	s17 =	simm.s32 $0x3C00;
	s15 =	simm.s32 $0xF220;
	s19 =	simm.s32 $0x0  }
0x8: {  	[smem:$0x7FF] =	sst s1;
	s7 =	sadd.s32 $0x4E00, s0;
	s8 =	sand.u32 $0x1, s21  }
0x9: {  	s22 =	smul.u32 $0x4F0, s10;
	s9 =	sadd.s32 $0xEC00, s0;
	s5 =	sadd.s32 $0x18A00, s0  }
0xa: {  	s6 =	sadd.s32 $0x1DA00, s0;
	s12 =	sadd.s32 $0x2C800, s0;
	s24 =	smul.u32 $0x9E00, s10  }
0xb: {  	s13 =	sadd.s32 $0xC8C00, s0;
	s14 =	sshll.u32 s10, $0x1;
	p0 =	seq.s32 s10, $0x1  }
0xc: {  	s30 =	sshrl.u32 s3, $0x3;
	p1 =	sne.s32 s10, $0x0;
	s10 =	simm.s32 $0x1400  }
0xd: {  	s21 =	simm.s32 $0x180;
	_ =	strace $0x8000004A;
	[dreg:$0x6] =	wrdreg s5  }
0xe: {  	s23 =	smul.u32 $0x4F00, s8;
	[dreg:$0x7] =	wrdreg s6;
	s25 =	ssub.s32 $0x2, s8  }
0xf: {  	[dreg:$0xb] =	wrdreg s30;
	s5 =	simm.s32 $0x10220;
	s26 =	sshrl.u32 s25, $0x1  }
0x10: {  	s6 =	sshrl.u32 s24, $0x2;
	s24 =	simm.s32 $0x10A20;
	s1 =	sadd.s32 s22, s23  }
.Ltmp0:
0x11: {  	s28 =	sadd.s32 s6, s4;
	s22 =	simm.s32 $0x2;
	(pc) =	sbr.rel .LBB2_1-.Ltmp0, $4  }
0x12: {  	s23 =	simm.s32 $0x200;
	s6 =	simm.s32 $0x1C00;
	s0 =	sadd.s32 s1, s0  }
0x13: {  	s1 =	ssub.s32 s25, s26;
	[dreg:$0x8] =	wrdreg s28;
	s0 =	sadd.s32 $0x22A00, s0  }
0x14: {  	s26 =	simm.s32 $0x80;
	s29 =	smax.u32 s1, $0x1;
	[dreg:$0x9] =	wrdreg s0  }
0x15: {  	v0 =	vimm.f32 $0.0e+00;
	s25 =	simm.s32 $0x6400;
	s1 =	simm.s32 $0xFA20;
	[dreg:$0xa] =	wrdreg s29  }
.LBB2_14:
0x16: {  	s0 =	stileid.u32;
	[bflag:$0x0] =	sbarrier.arrive $0xFFFF  }
0x17: {  	s0 =	sshll.u32 s0, $0x6;
	s28 =	rddreg [dreg:$0x8]  }
0x18: {  	s29 =	rddreg [dreg:$0x9];
	s0 =	sor.u32 $0x1C01, s0;
	s19 =	sshrl.u32 s28, $0x3  }
0x19: {  	[hbm:s29], [sflag:s0] =	dma.local [spmem:s19], $0x4F0  }
0x1a: {  	_ =	swait.ge [sflag:s20], $0x4F0  }
0x1b: {  	s29 =	rddreg [dreg:$0xc]  }
0x1c: {  	s30 =	rddreg [dreg:$0xa];
	s19 =	sadd.s32 $0x1, s29  }
0x1d: {  	p2 =	sne.s32 s19, s30  }
.Ltmp1:
0x1e: {  	_ = 	snop;
	(pc) =	sbr.rel @!p2 .LBB2_15-.Ltmp1, $3  }
0x1f: {  	_ =	sdelay $0x1  }
0x20: {  	[sflag:s20] =	ssyncset.done $0x0  }
0x21: {  	[sflag:s20] =	ssyncadd.s32 $0xFFFFFB10  }
.LBB2_1:
.Ltmp2:
0x22: {  	(pc) =	sbr.rel @p0 .LBB2_4-.Ltmp2, $2  }
0x23: {  	_ =	sdelay $0x2  }
0x24: {  	[dreg:$0xc] =	wrdreg s19  }
.Ltmp3:
0x25: {  	(pc) =	sbr.rel @p1 .LBB2_6-.Ltmp3, $1  }
0x26: {  	_ =	sdelay $0x3  }
.Ltmp4:
0x27: {  	(pc) =	sbr.rel .LBB2_5-.Ltmp4, $3  }
0x28: {  	_ =	sdelay $0x1  }
0x29: {  	s0 =	sshrl.u32 s2, $0x3;
	s19 =	rddreg [dreg:$0x6];
	s29 =	simm.s32 $0x1C01  }
0x2a: {  	[spmem:s0], [sflag:s29] =	dma.local [hbm:s19], $0x4E20  }
.LBB2_4:
0x2b: {  	s0 =	rddreg [dreg:$0x7]  }
0x2c: {  	s19 =	rddreg [dreg:$0xb];
	s29 =	simm.s32 $0x1C41  }
0x2d: {  	[spmem:s19], [sflag:s29] =	dma.local [hbm:s0], $0x4E20  }
.LBB2_5:
0x2e: {  	_ =	swait.ge [sflag:s20], $0x4E20  }
0x2f: {  	[sflag:s20] =	ssyncset.done $0x0  }
0x30: {  	[sflag:s20] =	ssyncadd.s32 $0xFFFFB1E0  }
.LBB2_6:
0x31: {  	s0 =	simm.s32 $0x40;
	s19 =	simm.s32 $0x0  }
.LBB2_7:
0x32: {  	p2 =	sne.s32 s0, $0x9DC0;
	[tilespmem:s19+$0x139A0] =	vst v0;
	s19 =	smov.u32 s0;
	s0 =	sadd.s32 $0x40, s0  }
.Ltmp5:
0x33: {  	(pc) =	sbr.rel @p2 .LBB2_7-.Ltmp5, $2  }
0x34: {  	_ =	sdelay $0x2  }
0x35: {  	s19 =	sshra.s32 s19, $0x2  }
0x36: {  	[tilespmem:s19+$0x139A0] =	vst v0;
	s0 =	simm.s32 $0x139A0  }
0x37: {  	[spmem:s28] =	stream.linear.scatter [tilespmem:s0], [sflag:$0x1], $0x2780, $0x38;
	[tilespmem:$0x16120] =	vst v63  }
.Ltmp6:
0x38: {  	_ =	swait.ge [sflag:s20], $0x2780;
	(pc) =	sbr.rel .LBB2_9-.Ltmp6, $4  }
0x39: {  	[sflag:s20] =	ssyncset.done $0x0  }
0x3a: {  	[sflag:s20] =	ssyncadd.s32 $0xFFFFD880  }
0x3b: {  	[bflag:$0x0] =	sbarrier.arrive $0xFFFF  }
0x3c: {  	s28 =	simm.s32 $0x0  }
.LBB2_13:
0x3d: {  	s28 =	sadd.s32 $0x1, s28  }
0x3e: {  	p2 =	sne.s32 s28, $0x14  }
.Ltmp7:
0x3f: {  	_ = 	snop;
	(pc) =	sbr.rel @!p2 .LBB2_14-.Ltmp7, $1  }
0x40: {  	_ =	sdelay $0x3  }
.LBB2_9:
0x41: {  	s0 =	sshll.u32 s28, $0x5  }
0x42: {  	s0 =	sor.u32 s0, s14  }
0x43: {  	s0 =	sor.u32 s8, s0  }
0x44: {  	p2 =	sgt.u32 s0, $0x270  }
.Ltmp8:
0x45: {  	_ = 	snop;
	(pc) =	sbr.rel @p2 .LBB2_13-.Ltmp8, $1  }
0x46: {  	_ =	sdelay $0x3  }
0x47: {  	s19 =	sshll.u32 s0, $0x6  }
0x48: {  	s30 =	simm.s32 $0x0;
	s29 =	sadd.s32 s7, s19  }
0x49: {  	[tilespmem:s30], [sflag:$0x2] =	stream.linear.gather [hbm4b:s29+s30], $0x200, $0x38;
	[tilespmem:$0x16120] =	vst v63  }
0x4a: {  	_ =	swait.ge [sflag:s22], $0x200  }
0x4b: {  	[sflag:s22] =	ssyncset.done $0x0  }
0x4c: {  	s19 =	sadd.s32 s9, s19;
	[sflag:s22] =	ssyncadd.s32 $0xFFFFFE00  }
0x4d: {  	[tilespmem:s23], [sflag:$0x2] =	stream.linear.gather [hbm4b:s19+s30], $0x200, $0x38;
	[tilespmem:$0x16120] =	vst v63  }
0x4e: {  	_ =	swait.ge [sflag:s22], $0x200  }
0x4f: {  	[sflag:s22] =	ssyncset.done $0x0  }
0x50: {  	[sflag:s22] =	ssyncadd.s32 $0xFFFFFE00  }
0x51: {  	s29 =	sshll.u32 s0, $0xA;
	s19 =	rddreg [dreg:$0x1]  }
0x52: {  	s0 =	sadd.s32 s19, s29;
	s19 =	simm.s32 $0x4400  }
0x53: {  	[tilespmem:s19], [sflag:$0x2] =	stream.linear.gather [hbm4b:s0+s30], $0x2000, $0x38;
	[tilespmem:$0x16120] =	vst v63  }
0x54: {  	_ =	swait.ge [sflag:s22], $0x2000  }
0x55: {  	[sflag:s22] =	ssyncset.done $0x0  }
0x56: {  	s0 =	sadd.s32 s12, s29;
	s19 =	simm.s32 $0xD220;
	[sflag:s22] =	ssyncadd.s32 $0xFFFFE000  }
0x57: {  	[tilespmem:s19], [sflag:$0x2] =	stream.linear.gather [hbm4b:s0+s30], $0x2000, $0x38;
	[tilespmem:$0x16120] =	vst v63  }
0x58: {  	_ =	swait.ge [sflag:s22], $0x2000  }
0x59: {  	[sflag:s22] =	ssyncset.done $0x0  }
0x5a: {  	s19 =	simm.s32 $0x400;
	[sflag:s22] =	ssyncadd.s32 $0xFFFFE000  }
0x5b: {  	[tilespmem:s19], [sflag:$0x2] =	stream.indirect.gather [spmem:s2], $0x10, s30, s26, $0xb8;
	[tilespmem:$0x16120] =	vst v63  }
0x5c: {  	_ =	swait.ge [sflag:s22], $0x800  }
0x5d: {  	[sflag:s22] =	ssyncset.done $0x0  }
0x5e: {  	s19 =	simm.s32 $0x2400;
	[sflag:s22] =	ssyncadd.s32 $0xFFFFF800  }
0x5f: {  	[tilespmem:s19], [sflag:$0x2] =	stream.indirect.gather [spmem:s3], $0x10, s23, s26, $0xb8;
	[tilespmem:$0x16120] =	vst v63  }
0x60: {  	_ =	swait.ge [sflag:s22], $0x800  }
0x61: {  	[sflag:s22] =	ssyncset.done $0x0  }
0x62: {  	s19 =	simm.s32 $0xC00;
	[sflag:s22] =	ssyncadd.s32 $0xFFFFF800  }
0x63: {  	[tilespmem:s19], [sflag:$0x2] =	stream.indirect.gather [spmem:s2], $0x10, s26, s26, $0xb8;
	[tilespmem:$0x16120] =	vst v63  }
0x64: {  	_ =	swait.ge [sflag:s22], $0x800  }
0x65: {  	[sflag:s22] =	ssyncset.done $0x0  }
0x66: {  	s19 =	simm.s32 $0x2C00;
	[sflag:s22] =	ssyncadd.s32 $0xFFFFF800  }
0x67: {  	[tilespmem:s19], [sflag:$0x2] =	stream.indirect.gather [spmem:s3], $0x10, s31, s26, $0xb8;
	[tilespmem:$0x16120] =	vst v63  }
0x68: {  	_ =	swait.ge [sflag:s22], $0x800  }
0x69: {  	[sflag:s22] =	ssyncset.done $0x0  }
0x6a: {  	s19 =	simm.s32 $0x100;
	[sflag:s22] =	ssyncadd.s32 $0xFFFFF800  }
0x6b: {  	[tilespmem:s10], [sflag:$0x2] =	stream.indirect.gather [spmem:s2], $0x10, s19, s26, $0xb8;
	[tilespmem:$0x16120] =	vst v63  }
0x6c: {  	_ =	swait.ge [sflag:s22], $0x800  }
0x6d: {  	[sflag:s22] =	ssyncset.done $0x0  }
0x6e: {  	[sflag:s22] =	ssyncadd.s32 $0xFFFFF800  }
0x6f: {  	[tilespmem:s18], [sflag:$0x2] =	stream.indirect.gather [spmem:s3], $0x10, s11, s26, $0xb8;
	[tilespmem:$0x16120] =	vst v63  }
0x70: {  	_ =	swait.ge [sflag:s22], $0x800  }
0x71: {  	[sflag:s22] =	ssyncset.done $0x0  }
0x72: {  	[sflag:s22] =	ssyncadd.s32 $0xFFFFF800  }
0x73: {  	[tilespmem:s6], [sflag:$0x2] =	stream.indirect.gather [spmem:s2], $0x10, s21, s26, $0xb8;
	[tilespmem:$0x16120] =	vst v63  }
0x74: {  	_ =	swait.ge [sflag:s22], $0x800  }
0x75: {  	[sflag:s22] =	ssyncset.done $0x0  }
0x76: {  	[sflag:s22] =	ssyncadd.s32 $0xFFFFF800  }
0x77: {  	[tilespmem:s17], [sflag:$0x2] =	stream.indirect.gather [spmem:s3], $0x10, s16, s26, $0xb8;
	[tilespmem:$0x16120] =	vst v63  }
0x78: {  	_ =	swait.ge [sflag:s22], $0x800  }
0x79: {  	[sflag:s22] =	ssyncset.done $0x0  }
0x7a: {  	s30 =	simm.s32 $0x0;
	[sflag:s22] =	ssyncadd.s32 $0xFFFFF800  }
0x7b: {  	v1 =	vld [tilespmem:s30+$0x470]  }
0x7c: {  	v2 =	vld [tilespmem:s30+$0x2470]  }
0x7d: {  	v3 =	vld [tilespmem:s30+$0x400]  }
0x7e: {  	v4 =	vld [tilespmem:s30+$0x4470]  }
0x7f: {  	v5 =	vld [tilespmem:s30+$0x2400]  }
0x80: {  	v6 =	vld [tilespmem:s30+$0x410]  }
0x81: {  	v7 =	vld [tilespmem:s30+$0xD290]  }
0x82: {  	v8 =	vld [tilespmem:s30+$0x420]  }
0x83: {  	v9 =	vld [tilespmem:s30+$0x430]  }
0x84: {  	v10 =	vld [tilespmem:s30+$0x2430]  }
0x85: {  	v11 =	vld [tilespmem:s30+$0x2440]  }
0x86: {  	v12 =	vld [tilespmem:s30+$0x2450]  }
0x87: {  	v13 =	vld [tilespmem:s30+$0x460]  }
0x88: {  	v14 =	vld [tilespmem:s30+$0x2460]  }
0x89: {  	v15 =	vld [tilespmem:s30+$0x4400];
	v1 =	vadd.f32 v2, v1  }
0x8a: {  	v16 =	vld [tilespmem:s30+$0x4410]  }
0x8b: {  	v2 =	vld [tilespmem:s30+$0x2410];
	v1 =	vadd.f32 v4, v1  }
0x8c: {  	v17 =	vld [tilespmem:s30+$0x4420]  }
0x8d: {  	v4 =	vld [tilespmem:s30+$0x2420];
	v1 =	vmax.f32 v1, $0.0e+00  }
0x8e: {  	v3 =	vadd.f32 v5, v3;
	v5 =	vld [tilespmem:s30+$0x4430];
	[tilespmem:s30+$0xF290] =	vst v1;
	v1 =	vadd.f32 v1, v7  }
0x8f: {  	v7 =	vld [tilespmem:s30+$0x440]  }
0x90: {  	v2 =	vadd.f32 v2, v6;
	[tilespmem:s30+$0x6470] =	vst v1;
	v1 =	vld [tilespmem:s30+$0x450]  }
0x91: {  	v18 =	vld [tilespmem:s30+$0x4440];
	v3 =	vadd.f32 v15, v3  }
0x92: {  	v6 =	vld [tilespmem:s30+$0x4450];
	v4 =	vadd.f32 v4, v8;
	v2 =	vadd.f32 v16, v2  }
0x93: {  	v60 =	vld [tilespmem:s30+$0x4460];
	v61 =	vmax.f32 v3, $0.0e+00;
	v3 =	vadd.f32 v10, v9  }
0x94: {  	v19 =	vld [tilespmem:s30+$0xD220];
	v4 =	vadd.f32 v17, v4;
	v10 =	vmax.f32 v2, $0.0e+00;
	v2 =	vadd.f32 v11, v7  }
0x95: {  	v62 =	vld [tilespmem:s30+$0xD230];
	[tilespmem:s30+$0xF220] =	vst v61;
	v3 =	vadd.f32 v5, v3;
	v1 =	vadd.f32 v12, v1  }
0x96: {  	v20 =	vld [tilespmem:s30+$0xD240];
	[tilespmem:s30+$0xF230] =	vst v10;
	v11 =	vmax.f32 v4, $0.0e+00;
	v4 =	vadd.f32 v18, v2  }
0x97: {  	[tilespmem:s30+$0xF240] =	vst v11;
	v2 =	vmax.f32 v3, $0.0e+00;
	v3 =	vld [tilespmem:s30+$0xD250];
	v1 =	vadd.f32 v6, v1;
	v6 =	vadd.f32 v14, v13  }
0x98: {  	v5 =	vld [tilespmem:s30+$0xD260];
	[tilespmem:s30+$0xF250] =	vst v2;
	v4 =	vmax.f32 v4, $0.0e+00  }
0x99: {  	v63 =	vadd.f32 v61, v19;
	v8 =	vld [tilespmem:s30+$0xD270];
	[tilespmem:s30+$0xF260] =	vst v4;
	v7 =	vmax.f32 v1, $0.0e+00;
	v1 =	vadd.f32 v60, v6  }
0x9a: {  	s0 =	simm.s32 $0x80;
	v9 =	vld [tilespmem:s30+$0xD280];
	v10 =	vadd.f32 v10, v62;
	[tilespmem:s30+$0xF270] =	vst v7  }
0x9b: {  	s19 =	simm.s32 $0x400;
	v11 =	vadd.f32 v11, v20;
	v6 =	vld [tilespmem:s0+$0x470];
	v1 =	vmax.f32 v1, $0.0e+00;
	[tilespmem:s30+$0x6400] =	vst v63  }
.LBB2_11:
0x9c: {  	p2 =	sne.s32 s19, $0x7E00;
	v12 =	vld [tilespmem:s0+$0x2470];
	[tilespmem:s30+$0x6410] =	vst v10;
	v2 =	vadd.f32 v2, v3  }
0x9d: {  	v3 =	vld [tilespmem:s0+$0x400];
	[tilespmem:s30+$0x6420] =	vst v11;
	v4 =	vadd.f32 v4, v5  }
0x9e: {  	v5 =	vld [tilespmem:s0+$0x4470];
	[tilespmem:s30+$0x6430] =	vst v2;
	v2 =	vadd.f32 v7, v8  }
0x9f: {  	v7 =	vld [tilespmem:s0+$0x2400];
	[tilespmem:s30+$0x6440] =	vst v4;
	v4 =	vadd.f32 v1, v9  }
0xa0: {  	v8 =	vld [tilespmem:s0+$0x410];
	[tilespmem:s30+$0x6450] =	vst v2  }
0xa1: {  	v2 =	vadd.f32 v12, v6;
	v6 =	vld [tilespmem:s0+$0xD290];
	[tilespmem:s30+$0x6460] =	vst v4  }
0xa2: {  	v4 =	vld [tilespmem:s0+$0x2410];
	[tilespmem:s30+$0xF280] =	vst v1;
	s30 =	smov.u32 s0  }
0xa3: {  	v1 =	vld [tilespmem:s30+$0x420];
	v2 =	vadd.f32 v5, v2  }
0xa4: {  	v3 =	vadd.f32 v7, v3;
	v5 =	vld [tilespmem:s30+$0x2420]  }
0xa5: {  	v7 =	vld [tilespmem:s30+$0x430];
	v2 =	vmax.f32 v2, $0.0e+00  }
0xa6: {  	v9 =	vld [tilespmem:s30+$0x2430];
	[tilespmem:s30+$0xF290] =	vst v2;
	v2 =	vadd.f32 v2, v6  }
0xa7: {  	v4 =	vadd.f32 v4, v8;
	v6 =	vld [tilespmem:s30+$0x440]  }
0xa8: {  	v8 =	vld [tilespmem:s30+$0x2440];
	[tilespmem:s30+$0x6470] =	vst v2  }
0xa9: {  	v1 =	vadd.f32 v5, v1;
	v2 =	vld [tilespmem:s30+$0x450]  }
0xaa: {  	v5 =	vld [tilespmem:s30+$0x2450]  }
0xab: {  	v7 =	vadd.f32 v9, v7;
	v9 =	vld [tilespmem:s30+$0x460]  }
0xac: {  	v10 =	vld [tilespmem:s30+$0x2460]  }
0xad: {  	v11 =	vld [tilespmem:s30+$0x4400];
	v6 =	vadd.f32 v8, v6  }
0xae: {  	v8 =	vld [tilespmem:s30+$0x4410]  }
0xaf: {  	v12 =	vld [tilespmem:s30+$0x4420];
	v5 =	vadd.f32 v5, v2  }
0xb0: {  	v2 =	vld [tilespmem:s30+$0x4430]  }
0xb1: {  	v13 =	vld [tilespmem:s30+$0x4440];
	v9 =	vadd.f32 v10, v9  }
0xb2: {  	v3 =	vadd.f32 v11, v3;
	v10 =	vld [tilespmem:s30+$0x4450]  }
0xb3: {  	v4 =	vadd.f32 v8, v4;
	v8 =	vld [tilespmem:s30+$0x4460]  }
0xb4: {  	v11 =	vmax.f32 v3, $0.0e+00;
	v14 =	vld [tilespmem:s30+$0xD220];
	v1 =	vadd.f32 v12, v1  }
0xb5: {  	[tilespmem:s30+$0xF220] =	vst v11;
	v12 =	vmax.f32 v4, $0.0e+00;
	v15 =	vld [tilespmem:s30+$0xD230];
	v2 =	vadd.f32 v2, v7  }
0xb6: {  	[tilespmem:s30+$0xF230] =	vst v12;
	v16 =	vmax.f32 v1, $0.0e+00;
	v17 =	vld [tilespmem:s30+$0xD240];
	v1 =	vadd.f32 v13, v6  }
.Ltmp9:
0xb7: {  	[tilespmem:s30+$0xF240] =	vst v16;
	v2 =	vmax.f32 v2, $0.0e+00;
	v3 =	vld [tilespmem:s30+$0xD250];
	v6 =	vadd.f32 v10, v5;
	(pc) =	sbr.rel @p2 .LBB2_11-.Ltmp9, $4  }
0xb8: {  	[tilespmem:s30+$0xF250] =	vst v2;
	v4 =	vmax.f32 v1, $0.0e+00;
	v5 =	vld [tilespmem:s30+$0xD260];
	v1 =	vadd.f32 v8, v9  }
0xb9: {  	v11 =	vadd.f32 v11, v14;
	[tilespmem:s30+$0xF260] =	vst v4;
	v7 =	vmax.f32 v6, $0.0e+00;
	v8 =	vld [tilespmem:s30+$0xD270]  }
0xba: {  	s0 =	sshra.s32 s19, $0x2;
	v10 =	vadd.f32 v12, v15;
	[tilespmem:s30+$0xF270] =	vst v7;
	v1 =	vmax.f32 v1, $0.0e+00;
	v9 =	vld [tilespmem:s30+$0xD280]  }
0xbb: {  	s19 =	sadd.s32 $0x200, s19;
	v6 =	vld [tilespmem:s0+$0x470];
	[tilespmem:s30+$0x6400] =	vst v11;
	v11 =	vadd.f32 v16, v17  }
0xbc: {  	v12 =	vld [tilespmem:s0+$0x2470];
	[tilespmem:s30+$0x6410] =	vst v10;
	v2 =	vadd.f32 v2, v3  }
0xbd: {  	v10 =	vld [tilespmem:s0+$0x400];
	[tilespmem:s30+$0x6420] =	vst v11;
	v4 =	vadd.f32 v4, v5  }
0xbe: {  	v3 =	vld [tilespmem:s0+$0x4470];
	[tilespmem:s30+$0x6430] =	vst v2;
	v45 =	vadd.f32 v7, v8  }
0xbf: {  	v2 =	vld [tilespmem:s0+$0x2400];
	[tilespmem:s30+$0x6440] =	vst v4;
	v46 =	vadd.f32 v1, v9  }
0xc0: {  	v4 =	vld [tilespmem:s0+$0x410];
	[tilespmem:s30+$0x6450] =	vst v45  }
0xc1: {  	v5 =	vld [tilespmem:s0+$0xD290];
	[tilespmem:s30+$0x6460] =	vst v46  }
0xc2: {  	v7 =	vld [tilespmem:s0+$0x2410];
	[tilespmem:s30+$0xF280] =	vst v1  }
0xc3: {  	v1 =	vld [tilespmem:s0+$0x420]  }
0xc4: {  	v47 =	vld [tilespmem:s0+$0x2420]  }
0xc5: {  	v48 =	vld [tilespmem:s0+$0x430]  }
0xc6: {  	v49 =	vld [tilespmem:s0+$0x2430]  }
0xc7: {  	v50 =	vld [tilespmem:s0+$0x440]  }
0xc8: {  	v11 =	vld [tilespmem:s0+$0x2440]  }
0xc9: {  	v51 =	vld [tilespmem:s0+$0x2450]  }
0xca: {  	v13 =	vld [tilespmem:s0+$0x460]  }
0xcb: {  	v14 =	vld [tilespmem:s0+$0x2460]  }
0xcc: {  	v6 =	vadd.f32 v12, v6;
	v15 =	vld [tilespmem:s0+$0x4400]  }
0xcd: {  	v16 =	vld [tilespmem:s0+$0x4410]  }
0xce: {  	v3 =	vadd.f32 v3, v6;
	v17 =	vld [tilespmem:s0+$0x4420]  }
0xcf: {  	v52 =	vld [tilespmem:s0+$0x4430]  }
0xd0: {  	v18 =	vld [tilespmem:s0+$0x4440];
	v2 =	vadd.f32 v2, v10;
	v3 =	vmax.f32 v3, $0.0e+00  }
0xd1: {  	v54 =	vld [tilespmem:s0+$0x4460];
	[tilespmem:s0+$0xF290] =	vst v3;
	v3 =	vadd.f32 v3, v5;
	v4 =	vadd.f32 v7, v4  }
0xd2: {  	v55 =	vld [tilespmem:s0+$0xD220];
	v2 =	vadd.f32 v15, v2;
	v1 =	vadd.f32 v47, v1  }
0xd3: {  	v56 =	vld [tilespmem:s0+$0xD230];
	v8 =	vadd.f32 v49, v48;
	v4 =	vadd.f32 v16, v4  }
0xd4: {  	v57 =	vld [tilespmem:s0+$0xD240];
	[tilespmem:s0+$0x6470] =	vst v3;
	v5 =	vadd.f32 v11, v50;
	v2 =	vmax.f32 v2, $0.0e+00;
	v1 =	vadd.f32 v17, v1  }
0xd5: {  	v3 =	vld [tilespmem:s0+$0x450];
	v8 =	vadd.f32 v52, v8;
	[tilespmem:s0+$0xF220] =	vst v2;
	v4 =	vmax.f32 v4, $0.0e+00  }
0xd6: {  	v58 =	vld [tilespmem:s0+$0xD250];
	v5 =	vadd.f32 v18, v5;
	[tilespmem:s0+$0xF230] =	vst v4;
	v1 =	vmax.f32 v1, $0.0e+00  }
0xd7: {  	v53 =	vld [tilespmem:s0+$0x4450];
	v8 =	vmax.f32 v8, $0.0e+00;
	[tilespmem:s0+$0xF240] =	vst v1  }
0xd8: {  	v59 =	vld [tilespmem:s0+$0xD260];
	v2 =	vadd.f32 v2, v55;
	v5 =	vmax.f32 v5, $0.0e+00;
	[tilespmem:s0+$0xF250] =	vst v8  }
0xd9: {  	v61 =	vadd.f32 v14, v13;
	v4 =	vadd.f32 v4, v56;
	[tilespmem:s0+$0xF260] =	vst v5  }
0xda: {  	v62 =	vld [tilespmem:s0+$0xD280];
	v3 =	vadd.f32 v51, v3;
	[tilespmem:s0+$0x6400] =	vst v2;
	v1 =	vadd.f32 v1, v57  }
0xdb: {  	v60 =	vld [tilespmem:s0+$0xD270];
	v2 =	vadd.f32 v54, v61;
	v63 =	vadd.f32 v8, v58;
	[tilespmem:s0+$0x6410] =	vst v4  }
0xdc: {  	[tilespmem:s0+$0x6420] =	vst v1  }
0xdd: {  	v3 =	vadd.f32 v53, v3;
	v1 =	vadd.f32 v5, v59;
	v2 =	vmax.f32 v2, $0.0e+00;
	[tilespmem:s0+$0x6430] =	vst v63  }
0xde: {  	[tilespmem:s0+$0xF280] =	vst v2  }
0xdf: {  	v3 =	vmax.f32 v3, $0.0e+00;
	[tilespmem:s0+$0x6440] =	vst v1;
	v1 =	vadd.f32 v2, v62  }
0xe0: {  	[tilespmem:s0+$0xF270] =	vst v3;
	v3 =	vadd.f32 v3, v60  }
0xe1: {  	[tilespmem:s0+$0x6460] =	vst v1  }
0xe2: {  	[tilespmem:s0+$0x6450] =	vst v3  }
0xe3: {  	[spmem:s4] =	stream.indirect.scatter.add.f32 [tilespmem:s15], [sflag:$0x2], $0x10, s23, s26, $0xb8;
	[tilespmem:$0x16120] =	vst v63  }
0xe4: {  	_ =	swait.ge [sflag:s22], $0x800  }
0xe5: {  	[sflag:s22] =	ssyncset.done $0x0  }
0xe6: {  	[sflag:s22] =	ssyncadd.s32 $0xFFFFF800  }
0xe7: {  	[spmem:s4] =	stream.indirect.scatter.add.f32 [tilespmem:s1], [sflag:$0x2], $0x10, s31, s26, $0xb8;
	[tilespmem:$0x16120] =	vst v63  }
0xe8: {  	_ =	swait.ge [sflag:s22], $0x800  }
0xe9: {  	[sflag:s22] =	ssyncset.done $0x0  }
0xea: {  	[sflag:s22] =	ssyncadd.s32 $0xFFFFF800  }
0xeb: {  	[spmem:s4] =	stream.indirect.scatter.add.f32 [tilespmem:s5], [sflag:$0x2], $0x10, s11, s26, $0xb8;
	[tilespmem:$0x16120] =	vst v63  }
0xec: {  	_ =	swait.ge [sflag:s22], $0x800  }
0xed: {  	[sflag:s22] =	ssyncset.done $0x0  }
0xee: {  	[sflag:s22] =	ssyncadd.s32 $0xFFFFF800  }
0xef: {  	[spmem:s4] =	stream.indirect.scatter.add.f32 [tilespmem:s24], [sflag:$0x2], $0x10, s16, s26, $0xb8;
	[tilespmem:$0x16120] =	vst v63  }
0xf0: {  	_ =	swait.ge [sflag:s22], $0x800  }
0xf1: {  	s19 =	simm.s32 $0x0;
	[sflag:s22] =	ssyncset.done $0x0  }
.Ltmp10:
0xf2: {  	s30 =	sadd.s32 s13, s29;
	[sflag:s22] =	ssyncadd.s32 $0xFFFFF800;
	(pc) =	sbr.rel .LBB2_13-.Ltmp10, $4  }
0xf3: {  	[hbm4b:s30+s19] =	stream.linear.scatter [tilespmem:s25], [sflag:$0x1], $0x2000, $0x38;
	[tilespmem:$0x16120] =	vst v63  }
0xf4: {  	_ =	swait.ge [sflag:s20], $0x2000  }
0xf5: {  	[sflag:s20] =	ssyncset.done $0x0  }
0xf6: {  	[sflag:s20] =	ssyncadd.s32 $0xFFFFE000  }
.LBB2_15:
0xf7: {  	_ =	sfence.sel $0x180000  }
0xf8: {  	[bflag:$0x0] =	sbarrier.arrive $0xFFFF  }
0xf9: {  	_ =	strace $0x9000004A  }
0xfa: {  	[bflag:$0x2] =	sbarrier.arrive $0xFFFF  }
0xfb: {  	s0 =	rddreg [dreg:$0x5]  }
0xfc: {  	s0 =	sadd.s32 @!p1 $0x100000, s0  }
0xfd: {  	[sflag:s0] =	ssyncadd.tile.s32 @!p1 $0x1;
	_ =	shalt  }
.Lfunc_end2:
_tile_overlayer_lowered:
.L_overlay_start_2:
0xfe: {  	(tag) =	ssettag $0x2  }
0xff: {  	s0 =	rddreg [dreg:$0x0];
	s2 =	stileid.u32  }
0x100: {  	s1 =	rddreg [dreg:$0x1];
	p0 =	sne.s32 s2, $0x0  }
0x101: {  	s3 =	rddreg [dreg:$0x2];
	[bflag:$0x3] =	sbarrier.arrive $0xFFFF;
	s2 =	simm.s32 @!p0 $0x1C01  }
0x102: {  	[timem:s3], [sflag:s2] =	dma.local @!p0 [hbm:s0], s1  }
0x103: {  	s0 =	simm.s32 @!p0 $0x1  }
0x104: {  	_ =	swait.ge @!p0 [sflag:s0], s1  }
0x105: {  	s1 =	ssub.s32 @!p0 $0x0, s1;
	[sflag:s0] =	ssyncset.done @!p0 $0x0  }
0x106: {  	[sflag:s0] =	ssyncadd.s32 @!p0 s1  }
0x107: {  	[bflag:$0x3] =	sbarrier.arrive $0xFFFF  }
0x108: {  	_ =	shalt  }

// kernel: kernel.17.cloned.1.call-start
scs
__scs_entry_jumppad:
0x0: {  	(pc) =	sbr.rel $0x88, $3  }
0x1: {  	(tag) =	ssettag $0x0;
	lr =	simm.s32 $0x1  }
0x2: {  	[smem:$0x3F94] =	sst lr;
	_ =	strace $0xD0000000  }
0x3: {  	_ = 	snop  }
0x4: {  	_ = 	snop  }
0x5: {  	_ = 	snop  }
0x6: {  	_ = 	snop  }
0x7: {  	_ = 	snop  }
__scs_overlays_trampoline_lowered:
0x8: {  	[smem:$0x3FA3] =	sst s0  }
0x9: {  	[smem:$0x3FA4] =	sst s1  }
0xa: {  	[smem:$0x3FA5] =	sst s2  }
0xb: {  	[smem:$0x3FA6] =	sst s3  }
0xc: {  	[smem:$0x3FA7] =	sst s4  }
0xd: {  	[smem:$0x3FA8] =	sst s5  }
0xe: {  	[smem:$0x3FA9] =	sst s6  }
0xf: {  	[smem:$0x3FAA] =	sst s7  }
0x10: {  	[smem:$0x3FAB] =	sst s8  }
0x11: {  	[smem:$0x3FAC] =	sst s9;
	s0 =	simm.s32 @!p0 $0x0  }
0x12: {  	s1 =	sld [smem:$0x3F92];
	s0 =	simm.s32 @p0 $0x1  }
0x13: {  	[smem:$0x3FAD] =	sst s0;
	s0 =	simm.s32 @!p1 $0x0  }
0x14: {  	s2 =	sld [smem:$0x3F91];
	s0 =	simm.s32 @p1 $0x1  }
0x15: {  	[smem:$0x3FAE] =	sst s0;
	s0 =	simm.s32 @!p2 $0x0  }
0x16: {  	s3 =	sld [smem:$0x3FDB];
	s0 =	simm.s32 @p2 $0x1  }
0x17: {  	s4 =	simm.s32 $0x1BF5;
	[smem:$0x3FB0] =	sst s0  }
0x18: {  	s0 =	sld [smem:$0x3F93];
	_ =	swait.ge [sflag:s4], $0x0  }
0x19: {  	s7 =	sld [smem:$0x3F94]  }
0x1a: {  	s8 =	sadd.s32 $0xFFFFE003, lr  }
0x1b: {  	s9 =	sadd.s32 $0xFFFFFEF7, lr;
	s5 =	simm.s32 $0xFFFFFFFF;
	p2 =	slt.u32 s8, $0xFFFFF086  }
0x1c: {  	p1 =	slt.u32 s9, $0xF7A;
	s5 =	simm.s32 @!p2 $0x0  }
0x1d: {  	s5 =	simm.s32 @p1 $0x1;
	p0 =	seq.s32 s7, s2  }
0x1e: {  	s7 =	smul.u32 @!p0 $0xF7A, s2;
	p2 =	seq.s32 @!p0 s5, $0x0  }
0x1f: {  	s9 =	smul.u32 $0xF7A, s1;
	s8 =	simm.s32 @!p0 $0x1BF5;
	p2 =	por !p2, p0  }
0x20: {  	[sflag:s8] =	ssyncset.s32 @!p0 $0xFFFFF086;
	s6 =	sadd.s32 @!p0 s3, s7;
	s7 =	simm.s32 @!p0 $0x108  }
0x21: {  	s3 =	sadd.s32 s3, s9;
	s6 =	sadd.s32 @!p0 $0x88, s6;
	s7 =	simm.s32 @p2 $0x1082  }
0x22: {  	[simem:s7], [sflag:s8] =	dma.local @!p0 [hbm:s6], $0xF7A  }
0x23: {  	s9 =	sor.u32 $0xD0000000, s2;
	s6 =	simm.s32 $0x108;
	_ =	swait.ge @!p0 [sflag:s8], $0x0  }
0x24: {  	s3 =	sadd.s32 $0x88, s3;
	s6 =	simm.s32 @!p1 $0x1082;
	[sflag:s4] =	ssyncset.s32 $0xFFFFF086  }
0x25: {  	[simem:s6], [sflag:s4] =	dma.local [hbm:s3], $0xF7A  }
0x26: {  	[smem:$0x3F94] =	sst s1;
	(tag) =	ssettag s2;
	_ =	strace s9  }
0x27: {  	s1 =	sld [smem:$0x3FA4]  }
0x28: {  	s2 =	sld [smem:$0x3FA5]  }
0x29: {  	s4 =	sld [smem:$0x3FA7]  }
0x2a: {  	p0 =	seq.s32 s5, $0x0;
	s5 =	sld [smem:$0x3FA8]  }
0x2b: {  	s6 =	sld [smem:$0x3FA9]  }
0x2c: {  	s7 =	sld [smem:$0x3FAA]  }
0x2d: {  	s3 =	simm.s32 $0x108;
	s8 =	sld [smem:$0x3FAB]  }
0x2e: {  	s3 =	simm.s32 @!p0 $0x1082;
	s9 =	sld [smem:$0x3FAC]  }
0x2f: {  	lr =	sadd.s32 s0, s3;
	s0 =	sld [smem:$0x3FA3]  }
0x30: {  	s3 =	sld [smem:$0x3FA6]  }
0x31: {  	[smem:$0x3FAF] =	sst s10  }
0x32: {  	s10 =	sld [smem:$0x3FAD];
	_ =	sdelay $0x3  }
0x33: {  	p0 =	seq.s32 s10, $0x1;
	s10 =	sld [smem:$0x3FAF];
	_ =	sdelay $0x3  }
0x34: {  	[smem:$0x3FAF] =	sst s10  }
0x35: {  	s10 =	sld [smem:$0x3FAE];
	_ =	sdelay $0x3  }
0x36: {  	p1 =	seq.s32 s10, $0x1;
	s10 =	sld [smem:$0x3FAF];
	_ =	sdelay $0x3  }
0x37: {  	[smem:$0x3FAF] =	sst s10  }
0x38: {  	s10 =	sld [smem:$0x3FB0]  }
0x39: {  	_ = 	snop;
	(pc) =	sbr.ind lr, $3  }
0x3a: {  	_ = 	snop  }
0x3b: {  	_ = 	snop  }
0x3c: {  	p2 =	seq.s32 s10, $0x1;
	s10 =	sld [smem:$0x3FAF]  }
0x3d: {  	_ =	shalt  }
0x3e: {  	_ =	shalt  }
0x3f: {  	_ =	shalt  }
0x40: {  	_ =	shalt  }
0x41: {  	_ =	shalt  }
0x42: {  	_ =	shalt  }
0x43: {  	_ =	shalt  }
0x44: {  	_ =	shalt  }
0x45: {  	_ =	shalt  }
0x46: {  	_ =	shalt  }
0x47: {  	_ =	shalt  }
0x48: {  	_ =	shalt  }
0x49: {  	_ =	shalt  }
0x4a: {  	_ =	shalt  }
0x4b: {  	_ =	shalt  }
0x4c: {  	_ =	shalt  }
0x4d: {  	_ =	shalt  }
0x4e: {  	_ =	shalt  }
0x4f: {  	_ =	shalt  }
0x50: {  	_ =	shalt  }
0x51: {  	_ =	shalt  }
0x52: {  	_ =	shalt  }
0x53: {  	_ =	shalt  }
0x54: {  	_ =	shalt  }
0x55: {  	_ =	shalt  }
0x56: {  	_ =	shalt  }
0x57: {  	_ =	shalt  }
0x58: {  	_ =	shalt  }
0x59: {  	_ =	shalt  }
0x5a: {  	_ =	shalt  }
0x5b: {  	_ =	shalt  }
0x5c: {  	_ =	shalt  }
0x5d: {  	_ =	shalt  }
0x5e: {  	_ =	shalt  }
0x5f: {  	_ =	shalt  }
0x60: {  	_ =	shalt  }
0x61: {  	_ =	shalt  }
0x62: {  	_ =	shalt  }
0x63: {  	_ =	shalt  }
0x64: {  	_ =	shalt  }
0x65: {  	_ =	shalt  }
0x66: {  	_ =	shalt  }
0x67: {  	_ =	shalt  }
0x68: {  	_ =	shalt  }
0x69: {  	_ =	shalt  }
0x6a: {  	_ =	shalt  }
0x6b: {  	_ =	shalt  }
0x6c: {  	_ =	shalt  }
0x6d: {  	_ =	shalt  }
0x6e: {  	_ =	shalt  }
0x6f: {  	_ =	shalt  }
0x70: {  	_ =	shalt  }
0x71: {  	_ =	shalt  }
0x72: {  	_ =	shalt  }
0x73: {  	_ =	shalt  }
0x74: {  	_ =	shalt  }
0x75: {  	_ =	shalt  }
0x76: {  	_ =	shalt  }
0x77: {  	_ =	shalt  }
0x78: {  	_ =	shalt  }
0x79: {  	_ =	shalt  }
0x7a: {  	_ =	shalt  }
0x7b: {  	_ =	shalt  }
0x7c: {  	_ =	shalt  }
0x7d: {  	_ =	shalt  }
0x7e: {  	_ =	shalt  }
0x7f: {  	_ =	shalt  }
0x80: {  	_ =	shalt  }
0x81: {  	_ =	shalt  }
0x82: {  	_ =	shalt  }
0x83: {  	_ =	shalt  }
0x84: {  	_ =	shalt  }
0x85: {  	_ =	shalt  }
0x86: {  	_ =	shalt  }
0x87: {  	_ =	shalt  }
.Lfunc_end0:
.L_simem_size_0:
called_computation.2_lowered:
.L_overlay_start_0:
0x88: {  	s2 =	sld [smem:$0x3FD9]  }
0x89: {  	s3 =	sld [smem:$0x3FFE];
	_ =	sdelay $0x1  }
0x8a: {  	s1 =	srdreg.scid  }
0x8b: {  	s0 =	sand.u32 $0x1, s1  }
0x8c: {  	s17 =	sshll.u32 s0, $0xA;
	s2 =	sadd.s32 s3, s2  }
0x8d: {  	s2 =	sadd.s32 s2, s17  }
0x8e: {  	[smem:$0x3FBB] =	sst s2  }
0x8f: {  	_ = 	snop  }
0x90: {  	s2 =	sld [smem:$0x3FD0];
	(tm) =	ssettm $0x1  }
0x91: {  	s18 =	sld [smem:$0x3FFB];
	_ =	sdelay $0x3  }
0x92: {  	_ =	strace s18  }
0x93: {  	s3 =	sld [smem:$0x3FFC];
	_ =	sdelay $0x3  }
0x94: {  	_ =	strace s3  }
0x95: {  	s3 =	sld [smem:$0x3FFD];
	_ =	sdelay $0x3  }
0x96: {  	_ =	strace s3  }
0x97: {  	_ =	strace $0x8FFFFFFF  }
0x98: {  	s19 =	sld [smem:$0x3FDB];
	_ =	sdelay $0x1  }
0x99: {  	s4 =	simm.s32 $_scs_section_size  }
0x9a: {  	s5 =	simm.s32 $_size__tile_overlayer_lowered;
	s6 =	simm.s32 $_tile_overlayer_lowered  }
0x9b: {  	s22 =	simm.s32 $0x1BFF;
	s21 =	sshll.u32 s6, $0x1;
	s3 =	sadd.s32 s4, s19  }
0x9c: {  	s7 =	simm.s32 $0x0;
	s20 =	sshll.u32 s5, $0x1;
	s5 =	sadd.s32 s21, s3  }
0x9d: {  	[timem:s7], [sflag:s22] =	dma.local [hbm:s5], s20  }
0x9e: {  	_ =	swait.ge [sflag:s22], s20  }
0x9f: {  	s4 =	ssub.s32 $0x0, s20;
	[sflag:s22] =	ssyncset.done $0x0  }
0xa0: {  	[sflag:s22] =	ssyncadd.s32 s4;
	_ =	sdelay $0x1  }
0xa1: {  	s23 =	simm.s32 $0x1B8B  }
0xa2: {  	_ =	swait.ge [sflag:s23], $0x1  }
0xa3: {  	[sflag:s23] =	ssyncset.done $0x0  }
0xa4: {  	s25 =	simm.s32 $0x1B8E;
	s24 =	sld [smem:$0x3FFE];
	[sflag:s23] =	ssyncadd.s32 $0xFFFFFFFF  }
0xa5: {  	s26 =	simm.s32 $execute0_lowered;
	[smem:$0x3FD2] =	sst s25  }
0xa6: {  	s5 =	sshll.u32 s26, $0x1;
	_ =	strace $0x8000004C;
	[dreg:$0x1] =	wrdreg $0xFFFFFFFF  }
0xa7: {  	s28 =	simm.s32 $_size_execute0_lowered;
	s3 =	sadd.s32 s3, s5;
	[dreg:$0x0] =	wrdreg $0x0  }
0xa8: {  	s5 =	sshll.u32 s28, $0x1;
	[dreg:$0x2] =	wrdreg s3  }
0xa9: {  	[dreg:$0x3] =	wrdreg s5  }
0xaa: {  	[dreg:$0x4] =	wrdreg $0xC0  }
0xab: {  	_ =	task [dreg:s7], $0x5FFFF  }
0xac: {  	[dreg:$0x1] =	wrdreg $0xFFFFFFFF  }
0xad: {  	[dreg:$0x0] =	wrdreg $0x60  }
0xae: {  	[dreg:$0x2] =	wrdreg s24  }
0xaf: {  	[dreg:$0x3] =	wrdreg s2  }
0xb0: {  	[dreg:$0x4] =	wrdreg $0x84000  }
0xb1: {  	[dreg:$0x5] =	wrdreg $0xAB100  }
0xb2: {  	[dreg:$0x6] =	wrdreg $0x9  }
0xb3: {  	_ =	task.clear_ibuf [dreg:s7], $0x7FFFF;
	_ =	strace $0x9000004C  }
0xb4: {  	s29 =	simm.s32 $0x9;
	_ =	strace $0x8000004E  }
0xb5: {  	_ =	swait.ge [sflag:s29], $0x1  }
0xb6: {  	[sflag:s29] =	ssyncadd.s32 $0xFFFFFFFF  }
0xb7: {  	_ =	strace $0x9000004E  }
0xb8: {  	_ =	sfence  }
0xb9: {  	s30 =	sld [smem:$0x0];
	_ =	sdelay $0x2  }
0xba: {  	s31 =	sshll.u32 s1, $0xD;
	s1 =	sshrl.u32 s1, $0x2  }
0xbb: {  	s3 =	sand.u32 $0x4000, s31;
	s1 =	sadd.s32 s1, s30  }
0xbc: {  	s0 =	sor.u32 s3, s0;
	s1 =	sshll.u32 s1, $0x11  }
0xbd: {  	s0 =	sor.u32 s1, s0  }
0xbe: {  	s0 =	sadd.s32 $0x8F2B, s0  }
0xbf: {  	[sflag:s0] =	ssyncadd.remote.s32 $0x1  }
0xc0: {  	_ =	sfence.sel $0xFFFF  }
0xc1: {  	[dreg:$0x0] =	wrdreg $0xFFFFFFFF;
	(pc) =	sbr.abs _section_cstart, $3  }
0xc2: {  	[dreg:$0x1] =	wrdreg $0xFFFFFFFF  }
0xc3: {  	_ =	task.clear_ibuf [dreg:s7], $0x2FFFF;
	_ =	strace $0x9FFFFFFF  }
0xc4: {  	(tm) =	ssettm $0x7FFFFFFF  }
0xc5: {  	_ =	shalt  }
tec
execute0_lowered:
.L_overlay_start_1:
0x0: {  	(tag) =	ssettag $0x1  }
0x1: {  	s0 =	rddreg [dreg:$0x0]  }
0x2: {  	s2 =	rddreg [dreg:$0x2]  }
0x3: {  	s3 =	rddreg [dreg:$0x3];
	s1 =	simm.s32 $0x0;
	s22 =	srdreg.scid  }
0x4: {  	s25 =	stileid.u32;
	s15 =	simm.s32 $0x1;
	s16 =	simm.s32 $0x2  }
0x5: {  	s17 =	simm.s32 $0x200;
	s19 =	simm.s32 $0x80;
	s20 =	simm.s32 $0x400  }
0x6: {  	s21 =	simm.s32 $0x2400;
	s28 =	simm.s32 $0x300;
	s29 =	simm.s32 $0x3400  }
0x7: {  	s30 =	simm.s32 $0x180;
	s31 =	simm.s32 $0x1C00;
	s14 =	simm.s32 $0x3C00  }
0x8: {  	s8 =	simm.s32 $0x6400;
	s18 =	simm.s32 $0x0;
	[smem:$0x7FF] =	sst s1  }
0x9: {  	s5 =	sand.u32 $0x1, s22;
	s6 =	sadd.s32 $0x4E00, s0;
	s7 =	sadd.s32 $0xEC00, s0  }
0xa: {  	s4 =	sadd.s32 $0x18A00, s0;
	s23 =	sadd.s32 $0x1DA00, s0;
	s10 =	sadd.s32 $0x22A00, s0  }
0xb: {  	s11 =	sshll.u32 s25, $0x1;
	p0 =	seq.s32 s25, $0x1;
	s26 =	sshrl.u32 s3, $0x3  }
0xc: {  	s22 =	simm.s32 $0xC00;
	p1 =	sne.s32 s25, $0x0;
	_ =	strace $0x8000004D  }
.Ltmp0:
0xd: {  	s1 =	ssub.s32 $0x2, s5;
	[dreg:$0x5] =	wrdreg s4;
	(pc) =	sbr.rel .LBB2_1-.Ltmp0, $4  }
0xe: {  	s25 =	simm.s32 $0x100;
	[dreg:$0x6] =	wrdreg s23;
	s24 =	sshrl.u32 s1, $0x1  }
0xf: {  	s0 =	simm.s32 $0x380;
	[dreg:$0x8] =	wrdreg s26;
	s1 =	ssub.s32 s1, s24  }
0x10: {  	s23 =	simm.s32 $0x280;
	s26 =	simm.s32 $0x1400;
	s1 =	smax.u32 s1, $0x1  }
0x11: {  	s4 =	simm.s32 $0x0;
	s24 =	simm.s32 $0x2C00;
	[dreg:$0x7] =	wrdreg s1  }
.LBB2_12:
0x12: {  	s4 =	rddreg [dreg:$0x9]  }
0x13: {  	s1 =	rddreg [dreg:$0x7];
	s4 =	sadd.s32 $0x1, s4  }
0x14: {  	p2 =	sne.s32 s4, s1  }
.Ltmp1:
0x15: {  	_ = 	snop;
	(pc) =	sbr.rel @!p2 .LBB2_13-.Ltmp1, $1  }
0x16: {  	_ =	sdelay $0x3  }
.LBB2_1:
.Ltmp2:
0x17: {  	(pc) =	sbr.rel @p0 .LBB2_4-.Ltmp2, $2  }
0x18: {  	_ =	sdelay $0x2  }
0x19: {  	[dreg:$0x9] =	wrdreg s4  }
.Ltmp3:
0x1a: {  	(pc) =	sbr.rel @p1 .LBB2_6-.Ltmp3, $1  }
0x1b: {  	_ =	sdelay $0x3  }
.Ltmp4:
0x1c: {  	(pc) =	sbr.rel .LBB2_5-.Ltmp4, $3  }
0x1d: {  	_ =	sdelay $0x1  }
0x1e: {  	s1 =	sshrl.u32 s2, $0x3;
	s4 =	rddreg [dreg:$0x5];
	s9 =	simm.s32 $0x1C01  }
0x1f: {  	[spmem:s1], [sflag:s9] =	dma.local [hbm:s4], $0x4E20  }
.LBB2_4:
0x20: {  	s1 =	rddreg [dreg:$0x6]  }
0x21: {  	s4 =	rddreg [dreg:$0x8];
	s9 =	simm.s32 $0x1C41  }
0x22: {  	[spmem:s4], [sflag:s9] =	dma.local [hbm:s1], $0x4E20  }
.LBB2_5:
0x23: {  	_ =	swait.ge [sflag:s15], $0x4E20  }
0x24: {  	[sflag:s15] =	ssyncset.done $0x0  }
0x25: {  	[sflag:s15] =	ssyncadd.s32 $0xFFFFB1E0  }
.LBB2_6:
.Ltmp5:
0x26: {  	(pc) =	sbr.rel .LBB2_7-.Ltmp5, $3  }
0x27: {  	_ =	sdelay $0x1  }
0x28: {  	[bflag:$0x0] =	sbarrier.arrive $0xFFFF  }
0x29: {  	s13 =	simm.s32 $0x0  }
.LBB2_11:
0x2a: {  	s13 =	sadd.s32 $0x1, s13  }
0x2b: {  	p2 =	sne.s32 s13, $0x14  }
.Ltmp6:
0x2c: {  	_ = 	snop;
	(pc) =	sbr.rel @!p2 .LBB2_12-.Ltmp6, $1  }
0x2d: {  	_ =	sdelay $0x3  }
.LBB2_7:
0x2e: {  	s1 =	sshll.u32 s13, $0x5  }
0x2f: {  	s1 =	sor.u32 s1, s11  }
0x30: {  	s1 =	sor.u32 s5, s1  }
0x31: {  	p2 =	sgt.u32 s1, $0x270  }
.Ltmp7:
0x32: {  	_ = 	snop;
	(pc) =	sbr.rel @p2 .LBB2_11-.Ltmp7, $1  }
0x33: {  	_ =	sdelay $0x3  }
0x34: {  	s4 =	sshll.u32 s1, $0x6  }
0x35: {  	s9 =	sadd.s32 s6, s4  }
0x36: {  	[tilespmem:s18], [sflag:$0x2] =	stream.linear.gather [hbm4b:s9+s18], $0x200, $0x38;
	[tilespmem:$0xD220] =	vst v63  }
0x37: {  	_ =	swait.ge [sflag:s16], $0x200  }
0x38: {  	[sflag:s16] =	ssyncset.done $0x0  }
0x39: {  	s4 =	sadd.s32 s7, s4;
	[sflag:s16] =	ssyncadd.s32 $0xFFFFFE00  }
0x3a: {  	[tilespmem:s17], [sflag:$0x2] =	stream.linear.gather [hbm4b:s4+s18], $0x200, $0x38;
	[tilespmem:$0xD220] =	vst v63  }
0x3b: {  	_ =	swait.ge [sflag:s16], $0x200  }
0x3c: {  	[sflag:s16] =	ssyncset.done $0x0  }
0x3d: {  	[sflag:s16] =	ssyncadd.s32 $0xFFFFFE00  }
0x3e: {  	s12 =	sshll.u32 s1, $0xA;
	s4 =	rddreg [dreg:$0x1]  }
0x3f: {  	s9 =	simm.s32 $0x4400;
	s1 =	sadd.s32 s4, s12  }
0x40: {  	[tilespmem:s9], [sflag:$0x2] =	stream.linear.gather [hbm4b:s1+s18], $0x2000, $0x38;
	[tilespmem:$0xD220] =	vst v63  }
0x41: {  	_ =	swait.ge [sflag:s16], $0x2000  }
0x42: {  	[sflag:s16] =	ssyncset.done $0x0  }
0x43: {  	[sflag:s16] =	ssyncadd.s32 $0xFFFFE000  }
0x44: {  	[tilespmem:s20], [sflag:$0x2] =	stream.indirect.gather [spmem:s2], $0x10, s18, s19, $0xb8;
	[tilespmem:$0xD220] =	vst v63  }
0x45: {  	_ =	swait.ge [sflag:s16], $0x800  }
0x46: {  	[sflag:s16] =	ssyncset.done $0x0  }
0x47: {  	[sflag:s16] =	ssyncadd.s32 $0xFFFFF800  }
0x48: {  	[tilespmem:s21], [sflag:$0x2] =	stream.indirect.gather [spmem:s3], $0x10, s17, s19, $0xb8;
	[tilespmem:$0xD220] =	vst v63  }
0x49: {  	_ =	swait.ge [sflag:s16], $0x800  }
0x4a: {  	[sflag:s16] =	ssyncset.done $0x0  }
0x4b: {  	[sflag:s16] =	ssyncadd.s32 $0xFFFFF800  }
0x4c: {  	[tilespmem:s22], [sflag:$0x2] =	stream.indirect.gather [spmem:s2], $0x10, s19, s19, $0xb8;
	[tilespmem:$0xD220] =	vst v63  }
0x4d: {  	_ =	swait.ge [sflag:s16], $0x800  }
0x4e: {  	[sflag:s16] =	ssyncset.done $0x0  }
0x4f: {  	[sflag:s16] =	ssyncadd.s32 $0xFFFFF800  }
0x50: {  	[tilespmem:s24], [sflag:$0x2] =	stream.indirect.gather [spmem:s3], $0x10, s23, s19, $0xb8;
	[tilespmem:$0xD220] =	vst v63  }
0x51: {  	_ =	swait.ge [sflag:s16], $0x800  }
0x52: {  	[sflag:s16] =	ssyncset.done $0x0  }
0x53: {  	[sflag:s16] =	ssyncadd.s32 $0xFFFFF800  }
0x54: {  	[tilespmem:s26], [sflag:$0x2] =	stream.indirect.gather [spmem:s2], $0x10, s25, s19, $0xb8;
	[tilespmem:$0xD220] =	vst v63  }
0x55: {  	_ =	swait.ge [sflag:s16], $0x800  }
0x56: {  	[sflag:s16] =	ssyncset.done $0x0  }
0x57: {  	[sflag:s16] =	ssyncadd.s32 $0xFFFFF800  }
0x58: {  	[tilespmem:s29], [sflag:$0x2] =	stream.indirect.gather [spmem:s3], $0x10, s28, s19, $0xb8;
	[tilespmem:$0xD220] =	vst v63  }
0x59: {  	_ =	swait.ge [sflag:s16], $0x800  }
0x5a: {  	[sflag:s16] =	ssyncset.done $0x0  }
0x5b: {  	[sflag:s16] =	ssyncadd.s32 $0xFFFFF800  }
0x5c: {  	[tilespmem:s31], [sflag:$0x2] =	stream.indirect.gather [spmem:s2], $0x10, s30, s19, $0xb8;
	[tilespmem:$0xD220] =	vst v63  }
0x5d: {  	_ =	swait.ge [sflag:s16], $0x800  }
0x5e: {  	[sflag:s16] =	ssyncset.done $0x0  }
0x5f: {  	[sflag:s16] =	ssyncadd.s32 $0xFFFFF800  }
0x60: {  	[tilespmem:s14], [sflag:$0x2] =	stream.indirect.gather [spmem:s3], $0x10, s0, s19, $0xb8;
	[tilespmem:$0xD220] =	vst v63  }
0x61: {  	_ =	swait.ge [sflag:s16], $0x800  }
0x62: {  	[sflag:s16] =	ssyncset.done $0x0  }
0x63: {  	s9 =	simm.s32 $0x0;
	[sflag:s16] =	ssyncadd.s32 $0xFFFFF800  }
0x64: {  	v0 =	vld [tilespmem:s9+$0x470]  }
0x65: {  	v1 =	vld [tilespmem:s9+$0x2470]  }
0x66: {  	v2 =	vld [tilespmem:s9+$0x400]  }
0x67: {  	v3 =	vld [tilespmem:s9+$0x4470]  }
0x68: {  	v4 =	vld [tilespmem:s9+$0x2400]  }
0x69: {  	v5 =	vld [tilespmem:s9+$0x410]  }
0x6a: {  	v6 =	vld [tilespmem:s9+$0x2410]  }
0x6b: {  	v7 =	vld [tilespmem:s9+$0x2420]  }
0x6c: {  	v9 =	vld [tilespmem:s9+$0x2430]  }
0x6d: {  	v10 =	vld [tilespmem:s9+$0x440]  }
0x6e: {  	v11 =	vld [tilespmem:s9+$0x450]  }
0x6f: {  	v12 =	vld [tilespmem:s9+$0x2450]  }
0x70: {  	v13 =	vld [tilespmem:s9+$0x460];
	v0 =	vadd.f32 v1, v0  }
0x71: {  	v14 =	vld [tilespmem:s9+$0x2460]  }
0x72: {  	v15 =	vld [tilespmem:s9+$0x4400];
	v0 =	vadd.f32 v3, v0  }
0x73: {  	v1 =	vld [tilespmem:s9+$0x420]  }
0x74: {  	v3 =	vld [tilespmem:s9+$0x430];
	v0 =	vmax.f32 v0, $0.0e+00  }
0x75: {  	[tilespmem:s9+$0x6470] =	vst v0;
	v0 =	vld [tilespmem:s9+$0x2440]  }
0x76: {  	v16 =	vld [tilespmem:s9+$0x4410]  }
0x77: {  	v17 =	vld [tilespmem:s9+$0x4420]  }
0x78: {  	v8 =	vld [tilespmem:s9+$0x4430];
	v2 =	vadd.f32 v4, v2;
	v18 =	vadd.f32 v6, v5  }
0x79: {  	v19 =	vadd.f32 v7, v1;
	v7 =	vld [tilespmem:s9+$0x4440];
	v4 =	vadd.f32 v9, v3  }
0x7a: {  	v6 =	vld [tilespmem:s9+$0x4450];
	v3 =	vadd.f32 v0, v10;
	v10 =	vadd.f32 v15, v2  }
0x7b: {  	s1 =	simm.s32 $0x80;
	v5 =	vld [tilespmem:s9+$0x4460];
	v9 =	vadd.f32 v16, v18;
	v2 =	vadd.f32 v12, v11  }
0x7c: {  	s4 =	simm.s32 $0x400;
	v1 =	vld [tilespmem:s1+$0x470];
	v0 =	vadd.f32 v14, v13;
	v11 =	vmax.f32 v10, $0.0e+00;
	v10 =	vadd.f32 v17, v19  }
.LBB2_9:
0x7d: {  	p2 =	sne.s32 s4, $0x7E00;
	v12 =	vld [tilespmem:s1+$0x2470];
	[tilespmem:s9+$0x6400] =	vst v11;
	v9 =	vmax.f32 v9, $0.0e+00;
	v4 =	vadd.f32 v8, v4  }
0x7e: {  	v8 =	vld [tilespmem:s1+$0x400];
	[tilespmem:s9+$0x6410] =	vst v9;
	v9 =	vmax.f32 v10, $0.0e+00;
	v3 =	vadd.f32 v7, v3  }
0x7f: {  	v7 =	vld [tilespmem:s1+$0x4470];
	[tilespmem:s9+$0x6420] =	vst v9;
	v4 =	vmax.f32 v4, $0.0e+00;
	v2 =	vadd.f32 v6, v2  }
0x80: {  	v6 =	vld [tilespmem:s1+$0x2400];
	[tilespmem:s9+$0x6430] =	vst v4;
	v3 =	vmax.f32 v3, $0.0e+00;
	v0 =	vadd.f32 v5, v0  }
0x81: {  	v4 =	vld [tilespmem:s1+$0x410];
	[tilespmem:s9+$0x6440] =	vst v3;
	v2 =	vmax.f32 v2, $0.0e+00  }
0x82: {  	v3 =	vld [tilespmem:s1+$0x2410];
	v1 =	vadd.f32 v12, v1;
	[tilespmem:s9+$0x6450] =	vst v2;
	v0 =	vmax.f32 v0, $0.0e+00  }
0x83: {  	v2 =	vld [tilespmem:s1+$0x420];
	[tilespmem:s9+$0x6460] =	vst v0;
	s9 =	smov.u32 s1  }
0x84: {  	v0 =	vld [tilespmem:s9+$0x2420];
	v1 =	vadd.f32 v7, v1  }
0x85: {  	v5 =	vadd.f32 v6, v8;
	v6 =	vld [tilespmem:s9+$0x430]  }
0x86: {  	v7 =	vld [tilespmem:s9+$0x2430];
	v1 =	vmax.f32 v1, $0.0e+00  }
0x87: {  	v9 =	vadd.f32 v3, v4;
	v3 =	vld [tilespmem:s9+$0x440];
	[tilespmem:s9+$0x6470] =	vst v1  }
0x88: {  	v1 =	vld [tilespmem:s9+$0x2440]  }
0x89: {  	v10 =	vadd.f32 v0, v2;
	v0 =	vld [tilespmem:s9+$0x450]  }
0x8a: {  	v2 =	vld [tilespmem:s9+$0x2450]  }
0x8b: {  	v4 =	vadd.f32 v7, v6;
	v6 =	vld [tilespmem:s9+$0x460]  }
0x8c: {  	v11 =	vld [tilespmem:s9+$0x2460]  }
0x8d: {  	v12 =	vld [tilespmem:s9+$0x4400];
	v3 =	vadd.f32 v1, v3  }
0x8e: {  	v1 =	vld [tilespmem:s9+$0x4410]  }
0x8f: {  	v13 =	vld [tilespmem:s9+$0x4420];
	v2 =	vadd.f32 v2, v0  }
.Ltmp8:
0x90: {  	v8 =	vld [tilespmem:s9+$0x4430];
	(pc) =	sbr.rel @p2 .LBB2_9-.Ltmp8, $4  }
0x91: {  	v7 =	vld [tilespmem:s9+$0x4440];
	v0 =	vadd.f32 v11, v6  }
0x92: {  	v11 =	vadd.f32 v12, v5;
	v6 =	vld [tilespmem:s9+$0x4450]  }
0x93: {  	s1 =	sshra.s32 s4, $0x2;
	v9 =	vadd.f32 v1, v9;
	v5 =	vld [tilespmem:s9+$0x4460]  }
0x94: {  	s4 =	sadd.s32 $0x200, s4;
	v1 =	vld [tilespmem:s1+$0x470];
	v11 =	vmax.f32 v11, $0.0e+00;
	v10 =	vadd.f32 v13, v10  }
0x95: {  	v12 =	vld [tilespmem:s1+$0x2470];
	[tilespmem:s9+$0x6400] =	vst v11;
	v9 =	vmax.f32 v9, $0.0e+00;
	v4 =	vadd.f32 v8, v4  }
0x96: {  	v11 =	vld [tilespmem:s1+$0x400];
	[tilespmem:s9+$0x6410] =	vst v9;
	v41 =	vmax.f32 v10, $0.0e+00;
	v3 =	vadd.f32 v7, v3  }
0x97: {  	v9 =	vld [tilespmem:s1+$0x4470];
	[tilespmem:s9+$0x6420] =	vst v41;
	v4 =	vmax.f32 v4, $0.0e+00;
	v2 =	vadd.f32 v6, v2  }
0x98: {  	v42 =	vld [tilespmem:s1+$0x2400];
	[tilespmem:s9+$0x6430] =	vst v4;
	v3 =	vmax.f32 v3, $0.0e+00;
	v0 =	vadd.f32 v5, v0  }
0x99: {  	v4 =	vld [tilespmem:s1+$0x410];
	[tilespmem:s9+$0x6440] =	vst v3;
	v2 =	vmax.f32 v2, $0.0e+00  }
0x9a: {  	v3 =	vld [tilespmem:s1+$0x2410];
	[tilespmem:s9+$0x6450] =	vst v2;
	v0 =	vmax.f32 v0, $0.0e+00  }
0x9b: {  	v2 =	vld [tilespmem:s1+$0x420];
	[tilespmem:s9+$0x6460] =	vst v0  }
0x9c: {  	v0 =	vld [tilespmem:s1+$0x2420]  }
0x9d: {  	v43 =	vld [tilespmem:s1+$0x430]  }
0x9e: {  	v44 =	vld [tilespmem:s1+$0x2430]  }
0x9f: {  	v8 =	vld [tilespmem:s1+$0x440]  }
0xa0: {  	v45 =	vld [tilespmem:s1+$0x2440]  }
0xa1: {  	v46 =	vld [tilespmem:s1+$0x450]  }
0xa2: {  	v47 =	vld [tilespmem:s1+$0x2450]  }
0xa3: {  	v48 =	vld [tilespmem:s1+$0x460]  }
0xa4: {  	v13 =	vld [tilespmem:s1+$0x2460]  }
0xa5: {  	v14 =	vld [tilespmem:s1+$0x4400]  }
0xa6: {  	v15 =	vld [tilespmem:s1+$0x4410]  }
0xa7: {  	v1 =	vadd.f32 v12, v1;
	v16 =	vld [tilespmem:s1+$0x4420]  }
0xa8: {  	v49 =	vld [tilespmem:s1+$0x4430];
	v7 =	vadd.f32 v42, v11  }
0xa9: {  	v1 =	vadd.f32 v9, v1;
	v50 =	vld [tilespmem:s1+$0x4440];
	v3 =	vadd.f32 v3, v4  }
0xaa: {  	v52 =	vld [tilespmem:s1+$0x4450];
	v0 =	vadd.f32 v0, v2;
	v51 =	vadd.f32 v14, v7  }
0xab: {  	v53 =	vld [tilespmem:s1+$0x4460];
	v1 =	vmax.f32 v1, $0.0e+00;
	v5 =	vadd.f32 v44, v43;
	v3 =	vadd.f32 v15, v3  }
0xac: {  	[tilespmem:s1+$0x6470] =	vst v1;
	v1 =	vadd.f32 v45, v8;
	v0 =	vadd.f32 v16, v0;
	v2 =	vmax.f32 v51, $0.0e+00  }
0xad: {  	v54 =	vadd.f32 v47, v46;
	v55 =	vmax.f32 v3, $0.0e+00;
	v56 =	vadd.f32 v49, v5;
	[tilespmem:s1+$0x6400] =	vst v2  }
0xae: {  	v57 =	vadd.f32 v13, v48;
	v1 =	vadd.f32 v50, v1;
	[tilespmem:s1+$0x6410] =	vst v55;
	v0 =	vmax.f32 v0, $0.0e+00  }
0xaf: {  	v59 =	vadd.f32 v52, v54;
	v58 =	vmax.f32 v56, $0.0e+00;
	[tilespmem:s1+$0x6420] =	vst v0  }
0xb0: {  	v61 =	vadd.f32 v53, v57;
	v60 =	vmax.f32 v1, $0.0e+00;
	[tilespmem:s1+$0x6430] =	vst v58  }
0xb1: {  	v62 =	vmax.f32 v59, $0.0e+00;
	[tilespmem:s1+$0x6440] =	vst v60  }
0xb2: {  	v63 =	vmax.f32 v61, $0.0e+00;
	[tilespmem:s1+$0x6450] =	vst v62  }
.Ltmp9:
0xb3: {  	s12 =	sadd.s32 s10, s12;
	s4 =	simm.s32 $0x0;
	[tilespmem:s1+$0x6460] =	vst v63;
	(pc) =	sbr.rel .LBB2_11-.Ltmp9, $4  }
0xb4: {  	[hbm4b:s12+s4] =	stream.linear.scatter [tilespmem:s8], [sflag:$0x1], $0x2000, $0x38;
	[tilespmem:$0xD220] =	vst v63  }
0xb5: {  	_ =	swait.ge [sflag:s15], $0x2000  }
0xb6: {  	[sflag:s15] =	ssyncset.done $0x0  }
0xb7: {  	[sflag:s15] =	ssyncadd.s32 $0xFFFFE000  }
.LBB2_13:
0xb8: {  	_ =	sfence.sel $0x180000  }
0xb9: {  	[bflag:$0x0] =	sbarrier.arrive $0xFFFF  }
0xba: {  	_ =	strace $0x9000004D  }
0xbb: {  	[bflag:$0x2] =	sbarrier.arrive $0xFFFF  }
0xbc: {  	s0 =	rddreg [dreg:$0x4]  }
0xbd: {  	s0 =	sadd.s32 @!p1 $0x100000, s0  }
0xbe: {  	[sflag:s0] =	ssyncadd.tile.s32 @!p1 $0x1;
	_ =	shalt  }
.Lfunc_end2:
_tile_overlayer_lowered:
.L_overlay_start_2:
0xbf: {  	(tag) =	ssettag $0x2  }
0xc0: {  	s0 =	rddreg [dreg:$0x0];
	s2 =	stileid.u32  }
0xc1: {  	s1 =	rddreg [dreg:$0x1];
	p0 =	sne.s32 s2, $0x0  }
0xc2: {  	s3 =	rddreg [dreg:$0x2];
	[bflag:$0x3] =	sbarrier.arrive $0xFFFF;
	s2 =	simm.s32 @!p0 $0x1C01  }
0xc3: {  	[timem:s3], [sflag:s2] =	dma.local @!p0 [hbm:s0], s1  }
0xc4: {  	s0 =	simm.s32 @!p0 $0x1  }
0xc5: {  	_ =	swait.ge @!p0 [sflag:s0], s1  }
0xc6: {  	s1 =	ssub.s32 @!p0 $0x0, s1;
	[sflag:s0] =	ssyncset.done @!p0 $0x0  }
0xc7: {  	[sflag:s0] =	ssyncadd.s32 @!p0 s1  }
0xc8: {  	[bflag:$0x3] =	sbarrier.arrive $0xFFFF  }
0xc9: {  	_ =	shalt  }

</sc_bundles>
